<compile_context>
chip_gen: v7x
topology: tpu7x:2x2x1
jax: 0.10.2.dev20260603
libtpu: 0.0.44.dev20260713+nightly
codegen_flags: <defaults>
</compile_context>

<pallas_src>
import functools

import jax
import jax.numpy as jnp
from jax import lax
from jax.experimental import pallas as pl
from jax.experimental.pallas import tpu as pltpu
from jax.experimental.pallas import tpu_sc as plsc

N = 10000
NP = 10112
E = 320000
NW = 32
CHUNK = 128
EPT = 10240
NCHUNK = EPT // CHUNK
EP = NW * EPT
RPT = NP // 16
F = 16

_mesh = plsc.VectorSubcoreMesh(core_axis_name="c", subcore_axis_name="s")



NBUF = 8
DLT = 4

CONST_ROWS = RPT + CHUNK


@functools.partial(
    pl.kernel,
    mesh=_mesh,
    out_type=jax.ShapeDtypeStruct((2 * NP, F), jnp.float32),
    compiler_params=pltpu.CompilerParams(use_tc_tiling_on_sc=False),
    scratch_types=[
        pltpu.VMEM((NCHUNK, CHUNK), jnp.int32),
        pltpu.VMEM((NCHUNK, CHUNK), jnp.int32),
        pltpu.VMEM((NBUF, CHUNK, F), jnp.float32),
        pltpu.VMEM_SHARED((NP, F), jnp.float32),
    ] + [pltpu.SemaphoreType.DMA] * NBUF,
)
def _sc_agg(u_hbm, src_hbm, dst_hbm, cz_hbm, out_hbm, src_v, dst_v, gb, acc,
            *sems):
    cid = lax.axis_index("c")
    sid = lax.axis_index("s")
    w = cid * 16 + sid

    @pl.when(cid == 0)
    def _():
        pltpu.sync_copy(u_hbm.at[pl.ds(sid * RPT, RPT)],
                        acc.at[pl.ds(sid * RPT, RPT)])

    @pl.when(cid == 1)
    def _():
        pltpu.sync_copy(cz_hbm.at[pl.ds(0, RPT)],
                        acc.at[pl.ds(sid * RPT, RPT)])

    pltpu.sync_copy(src_hbm.at[pl.ds(w * NCHUNK, NCHUNK)], src_v)
    pltpu.sync_copy(dst_hbm.at[pl.ds(w * NCHUNK, NCHUNK)], dst_v)
    plsc.subcore_barrier()

    def fire(c, b):
        pltpu.async_copy(u_hbm.at[src_v.at[c]], gb.at[b], sems[b])

    for b in range(NBUF):
        fire(b, b)

    def outer(t, carry):
        for b in range(NBUF):
            c = t * NBUF + b
            pltpu.make_async_copy(u_hbm.at[src_v.at[c]], gb.at[b],
                                  sems[b]).wait()
            pltpu.sync_copy(gb.at[b], acc.at[dst_v.at[c]], add=True)

            @pl.when(t < NCHUNK // NBUF - 1)
            def _():
                fire(c + NBUF, b)
        return carry
    lax.fori_loop(0, NCHUNK // NBUF, outer, 0)

    plsc.subcore_barrier()
    pltpu.sync_copy(acc.at[pl.ds(sid * RPT, RPT)],
                    out_hbm.at[pl.ds(cid * NP + sid * RPT, RPT)])


@functools.partial(
    pl.kernel,
    mesh=_mesh,
    out_type=jax.ShapeDtypeStruct((2 * NP, F), jnp.float32),
    compiler_params=pltpu.CompilerParams(use_tc_tiling_on_sc=False),
    scratch_types=[
        pltpu.VMEM((NCHUNK, CHUNK), jnp.int32),
        pltpu.VMEM((CHUNK, F), jnp.float32),
        pltpu.VMEM_SHARED((NP, F), jnp.float32),
    ],
)
def _sc_deg(dst_hbm, cz_hbm, out_hbm, dst_v, ones_v, acc):
    cid = lax.axis_index("c")
    sid = lax.axis_index("s")
    w = cid * 16 + sid

    pltpu.sync_copy(cz_hbm.at[pl.ds(0, RPT)], acc.at[pl.ds(sid * RPT, RPT)])
    pltpu.sync_copy(cz_hbm.at[pl.ds(RPT, CHUNK)], ones_v)
    pltpu.sync_copy(dst_hbm.at[pl.ds(w * NCHUNK, NCHUNK)], dst_v)
    plsc.subcore_barrier()

    def body(c, carry):
        pltpu.sync_copy(ones_v, acc.at[dst_v.at[c]], add=True)
        return carry
    lax.fori_loop(0, NCHUNK, body, 0)

    plsc.subcore_barrier()
    pltpu.sync_copy(acc.at[pl.ds(sid * RPT, RPT)],
                    out_hbm.at[pl.ds(cid * NP + sid * RPT, RPT)])



NP8 = NP // 8
NV8 = N // 8


def _tc_mm0_body(x3_ref, w_ref, o_ref):
    cols = [jnp.dot(x3_ref[:, g, :], w_ref[...],
                    preferred_element_type=jnp.float32) for g in range(8)]
    o_ref[...] = jnp.concatenate(cols, axis=1)


def _tc_head_body(dp_ref, m_ref, u_ref, s_ref):
    s = lax.rsqrt(dp_ref[0] + dp_ref[1] + 1.0)
    s_ref[...] = s
    u_ref[...] = s * m_ref[...]


def _tc_mid_body(p_ref, s_ref, b_ref, bd_ref, o_ref):
    s = s_ref[...]
    y = jnp.maximum(s * (p_ref[0] + p_ref[1]) + b_ref[...], 0.0)
    un = s * jnp.dot(y, bd_ref[...], preferred_element_type=jnp.float32)
    row = lax.broadcasted_iota(jnp.int32, (NP8, 128), 0)
    o_ref[...] = jnp.where(row < NV8, un, 0.0)


def _tc_mid3_body(p_ref, s_ref, b_ref, o_ref):
    s = s_ref[...]
    y = jnp.maximum(s * (p_ref[0] + p_ref[1]) + b_ref[...], 0.0)
    row = lax.broadcasted_iota(jnp.int32, (NP8, 128), 0)
    o_ref[...] = jnp.where(row < NV8, s * y, 0.0)


def _tc_tail_body(p_ref, s_ref, w_ref, b_ref, o_ref):
    g = s_ref[...] * (p_ref[0] + p_ref[1])
    for gg in range(8):
        o_ref[:, gg, :] = jnp.dot(
            g[:, 16 * gg:16 * (gg + 1)], w_ref[...],
            preferred_element_type=jnp.float32) + b_ref[...]


_f32 = jnp.float32
_tc_mm0 = pl.pallas_call(
    _tc_mm0_body, out_shape=jax.ShapeDtypeStruct((NP8, 128), _f32))
_tc_head = pl.pallas_call(
    _tc_head_body,
    out_shape=(jax.ShapeDtypeStruct((NP8, 128), _f32),
               jax.ShapeDtypeStruct((NP8, 128), _f32)))
_tc_mid = pl.pallas_call(
    _tc_mid_body, out_shape=jax.ShapeDtypeStruct((NP8, 128), _f32))
_tc_mid3 = pl.pallas_call(
    _tc_mid3_body, out_shape=jax.ShapeDtypeStruct((NP8, 128), _f32))
_tc_tail = pl.pallas_call(
    _tc_tail_body, out_shape=jax.ShapeDtypeStruct((NP8, 8, 128), _f32))



def kernel(x, edge_index, W0, b0, W1, b1, W2, b2, W3, b3):
    src = edge_index[0]
    dst = edge_index[1]
    npad = EP - E
    pad_idx = N + (jnp.arange(npad, dtype=jnp.int32) % (NP - N))
    src_p = jnp.concatenate([src, pad_idx]).reshape(NW * NCHUNK, CHUNK)
    dst_p = jnp.concatenate([dst, pad_idx]).reshape(NW * NCHUNK, CHUNK)
    x3 = jnp.pad(x, ((0, NP - N), (0, 0))).reshape(NP8, 8, 128)
    eye8 = jnp.eye(8, dtype=_f32)
    bd1 = jnp.kron(eye8, W1)
    bd2 = jnp.kron(eye8, W2)
    b0r = jnp.tile(b0, 8).reshape(1, 128)
    b1r = jnp.tile(b1, 8).reshape(1, 128)
    b2r = jnp.tile(b2, 8).reshape(1, 128)
    b3r = b3.reshape(1, 128)

    cz = jnp.concatenate([jnp.zeros((RPT, F), _f32),
                          jnp.ones((CHUNK, F), _f32)])

    def pk(parts):
        return parts.reshape(2, NP8, 128)

    m0 = _tc_mm0(x3, W0)
    dparts = _sc_deg(dst_p, cz)
    u0, s16 = _tc_head(pk(dparts), m0)
    p0 = _sc_agg(u0.reshape(NP, F), src_p, dst_p, cz)
    u1 = _tc_mid(pk(p0), s16, b0r, bd1)
    p1 = _sc_agg(u1.reshape(NP, F), src_p, dst_p, cz)
    u2 = _tc_mid(pk(p1), s16, b1r, bd2)
    p2 = _sc_agg(u2.reshape(NP, F), src_p, dst_p, cz)
    u3 = _tc_mid3(pk(p2), s16, b2r)
    p3 = _sc_agg(u3.reshape(NP, F), src_p, dst_p, cz)
    out = _tc_tail(pk(p3), s16, W3, b3r)
    return out.reshape(NP, 128)[:N]

# --- scband reference (transcript-rebuilt; emitter-appended) ---
"""Pipeline reference for scband-gcn-27023934226652 (READ-ONLY COPY).

The authoritative reference and input builder live on the scoring server;
editing this copy changes nothing except your own understanding.
"""

import jax, jax.numpy as jnp
import numpy as np

N = 10000
E = 320000
DIMS = [128, 16, 16, 16, 128]  # input -> hidden -> hidden -> hidden -> output (4 GCNConv layers)


def setup_inputs(seed: int = 0) -> dict:
    key = jax.random.key(seed)
    ks = jax.random.split(key, 16)
    inp = {}
    inp['x'] = jax.random.normal(ks[0], (N, DIMS[0]), dtype=jnp.float32)
    inp['edge_index'] = jax.random.randint(ks[1], (2, E), 0, N, dtype=jnp.int32)
    for i in range(4):
        fan_in, fan_out = DIMS[i], DIMS[i + 1]
        scale = (6.0 / (fan_in + fan_out)) ** 0.5
        inp[f'W{i}'] = jax.random.uniform(ks[2 + 2 * i], (fan_in, fan_out), minval=-scale, maxval=scale, dtype=jnp.float32)
        inp[f'b{i}'] = jnp.zeros((fan_out,), dtype=jnp.float32)
    return inp


def _gcn_norm(edge_index):
    # add self loops, symmetric normalization D^-1/2 (A+I) D^-1/2 (PyG GCNConv default)
    loop = jnp.arange(N, dtype=edge_index.dtype)
    src = jnp.concatenate([edge_index[0], loop])
    dst = jnp.concatenate([edge_index[1], loop])
    deg = jnp.zeros((N,), dtype=jnp.float32).at[dst].add(1.0)
    dinv = jnp.where(deg > 0, 1.0 / jnp.sqrt(deg), 0.0)
    norm = dinv[src] * dinv[dst]
    return src, dst, norm


def _gcn_conv(x, src, dst, norm, W, b):
    h = x @ W
    msg = h[src] * norm[:, None]
    out = jnp.zeros((N, h.shape[1]), dtype=h.dtype).at[dst].add(msg)
    return out + b


def reference(x, edge_index, W0, b0, W1, b1, W2, b2, W3, b3):
    src, dst, norm = _gcn_norm(edge_index)
    Ws = [W0, W1, W2, W3]
    bs = [b0, b1, b2, b3]
    h = x
    for i in range(3):
        h = _gcn_conv(h, src, dst, norm, Ws[i], bs[i])
        h = jax.nn.relu(h)
        # F.dropout treated as identity (deterministic eval reference)
    out = _gcn_conv(h, src, dst, norm, Ws[3], bs[3])
    return out

if __name__ == "__main__":
    import jax
    _d = setup_inputs()
    print(jax.jit(kernel)(*tuple(_d.values())))

</pallas_src>

<mosaic_0001>
#map = affine_map<(d0, d1) -> (0, 0)>
module attributes {stable_mosaic.version = 14 : i64} {
  func.func @_sc_agg(%arg0: i32, %arg1: i32, %arg2: memref<10112x16xf32, #tpu.memory_space<hbm>>, %arg3: memref<2560x128xi32, #tpu.memory_space<hbm>>, %arg4: memref<2560x128xi32, #tpu.memory_space<hbm>>, %arg5: memref<760x16xf32, #tpu.memory_space<hbm>>, %arg6: memref<20224x16xf32, #tpu.memory_space<hbm>>, %arg7: memref<80x128xi32, #tpu.memory_space<vmem>>, %arg8: memref<80x128xi32, #tpu.memory_space<vmem>>, %arg9: memref<8x128x16xf32, #tpu.memory_space<vmem>>, %arg10: memref<10112x16xf32, #tpu.memory_space<vmem_shared>>, %arg11: memref<!tpu.dma_semaphore, #tpu.memory_space<semaphore_mem>>, %arg12: memref<!tpu.dma_semaphore, #tpu.memory_space<semaphore_mem>>, %arg13: memref<!tpu.dma_semaphore, #tpu.memory_space<semaphore_mem>>, %arg14: memref<!tpu.dma_semaphore, #tpu.memory_space<semaphore_mem>>, %arg15: memref<!tpu.dma_semaphore, #tpu.memory_space<semaphore_mem>>, %arg16: memref<!tpu.dma_semaphore, #tpu.memory_space<semaphore_mem>>, %arg17: memref<!tpu.dma_semaphore, #tpu.memory_space<semaphore_mem>>, %arg18: memref<!tpu.dma_semaphore, #tpu.memory_space<semaphore_mem>>) attributes {dimension_semantics = [#tpu.dimension_semantics<core_parallel>, #tpu.dimension_semantics<subcore_parallel>], iteration_bounds = array<i64: 2, 16>, scalar_prefetch = 0 : i64, scratch_operands = 12 : i64, tpu.core_type = #tpu.core_type<sc_vector_subcore>, window_params = [{transform_indices = #map}, {transform_indices = #map}, {transform_indices = #map}, {transform_indices = #map}, {transform_indices = #map}]} {
    %mul3A = arith.constant 16 : i32
    %mul3A_0 = arith.muli %arg0, %mul3A : i32
    %add3A = arith.addi %mul3A_0, %arg1 : i32
    %eq3A = arith.constant 0 : i32
    %eq3A_1 = arith.cmpi eq, %arg0, %eq3A : i32
    %convert_element_type3A = arith.extui %eq3A_1 : i1 to i32
    %cond3A = arith.constant 0 : i32
    %cond3A_2 = arith.cmpi ne, %convert_element_type3A, %cond3A : i32
    scf.if %cond3A_2 {
      %mul3A_120 = arith.constant 632 : i32
      %mul3A_121 = arith.muli %arg1, %mul3A_120 : i32
      %mul3A_122 = arith.constant 632 : i32
      %mul3A_123 = arith.muli %arg1, %mul3A_122 : i32
      "tpu.region"() ({
        %run_scoped3A = tpu.sem_alloc : memref<!tpu.dma_semaphore, #tpu.memory_space<semaphore_mem>>
        %dma_start3A_124 = arith.constant 0 : i32
        %dma_start3A_125 = tpu.memref_slice %arg10[%mul3A_123, %dma_start3A_124] : memref<10112x16xf32, #tpu.memory_space<vmem_shared>> -> memref<632x16xf32, #tpu.memory_space<vmem_shared>>
        %dma_start3A_126 = arith.constant 0 : i32
        %dma_start3A_127 = tpu.memref_slice %arg2[%mul3A_121, %dma_start3A_126] : memref<10112x16xf32, #tpu.memory_space<hbm>> -> memref<632x16xf32, #tpu.memory_space<hbm>>
        tpu.enqueue_dma source(%dma_start3A_127 : memref<632x16xf32, #tpu.memory_space<hbm>>) target(%dma_start3A_125 : memref<632x16xf32, #tpu.memory_space<vmem_shared>>) target_semaphore(%run_scoped3A : memref<!tpu.dma_semaphore, #tpu.memory_space<semaphore_mem>>)
        %dma_wait3A = arith.constant 0 : i32
        %dma_wait3A_128 = tpu.memref_slice %arg10[%mul3A_123, %dma_wait3A] : memref<10112x16xf32, #tpu.memory_space<vmem_shared>> -> memref<632x16xf32, #tpu.memory_space<vmem_shared>>
        %dma_wait3A_129 = arith.constant 0 : i32
        %dma_wait3A_130 = tpu.memref_slice %arg2[%mul3A_121, %dma_wait3A_129] : memref<10112x16xf32, #tpu.memory_space<hbm>> -> memref<632x16xf32, #tpu.memory_space<hbm>>
        tpu.wait_dma2 semaphore(%run_scoped3A : memref<!tpu.dma_semaphore, #tpu.memory_space<semaphore_mem>>) src(%dma_wait3A_130 : memref<632x16xf32, #tpu.memory_space<hbm>>) dst(%dma_wait3A_128 : memref<632x16xf32, #tpu.memory_space<vmem_shared>>)
        tpu.yield
      }) : () -> ()
    } else {
    }
    %eq3A_3 = arith.constant 1 : i32
    %eq3A_4 = arith.cmpi eq, %arg0, %eq3A_3 : i32
    %convert_element_type3A_5 = arith.extui %eq3A_4 : i1 to i32
    %cond3A_6 = arith.constant 0 : i32
    %cond3A_7 = arith.cmpi ne, %convert_element_type3A_5, %cond3A_6 : i32
    scf.if %cond3A_7 {
      %mul3A_120 = arith.constant 632 : i32
      %mul3A_121 = arith.muli %arg1, %mul3A_120 : i32
      "tpu.region"() ({
        %run_scoped3A = tpu.sem_alloc : memref<!tpu.dma_semaphore, #tpu.memory_space<semaphore_mem>>
        %dma_start3A_122 = arith.constant 0 : i32
        %dma_start3A_123 = tpu.memref_slice %arg10[%mul3A_121, %dma_start3A_122] : memref<10112x16xf32, #tpu.memory_space<vmem_shared>> -> memref<632x16xf32, #tpu.memory_space<vmem_shared>>
        %dma_start3A_124 = arith.constant 0 : i32
        %dma_start3A_125 = arith.constant 0 : i32
        %dma_start3A_126 = tpu.memref_slice %arg5[%dma_start3A_124, %dma_start3A_125] : memref<760x16xf32, #tpu.memory_space<hbm>> -> memref<632x16xf32, #tpu.memory_space<hbm>>
        tpu.enqueue_dma source(%dma_start3A_126 : memref<632x16xf32, #tpu.memory_space<hbm>>) target(%dma_start3A_123 : memref<632x16xf32, #tpu.memory_space<vmem_shared>>) target_semaphore(%run_scoped3A : memref<!tpu.dma_semaphore, #tpu.memory_space<semaphore_mem>>)
        %dma_wait3A = arith.constant 0 : i32
        %dma_wait3A_127 = tpu.memref_slice %arg10[%mul3A_121, %dma_wait3A] : memref<10112x16xf32, #tpu.memory_space<vmem_shared>> -> memref<632x16xf32, #tpu.memory_space<vmem_shared>>
        %dma_wait3A_128 = arith.constant 0 : i32
        %dma_wait3A_129 = arith.constant 0 : i32
        %dma_wait3A_130 = tpu.memref_slice %arg5[%dma_wait3A_128, %dma_wait3A_129] : memref<760x16xf32, #tpu.memory_space<hbm>> -> memref<632x16xf32, #tpu.memory_space<hbm>>
        tpu.wait_dma2 semaphore(%run_scoped3A : memref<!tpu.dma_semaphore, #tpu.memory_space<semaphore_mem>>) src(%dma_wait3A_130 : memref<632x16xf32, #tpu.memory_space<hbm>>) dst(%dma_wait3A_127 : memref<632x16xf32, #tpu.memory_space<vmem_shared>>)
        tpu.yield
      }) : () -> ()
    } else {
    }
    %mul3A_8 = arith.constant 80 : i32
    %mul3A_9 = arith.muli %add3A, %mul3A_8 : i32
    "tpu.region"() ({
      %run_scoped3A = tpu.sem_alloc : memref<!tpu.dma_semaphore, #tpu.memory_space<semaphore_mem>>
      %dma_start3A_120 = arith.constant 0 : i32
      %dma_start3A_121 = tpu.memref_slice %arg3[%mul3A_9, %dma_start3A_120] : memref<2560x128xi32, #tpu.memory_space<hbm>> -> memref<80x128xi32, #tpu.memory_space<hbm>>
      %dma_start3A_122 = arith.constant 0 : i32
      %dma_start3A_123 = tpu.memref_slice %arg3[%mul3A_9, %dma_start3A_122] : memref<2560x128xi32, #tpu.memory_space<hbm>> -> memref<80x128xi32, #tpu.memory_space<hbm>>
      tpu.enqueue_dma source(%dma_start3A_123 : memref<80x128xi32, #tpu.memory_space<hbm>>) target(%arg7 : memref<80x128xi32, #tpu.memory_space<vmem>>) target_semaphore(%run_scoped3A : memref<!tpu.dma_semaphore, #tpu.memory_space<semaphore_mem>>)
      %dma_wait3A = arith.constant 0 : i32
      %dma_wait3A_124 = tpu.memref_slice %arg3[%mul3A_9, %dma_wait3A] : memref<2560x128xi32, #tpu.memory_space<hbm>> -> memref<80x128xi32, #tpu.memory_space<hbm>>
      %dma_wait3A_125 = arith.constant 0 : i32
      %dma_wait3A_126 = tpu.memref_slice %arg3[%mul3A_9, %dma_wait3A_125] : memref<2560x128xi32, #tpu.memory_space<hbm>> -> memref<80x128xi32, #tpu.memory_space<hbm>>
      tpu.wait_dma2 semaphore(%run_scoped3A : memref<!tpu.dma_semaphore, #tpu.memory_space<semaphore_mem>>) src(%dma_wait3A_126 : memref<80x128xi32, #tpu.memory_space<hbm>>) dst(%arg7 : memref<80x128xi32, #tpu.memory_space<vmem>>)
      tpu.yield
    }) : () -> ()
    %mul3A_10 = arith.constant 80 : i32
    %mul3A_11 = arith.muli %add3A, %mul3A_10 : i32
    "tpu.region"() ({
      %run_scoped3A = tpu.sem_alloc : memref<!tpu.dma_semaphore, #tpu.memory_space<semaphore_mem>>
      %dma_start3A_120 = arith.constant 0 : i32
      %dma_start3A_121 = tpu.memref_slice %arg4[%mul3A_11, %dma_start3A_120] : memref<2560x128xi32, #tpu.memory_space<hbm>> -> memref<80x128xi32, #tpu.memory_space<hbm>>
      %dma_start3A_122 = arith.constant 0 : i32
      %dma_start3A_123 = tpu.memref_slice %arg4[%mul3A_11, %dma_start3A_122] : memref<2560x128xi32, #tpu.memory_space<hbm>> -> memref<80x128xi32, #tpu.memory_space<hbm>>
      tpu.enqueue_dma source(%dma_start3A_123 : memref<80x128xi32, #tpu.memory_space<hbm>>) target(%arg8 : memref<80x128xi32, #tpu.memory_space<vmem>>) target_semaphore(%run_scoped3A : memref<!tpu.dma_semaphore, #tpu.memory_space<semaphore_mem>>)
      %dma_wait3A = arith.constant 0 : i32
      %dma_wait3A_124 = tpu.memref_slice %arg4[%mul3A_11, %dma_wait3A] : memref<2560x128xi32, #tpu.memory_space<hbm>> -> memref<80x128xi32, #tpu.memory_space<hbm>>
      %dma_wait3A_125 = arith.constant 0 : i32
      %dma_wait3A_126 = tpu.memref_slice %arg4[%mul3A_11, %dma_wait3A_125] : memref<2560x128xi32, #tpu.memory_space<hbm>> -> memref<80x128xi32, #tpu.memory_space<hbm>>
      tpu.wait_dma2 semaphore(%run_scoped3A : memref<!tpu.dma_semaphore, #tpu.memory_space<semaphore_mem>>) src(%dma_wait3A_126 : memref<80x128xi32, #tpu.memory_space<hbm>>) dst(%arg8 : memref<80x128xi32, #tpu.memory_space<vmem>>)
      tpu.yield
    }) : () -> ()
    %barrier3A = arith.constant 0 : index
    tpu.barrier barrier_id(%barrier3A)
    %dma_start3A = arith.constant 0 : i32
    %dma_start3A_12 = arith.constant 0 : i32
    %dma_start3A_13 = arith.constant 0 : i32
    %dma_start3A_14 = arith.constant 0 : i32
    %dma_start3A_15 = tpu.memref_slice %arg9[%dma_start3A_12, %dma_start3A_13, %dma_start3A_14] : memref<8x128x16xf32, #tpu.memory_space<vmem>> -> memref<1x128x16xf32, #tpu.memory_space<vmem>>
    %dma_start3A_16 = tpu.memref_squeeze %dma_start3A_15 : memref<1x128x16xf32, #tpu.memory_space<vmem>> -> memref<128x16xf32, #tpu.memory_space<vmem>>
    %dma_start3A_17 = arith.constant 0 : i32
    %dma_start3A_18 = tpu.memref_slice %arg7[%dma_start3A, %dma_start3A_17] : memref<80x128xi32, #tpu.memory_space<vmem>> -> memref<1x128xi32, #tpu.memory_space<vmem>>
    %dma_start3A_19 = tpu.memref_squeeze %dma_start3A_18 : memref<1x128xi32, #tpu.memory_space<vmem>> -> memref<128xi32, #tpu.memory_space<vmem>>
    %dma_start3A_20 = arith.constant 0 : i32
    %dma_start3A_21 = arith.constant 0 : i32
    %dma_start3A_22 = tpu.memref_slice %arg2[%dma_start3A_20, %dma_start3A_21] : memref<10112x16xf32, #tpu.memory_space<hbm>> -> memref<10112x16xf32, #tpu.memory_space<hbm>>
    tpu.enqueue_indirect_dma source(%dma_start3A_22 : memref<10112x16xf32, #tpu.memory_space<hbm>>) target(%dma_start3A_16 : memref<128x16xf32, #tpu.memory_space<vmem>>) offsets(%dma_start3A_19 : memref<128xi32, #tpu.memory_space<vmem>>) semaphore(%arg11 : memref<!tpu.dma_semaphore, #tpu.memory_space<semaphore_mem>>)
    %dma_start3A_23 = arith.constant 1 : i32
    %dma_start3A_24 = arith.constant 1 : i32
    %dma_start3A_25 = arith.constant 0 : i32
    %dma_start3A_26 = arith.constant 0 : i32
    %dma_start3A_27 = tpu.memref_slice %arg9[%dma_start3A_24, %dma_start3A_25, %dma_start3A_26] : memref<8x128x16xf32, #tpu.memory_space<vmem>> -> memref<1x128x16xf32, #tpu.memory_space<vmem>>
    %dma_start3A_28 = tpu.memref_squeeze %dma_start3A_27 : memref<1x128x16xf32, #tpu.memory_space<vmem>> -> memref<128x16xf32, #tpu.memory_space<vmem>>
    %dma_start3A_29 = arith.constant 0 : i32
    %dma_start3A_30 = tpu.memref_slice %arg7[%dma_start3A_23, %dma_start3A_29] : memref<80x128xi32, #tpu.memory_space<vmem>> -> memref<1x128xi32, #tpu.memory_space<vmem>>
    %dma_start3A_31 = tpu.memref_squeeze %dma_start3A_30 : memref<1x128xi32, #tpu.memory_space<vmem>> -> memref<128xi32, #tpu.memory_space<vmem>>
    %dma_start3A_32 = arith.constant 0 : i32
    %dma_start3A_33 = arith.constant 0 : i32
    %dma_start3A_34 = tpu.memref_slice %arg2[%dma_start3A_32, %dma_start3A_33] : memref<10112x16xf32, #tpu.memory_space<hbm>> -> memref<10112x16xf32, #tpu.memory_space<hbm>>
    tpu.enqueue_indirect_dma source(%dma_start3A_34 : memref<10112x16xf32, #tpu.memory_space<hbm>>) target(%dma_start3A_28 : memref<128x16xf32, #tpu.memory_space<vmem>>) offsets(%dma_start3A_31 : memref<128xi32, #tpu.memory_space<vmem>>) semaphore(%arg12 : memref<!tpu.dma_semaphore, #tpu.memory_space<semaphore_mem>>)
    %dma_start3A_35 = arith.constant 2 : i32
    %dma_start3A_36 = arith.constant 2 : i32
    %dma_start3A_37 = arith.constant 0 : i32
    %dma_start3A_38 = arith.constant 0 : i32
    %dma_start3A_39 = tpu.memref_slice %arg9[%dma_start3A_36, %dma_start3A_37, %dma_start3A_38] : memref<8x128x16xf32, #tpu.memory_space<vmem>> -> memref<1x128x16xf32, #tpu.memory_space<vmem>>
    %dma_start3A_40 = tpu.memref_squeeze %dma_start3A_39 : memref<1x128x16xf32, #tpu.memory_space<vmem>> -> memref<128x16xf32, #tpu.memory_space<vmem>>
    %dma_start3A_41 = arith.constant 0 : i32
    %dma_start3A_42 = tpu.memref_slice %arg7[%dma_start3A_35, %dma_start3A_41] : memref<80x128xi32, #tpu.memory_space<vmem>> -> memref<1x128xi32, #tpu.memory_space<vmem>>
    %dma_start3A_43 = tpu.memref_squeeze %dma_start3A_42 : memref<1x128xi32, #tpu.memory_space<vmem>> -> memref<128xi32, #tpu.memory_space<vmem>>
    %dma_start3A_44 = arith.constant 0 : i32
    %dma_start3A_45 = arith.constant 0 : i32
    %dma_start3A_46 = tpu.memref_slice %arg2[%dma_start3A_44, %dma_start3A_45] : memref<10112x16xf32, #tpu.memory_space<hbm>> -> memref<10112x16xf32, #tpu.memory_space<hbm>>
    tpu.enqueue_indirect_dma source(%dma_start3A_46 : memref<10112x16xf32, #tpu.memory_space<hbm>>) target(%dma_start3A_40 : memref<128x16xf32, #tpu.memory_space<vmem>>) offsets(%dma_start3A_43 : memref<128xi32, #tpu.memory_space<vmem>>) semaphore(%arg13 : memref<!tpu.dma_semaphore, #tpu.memory_space<semaphore_mem>>)
    %dma_start3A_47 = arith.constant 3 : i32
    %dma_start3A_48 = arith.constant 3 : i32
    %dma_start3A_49 = arith.constant 0 : i32
    %dma_start3A_50 = arith.constant 0 : i32
    %dma_start3A_51 = tpu.memref_slice %arg9[%dma_start3A_48, %dma_start3A_49, %dma_start3A_50] : memref<8x128x16xf32, #tpu.memory_space<vmem>> -> memref<1x128x16xf32, #tpu.memory_space<vmem>>
    %dma_start3A_52 = tpu.memref_squeeze %dma_start3A_51 : memref<1x128x16xf32, #tpu.memory_space<vmem>> -> memref<128x16xf32, #tpu.memory_space<vmem>>
    %dma_start3A_53 = arith.constant 0 : i32
    %dma_start3A_54 = tpu.memref_slice %arg7[%dma_start3A_47, %dma_start3A_53] : memref<80x128xi32, #tpu.memory_space<vmem>> -> memref<1x128xi32, #tpu.memory_space<vmem>>
    %dma_start3A_55 = tpu.memref_squeeze %dma_start3A_54 : memref<1x128xi32, #tpu.memory_space<vmem>> -> memref<128xi32, #tpu.memory_space<vmem>>
    %dma_start3A_56 = arith.constant 0 : i32
    %dma_start3A_57 = arith.constant 0 : i32
    %dma_start3A_58 = tpu.memref_slice %arg2[%dma_start3A_56, %dma_start3A_57] : memref<10112x16xf32, #tpu.memory_space<hbm>> -> memref<10112x16xf32, #tpu.memory_space<hbm>>
    tpu.enqueue_indirect_dma source(%dma_start3A_58 : memref<10112x16xf32, #tpu.memory_space<hbm>>) target(%dma_start3A_52 : memref<128x16xf32, #tpu.memory_space<vmem>>) offsets(%dma_start3A_55 : memref<128xi32, #tpu.memory_space<vmem>>) semaphore(%arg14 : memref<!tpu.dma_semaphore, #tpu.memory_space<semaphore_mem>>)
    %dma_start3A_59 = arith.constant 4 : i32
    %dma_start3A_60 = arith.constant 4 : i32
    %dma_start3A_61 = arith.constant 0 : i32
    %dma_start3A_62 = arith.constant 0 : i32
    %dma_start3A_63 = tpu.memref_slice %arg9[%dma_start3A_60, %dma_start3A_61, %dma_start3A_62] : memref<8x128x16xf32, #tpu.memory_space<vmem>> -> memref<1x128x16xf32, #tpu.memory_space<vmem>>
    %dma_start3A_64 = tpu.memref_squeeze %dma_start3A_63 : memref<1x128x16xf32, #tpu.memory_space<vmem>> -> memref<128x16xf32, #tpu.memory_space<vmem>>
    %dma_start3A_65 = arith.constant 0 : i32
    %dma_start3A_66 = tpu.memref_slice %arg7[%dma_start3A_59, %dma_start3A_65] : memref<80x128xi32, #tpu.memory_space<vmem>> -> memref<1x128xi32, #tpu.memory_space<vmem>>
    %dma_start3A_67 = tpu.memref_squeeze %dma_start3A_66 : memref<1x128xi32, #tpu.memory_space<vmem>> -> memref<128xi32, #tpu.memory_space<vmem>>
    %dma_start3A_68 = arith.constant 0 : i32
    %dma_start3A_69 = arith.constant 0 : i32
    %dma_start3A_70 = tpu.memref_slice %arg2[%dma_start3A_68, %dma_start3A_69] : memref<10112x16xf32, #tpu.memory_space<hbm>> -> memref<10112x16xf32, #tpu.memory_space<hbm>>
    tpu.enqueue_indirect_dma source(%dma_start3A_70 : memref<10112x16xf32, #tpu.memory_space<hbm>>) target(%dma_start3A_64 : memref<128x16xf32, #tpu.memory_space<vmem>>) offsets(%dma_start3A_67 : memref<128xi32, #tpu.memory_space<vmem>>) semaphore(%arg15 : memref<!tpu.dma_semaphore, #tpu.memory_space<semaphore_mem>>)
    %dma_start3A_71 = arith.constant 5 : i32
    %dma_start3A_72 = arith.constant 5 : i32
    %dma_start3A_73 = arith.constant 0 : i32
    %dma_start3A_74 = arith.constant 0 : i32
    %dma_start3A_75 = tpu.memref_slice %arg9[%dma_start3A_72, %dma_start3A_73, %dma_start3A_74] : memref<8x128x16xf32, #tpu.memory_space<vmem>> -> memref<1x128x16xf32, #tpu.memory_space<vmem>>
    %dma_start3A_76 = tpu.memref_squeeze %dma_start3A_75 : memref<1x128x16xf32, #tpu.memory_space<vmem>> -> memref<128x16xf32, #tpu.memory_space<vmem>>
    %dma_start3A_77 = arith.constant 0 : i32
    %dma_start3A_78 = tpu.memref_slice %arg7[%dma_start3A_71, %dma_start3A_77] : memref<80x128xi32, #tpu.memory_space<vmem>> -> memref<1x128xi32, #tpu.memory_space<vmem>>
    %dma_start3A_79 = tpu.memref_squeeze %dma_start3A_78 : memref<1x128xi32, #tpu.memory_space<vmem>> -> memref<128xi32, #tpu.memory_space<vmem>>
    %dma_start3A_80 = arith.constant 0 : i32
    %dma_start3A_81 = arith.constant 0 : i32
    %dma_start3A_82 = tpu.memref_slice %arg2[%dma_start3A_80, %dma_start3A_81] : memref<10112x16xf32, #tpu.memory_space<hbm>> -> memref<10112x16xf32, #tpu.memory_space<hbm>>
    tpu.enqueue_indirect_dma source(%dma_start3A_82 : memref<10112x16xf32, #tpu.memory_space<hbm>>) target(%dma_start3A_76 : memref<128x16xf32, #tpu.memory_space<vmem>>) offsets(%dma_start3A_79 : memref<128xi32, #tpu.memory_space<vmem>>) semaphore(%arg16 : memref<!tpu.dma_semaphore, #tpu.memory_space<semaphore_mem>>)
    %dma_start3A_83 = arith.constant 6 : i32
    %dma_start3A_84 = arith.constant 6 : i32
    %dma_start3A_85 = arith.constant 0 : i32
    %dma_start3A_86 = arith.constant 0 : i32
    %dma_start3A_87 = tpu.memref_slice %arg9[%dma_start3A_84, %dma_start3A_85, %dma_start3A_86] : memref<8x128x16xf32, #tpu.memory_space<vmem>> -> memref<1x128x16xf32, #tpu.memory_space<vmem>>
    %dma_start3A_88 = tpu.memref_squeeze %dma_start3A_87 : memref<1x128x16xf32, #tpu.memory_space<vmem>> -> memref<128x16xf32, #tpu.memory_space<vmem>>
    %dma_start3A_89 = arith.constant 0 : i32
    %dma_start3A_90 = tpu.memref_slice %arg7[%dma_start3A_83, %dma_start3A_89] : memref<80x128xi32, #tpu.memory_space<vmem>> -> memref<1x128xi32, #tpu.memory_space<vmem>>
    %dma_start3A_91 = tpu.memref_squeeze %dma_start3A_90 : memref<1x128xi32, #tpu.memory_space<vmem>> -> memref<128xi32, #tpu.memory_space<vmem>>
    %dma_start3A_92 = arith.constant 0 : i32
    %dma_start3A_93 = arith.constant 0 : i32
    %dma_start3A_94 = tpu.memref_slice %arg2[%dma_start3A_92, %dma_start3A_93] : memref<10112x16xf32, #tpu.memory_space<hbm>> -> memref<10112x16xf32, #tpu.memory_space<hbm>>
    tpu.enqueue_indirect_dma source(%dma_start3A_94 : memref<10112x16xf32, #tpu.memory_space<hbm>>) target(%dma_start3A_88 : memref<128x16xf32, #tpu.memory_space<vmem>>) offsets(%dma_start3A_91 : memref<128xi32, #tpu.memory_space<vmem>>) semaphore(%arg17 : memref<!tpu.dma_semaphore, #tpu.memory_space<semaphore_mem>>)
    %dma_start3A_95 = arith.constant 7 : i32
    %dma_start3A_96 = arith.constant 7 : i32
    %dma_start3A_97 = arith.constant 0 : i32
    %dma_start3A_98 = arith.constant 0 : i32
    %dma_start3A_99 = tpu.memref_slice %arg9[%dma_start3A_96, %dma_start3A_97, %dma_start3A_98] : memref<8x128x16xf32, #tpu.memory_space<vmem>> -> memref<1x128x16xf32, #tpu.memory_space<vmem>>
    %dma_start3A_100 = tpu.memref_squeeze %dma_start3A_99 : memref<1x128x16xf32, #tpu.memory_space<vmem>> -> memref<128x16xf32, #tpu.memory_space<vmem>>
    %dma_start3A_101 = arith.constant 0 : i32
    %dma_start3A_102 = tpu.memref_slice %arg7[%dma_start3A_95, %dma_start3A_101] : memref<80x128xi32, #tpu.memory_space<vmem>> -> memref<1x128xi32, #tpu.memory_space<vmem>>
    %dma_start3A_103 = tpu.memref_squeeze %dma_start3A_102 : memref<1x128xi32, #tpu.memory_space<vmem>> -> memref<128xi32, #tpu.memory_space<vmem>>
    %dma_start3A_104 = arith.constant 0 : i32
    %dma_start3A_105 = arith.constant 0 : i32
    %dma_start3A_106 = tpu.memref_slice %arg2[%dma_start3A_104, %dma_start3A_105] : memref<10112x16xf32, #tpu.memory_space<hbm>> -> memref<10112x16xf32, #tpu.memory_space<hbm>>
    tpu.enqueue_indirect_dma source(%dma_start3A_106 : memref<10112x16xf32, #tpu.memory_space<hbm>>) target(%dma_start3A_100 : memref<128x16xf32, #tpu.memory_space<vmem>>) offsets(%dma_start3A_103 : memref<128xi32, #tpu.memory_space<vmem>>) semaphore(%arg18 : memref<!tpu.dma_semaphore, #tpu.memory_space<semaphore_mem>>)
    %scan3A = arith.constant 0 : i32
    %scan3A_107 = arith.constant 0 : i32
    %scan3A_108 = arith.constant 10 : i32
    %scan3A_109 = arith.addi %scan3A_107, %scan3A_108 : i32
    %scan3A_110 = arith.constant 1 : i32
    scf.for %scan3A_120 = %scan3A_107 to %scan3A_109 step %scan3A_110  : i32 {
      %mul3A_121 = arith.constant 8 : i32
      %mul3A_122 = arith.muli %scan3A_120, %mul3A_121 : i32
      %add3A_123 = arith.constant 0 : i32
      %add3A_124 = arith.addi %mul3A_122, %add3A_123 : i32
      %dma_wait3A = arith.constant 0 : i32
      %dma_wait3A_125 = arith.constant 0 : i32
      %dma_wait3A_126 = arith.constant 0 : i32
      %dma_wait3A_127 = tpu.memref_slice %arg9[%dma_wait3A, %dma_wait3A_125, %dma_wait3A_126] : memref<8x128x16xf32, #tpu.memory_space<vmem>> -> memref<1x128x16xf32, #tpu.memory_space<vmem>>
      %dma_wait3A_128 = tpu.memref_squeeze %dma_wait3A_127 : memref<1x128x16xf32, #tpu.memory_space<vmem>> -> memref<128x16xf32, #tpu.memory_space<vmem>>
      %dma_wait3A_129 = arith.constant 0 : i32
      %dma_wait3A_130 = tpu.memref_slice %arg7[%add3A_124, %dma_wait3A_129] : memref<80x128xi32, #tpu.memory_space<vmem>> -> memref<1x128xi32, #tpu.memory_space<vmem>>
      %dma_wait3A_131 = tpu.memref_squeeze %dma_wait3A_130 : memref<1x128xi32, #tpu.memory_space<vmem>> -> memref<128xi32, #tpu.memory_space<vmem>>
      %dma_wait3A_132 = arith.constant 0 : i32
      %dma_wait3A_133 = arith.constant 0 : i32
      %dma_wait3A_134 = tpu.memref_slice %arg2[%dma_wait3A_132, %dma_wait3A_133] : memref<10112x16xf32, #tpu.memory_space<hbm>> -> memref<10112x16xf32, #tpu.memory_space<hbm>>
      tpu.wait_indirect_dma semaphore(%arg11 : memref<!tpu.dma_semaphore, #tpu.memory_space<semaphore_mem>>) src(%dma_wait3A_134 : memref<10112x16xf32, #tpu.memory_space<hbm>>) dst(%dma_wait3A_128 : memref<128x16xf32, #tpu.memory_space<vmem>>)
      %run_scoped3A = arith.constant 0 : i32
      "tpu.region"() ({
        %run_scoped3A_286 = tpu.sem_alloc : memref<!tpu.dma_semaphore, #tpu.memory_space<semaphore_mem>>
        %dma_start3A_287 = arith.constant 0 : i32
        %dma_start3A_288 = arith.constant 0 : i32
        %dma_start3A_289 = tpu.memref_slice %arg9[%run_scoped3A, %dma_start3A_287, %dma_start3A_288] : memref<8x128x16xf32, #tpu.memory_space<vmem>> -> memref<1x128x16xf32, #tpu.memory_space<vmem>>
        %dma_start3A_290 = tpu.memref_squeeze %dma_start3A_289 : memref<1x128x16xf32, #tpu.memory_space<vmem>> -> memref<128x16xf32, #tpu.memory_space<vmem>>
        %dma_start3A_291 = arith.constant 0 : i32
        %dma_start3A_292 = tpu.memref_slice %arg8[%add3A_124, %dma_start3A_291] : memref<80x128xi32, #tpu.memory_space<vmem>> -> memref<1x128xi32, #tpu.memory_space<vmem>>
        %dma_start3A_293 = tpu.memref_squeeze %dma_start3A_292 : memref<1x128xi32, #tpu.memory_space<vmem>> -> memref<128xi32, #tpu.memory_space<vmem>>
        %dma_start3A_294 = arith.constant 0 : i32
        %dma_start3A_295 = arith.constant 0 : i32
        %dma_start3A_296 = tpu.memref_slice %arg10[%dma_start3A_294, %dma_start3A_295] : memref<10112x16xf32, #tpu.memory_space<vmem_shared>> -> memref<10112x16xf32, #tpu.memory_space<vmem_shared>>
        tpu.enqueue_indirect_dma source(%dma_start3A_290 : memref<128x16xf32, #tpu.memory_space<vmem>>) target(%dma_start3A_296 : memref<10112x16xf32, #tpu.memory_space<vmem_shared>>) offsets(%dma_start3A_293 : memref<128xi32, #tpu.memory_space<vmem>>) semaphore(%run_scoped3A_286 : memref<!tpu.dma_semaphore, #tpu.memory_space<semaphore_mem>>) {add = true}
        %dma_wait3A_297 = arith.constant 0 : i32
        %dma_wait3A_298 = arith.constant 0 : i32
        %dma_wait3A_299 = tpu.memref_slice %arg9[%run_scoped3A, %dma_wait3A_297, %dma_wait3A_298] : memref<8x128x16xf32, #tpu.memory_space<vmem>> -> memref<1x128x16xf32, #tpu.memory_space<vmem>>
        %dma_wait3A_300 = tpu.memref_squeeze %dma_wait3A_299 : memref<1x128x16xf32, #tpu.memory_space<vmem>> -> memref<128x16xf32, #tpu.memory_space<vmem>>
        %dma_wait3A_301 = arith.constant 0 : i32
        %dma_wait3A_302 = tpu.memref_slice %arg8[%add3A_124, %dma_wait3A_301] : memref<80x128xi32, #tpu.memory_space<vmem>> -> memref<1x128xi32, #tpu.memory_space<vmem>>
        %dma_wait3A_303 = tpu.memref_squeeze %dma_wait3A_302 : memref<1x128xi32, #tpu.memory_space<vmem>> -> memref<128xi32, #tpu.memory_space<vmem>>
        %dma_wait3A_304 = arith.constant 0 : i32
        %dma_wait3A_305 = arith.constant 0 : i32
        %dma_wait3A_306 = tpu.memref_slice %arg10[%dma_wait3A_304, %dma_wait3A_305] : memref<10112x16xf32, #tpu.memory_space<vmem_shared>> -> memref<10112x16xf32, #tpu.memory_space<vmem_shared>>
        tpu.wait_indirect_dma semaphore(%run_scoped3A_286 : memref<!tpu.dma_semaphore, #tpu.memory_space<semaphore_mem>>) src(%dma_wait3A_300 : memref<128x16xf32, #tpu.memory_space<vmem>>) dst(%dma_wait3A_306 : memref<10112x16xf32, #tpu.memory_space<vmem_shared>>)
        tpu.yield
      }) : () -> ()
      %lt3A = arith.constant 9 : i32
      %lt3A_135 = arith.cmpi slt, %scan3A_120, %lt3A : i32
      %convert_element_type3A_136 = arith.extui %lt3A_135 : i1 to i32
      %cond3A_137 = arith.constant 0 : i32
      %cond3A_138 = arith.cmpi ne, %convert_element_type3A_136, %cond3A_137 : i32
      scf.if %cond3A_138 {
        %add3A_286 = arith.constant 8 : i32
        %add3A_287 = arith.addi %add3A_124, %add3A_286 : i32
        %dma_start3A_288 = arith.constant 0 : i32
        %dma_start3A_289 = arith.constant 0 : i32
        %dma_start3A_290 = arith.constant 0 : i32
        %dma_start3A_291 = tpu.memref_slice %arg9[%dma_start3A_288, %dma_start3A_289, %dma_start3A_290] : memref<8x128x16xf32, #tpu.memory_space<vmem>> -> memref<1x128x16xf32, #tpu.memory_space<vmem>>
        %dma_start3A_292 = tpu.memref_squeeze %dma_start3A_291 : memref<1x128x16xf32, #tpu.memory_space<vmem>> -> memref<128x16xf32, #tpu.memory_space<vmem>>
        %dma_start3A_293 = arith.constant 0 : i32
        %dma_start3A_294 = tpu.memref_slice %arg7[%add3A_287, %dma_start3A_293] : memref<80x128xi32, #tpu.memory_space<vmem>> -> memref<1x128xi32, #tpu.memory_space<vmem>>
        %dma_start3A_295 = tpu.memref_squeeze %dma_start3A_294 : memref<1x128xi32, #tpu.memory_space<vmem>> -> memref<128xi32, #tpu.memory_space<vmem>>
        %dma_start3A_296 = arith.constant 0 : i32
        %dma_start3A_297 = arith.constant 0 : i32
        %dma_start3A_298 = tpu.memref_slice %arg2[%dma_start3A_296, %dma_start3A_297] : memref<10112x16xf32, #tpu.memory_space<hbm>> -> memref<10112x16xf32, #tpu.memory_space<hbm>>
        tpu.enqueue_indirect_dma source(%dma_start3A_298 : memref<10112x16xf32, #tpu.memory_space<hbm>>) target(%dma_start3A_292 : memref<128x16xf32, #tpu.memory_space<vmem>>) offsets(%dma_start3A_295 : memref<128xi32, #tpu.memory_space<vmem>>) semaphore(%arg11 : memref<!tpu.dma_semaphore, #tpu.memory_space<semaphore_mem>>)
      } else {
      }
      %mul3A_139 = arith.constant 8 : i32
      %mul3A_140 = arith.muli %scan3A_120, %mul3A_139 : i32
      %add3A_141 = arith.constant 1 : i32
      %add3A_142 = arith.addi %mul3A_140, %add3A_141 : i32
      %dma_wait3A_143 = arith.constant 1 : i32
      %dma_wait3A_144 = arith.constant 0 : i32
      %dma_wait3A_145 = arith.constant 0 : i32
      %dma_wait3A_146 = tpu.memref_slice %arg9[%dma_wait3A_143, %dma_wait3A_144, %dma_wait3A_145] : memref<8x128x16xf32, #tpu.memory_space<vmem>> -> memref<1x128x16xf32, #tpu.memory_space<vmem>>
      %dma_wait3A_147 = tpu.memref_squeeze %dma_wait3A_146 : memref<1x128x16xf32, #tpu.memory_space<vmem>> -> memref<128x16xf32, #tpu.memory_space<vmem>>
      %dma_wait3A_148 = arith.constant 0 : i32
      %dma_wait3A_149 = tpu.memref_slice %arg7[%add3A_142, %dma_wait3A_148] : memref<80x128xi32, #tpu.memory_space<vmem>> -> memref<1x128xi32, #tpu.memory_space<vmem>>
      %dma_wait3A_150 = tpu.memref_squeeze %dma_wait3A_149 : memref<1x128xi32, #tpu.memory_space<vmem>> -> memref<128xi32, #tpu.memory_space<vmem>>
      %dma_wait3A_151 = arith.constant 0 : i32
      %dma_wait3A_152 = arith.constant 0 : i32
      %dma_wait3A_153 = tpu.memref_slice %arg2[%dma_wait3A_151, %dma_wait3A_152] : memref<10112x16xf32, #tpu.memory_space<hbm>> -> memref<10112x16xf32, #tpu.memory_space<hbm>>
      tpu.wait_indirect_dma semaphore(%arg12 : memref<!tpu.dma_semaphore, #tpu.memory_space<semaphore_mem>>) src(%dma_wait3A_153 : memref<10112x16xf32, #tpu.memory_space<hbm>>) dst(%dma_wait3A_147 : memref<128x16xf32, #tpu.memory_space<vmem>>)
      %run_scoped3A_154 = arith.constant 1 : i32
      "tpu.region"() ({
        %run_scoped3A_286 = tpu.sem_alloc : memref<!tpu.dma_semaphore, #tpu.memory_space<semaphore_mem>>
        %dma_start3A_287 = arith.constant 0 : i32
        %dma_start3A_288 = arith.constant 0 : i32
        %dma_start3A_289 = tpu.memref_slice %arg9[%run_scoped3A_154, %dma_start3A_287, %dma_start3A_288] : memref<8x128x16xf32, #tpu.memory_space<vmem>> -> memref<1x128x16xf32, #tpu.memory_space<vmem>>
        %dma_start3A_290 = tpu.memref_squeeze %dma_start3A_289 : memref<1x128x16xf32, #tpu.memory_space<vmem>> -> memref<128x16xf32, #tpu.memory_space<vmem>>
        %dma_start3A_291 = arith.constant 0 : i32
        %dma_start3A_292 = tpu.memref_slice %arg8[%add3A_142, %dma_start3A_291] : memref<80x128xi32, #tpu.memory_space<vmem>> -> memref<1x128xi32, #tpu.memory_space<vmem>>
        %dma_start3A_293 = tpu.memref_squeeze %dma_start3A_292 : memref<1x128xi32, #tpu.memory_space<vmem>> -> memref<128xi32, #tpu.memory_space<vmem>>
        %dma_start3A_294 = arith.constant 0 : i32
        %dma_start3A_295 = arith.constant 0 : i32
        %dma_start3A_296 = tpu.memref_slice %arg10[%dma_start3A_294, %dma_start3A_295] : memref<10112x16xf32, #tpu.memory_space<vmem_shared>> -> memref<10112x16xf32, #tpu.memory_space<vmem_shared>>
        tpu.enqueue_indirect_dma source(%dma_start3A_290 : memref<128x16xf32, #tpu.memory_space<vmem>>) target(%dma_start3A_296 : memref<10112x16xf32, #tpu.memory_space<vmem_shared>>) offsets(%dma_start3A_293 : memref<128xi32, #tpu.memory_space<vmem>>) semaphore(%run_scoped3A_286 : memref<!tpu.dma_semaphore, #tpu.memory_space<semaphore_mem>>) {add = true}
        %dma_wait3A_297 = arith.constant 0 : i32
        %dma_wait3A_298 = arith.constant 0 : i32
        %dma_wait3A_299 = tpu.memref_slice %arg9[%run_scoped3A_154, %dma_wait3A_297, %dma_wait3A_298] : memref<8x128x16xf32, #tpu.memory_space<vmem>> -> memref<1x128x16xf32, #tpu.memory_space<vmem>>
        %dma_wait3A_300 = tpu.memref_squeeze %dma_wait3A_299 : memref<1x128x16xf32, #tpu.memory_space<vmem>> -> memref<128x16xf32, #tpu.memory_space<vmem>>
        %dma_wait3A_301 = arith.constant 0 : i32
        %dma_wait3A_302 = tpu.memref_slice %arg8[%add3A_142, %dma_wait3A_301] : memref<80x128xi32, #tpu.memory_space<vmem>> -> memref<1x128xi32, #tpu.memory_space<vmem>>
        %dma_wait3A_303 = tpu.memref_squeeze %dma_wait3A_302 : memref<1x128xi32, #tpu.memory_space<vmem>> -> memref<128xi32, #tpu.memory_space<vmem>>
        %dma_wait3A_304 = arith.constant 0 : i32
        %dma_wait3A_305 = arith.constant 0 : i32
        %dma_wait3A_306 = tpu.memref_slice %arg10[%dma_wait3A_304, %dma_wait3A_305] : memref<10112x16xf32, #tpu.memory_space<vmem_shared>> -> memref<10112x16xf32, #tpu.memory_space<vmem_shared>>
        tpu.wait_indirect_dma semaphore(%run_scoped3A_286 : memref<!tpu.dma_semaphore, #tpu.memory_space<semaphore_mem>>) src(%dma_wait3A_300 : memref<128x16xf32, #tpu.memory_space<vmem>>) dst(%dma_wait3A_306 : memref<10112x16xf32, #tpu.memory_space<vmem_shared>>)
        tpu.yield
      }) : () -> ()
      %lt3A_155 = arith.constant 9 : i32
      %lt3A_156 = arith.cmpi slt, %scan3A_120, %lt3A_155 : i32
      %convert_element_type3A_157 = arith.extui %lt3A_156 : i1 to i32
      %cond3A_158 = arith.constant 0 : i32
      %cond3A_159 = arith.cmpi ne, %convert_element_type3A_157, %cond3A_158 : i32
      scf.if %cond3A_159 {
        %add3A_286 = arith.constant 8 : i32
        %add3A_287 = arith.addi %add3A_142, %add3A_286 : i32
        %dma_start3A_288 = arith.constant 1 : i32
        %dma_start3A_289 = arith.constant 0 : i32
        %dma_start3A_290 = arith.constant 0 : i32
        %dma_start3A_291 = tpu.memref_slice %arg9[%dma_start3A_288, %dma_start3A_289, %dma_start3A_290] : memref<8x128x16xf32, #tpu.memory_space<vmem>> -> memref<1x128x16xf32, #tpu.memory_space<vmem>>
        %dma_start3A_292 = tpu.memref_squeeze %dma_start3A_291 : memref<1x128x16xf32, #tpu.memory_space<vmem>> -> memref<128x16xf32, #tpu.memory_space<vmem>>
        %dma_start3A_293 = arith.constant 0 : i32
        %dma_start3A_294 = tpu.memref_slice %arg7[%add3A_287, %dma_start3A_293] : memref<80x128xi32, #tpu.memory_space<vmem>> -> memref<1x128xi32, #tpu.memory_space<vmem>>
        %dma_start3A_295 = tpu.memref_squeeze %dma_start3A_294 : memref<1x128xi32, #tpu.memory_space<vmem>> -> memref<128xi32, #tpu.memory_space<vmem>>
        %dma_start3A_296 = arith.constant 0 : i32
        %dma_start3A_297 = arith.constant 0 : i32
        %dma_start3A_298 = tpu.memref_slice %arg2[%dma_start3A_296, %dma_start3A_297] : memref<10112x16xf32, #tpu.memory_space<hbm>> -> memref<10112x16xf32, #tpu.memory_space<hbm>>
        tpu.enqueue_indirect_dma source(%dma_start3A_298 : memref<10112x16xf32, #tpu.memory_space<hbm>>) target(%dma_start3A_292 : memref<128x16xf32, #tpu.memory_space<vmem>>) offsets(%dma_start3A_295 : memref<128xi32, #tpu.memory_space<vmem>>) semaphore(%arg12 : memref<!tpu.dma_semaphore, #tpu.memory_space<semaphore_mem>>)
      } else {
      }
      %mul3A_160 = arith.constant 8 : i32
      %mul3A_161 = arith.muli %scan3A_120, %mul3A_160 : i32
      %add3A_162 = arith.constant 2 : i32
      %add3A_163 = arith.addi %mul3A_161, %add3A_162 : i32
      %dma_wait3A_164 = arith.constant 2 : i32
      %dma_wait3A_165 = arith.constant 0 : i32
      %dma_wait3A_166 = arith.constant 0 : i32
      %dma_wait3A_167 = tpu.memref_slice %arg9[%dma_wait3A_164, %dma_wait3A_165, %dma_wait3A_166] : memref<8x128x16xf32, #tpu.memory_space<vmem>> -> memref<1x128x16xf32, #tpu.memory_space<vmem>>
      %dma_wait3A_168 = tpu.memref_squeeze %dma_wait3A_167 : memref<1x128x16xf32, #tpu.memory_space<vmem>> -> memref<128x16xf32, #tpu.memory_space<vmem>>
      %dma_wait3A_169 = arith.constant 0 : i32
      %dma_wait3A_170 = tpu.memref_slice %arg7[%add3A_163, %dma_wait3A_169] : memref<80x128xi32, #tpu.memory_space<vmem>> -> memref<1x128xi32, #tpu.memory_space<vmem>>
      %dma_wait3A_171 = tpu.memref_squeeze %dma_wait3A_170 : memref<1x128xi32, #tpu.memory_space<vmem>> -> memref<128xi32, #tpu.memory_space<vmem>>
      %dma_wait3A_172 = arith.constant 0 : i32
      %dma_wait3A_173 = arith.constant 0 : i32
      %dma_wait3A_174 = tpu.memref_slice %arg2[%dma_wait3A_172, %dma_wait3A_173] : memref<10112x16xf32, #tpu.memory_space<hbm>> -> memref<10112x16xf32, #tpu.memory_space<hbm>>
      tpu.wait_indirect_dma semaphore(%arg13 : memref<!tpu.dma_semaphore, #tpu.memory_space<semaphore_mem>>) src(%dma_wait3A_174 : memref<10112x16xf32, #tpu.memory_space<hbm>>) dst(%dma_wait3A_168 : memref<128x16xf32, #tpu.memory_space<vmem>>)
      %run_scoped3A_175 = arith.constant 2 : i32
      "tpu.region"() ({
        %run_scoped3A_286 = tpu.sem_alloc : memref<!tpu.dma_semaphore, #tpu.memory_space<semaphore_mem>>
        %dma_start3A_287 = arith.constant 0 : i32
        %dma_start3A_288 = arith.constant 0 : i32
        %dma_start3A_289 = tpu.memref_slice %arg9[%run_scoped3A_175, %dma_start3A_287, %dma_start3A_288] : memref<8x128x16xf32, #tpu.memory_space<vmem>> -> memref<1x128x16xf32, #tpu.memory_space<vmem>>
        %dma_start3A_290 = tpu.memref_squeeze %dma_start3A_289 : memref<1x128x16xf32, #tpu.memory_space<vmem>> -> memref<128x16xf32, #tpu.memory_space<vmem>>
        %dma_start3A_291 = arith.constant 0 : i32
        %dma_start3A_292 = tpu.memref_slice %arg8[%add3A_163, %dma_start3A_291] : memref<80x128xi32, #tpu.memory_space<vmem>> -> memref<1x128xi32, #tpu.memory_space<vmem>>
        %dma_start3A_293 = tpu.memref_squeeze %dma_start3A_292 : memref<1x128xi32, #tpu.memory_space<vmem>> -> memref<128xi32, #tpu.memory_space<vmem>>
        %dma_start3A_294 = arith.constant 0 : i32
        %dma_start3A_295 = arith.constant 0 : i32
        %dma_start3A_296 = tpu.memref_slice %arg10[%dma_start3A_294, %dma_start3A_295] : memref<10112x16xf32, #tpu.memory_space<vmem_shared>> -> memref<10112x16xf32, #tpu.memory_space<vmem_shared>>
        tpu.enqueue_indirect_dma source(%dma_start3A_290 : memref<128x16xf32, #tpu.memory_space<vmem>>) target(%dma_start3A_296 : memref<10112x16xf32, #tpu.memory_space<vmem_shared>>) offsets(%dma_start3A_293 : memref<128xi32, #tpu.memory_space<vmem>>) semaphore(%run_scoped3A_286 : memref<!tpu.dma_semaphore, #tpu.memory_space<semaphore_mem>>) {add = true}
        %dma_wait3A_297 = arith.constant 0 : i32
        %dma_wait3A_298 = arith.constant 0 : i32
        %dma_wait3A_299 = tpu.memref_slice %arg9[%run_scoped3A_175, %dma_wait3A_297, %dma_wait3A_298] : memref<8x128x16xf32, #tpu.memory_space<vmem>> -> memref<1x128x16xf32, #tpu.memory_space<vmem>>
        %dma_wait3A_300 = tpu.memref_squeeze %dma_wait3A_299 : memref<1x128x16xf32, #tpu.memory_space<vmem>> -> memref<128x16xf32, #tpu.memory_space<vmem>>
        %dma_wait3A_301 = arith.constant 0 : i32
        %dma_wait3A_302 = tpu.memref_slice %arg8[%add3A_163, %dma_wait3A_301] : memref<80x128xi32, #tpu.memory_space<vmem>> -> memref<1x128xi32, #tpu.memory_space<vmem>>
        %dma_wait3A_303 = tpu.memref_squeeze %dma_wait3A_302 : memref<1x128xi32, #tpu.memory_space<vmem>> -> memref<128xi32, #tpu.memory_space<vmem>>
        %dma_wait3A_304 = arith.constant 0 : i32
        %dma_wait3A_305 = arith.constant 0 : i32
        %dma_wait3A_306 = tpu.memref_slice %arg10[%dma_wait3A_304, %dma_wait3A_305] : memref<10112x16xf32, #tpu.memory_space<vmem_shared>> -> memref<10112x16xf32, #tpu.memory_space<vmem_shared>>
        tpu.wait_indirect_dma semaphore(%run_scoped3A_286 : memref<!tpu.dma_semaphore, #tpu.memory_space<semaphore_mem>>) src(%dma_wait3A_300 : memref<128x16xf32, #tpu.memory_space<vmem>>) dst(%dma_wait3A_306 : memref<10112x16xf32, #tpu.memory_space<vmem_shared>>)
        tpu.yield
      }) : () -> ()
      %lt3A_176 = arith.constant 9 : i32
      %lt3A_177 = arith.cmpi slt, %scan3A_120, %lt3A_176 : i32
      %convert_element_type3A_178 = arith.extui %lt3A_177 : i1 to i32
      %cond3A_179 = arith.constant 0 : i32
      %cond3A_180 = arith.cmpi ne, %convert_element_type3A_178, %cond3A_179 : i32
      scf.if %cond3A_180 {
        %add3A_286 = arith.constant 8 : i32
        %add3A_287 = arith.addi %add3A_163, %add3A_286 : i32
        %dma_start3A_288 = arith.constant 2 : i32
        %dma_start3A_289 = arith.constant 0 : i32
        %dma_start3A_290 = arith.constant 0 : i32
        %dma_start3A_291 = tpu.memref_slice %arg9[%dma_start3A_288, %dma_start3A_289, %dma_start3A_290] : memref<8x128x16xf32, #tpu.memory_space<vmem>> -> memref<1x128x16xf32, #tpu.memory_space<vmem>>
        %dma_start3A_292 = tpu.memref_squeeze %dma_start3A_291 : memref<1x128x16xf32, #tpu.memory_space<vmem>> -> memref<128x16xf32, #tpu.memory_space<vmem>>
        %dma_start3A_293 = arith.constant 0 : i32
        %dma_start3A_294 = tpu.memref_slice %arg7[%add3A_287, %dma_start3A_293] : memref<80x128xi32, #tpu.memory_space<vmem>> -> memref<1x128xi32, #tpu.memory_space<vmem>>
        %dma_start3A_295 = tpu.memref_squeeze %dma_start3A_294 : memref<1x128xi32, #tpu.memory_space<vmem>> -> memref<128xi32, #tpu.memory_space<vmem>>
        %dma_start3A_296 = arith.constant 0 : i32
        %dma_start3A_297 = arith.constant 0 : i32
        %dma_start3A_298 = tpu.memref_slice %arg2[%dma_start3A_296, %dma_start3A_297] : memref<10112x16xf32, #tpu.memory_space<hbm>> -> memref<10112x16xf32, #tpu.memory_space<hbm>>
        tpu.enqueue_indirect_dma source(%dma_start3A_298 : memref<10112x16xf32, #tpu.memory_space<hbm>>) target(%dma_start3A_292 : memref<128x16xf32, #tpu.memory_space<vmem>>) offsets(%dma_start3A_295 : memref<128xi32, #tpu.memory_space<vmem>>) semaphore(%arg13 : memref<!tpu.dma_semaphore, #tpu.memory_space<semaphore_mem>>)
      } else {
      }
      %mul3A_181 = arith.constant 8 : i32
      %mul3A_182 = arith.muli %scan3A_120, %mul3A_181 : i32
      %add3A_183 = arith.constant 3 : i32
      %add3A_184 = arith.addi %mul3A_182, %add3A_183 : i32
      %dma_wait3A_185 = arith.constant 3 : i32
      %dma_wait3A_186 = arith.constant 0 : i32
      %dma_wait3A_187 = arith.constant 0 : i32
      %dma_wait3A_188 = tpu.memref_slice %arg9[%dma_wait3A_185, %dma_wait3A_186, %dma_wait3A_187] : memref<8x128x16xf32, #tpu.memory_space<vmem>> -> memref<1x128x16xf32, #tpu.memory_space<vmem>>
      %dma_wait3A_189 = tpu.memref_squeeze %dma_wait3A_188 : memref<1x128x16xf32, #tpu.memory_space<vmem>> -> memref<128x16xf32, #tpu.memory_space<vmem>>
      %dma_wait3A_190 = arith.constant 0 : i32
      %dma_wait3A_191 = tpu.memref_slice %arg7[%add3A_184, %dma_wait3A_190] : memref<80x128xi32, #tpu.memory_space<vmem>> -> memref<1x128xi32, #tpu.memory_space<vmem>>
      %dma_wait3A_192 = tpu.memref_squeeze %dma_wait3A_191 : memref<1x128xi32, #tpu.memory_space<vmem>> -> memref<128xi32, #tpu.memory_space<vmem>>
      %dma_wait3A_193 = arith.constant 0 : i32
      %dma_wait3A_194 = arith.constant 0 : i32
      %dma_wait3A_195 = tpu.memref_slice %arg2[%dma_wait3A_193, %dma_wait3A_194] : memref<10112x16xf32, #tpu.memory_space<hbm>> -> memref<10112x16xf32, #tpu.memory_space<hbm>>
      tpu.wait_indirect_dma semaphore(%arg14 : memref<!tpu.dma_semaphore, #tpu.memory_space<semaphore_mem>>) src(%dma_wait3A_195 : memref<10112x16xf32, #tpu.memory_space<hbm>>) dst(%dma_wait3A_189 : memref<128x16xf32, #tpu.memory_space<vmem>>)
      %run_scoped3A_196 = arith.constant 3 : i32
      "tpu.region"() ({
        %run_scoped3A_286 = tpu.sem_alloc : memref<!tpu.dma_semaphore, #tpu.memory_space<semaphore_mem>>
        %dma_start3A_287 = arith.constant 0 : i32
        %dma_start3A_288 = arith.constant 0 : i32
        %dma_start3A_289 = tpu.memref_slice %arg9[%run_scoped3A_196, %dma_start3A_287, %dma_start3A_288] : memref<8x128x16xf32, #tpu.memory_space<vmem>> -> memref<1x128x16xf32, #tpu.memory_space<vmem>>
        %dma_start3A_290 = tpu.memref_squeeze %dma_start3A_289 : memref<1x128x16xf32, #tpu.memory_space<vmem>> -> memref<128x16xf32, #tpu.memory_space<vmem>>
        %dma_start3A_291 = arith.constant 0 : i32
        %dma_start3A_292 = tpu.memref_slice %arg8[%add3A_184, %dma_start3A_291] : memref<80x128xi32, #tpu.memory_space<vmem>> -> memref<1x128xi32, #tpu.memory_space<vmem>>
        %dma_start3A_293 = tpu.memref_squeeze %dma_start3A_292 : memref<1x128xi32, #tpu.memory_space<vmem>> -> memref<128xi32, #tpu.memory_space<vmem>>
        %dma_start3A_294 = arith.constant 0 : i32
        %dma_start3A_295 = arith.constant 0 : i32
        %dma_start3A_296 = tpu.memref_slice %arg10[%dma_start3A_294, %dma_start3A_295] : memref<10112x16xf32, #tpu.memory_space<vmem_shared>> -> memref<10112x16xf32, #tpu.memory_space<vmem_shared>>
        tpu.enqueue_indirect_dma source(%dma_start3A_290 : memref<128x16xf32, #tpu.memory_space<vmem>>) target(%dma_start3A_296 : memref<10112x16xf32, #tpu.memory_space<vmem_shared>>) offsets(%dma_start3A_293 : memref<128xi32, #tpu.memory_space<vmem>>) semaphore(%run_scoped3A_286 : memref<!tpu.dma_semaphore, #tpu.memory_space<semaphore_mem>>) {add = true}
        %dma_wait3A_297 = arith.constant 0 : i32
        %dma_wait3A_298 = arith.constant 0 : i32
        %dma_wait3A_299 = tpu.memref_slice %arg9[%run_scoped3A_196, %dma_wait3A_297, %dma_wait3A_298] : memref<8x128x16xf32, #tpu.memory_space<vmem>> -> memref<1x128x16xf32, #tpu.memory_space<vmem>>
        %dma_wait3A_300 = tpu.memref_squeeze %dma_wait3A_299 : memref<1x128x16xf32, #tpu.memory_space<vmem>> -> memref<128x16xf32, #tpu.memory_space<vmem>>
        %dma_wait3A_301 = arith.constant 0 : i32
        %dma_wait3A_302 = tpu.memref_slice %arg8[%add3A_184, %dma_wait3A_301] : memref<80x128xi32, #tpu.memory_space<vmem>> -> memref<1x128xi32, #tpu.memory_space<vmem>>
        %dma_wait3A_303 = tpu.memref_squeeze %dma_wait3A_302 : memref<1x128xi32, #tpu.memory_space<vmem>> -> memref<128xi32, #tpu.memory_space<vmem>>
        %dma_wait3A_304 = arith.constant 0 : i32
        %dma_wait3A_305 = arith.constant 0 : i32
        %dma_wait3A_306 = tpu.memref_slice %arg10[%dma_wait3A_304, %dma_wait3A_305] : memref<10112x16xf32, #tpu.memory_space<vmem_shared>> -> memref<10112x16xf32, #tpu.memory_space<vmem_shared>>
        tpu.wait_indirect_dma semaphore(%run_scoped3A_286 : memref<!tpu.dma_semaphore, #tpu.memory_space<semaphore_mem>>) src(%dma_wait3A_300 : memref<128x16xf32, #tpu.memory_space<vmem>>) dst(%dma_wait3A_306 : memref<10112x16xf32, #tpu.memory_space<vmem_shared>>)
        tpu.yield
      }) : () -> ()
      %lt3A_197 = arith.constant 9 : i32
      %lt3A_198 = arith.cmpi slt, %scan3A_120, %lt3A_197 : i32
      %convert_element_type3A_199 = arith.extui %lt3A_198 : i1 to i32
      %cond3A_200 = arith.constant 0 : i32
      %cond3A_201 = arith.cmpi ne, %convert_element_type3A_199, %cond3A_200 : i32
      scf.if %cond3A_201 {
        %add3A_286 = arith.constant 8 : i32
        %add3A_287 = arith.addi %add3A_184, %add3A_286 : i32
        %dma_start3A_288 = arith.constant 3 : i32
        %dma_start3A_289 = arith.constant 0 : i32
        %dma_start3A_290 = arith.constant 0 : i32
        %dma_start3A_291 = tpu.memref_slice %arg9[%dma_start3A_288, %dma_start3A_289, %dma_start3A_290] : memref<8x128x16xf32, #tpu.memory_space<vmem>> -> memref<1x128x16xf32, #tpu.memory_space<vmem>>
        %dma_start3A_292 = tpu.memref_squeeze %dma_start3A_291 : memref<1x128x16xf32, #tpu.memory_space<vmem>> -> memref<128x16xf32, #tpu.memory_space<vmem>>
        %dma_start3A_293 = arith.constant 0 : i32
        %dma_start3A_294 = tpu.memref_slice %arg7[%add3A_287, %dma_start3A_293] : memref<80x128xi32, #tpu.memory_space<vmem>> -> memref<1x128xi32, #tpu.memory_space<vmem>>
        %dma_start3A_295 = tpu.memref_squeeze %dma_start3A_294 : memref<1x128xi32, #tpu.memory_space<vmem>> -> memref<128xi32, #tpu.memory_space<vmem>>
        %dma_start3A_296 = arith.constant 0 : i32
        %dma_start3A_297 = arith.constant 0 : i32
        %dma_start3A_298 = tpu.memref_slice %arg2[%dma_start3A_296, %dma_start3A_297] : memref<10112x16xf32, #tpu.memory_space<hbm>> -> memref<10112x16xf32, #tpu.memory_space<hbm>>
        tpu.enqueue_indirect_dma source(%dma_start3A_298 : memref<10112x16xf32, #tpu.memory_space<hbm>>) target(%dma_start3A_292 : memref<128x16xf32, #tpu.memory_space<vmem>>) offsets(%dma_start3A_295 : memref<128xi32, #tpu.memory_space<vmem>>) semaphore(%arg14 : memref<!tpu.dma_semaphore, #tpu.memory_space<semaphore_mem>>)
      } else {
      }
      %mul3A_202 = arith.constant 8 : i32
      %mul3A_203 = arith.muli %scan3A_120, %mul3A_202 : i32
      %add3A_204 = arith.constant 4 : i32
      %add3A_205 = arith.addi %mul3A_203, %add3A_204 : i32
      %dma_wait3A_206 = arith.constant 4 : i32
      %dma_wait3A_207 = arith.constant 0 : i32
      %dma_wait3A_208 = arith.constant 0 : i32
      %dma_wait3A_209 = tpu.memref_slice %arg9[%dma_wait3A_206, %dma_wait3A_207, %dma_wait3A_208] : memref<8x128x16xf32, #tpu.memory_space<vmem>> -> memref<1x128x16xf32, #tpu.memory_space<vmem>>
      %dma_wait3A_210 = tpu.memref_squeeze %dma_wait3A_209 : memref<1x128x16xf32, #tpu.memory_space<vmem>> -> memref<128x16xf32, #tpu.memory_space<vmem>>
      %dma_wait3A_211 = arith.constant 0 : i32
      %dma_wait3A_212 = tpu.memref_slice %arg7[%add3A_205, %dma_wait3A_211] : memref<80x128xi32, #tpu.memory_space<vmem>> -> memref<1x128xi32, #tpu.memory_space<vmem>>
      %dma_wait3A_213 = tpu.memref_squeeze %dma_wait3A_212 : memref<1x128xi32, #tpu.memory_space<vmem>> -> memref<128xi32, #tpu.memory_space<vmem>>
      %dma_wait3A_214 = arith.constant 0 : i32
      %dma_wait3A_215 = arith.constant 0 : i32
      %dma_wait3A_216 = tpu.memref_slice %arg2[%dma_wait3A_214, %dma_wait3A_215] : memref<10112x16xf32, #tpu.memory_space<hbm>> -> memref<10112x16xf32, #tpu.memory_space<hbm>>
      tpu.wait_indirect_dma semaphore(%arg15 : memref<!tpu.dma_semaphore, #tpu.memory_space<semaphore_mem>>) src(%dma_wait3A_216 : memref<10112x16xf32, #tpu.memory_space<hbm>>) dst(%dma_wait3A_210 : memref<128x16xf32, #tpu.memory_space<vmem>>)
      %run_scoped3A_217 = arith.constant 4 : i32
      "tpu.region"() ({
        %run_scoped3A_286 = tpu.sem_alloc : memref<!tpu.dma_semaphore, #tpu.memory_space<semaphore_mem>>
        %dma_start3A_287 = arith.constant 0 : i32
        %dma_start3A_288 = arith.constant 0 : i32
        %dma_start3A_289 = tpu.memref_slice %arg9[%run_scoped3A_217, %dma_start3A_287, %dma_start3A_288] : memref<8x128x16xf32, #tpu.memory_space<vmem>> -> memref<1x128x16xf32, #tpu.memory_space<vmem>>
        %dma_start3A_290 = tpu.memref_squeeze %dma_start3A_289 : memref<1x128x16xf32, #tpu.memory_space<vmem>> -> memref<128x16xf32, #tpu.memory_space<vmem>>
        %dma_start3A_291 = arith.constant 0 : i32
        %dma_start3A_292 = tpu.memref_slice %arg8[%add3A_205, %dma_start3A_291] : memref<80x128xi32, #tpu.memory_space<vmem>> -> memref<1x128xi32, #tpu.memory_space<vmem>>
        %dma_start3A_293 = tpu.memref_squeeze %dma_start3A_292 : memref<1x128xi32, #tpu.memory_space<vmem>> -> memref<128xi32, #tpu.memory_space<vmem>>
        %dma_start3A_294 = arith.constant 0 : i32
        %dma_start3A_295 = arith.constant 0 : i32
        %dma_start3A_296 = tpu.memref_slice %arg10[%dma_start3A_294, %dma_start3A_295] : memref<10112x16xf32, #tpu.memory_space<vmem_shared>> -> memref<10112x16xf32, #tpu.memory_space<vmem_shared>>
        tpu.enqueue_indirect_dma source(%dma_start3A_290 : memref<128x16xf32, #tpu.memory_space<vmem>>) target(%dma_start3A_296 : memref<10112x16xf32, #tpu.memory_space<vmem_shared>>) offsets(%dma_start3A_293 : memref<128xi32, #tpu.memory_space<vmem>>) semaphore(%run_scoped3A_286 : memref<!tpu.dma_semaphore, #tpu.memory_space<semaphore_mem>>) {add = true}
        %dma_wait3A_297 = arith.constant 0 : i32
        %dma_wait3A_298 = arith.constant 0 : i32
        %dma_wait3A_299 = tpu.memref_slice %arg9[%run_scoped3A_217, %dma_wait3A_297, %dma_wait3A_298] : memref<8x128x16xf32, #tpu.memory_space<vmem>> -> memref<1x128x16xf32, #tpu.memory_space<vmem>>
        %dma_wait3A_300 = tpu.memref_squeeze %dma_wait3A_299 : memref<1x128x16xf32, #tpu.memory_space<vmem>> -> memref<128x16xf32, #tpu.memory_space<vmem>>
        %dma_wait3A_301 = arith.constant 0 : i32
        %dma_wait3A_302 = tpu.memref_slice %arg8[%add3A_205, %dma_wait3A_301] : memref<80x128xi32, #tpu.memory_space<vmem>> -> memref<1x128xi32, #tpu.memory_space<vmem>>
        %dma_wait3A_303 = tpu.memref_squeeze %dma_wait3A_302 : memref<1x128xi32, #tpu.memory_space<vmem>> -> memref<128xi32, #tpu.memory_space<vmem>>
        %dma_wait3A_304 = arith.constant 0 : i32
        %dma_wait3A_305 = arith.constant 0 : i32
        %dma_wait3A_306 = tpu.memref_slice %arg10[%dma_wait3A_304, %dma_wait3A_305] : memref<10112x16xf32, #tpu.memory_space<vmem_shared>> -> memref<10112x16xf32, #tpu.memory_space<vmem_shared>>
        tpu.wait_indirect_dma semaphore(%run_scoped3A_286 : memref<!tpu.dma_semaphore, #tpu.memory_space<semaphore_mem>>) src(%dma_wait3A_300 : memref<128x16xf32, #tpu.memory_space<vmem>>) dst(%dma_wait3A_306 : memref<10112x16xf32, #tpu.memory_space<vmem_shared>>)
        tpu.yield
      }) : () -> ()
      %lt3A_218 = arith.constant 9 : i32
      %lt3A_219 = arith.cmpi slt, %scan3A_120, %lt3A_218 : i32
      %convert_element_type3A_220 = arith.extui %lt3A_219 : i1 to i32
      %cond3A_221 = arith.constant 0 : i32
      %cond3A_222 = arith.cmpi ne, %convert_element_type3A_220, %cond3A_221 : i32
      scf.if %cond3A_222 {
        %add3A_286 = arith.constant 8 : i32
        %add3A_287 = arith.addi %add3A_205, %add3A_286 : i32
        %dma_start3A_288 = arith.constant 4 : i32
        %dma_start3A_289 = arith.constant 0 : i32
        %dma_start3A_290 = arith.constant 0 : i32
        %dma_start3A_291 = tpu.memref_slice %arg9[%dma_start3A_288, %dma_start3A_289, %dma_start3A_290] : memref<8x128x16xf32, #tpu.memory_space<vmem>> -> memref<1x128x16xf32, #tpu.memory_space<vmem>>
        %dma_start3A_292 = tpu.memref_squeeze %dma_start3A_291 : memref<1x128x16xf32, #tpu.memory_space<vmem>> -> memref<128x16xf32, #tpu.memory_space<vmem>>
        %dma_start3A_293 = arith.constant 0 : i32
        %dma_start3A_294 = tpu.memref_slice %arg7[%add3A_287, %dma_start3A_293] : memref<80x128xi32, #tpu.memory_space<vmem>> -> memref<1x128xi32, #tpu.memory_space<vmem>>
        %dma_start3A_295 = tpu.memref_squeeze %dma_start3A_294 : memref<1x128xi32, #tpu.memory_space<vmem>> -> memref<128xi32, #tpu.memory_space<vmem>>
        %dma_start3A_296 = arith.constant 0 : i32
        %dma_start3A_297 = arith.constant 0 : i32
        %dma_start3A_298 = tpu.memref_slice %arg2[%dma_start3A_296, %dma_start3A_297] : memref<10112x16xf32, #tpu.memory_space<hbm>> -> memref<10112x16xf32, #tpu.memory_space<hbm>>
        tpu.enqueue_indirect_dma source(%dma_start3A_298 : memref<10112x16xf32, #tpu.memory_space<hbm>>) target(%dma_start3A_292 : memref<128x16xf32, #tpu.memory_space<vmem>>) offsets(%dma_start3A_295 : memref<128xi32, #tpu.memory_space<vmem>>) semaphore(%arg15 : memref<!tpu.dma_semaphore, #tpu.memory_space<semaphore_mem>>)
      } else {
      }
      %mul3A_223 = arith.constant 8 : i32
      %mul3A_224 = arith.muli %scan3A_120, %mul3A_223 : i32
      %add3A_225 = arith.constant 5 : i32
      %add3A_226 = arith.addi %mul3A_224, %add3A_225 : i32
      %dma_wait3A_227 = arith.constant 5 : i32
      %dma_wait3A_228 = arith.constant 0 : i32
      %dma_wait3A_229 = arith.constant 0 : i32
      %dma_wait3A_230 = tpu.memref_slice %arg9[%dma_wait3A_227, %dma_wait3A_228, %dma_wait3A_229] : memref<8x128x16xf32, #tpu.memory_space<vmem>> -> memref<1x128x16xf32, #tpu.memory_space<vmem>>
      %dma_wait3A_231 = tpu.memref_squeeze %dma_wait3A_230 : memref<1x128x16xf32, #tpu.memory_space<vmem>> -> memref<128x16xf32, #tpu.memory_space<vmem>>
      %dma_wait3A_232 = arith.constant 0 : i32
      %dma_wait3A_233 = tpu.memref_slice %arg7[%add3A_226, %dma_wait3A_232] : memref<80x128xi32, #tpu.memory_space<vmem>> -> memref<1x128xi32, #tpu.memory_space<vmem>>
      %dma_wait3A_234 = tpu.memref_squeeze %dma_wait3A_233 : memref<1x128xi32, #tpu.memory_space<vmem>> -> memref<128xi32, #tpu.memory_space<vmem>>
      %dma_wait3A_235 = arith.constant 0 : i32
      %dma_wait3A_236 = arith.constant 0 : i32
      %dma_wait3A_237 = tpu.memref_slice %arg2[%dma_wait3A_235, %dma_wait3A_236] : memref<10112x16xf32, #tpu.memory_space<hbm>> -> memref<10112x16xf32, #tpu.memory_space<hbm>>
      tpu.wait_indirect_dma semaphore(%arg16 : memref<!tpu.dma_semaphore, #tpu.memory_space<semaphore_mem>>) src(%dma_wait3A_237 : memref<10112x16xf32, #tpu.memory_space<hbm>>) dst(%dma_wait3A_231 : memref<128x16xf32, #tpu.memory_space<vmem>>)
      %run_scoped3A_238 = arith.constant 5 : i32
      "tpu.region"() ({
        %run_scoped3A_286 = tpu.sem_alloc : memref<!tpu.dma_semaphore, #tpu.memory_space<semaphore_mem>>
        %dma_start3A_287 = arith.constant 0 : i32
        %dma_start3A_288 = arith.constant 0 : i32
        %dma_start3A_289 = tpu.memref_slice %arg9[%run_scoped3A_238, %dma_start3A_287, %dma_start3A_288] : memref<8x128x16xf32, #tpu.memory_space<vmem>> -> memref<1x128x16xf32, #tpu.memory_space<vmem>>
        %dma_start3A_290 = tpu.memref_squeeze %dma_start3A_289 : memref<1x128x16xf32, #tpu.memory_space<vmem>> -> memref<128x16xf32, #tpu.memory_space<vmem>>
        %dma_start3A_291 = arith.constant 0 : i32
        %dma_start3A_292 = tpu.memref_slice %arg8[%add3A_226, %dma_start3A_291] : memref<80x128xi32, #tpu.memory_space<vmem>> -> memref<1x128xi32, #tpu.memory_space<vmem>>
        %dma_start3A_293 = tpu.memref_squeeze %dma_start3A_292 : memref<1x128xi32, #tpu.memory_space<vmem>> -> memref<128xi32, #tpu.memory_space<vmem>>
        %dma_start3A_294 = arith.constant 0 : i32
        %dma_start3A_295 = arith.constant 0 : i32
        %dma_start3A_296 = tpu.memref_slice %arg10[%dma_start3A_294, %dma_start3A_295] : memref<10112x16xf32, #tpu.memory_space<vmem_shared>> -> memref<10112x16xf32, #tpu.memory_space<vmem_shared>>
        tpu.enqueue_indirect_dma source(%dma_start3A_290 : memref<128x16xf32, #tpu.memory_space<vmem>>) target(%dma_start3A_296 : memref<10112x16xf32, #tpu.memory_space<vmem_shared>>) offsets(%dma_start3A_293 : memref<128xi32, #tpu.memory_space<vmem>>) semaphore(%run_scoped3A_286 : memref<!tpu.dma_semaphore, #tpu.memory_space<semaphore_mem>>) {add = true}
        %dma_wait3A_297 = arith.constant 0 : i32
        %dma_wait3A_298 = arith.constant 0 : i32
        %dma_wait3A_299 = tpu.memref_slice %arg9[%run_scoped3A_238, %dma_wait3A_297, %dma_wait3A_298] : memref<8x128x16xf32, #tpu.memory_space<vmem>> -> memref<1x128x16xf32, #tpu.memory_space<vmem>>
        %dma_wait3A_300 = tpu.memref_squeeze %dma_wait3A_299 : memref<1x128x16xf32, #tpu.memory_space<vmem>> -> memref<128x16xf32, #tpu.memory_space<vmem>>
        %dma_wait3A_301 = arith.constant 0 : i32
        %dma_wait3A_302 = tpu.memref_slice %arg8[%add3A_226, %dma_wait3A_301] : memref<80x128xi32, #tpu.memory_space<vmem>> -> memref<1x128xi32, #tpu.memory_space<vmem>>
        %dma_wait3A_303 = tpu.memref_squeeze %dma_wait3A_302 : memref<1x128xi32, #tpu.memory_space<vmem>> -> memref<128xi32, #tpu.memory_space<vmem>>
        %dma_wait3A_304 = arith.constant 0 : i32
        %dma_wait3A_305 = arith.constant 0 : i32
        %dma_wait3A_306 = tpu.memref_slice %arg10[%dma_wait3A_304, %dma_wait3A_305] : memref<10112x16xf32, #tpu.memory_space<vmem_shared>> -> memref<10112x16xf32, #tpu.memory_space<vmem_shared>>
        tpu.wait_indirect_dma semaphore(%run_scoped3A_286 : memref<!tpu.dma_semaphore, #tpu.memory_space<semaphore_mem>>) src(%dma_wait3A_300 : memref<128x16xf32, #tpu.memory_space<vmem>>) dst(%dma_wait3A_306 : memref<10112x16xf32, #tpu.memory_space<vmem_shared>>)
        tpu.yield
      }) : () -> ()
      %lt3A_239 = arith.constant 9 : i32
      %lt3A_240 = arith.cmpi slt, %scan3A_120, %lt3A_239 : i32
      %convert_element_type3A_241 = arith.extui %lt3A_240 : i1 to i32
      %cond3A_242 = arith.constant 0 : i32
      %cond3A_243 = arith.cmpi ne, %convert_element_type3A_241, %cond3A_242 : i32
      scf.if %cond3A_243 {
        %add3A_286 = arith.constant 8 : i32
        %add3A_287 = arith.addi %add3A_226, %add3A_286 : i32
        %dma_start3A_288 = arith.constant 5 : i32
        %dma_start3A_289 = arith.constant 0 : i32
        %dma_start3A_290 = arith.constant 0 : i32
        %dma_start3A_291 = tpu.memref_slice %arg9[%dma_start3A_288, %dma_start3A_289, %dma_start3A_290] : memref<8x128x16xf32, #tpu.memory_space<vmem>> -> memref<1x128x16xf32, #tpu.memory_space<vmem>>
        %dma_start3A_292 = tpu.memref_squeeze %dma_start3A_291 : memref<1x128x16xf32, #tpu.memory_space<vmem>> -> memref<128x16xf32, #tpu.memory_space<vmem>>
        %dma_start3A_293 = arith.constant 0 : i32
        %dma_start3A_294 = tpu.memref_slice %arg7[%add3A_287, %dma_start3A_293] : memref<80x128xi32, #tpu.memory_space<vmem>> -> memref<1x128xi32, #tpu.memory_space<vmem>>
        %dma_start3A_295 = tpu.memref_squeeze %dma_start3A_294 : memref<1x128xi32, #tpu.memory_space<vmem>> -> memref<128xi32, #tpu.memory_space<vmem>>
        %dma_start3A_296 = arith.constant 0 : i32
        %dma_start3A_297 = arith.constant 0 : i32
        %dma_start3A_298 = tpu.memref_slice %arg2[%dma_start3A_296, %dma_start3A_297] : memref<10112x16xf32, #tpu.memory_space<hbm>> -> memref<10112x16xf32, #tpu.memory_space<hbm>>
        tpu.enqueue_indirect_dma source(%dma_start3A_298 : memref<10112x16xf32, #tpu.memory_space<hbm>>) target(%dma_start3A_292 : memref<128x16xf32, #tpu.memory_space<vmem>>) offsets(%dma_start3A_295 : memref<128xi32, #tpu.memory_space<vmem>>) semaphore(%arg16 : memref<!tpu.dma_semaphore, #tpu.memory_space<semaphore_mem>>)
      } else {
      }
      %mul3A_244 = arith.constant 8 : i32
      %mul3A_245 = arith.muli %scan3A_120, %mul3A_244 : i32
      %add3A_246 = arith.constant 6 : i32
      %add3A_247 = arith.addi %mul3A_245, %add3A_246 : i32
      %dma_wait3A_248 = arith.constant 6 : i32
      %dma_wait3A_249 = arith.constant 0 : i32
      %dma_wait3A_250 = arith.constant 0 : i32
      %dma_wait3A_251 = tpu.memref_slice %arg9[%dma_wait3A_248, %dma_wait3A_249, %dma_wait3A_250] : memref<8x128x16xf32, #tpu.memory_space<vmem>> -> memref<1x128x16xf32, #tpu.memory_space<vmem>>
      %dma_wait3A_252 = tpu.memref_squeeze %dma_wait3A_251 : memref<1x128x16xf32, #tpu.memory_space<vmem>> -> memref<128x16xf32, #tpu.memory_space<vmem>>
      %dma_wait3A_253 = arith.constant 0 : i32
      %dma_wait3A_254 = tpu.memref_slice %arg7[%add3A_247, %dma_wait3A_253] : memref<80x128xi32, #tpu.memory_space<vmem>> -> memref<1x128xi32, #tpu.memory_space<vmem>>
      %dma_wait3A_255 = tpu.memref_squeeze %dma_wait3A_254 : memref<1x128xi32, #tpu.memory_space<vmem>> -> memref<128xi32, #tpu.memory_space<vmem>>
      %dma_wait3A_256 = arith.constant 0 : i32
      %dma_wait3A_257 = arith.constant 0 : i32
      %dma_wait3A_258 = tpu.memref_slice %arg2[%dma_wait3A_256, %dma_wait3A_257] : memref<10112x16xf32, #tpu.memory_space<hbm>> -> memref<10112x16xf32, #tpu.memory_space<hbm>>
      tpu.wait_indirect_dma semaphore(%arg17 : memref<!tpu.dma_semaphore, #tpu.memory_space<semaphore_mem>>) src(%dma_wait3A_258 : memref<10112x16xf32, #tpu.memory_space<hbm>>) dst(%dma_wait3A_252 : memref<128x16xf32, #tpu.memory_space<vmem>>)
      %run_scoped3A_259 = arith.constant 6 : i32
      "tpu.region"() ({
        %run_scoped3A_286 = tpu.sem_alloc : memref<!tpu.dma_semaphore, #tpu.memory_space<semaphore_mem>>
        %dma_start3A_287 = arith.constant 0 : i32
        %dma_start3A_288 = arith.constant 0 : i32
        %dma_start3A_289 = tpu.memref_slice %arg9[%run_scoped3A_259, %dma_start3A_287, %dma_start3A_288] : memref<8x128x16xf32, #tpu.memory_space<vmem>> -> memref<1x128x16xf32, #tpu.memory_space<vmem>>
        %dma_start3A_290 = tpu.memref_squeeze %dma_start3A_289 : memref<1x128x16xf32, #tpu.memory_space<vmem>> -> memref<128x16xf32, #tpu.memory_space<vmem>>
        %dma_start3A_291 = arith.constant 0 : i32
        %dma_start3A_292 = tpu.memref_slice %arg8[%add3A_247, %dma_start3A_291] : memref<80x128xi32, #tpu.memory_space<vmem>> -> memref<1x128xi32, #tpu.memory_space<vmem>>
        %dma_start3A_293 = tpu.memref_squeeze %dma_start3A_292 : memref<1x128xi32, #tpu.memory_space<vmem>> -> memref<128xi32, #tpu.memory_space<vmem>>
        %dma_start3A_294 = arith.constant 0 : i32
        %dma_start3A_295 = arith.constant 0 : i32
        %dma_start3A_296 = tpu.memref_slice %arg10[%dma_start3A_294, %dma_start3A_295] : memref<10112x16xf32, #tpu.memory_space<vmem_shared>> -> memref<10112x16xf32, #tpu.memory_space<vmem_shared>>
        tpu.enqueue_indirect_dma source(%dma_start3A_290 : memref<128x16xf32, #tpu.memory_space<vmem>>) target(%dma_start3A_296 : memref<10112x16xf32, #tpu.memory_space<vmem_shared>>) offsets(%dma_start3A_293 : memref<128xi32, #tpu.memory_space<vmem>>) semaphore(%run_scoped3A_286 : memref<!tpu.dma_semaphore, #tpu.memory_space<semaphore_mem>>) {add = true}
        %dma_wait3A_297 = arith.constant 0 : i32
        %dma_wait3A_298 = arith.constant 0 : i32
        %dma_wait3A_299 = tpu.memref_slice %arg9[%run_scoped3A_259, %dma_wait3A_297, %dma_wait3A_298] : memref<8x128x16xf32, #tpu.memory_space<vmem>> -> memref<1x128x16xf32, #tpu.memory_space<vmem>>
        %dma_wait3A_300 = tpu.memref_squeeze %dma_wait3A_299 : memref<1x128x16xf32, #tpu.memory_space<vmem>> -> memref<128x16xf32, #tpu.memory_space<vmem>>
        %dma_wait3A_301 = arith.constant 0 : i32
        %dma_wait3A_302 = tpu.memref_slice %arg8[%add3A_247, %dma_wait3A_301] : memref<80x128xi32, #tpu.memory_space<vmem>> -> memref<1x128xi32, #tpu.memory_space<vmem>>
        %dma_wait3A_303 = tpu.memref_squeeze %dma_wait3A_302 : memref<1x128xi32, #tpu.memory_space<vmem>> -> memref<128xi32, #tpu.memory_space<vmem>>
        %dma_wait3A_304 = arith.constant 0 : i32
        %dma_wait3A_305 = arith.constant 0 : i32
        %dma_wait3A_306 = tpu.memref_slice %arg10[%dma_wait3A_304, %dma_wait3A_305] : memref<10112x16xf32, #tpu.memory_space<vmem_shared>> -> memref<10112x16xf32, #tpu.memory_space<vmem_shared>>
        tpu.wait_indirect_dma semaphore(%run_scoped3A_286 : memref<!tpu.dma_semaphore, #tpu.memory_space<semaphore_mem>>) src(%dma_wait3A_300 : memref<128x16xf32, #tpu.memory_space<vmem>>) dst(%dma_wait3A_306 : memref<10112x16xf32, #tpu.memory_space<vmem_shared>>)
        tpu.yield
      }) : () -> ()
      %lt3A_260 = arith.constant 9 : i32
      %lt3A_261 = arith.cmpi slt, %scan3A_120, %lt3A_260 : i32
      %convert_element_type3A_262 = arith.extui %lt3A_261 : i1 to i32
      %cond3A_263 = arith.constant 0 : i32
      %cond3A_264 = arith.cmpi ne, %convert_element_type3A_262, %cond3A_263 : i32
      scf.if %cond3A_264 {
        %add3A_286 = arith.constant 8 : i32
        %add3A_287 = arith.addi %add3A_247, %add3A_286 : i32
        %dma_start3A_288 = arith.constant 6 : i32
        %dma_start3A_289 = arith.constant 0 : i32
        %dma_start3A_290 = arith.constant 0 : i32
        %dma_start3A_291 = tpu.memref_slice %arg9[%dma_start3A_288, %dma_start3A_289, %dma_start3A_290] : memref<8x128x16xf32, #tpu.memory_space<vmem>> -> memref<1x128x16xf32, #tpu.memory_space<vmem>>
        %dma_start3A_292 = tpu.memref_squeeze %dma_start3A_291 : memref<1x128x16xf32, #tpu.memory_space<vmem>> -> memref<128x16xf32, #tpu.memory_space<vmem>>
        %dma_start3A_293 = arith.constant 0 : i32
        %dma_start3A_294 = tpu.memref_slice %arg7[%add3A_287, %dma_start3A_293] : memref<80x128xi32, #tpu.memory_space<vmem>> -> memref<1x128xi32, #tpu.memory_space<vmem>>
        %dma_start3A_295 = tpu.memref_squeeze %dma_start3A_294 : memref<1x128xi32, #tpu.memory_space<vmem>> -> memref<128xi32, #tpu.memory_space<vmem>>
        %dma_start3A_296 = arith.constant 0 : i32
        %dma_start3A_297 = arith.constant 0 : i32
        %dma_start3A_298 = tpu.memref_slice %arg2[%dma_start3A_296, %dma_start3A_297] : memref<10112x16xf32, #tpu.memory_space<hbm>> -> memref<10112x16xf32, #tpu.memory_space<hbm>>
        tpu.enqueue_indirect_dma source(%dma_start3A_298 : memref<10112x16xf32, #tpu.memory_space<hbm>>) target(%dma_start3A_292 : memref<128x16xf32, #tpu.memory_space<vmem>>) offsets(%dma_start3A_295 : memref<128xi32, #tpu.memory_space<vmem>>) semaphore(%arg17 : memref<!tpu.dma_semaphore, #tpu.memory_space<semaphore_mem>>)
      } else {
      }
      %mul3A_265 = arith.constant 8 : i32
      %mul3A_266 = arith.muli %scan3A_120, %mul3A_265 : i32
      %add3A_267 = arith.constant 7 : i32
      %add3A_268 = arith.addi %mul3A_266, %add3A_267 : i32
      %dma_wait3A_269 = arith.constant 7 : i32
      %dma_wait3A_270 = arith.constant 0 : i32
      %dma_wait3A_271 = arith.constant 0 : i32
      %dma_wait3A_272 = tpu.memref_slice %arg9[%dma_wait3A_269, %dma_wait3A_270, %dma_wait3A_271] : memref<8x128x16xf32, #tpu.memory_space<vmem>> -> memref<1x128x16xf32, #tpu.memory_space<vmem>>
      %dma_wait3A_273 = tpu.memref_squeeze %dma_wait3A_272 : memref<1x128x16xf32, #tpu.memory_space<vmem>> -> memref<128x16xf32, #tpu.memory_space<vmem>>
      %dma_wait3A_274 = arith.constant 0 : i32
      %dma_wait3A_275 = tpu.memref_slice %arg7[%add3A_268, %dma_wait3A_274] : memref<80x128xi32, #tpu.memory_space<vmem>> -> memref<1x128xi32, #tpu.memory_space<vmem>>
      %dma_wait3A_276 = tpu.memref_squeeze %dma_wait3A_275 : memref<1x128xi32, #tpu.memory_space<vmem>> -> memref<128xi32, #tpu.memory_space<vmem>>
      %dma_wait3A_277 = arith.constant 0 : i32
      %dma_wait3A_278 = arith.constant 0 : i32
      %dma_wait3A_279 = tpu.memref_slice %arg2[%dma_wait3A_277, %dma_wait3A_278] : memref<10112x16xf32, #tpu.memory_space<hbm>> -> memref<10112x16xf32, #tpu.memory_space<hbm>>
      tpu.wait_indirect_dma semaphore(%arg18 : memref<!tpu.dma_semaphore, #tpu.memory_space<semaphore_mem>>) src(%dma_wait3A_279 : memref<10112x16xf32, #tpu.memory_space<hbm>>) dst(%dma_wait3A_273 : memref<128x16xf32, #tpu.memory_space<vmem>>)
      %run_scoped3A_280 = arith.constant 7 : i32
      "tpu.region"() ({
        %run_scoped3A_286 = tpu.sem_alloc : memref<!tpu.dma_semaphore, #tpu.memory_space<semaphore_mem>>
        %dma_start3A_287 = arith.constant 0 : i32
        %dma_start3A_288 = arith.constant 0 : i32
        %dma_start3A_289 = tpu.memref_slice %arg9[%run_scoped3A_280, %dma_start3A_287, %dma_start3A_288] : memref<8x128x16xf32, #tpu.memory_space<vmem>> -> memref<1x128x16xf32, #tpu.memory_space<vmem>>
        %dma_start3A_290 = tpu.memref_squeeze %dma_start3A_289 : memref<1x128x16xf32, #tpu.memory_space<vmem>> -> memref<128x16xf32, #tpu.memory_space<vmem>>
        %dma_start3A_291 = arith.constant 0 : i32
        %dma_start3A_292 = tpu.memref_slice %arg8[%add3A_268, %dma_start3A_291] : memref<80x128xi32, #tpu.memory_space<vmem>> -> memref<1x128xi32, #tpu.memory_space<vmem>>
        %dma_start3A_293 = tpu.memref_squeeze %dma_start3A_292 : memref<1x128xi32, #tpu.memory_space<vmem>> -> memref<128xi32, #tpu.memory_space<vmem>>
        %dma_start3A_294 = arith.constant 0 : i32
        %dma_start3A_295 = arith.constant 0 : i32
        %dma_start3A_296 = tpu.memref_slice %arg10[%dma_start3A_294, %dma_start3A_295] : memref<10112x16xf32, #tpu.memory_space<vmem_shared>> -> memref<10112x16xf32, #tpu.memory_space<vmem_shared>>
        tpu.enqueue_indirect_dma source(%dma_start3A_290 : memref<128x16xf32, #tpu.memory_space<vmem>>) target(%dma_start3A_296 : memref<10112x16xf32, #tpu.memory_space<vmem_shared>>) offsets(%dma_start3A_293 : memref<128xi32, #tpu.memory_space<vmem>>) semaphore(%run_scoped3A_286 : memref<!tpu.dma_semaphore, #tpu.memory_space<semaphore_mem>>) {add = true}
        %dma_wait3A_297 = arith.constant 0 : i32
        %dma_wait3A_298 = arith.constant 0 : i32
        %dma_wait3A_299 = tpu.memref_slice %arg9[%run_scoped3A_280, %dma_wait3A_297, %dma_wait3A_298] : memref<8x128x16xf32, #tpu.memory_space<vmem>> -> memref<1x128x16xf32, #tpu.memory_space<vmem>>
        %dma_wait3A_300 = tpu.memref_squeeze %dma_wait3A_299 : memref<1x128x16xf32, #tpu.memory_space<vmem>> -> memref<128x16xf32, #tpu.memory_space<vmem>>
        %dma_wait3A_301 = arith.constant 0 : i32
        %dma_wait3A_302 = tpu.memref_slice %arg8[%add3A_268, %dma_wait3A_301] : memref<80x128xi32, #tpu.memory_space<vmem>> -> memref<1x128xi32, #tpu.memory_space<vmem>>
        %dma_wait3A_303 = tpu.memref_squeeze %dma_wait3A_302 : memref<1x128xi32, #tpu.memory_space<vmem>> -> memref<128xi32, #tpu.memory_space<vmem>>
        %dma_wait3A_304 = arith.constant 0 : i32
        %dma_wait3A_305 = arith.constant 0 : i32
        %dma_wait3A_306 = tpu.memref_slice %arg10[%dma_wait3A_304, %dma_wait3A_305] : memref<10112x16xf32, #tpu.memory_space<vmem_shared>> -> memref<10112x16xf32, #tpu.memory_space<vmem_shared>>
        tpu.wait_indirect_dma semaphore(%run_scoped3A_286 : memref<!tpu.dma_semaphore, #tpu.memory_space<semaphore_mem>>) src(%dma_wait3A_300 : memref<128x16xf32, #tpu.memory_space<vmem>>) dst(%dma_wait3A_306 : memref<10112x16xf32, #tpu.memory_space<vmem_shared>>)
        tpu.yield
      }) : () -> ()
      %lt3A_281 = arith.constant 9 : i32
      %lt3A_282 = arith.cmpi slt, %scan3A_120, %lt3A_281 : i32
      %convert_element_type3A_283 = arith.extui %lt3A_282 : i1 to i32
      %cond3A_284 = arith.constant 0 : i32
      %cond3A_285 = arith.cmpi ne, %convert_element_type3A_283, %cond3A_284 : i32
      scf.if %cond3A_285 {
        %add3A_286 = arith.constant 8 : i32
        %add3A_287 = arith.addi %add3A_268, %add3A_286 : i32
        %dma_start3A_288 = arith.constant 7 : i32
        %dma_start3A_289 = arith.constant 0 : i32
        %dma_start3A_290 = arith.constant 0 : i32
        %dma_start3A_291 = tpu.memref_slice %arg9[%dma_start3A_288, %dma_start3A_289, %dma_start3A_290] : memref<8x128x16xf32, #tpu.memory_space<vmem>> -> memref<1x128x16xf32, #tpu.memory_space<vmem>>
        %dma_start3A_292 = tpu.memref_squeeze %dma_start3A_291 : memref<1x128x16xf32, #tpu.memory_space<vmem>> -> memref<128x16xf32, #tpu.memory_space<vmem>>
        %dma_start3A_293 = arith.constant 0 : i32
        %dma_start3A_294 = tpu.memref_slice %arg7[%add3A_287, %dma_start3A_293] : memref<80x128xi32, #tpu.memory_space<vmem>> -> memref<1x128xi32, #tpu.memory_space<vmem>>
        %dma_start3A_295 = tpu.memref_squeeze %dma_start3A_294 : memref<1x128xi32, #tpu.memory_space<vmem>> -> memref<128xi32, #tpu.memory_space<vmem>>
        %dma_start3A_296 = arith.constant 0 : i32
        %dma_start3A_297 = arith.constant 0 : i32
        %dma_start3A_298 = tpu.memref_slice %arg2[%dma_start3A_296, %dma_start3A_297] : memref<10112x16xf32, #tpu.memory_space<hbm>> -> memref<10112x16xf32, #tpu.memory_space<hbm>>
        tpu.enqueue_indirect_dma source(%dma_start3A_298 : memref<10112x16xf32, #tpu.memory_space<hbm>>) target(%dma_start3A_292 : memref<128x16xf32, #tpu.memory_space<vmem>>) offsets(%dma_start3A_295 : memref<128xi32, #tpu.memory_space<vmem>>) semaphore(%arg18 : memref<!tpu.dma_semaphore, #tpu.memory_space<semaphore_mem>>)
      } else {
      }
    }
    %scan3A_111 = arith.constant 10 : i32
    %barrier3A_112 = arith.constant 0 : index
    tpu.barrier barrier_id(%barrier3A_112)
    %mul3A_113 = arith.constant 632 : i32
    %mul3A_114 = arith.muli %arg1, %mul3A_113 : i32
    %mul3A_115 = arith.constant 10112 : i32
    %mul3A_116 = arith.muli %arg0, %mul3A_115 : i32
    %mul3A_117 = arith.constant 632 : i32
    %mul3A_118 = arith.muli %arg1, %mul3A_117 : i32
    %add3A_119 = arith.addi %mul3A_116, %mul3A_118 : i32
    "tpu.region"() ({
      %run_scoped3A = tpu.sem_alloc : memref<!tpu.dma_semaphore, #tpu.memory_space<semaphore_mem>>
      %dma_start3A_120 = arith.constant 0 : i32
      %dma_start3A_121 = tpu.memref_slice %arg6[%add3A_119, %dma_start3A_120] : memref<20224x16xf32, #tpu.memory_space<hbm>> -> memref<632x16xf32, #tpu.memory_space<hbm>>
      %dma_start3A_122 = arith.constant 0 : i32
      %dma_start3A_123 = tpu.memref_slice %arg10[%mul3A_114, %dma_start3A_122] : memref<10112x16xf32, #tpu.memory_space<vmem_shared>> -> memref<632x16xf32, #tpu.memory_space<vmem_shared>>
      tpu.enqueue_dma source(%dma_start3A_123 : memref<632x16xf32, #tpu.memory_space<vmem_shared>>) target(%dma_start3A_121 : memref<632x16xf32, #tpu.memory_space<hbm>>) target_semaphore(%run_scoped3A : memref<!tpu.dma_semaphore, #tpu.memory_space<semaphore_mem>>)
      %dma_wait3A = arith.constant 0 : i32
      %dma_wait3A_124 = tpu.memref_slice %arg6[%add3A_119, %dma_wait3A] : memref<20224x16xf32, #tpu.memory_space<hbm>> -> memref<632x16xf32, #tpu.memory_space<hbm>>
      %dma_wait3A_125 = arith.constant 0 : i32
      %dma_wait3A_126 = tpu.memref_slice %arg10[%mul3A_114, %dma_wait3A_125] : memref<10112x16xf32, #tpu.memory_space<vmem_shared>> -> memref<632x16xf32, #tpu.memory_space<vmem_shared>>
      tpu.wait_dma2 semaphore(%run_scoped3A : memref<!tpu.dma_semaphore, #tpu.memory_space<semaphore_mem>>) src(%dma_wait3A_126 : memref<632x16xf32, #tpu.memory_space<vmem_shared>>) dst(%dma_wait3A_124 : memref<632x16xf32, #tpu.memory_space<hbm>>)
      tpu.yield
    }) : () -> ()
    return
  }
}

#map = affine_map<(d0, d1) -> (0, 0)>
module attributes {stable_mosaic.version = 14 : i64} {
  func.func @_sc_deg(%arg0: i32, %arg1: i32, %arg2: memref<2560x128xi32, #tpu.memory_space<hbm>>, %arg3: memref<760x16xf32, #tpu.memory_space<hbm>>, %arg4: memref<20224x16xf32, #tpu.memory_space<hbm>>, %arg5: memref<80x128xi32, #tpu.memory_space<vmem>>, %arg6: memref<128x16xf32, #tpu.memory_space<vmem>>, %arg7: memref<10112x16xf32, #tpu.memory_space<vmem_shared>>) attributes {dimension_semantics = [#tpu.dimension_semantics<core_parallel>, #tpu.dimension_semantics<subcore_parallel>], iteration_bounds = array<i64: 2, 16>, scalar_prefetch = 0 : i64, scratch_operands = 3 : i64, tpu.core_type = #tpu.core_type<sc_vector_subcore>, window_params = [{transform_indices = #map}, {transform_indices = #map}, {transform_indices = #map}]} {
    %mul3A = arith.constant 16 : i32
    %mul3A_0 = arith.muli %arg0, %mul3A : i32
    %add3A = arith.addi %mul3A_0, %arg1 : i32
    %mul3A_1 = arith.constant 632 : i32
    %mul3A_2 = arith.muli %arg1, %mul3A_1 : i32
    "tpu.region"() ({
      %run_scoped3A = tpu.sem_alloc : memref<!tpu.dma_semaphore, #tpu.memory_space<semaphore_mem>>
      %dma_start3A = arith.constant 0 : i32
      %dma_start3A_18 = tpu.memref_slice %arg7[%mul3A_2, %dma_start3A] : memref<10112x16xf32, #tpu.memory_space<vmem_shared>> -> memref<632x16xf32, #tpu.memory_space<vmem_shared>>
      %dma_start3A_19 = arith.constant 0 : i32
      %dma_start3A_20 = arith.constant 0 : i32
      %dma_start3A_21 = tpu.memref_slice %arg3[%dma_start3A_19, %dma_start3A_20] : memref<760x16xf32, #tpu.memory_space<hbm>> -> memref<632x16xf32, #tpu.memory_space<hbm>>
      tpu.enqueue_dma source(%dma_start3A_21 : memref<632x16xf32, #tpu.memory_space<hbm>>) target(%dma_start3A_18 : memref<632x16xf32, #tpu.memory_space<vmem_shared>>) target_semaphore(%run_scoped3A : memref<!tpu.dma_semaphore, #tpu.memory_space<semaphore_mem>>)
      %dma_wait3A = arith.constant 0 : i32
      %dma_wait3A_22 = tpu.memref_slice %arg7[%mul3A_2, %dma_wait3A] : memref<10112x16xf32, #tpu.memory_space<vmem_shared>> -> memref<632x16xf32, #tpu.memory_space<vmem_shared>>
      %dma_wait3A_23 = arith.constant 0 : i32
      %dma_wait3A_24 = arith.constant 0 : i32
      %dma_wait3A_25 = tpu.memref_slice %arg3[%dma_wait3A_23, %dma_wait3A_24] : memref<760x16xf32, #tpu.memory_space<hbm>> -> memref<632x16xf32, #tpu.memory_space<hbm>>
      tpu.wait_dma2 semaphore(%run_scoped3A : memref<!tpu.dma_semaphore, #tpu.memory_space<semaphore_mem>>) src(%dma_wait3A_25 : memref<632x16xf32, #tpu.memory_space<hbm>>) dst(%dma_wait3A_22 : memref<632x16xf32, #tpu.memory_space<vmem_shared>>)
      tpu.yield
    }) : () -> ()
    "tpu.region"() ({
      %run_scoped3A = tpu.sem_alloc : memref<!tpu.dma_semaphore, #tpu.memory_space<semaphore_mem>>
      %dma_start3A = arith.constant 632 : i32
      %dma_start3A_18 = arith.constant 0 : i32
      %dma_start3A_19 = tpu.memref_slice %arg3[%dma_start3A, %dma_start3A_18] : memref<760x16xf32, #tpu.memory_space<hbm>> -> memref<128x16xf32, #tpu.memory_space<hbm>>
      %dma_start3A_20 = arith.constant 632 : i32
      %dma_start3A_21 = arith.constant 0 : i32
      %dma_start3A_22 = tpu.memref_slice %arg3[%dma_start3A_20, %dma_start3A_21] : memref<760x16xf32, #tpu.memory_space<hbm>> -> memref<128x16xf32, #tpu.memory_space<hbm>>
      tpu.enqueue_dma source(%dma_start3A_22 : memref<128x16xf32, #tpu.memory_space<hbm>>) target(%arg6 : memref<128x16xf32, #tpu.memory_space<vmem>>) target_semaphore(%run_scoped3A : memref<!tpu.dma_semaphore, #tpu.memory_space<semaphore_mem>>)
      %dma_wait3A = arith.constant 632 : i32
      %dma_wait3A_23 = arith.constant 0 : i32
      %dma_wait3A_24 = tpu.memref_slice %arg3[%dma_wait3A, %dma_wait3A_23] : memref<760x16xf32, #tpu.memory_space<hbm>> -> memref<128x16xf32, #tpu.memory_space<hbm>>
      %dma_wait3A_25 = arith.constant 632 : i32
      %dma_wait3A_26 = arith.constant 0 : i32
      %dma_wait3A_27 = tpu.memref_slice %arg3[%dma_wait3A_25, %dma_wait3A_26] : memref<760x16xf32, #tpu.memory_space<hbm>> -> memref<128x16xf32, #tpu.memory_space<hbm>>
      tpu.wait_dma2 semaphore(%run_scoped3A : memref<!tpu.dma_semaphore, #tpu.memory_space<semaphore_mem>>) src(%dma_wait3A_27 : memref<128x16xf32, #tpu.memory_space<hbm>>) dst(%arg6 : memref<128x16xf32, #tpu.memory_space<vmem>>)
      tpu.yield
    }) : () -> ()
    %mul3A_3 = arith.constant 80 : i32
    %mul3A_4 = arith.muli %add3A, %mul3A_3 : i32
    "tpu.region"() ({
      %run_scoped3A = tpu.sem_alloc : memref<!tpu.dma_semaphore, #tpu.memory_space<semaphore_mem>>
      %dma_start3A = arith.constant 0 : i32
      %dma_start3A_18 = tpu.memref_slice %arg2[%mul3A_4, %dma_start3A] : memref<2560x128xi32, #tpu.memory_space<hbm>> -> memref<80x128xi32, #tpu.memory_space<hbm>>
      %dma_start3A_19 = arith.constant 0 : i32
      %dma_start3A_20 = tpu.memref_slice %arg2[%mul3A_4, %dma_start3A_19] : memref<2560x128xi32, #tpu.memory_space<hbm>> -> memref<80x128xi32, #tpu.memory_space<hbm>>
      tpu.enqueue_dma source(%dma_start3A_20 : memref<80x128xi32, #tpu.memory_space<hbm>>) target(%arg5 : memref<80x128xi32, #tpu.memory_space<vmem>>) target_semaphore(%run_scoped3A : memref<!tpu.dma_semaphore, #tpu.memory_space<semaphore_mem>>)
      %dma_wait3A = arith.constant 0 : i32
      %dma_wait3A_21 = tpu.memref_slice %arg2[%mul3A_4, %dma_wait3A] : memref<2560x128xi32, #tpu.memory_space<hbm>> -> memref<80x128xi32, #tpu.memory_space<hbm>>
      %dma_wait3A_22 = arith.constant 0 : i32
      %dma_wait3A_23 = tpu.memref_slice %arg2[%mul3A_4, %dma_wait3A_22] : memref<2560x128xi32, #tpu.memory_space<hbm>> -> memref<80x128xi32, #tpu.memory_space<hbm>>
      tpu.wait_dma2 semaphore(%run_scoped3A : memref<!tpu.dma_semaphore, #tpu.memory_space<semaphore_mem>>) src(%dma_wait3A_23 : memref<80x128xi32, #tpu.memory_space<hbm>>) dst(%arg5 : memref<80x128xi32, #tpu.memory_space<vmem>>)
      tpu.yield
    }) : () -> ()
    %barrier3A = arith.constant 0 : index
    tpu.barrier barrier_id(%barrier3A)
    %scan3A = arith.constant 0 : i32
    %scan3A_5 = arith.constant 0 : i32
    %scan3A_6 = arith.constant 80 : i32
    %scan3A_7 = arith.addi %scan3A_5, %scan3A_6 : i32
    %scan3A_8 = arith.constant 1 : i32
    scf.for %scan3A_18 = %scan3A_5 to %scan3A_7 step %scan3A_8  : i32 {
      "tpu.region"() ({
        %run_scoped3A = tpu.sem_alloc : memref<!tpu.dma_semaphore, #tpu.memory_space<semaphore_mem>>
        %dma_start3A = arith.constant 0 : i32
        %dma_start3A_19 = tpu.memref_slice %arg5[%scan3A_18, %dma_start3A] : memref<80x128xi32, #tpu.memory_space<vmem>> -> memref<1x128xi32, #tpu.memory_space<vmem>>
        %dma_start3A_20 = tpu.memref_squeeze %dma_start3A_19 : memref<1x128xi32, #tpu.memory_space<vmem>> -> memref<128xi32, #tpu.memory_space<vmem>>
        %dma_start3A_21 = arith.constant 0 : i32
        %dma_start3A_22 = arith.constant 0 : i32
        %dma_start3A_23 = tpu.memref_slice %arg7[%dma_start3A_21, %dma_start3A_22] : memref<10112x16xf32, #tpu.memory_space<vmem_shared>> -> memref<10112x16xf32, #tpu.memory_space<vmem_shared>>
        tpu.enqueue_indirect_dma source(%arg6 : memref<128x16xf32, #tpu.memory_space<vmem>>) target(%dma_start3A_23 : memref<10112x16xf32, #tpu.memory_space<vmem_shared>>) offsets(%dma_start3A_20 : memref<128xi32, #tpu.memory_space<vmem>>) semaphore(%run_scoped3A : memref<!tpu.dma_semaphore, #tpu.memory_space<semaphore_mem>>) {add = true}
        %dma_wait3A = arith.constant 0 : i32
        %dma_wait3A_24 = tpu.memref_slice %arg5[%scan3A_18, %dma_wait3A] : memref<80x128xi32, #tpu.memory_space<vmem>> -> memref<1x128xi32, #tpu.memory_space<vmem>>
        %dma_wait3A_25 = tpu.memref_squeeze %dma_wait3A_24 : memref<1x128xi32, #tpu.memory_space<vmem>> -> memref<128xi32, #tpu.memory_space<vmem>>
        %dma_wait3A_26 = arith.constant 0 : i32
        %dma_wait3A_27 = arith.constant 0 : i32
        %dma_wait3A_28 = tpu.memref_slice %arg7[%dma_wait3A_26, %dma_wait3A_27] : memref<10112x16xf32, #tpu.memory_space<vmem_shared>> -> memref<10112x16xf32, #tpu.memory_space<vmem_shared>>
        tpu.wait_indirect_dma semaphore(%run_scoped3A : memref<!tpu.dma_semaphore, #tpu.memory_space<semaphore_mem>>) src(%arg6 : memref<128x16xf32, #tpu.memory_space<vmem>>) dst(%dma_wait3A_28 : memref<10112x16xf32, #tpu.memory_space<vmem_shared>>)
        tpu.yield
      }) : () -> ()
    }
    %scan3A_9 = arith.constant 80 : i32
    %barrier3A_10 = arith.constant 0 : index
    tpu.barrier barrier_id(%barrier3A_10)
    %mul3A_11 = arith.constant 632 : i32
    %mul3A_12 = arith.muli %arg1, %mul3A_11 : i32
    %mul3A_13 = arith.constant 10112 : i32
    %mul3A_14 = arith.muli %arg0, %mul3A_13 : i32
    %mul3A_15 = arith.constant 632 : i32
    %mul3A_16 = arith.muli %arg1, %mul3A_15 : i32
    %add3A_17 = arith.addi %mul3A_14, %mul3A_16 : i32
    "tpu.region"() ({
      %run_scoped3A = tpu.sem_alloc : memref<!tpu.dma_semaphore, #tpu.memory_space<semaphore_mem>>
      %dma_start3A = arith.constant 0 : i32
      %dma_start3A_18 = tpu.memref_slice %arg4[%add3A_17, %dma_start3A] : memref<20224x16xf32, #tpu.memory_space<hbm>> -> memref<632x16xf32, #tpu.memory_space<hbm>>
      %dma_start3A_19 = arith.constant 0 : i32
      %dma_start3A_20 = tpu.memref_slice %arg7[%mul3A_12, %dma_start3A_19] : memref<10112x16xf32, #tpu.memory_space<vmem_shared>> -> memref<632x16xf32, #tpu.memory_space<vmem_shared>>
      tpu.enqueue_dma source(%dma_start3A_20 : memref<632x16xf32, #tpu.memory_space<vmem_shared>>) target(%dma_start3A_18 : memref<632x16xf32, #tpu.memory_space<hbm>>) target_semaphore(%run_scoped3A : memref<!tpu.dma_semaphore, #tpu.memory_space<semaphore_mem>>)
      %dma_wait3A = arith.constant 0 : i32
      %dma_wait3A_21 = tpu.memref_slice %arg4[%add3A_17, %dma_wait3A] : memref<20224x16xf32, #tpu.memory_space<hbm>> -> memref<632x16xf32, #tpu.memory_space<hbm>>
      %dma_wait3A_22 = arith.constant 0 : i32
      %dma_wait3A_23 = tpu.memref_slice %arg7[%mul3A_12, %dma_wait3A_22] : memref<10112x16xf32, #tpu.memory_space<vmem_shared>> -> memref<632x16xf32, #tpu.memory_space<vmem_shared>>
      tpu.wait_dma2 semaphore(%run_scoped3A : memref<!tpu.dma_semaphore, #tpu.memory_space<semaphore_mem>>) src(%dma_wait3A_23 : memref<632x16xf32, #tpu.memory_space<vmem_shared>>) dst(%dma_wait3A_21 : memref<632x16xf32, #tpu.memory_space<hbm>>)
      tpu.yield
    }) : () -> ()
    return
  }
}

#map = affine_map<(d0, d1) -> (0, 0)>
module attributes {stable_mosaic.version = 14 : i64} {
  func.func @_sc_agg(%arg0: i32, %arg1: i32, %arg2: memref<10112x16xf32, #tpu.memory_space<hbm>>, %arg3: memref<2560x128xi32, #tpu.memory_space<hbm>>, %arg4: memref<2560x128xi32, #tpu.memory_space<hbm>>, %arg5: memref<760x16xf32, #tpu.memory_space<hbm>>, %arg6: memref<20224x16xf32, #tpu.memory_space<hbm>>, %arg7: memref<80x128xi32, #tpu.memory_space<vmem>>, %arg8: memref<80x128xi32, #tpu.memory_space<vmem>>, %arg9: memref<8x128x16xf32, #tpu.memory_space<vmem>>, %arg10: memref<10112x16xf32, #tpu.memory_space<vmem_shared>>, %arg11: memref<!tpu.dma_semaphore, #tpu.memory_space<semaphore_mem>>, %arg12: memref<!tpu.dma_semaphore, #tpu.memory_space<semaphore_mem>>, %arg13: memref<!tpu.dma_semaphore, #tpu.memory_space<semaphore_mem>>, %arg14: memref<!tpu.dma_semaphore, #tpu.memory_space<semaphore_mem>>, %arg15: memref<!tpu.dma_semaphore, #tpu.memory_space<semaphore_mem>>, %arg16: memref<!tpu.dma_semaphore, #tpu.memory_space<semaphore_mem>>, %arg17: memref<!tpu.dma_semaphore, #tpu.memory_space<semaphore_mem>>, %arg18: memref<!tpu.dma_semaphore, #tpu.memory_space<semaphore_mem>>) attributes {dimension_semantics = [#tpu.dimension_semantics<core_parallel>, #tpu.dimension_semantics<subcore_parallel>], iteration_bounds = array<i64: 2, 16>, scalar_prefetch = 0 : i64, scratch_operands = 12 : i64, tpu.core_type = #tpu.core_type<sc_vector_subcore>, window_params = [{transform_indices = #map}, {transform_indices = #map}, {transform_indices = #map}, {transform_indices = #map}, {transform_indices = #map}]} {
    %mul3A = arith.constant 16 : i32
    %mul3A_0 = arith.muli %arg0, %mul3A : i32
    %add3A = arith.addi %mul3A_0, %arg1 : i32
    %eq3A = arith.constant 0 : i32
    %eq3A_1 = arith.cmpi eq, %arg0, %eq3A : i32
    %convert_element_type3A = arith.extui %eq3A_1 : i1 to i32
    %cond3A = arith.constant 0 : i32
    %cond3A_2 = arith.cmpi ne, %convert_element_type3A, %cond3A : i32
    scf.if %cond3A_2 {
      %mul3A_120 = arith.constant 632 : i32
      %mul3A_121 = arith.muli %arg1, %mul3A_120 : i32
      %mul3A_122 = arith.constant 632 : i32
      %mul3A_123 = arith.muli %arg1, %mul3A_122 : i32
      "tpu.region"() ({
        %run_scoped3A = tpu.sem_alloc : memref<!tpu.dma_semaphore, #tpu.memory_space<semaphore_mem>>
        %dma_start3A_124 = arith.constant 0 : i32
        %dma_start3A_125 = tpu.memref_slice %arg10[%mul3A_123, %dma_start3A_124] : memref<10112x16xf32, #tpu.memory_space<vmem_shared>> -> memref<632x16xf32, #tpu.memory_space<vmem_shared>>
        %dma_start3A_126 = arith.constant 0 : i32
        %dma_start3A_127 = tpu.memref_slice %arg2[%mul3A_121, %dma_start3A_126] : memref<10112x16xf32, #tpu.memory_space<hbm>> -> memref<632x16xf32, #tpu.memory_space<hbm>>
        tpu.enqueue_dma source(%dma_start3A_127 : memref<632x16xf32, #tpu.memory_space<hbm>>) target(%dma_start3A_125 : memref<632x16xf32, #tpu.memory_space<vmem_shared>>) target_semaphore(%run_scoped3A : memref<!tpu.dma_semaphore, #tpu.memory_space<semaphore_mem>>)
        %dma_wait3A = arith.constant 0 : i32
        %dma_wait3A_128 = tpu.memref_slice %arg10[%mul3A_123, %dma_wait3A] : memref<10112x16xf32, #tpu.memory_space<vmem_shared>> -> memref<632x16xf32, #tpu.memory_space<vmem_shared>>
        %dma_wait3A_129 = arith.constant 0 : i32
        %dma_wait3A_130 = tpu.memref_slice %arg2[%mul3A_121, %dma_wait3A_129] : memref<10112x16xf32, #tpu.memory_space<hbm>> -> memref<632x16xf32, #tpu.memory_space<hbm>>
        tpu.wait_dma2 semaphore(%run_scoped3A : memref<!tpu.dma_semaphore, #tpu.memory_space<semaphore_mem>>) src(%dma_wait3A_130 : memref<632x16xf32, #tpu.memory_space<hbm>>) dst(%dma_wait3A_128 : memref<632x16xf32, #tpu.memory_space<vmem_shared>>)
        tpu.yield
      }) : () -> ()
    } else {
    }
    %eq3A_3 = arith.constant 1 : i32
    %eq3A_4 = arith.cmpi eq, %arg0, %eq3A_3 : i32
    %convert_element_type3A_5 = arith.extui %eq3A_4 : i1 to i32
    %cond3A_6 = arith.constant 0 : i32
    %cond3A_7 = arith.cmpi ne, %convert_element_type3A_5, %cond3A_6 : i32
    scf.if %cond3A_7 {
      %mul3A_120 = arith.constant 632 : i32
      %mul3A_121 = arith.muli %arg1, %mul3A_120 : i32
      "tpu.region"() ({
        %run_scoped3A = tpu.sem_alloc : memref<!tpu.dma_semaphore, #tpu.memory_space<semaphore_mem>>
        %dma_start3A_122 = arith.constant 0 : i32
        %dma_start3A_123 = tpu.memref_slice %arg10[%mul3A_121, %dma_start3A_122] : memref<10112x16xf32, #tpu.memory_space<vmem_shared>> -> memref<632x16xf32, #tpu.memory_space<vmem_shared>>
        %dma_start3A_124 = arith.constant 0 : i32
        %dma_start3A_125 = arith.constant 0 : i32
        %dma_start3A_126 = tpu.memref_slice %arg5[%dma_start3A_124, %dma_start3A_125] : memref<760x16xf32, #tpu.memory_space<hbm>> -> memref<632x16xf32, #tpu.memory_space<hbm>>
        tpu.enqueue_dma source(%dma_start3A_126 : memref<632x16xf32, #tpu.memory_space<hbm>>) target(%dma_start3A_123 : memref<632x16xf32, #tpu.memory_space<vmem_shared>>) target_semaphore(%run_scoped3A : memref<!tpu.dma_semaphore, #tpu.memory_space<semaphore_mem>>)
        %dma_wait3A = arith.constant 0 : i32
        %dma_wait3A_127 = tpu.memref_slice %arg10[%mul3A_121, %dma_wait3A] : memref<10112x16xf32, #tpu.memory_space<vmem_shared>> -> memref<632x16xf32, #tpu.memory_space<vmem_shared>>
        %dma_wait3A_128 = arith.constant 0 : i32
        %dma_wait3A_129 = arith.constant 0 : i32
        %dma_wait3A_130 = tpu.memref_slice %arg5[%dma_wait3A_128, %dma_wait3A_129] : memref<760x16xf32, #tpu.memory_space<hbm>> -> memref<632x16xf32, #tpu.memory_space<hbm>>
        tpu.wait_dma2 semaphore(%run_scoped3A : memref<!tpu.dma_semaphore, #tpu.memory_space<semaphore_mem>>) src(%dma_wait3A_130 : memref<632x16xf32, #tpu.memory_space<hbm>>) dst(%dma_wait3A_127 : memref<632x16xf32, #tpu.memory_space<vmem_shared>>)
        tpu.yield
      }) : () -> ()
    } else {
    }
    %mul3A_8 = arith.constant 80 : i32
    %mul3A_9 = arith.muli %add3A, %mul3A_8 : i32
    "tpu.region"() ({
      %run_scoped3A = tpu.sem_alloc : memref<!tpu.dma_semaphore, #tpu.memory_space<semaphore_mem>>
      %dma_start3A_120 = arith.constant 0 : i32
      %dma_start3A_121 = tpu.memref_slice %arg3[%mul3A_9, %dma_start3A_120] : memref<2560x128xi32, #tpu.memory_space<hbm>> -> memref<80x128xi32, #tpu.memory_space<hbm>>
      %dma_start3A_122 = arith.constant 0 : i32
      %dma_start3A_123 = tpu.memref_slice %arg3[%mul3A_9, %dma_start3A_122] : memref<2560x128xi32, #tpu.memory_space<hbm>> -> memref<80x128xi32, #tpu.memory_space<hbm>>
      tpu.enqueue_dma source(%dma_start3A_123 : memref<80x128xi32, #tpu.memory_space<hbm>>) target(%arg7 : memref<80x128xi32, #tpu.memory_space<vmem>>) target_semaphore(%run_scoped3A : memref<!tpu.dma_semaphore, #tpu.memory_space<semaphore_mem>>)
      %dma_wait3A = arith.constant 0 : i32
      %dma_wait3A_124 = tpu.memref_slice %arg3[%mul3A_9, %dma_wait3A] : memref<2560x128xi32, #tpu.memory_space<hbm>> -> memref<80x128xi32, #tpu.memory_space<hbm>>
      %dma_wait3A_125 = arith.constant 0 : i32
      %dma_wait3A_126 = tpu.memref_slice %arg3[%mul3A_9, %dma_wait3A_125] : memref<2560x128xi32, #tpu.memory_space<hbm>> -> memref<80x128xi32, #tpu.memory_space<hbm>>
      tpu.wait_dma2 semaphore(%run_scoped3A : memref<!tpu.dma_semaphore, #tpu.memory_space<semaphore_mem>>) src(%dma_wait3A_126 : memref<80x128xi32, #tpu.memory_space<hbm>>) dst(%arg7 : memref<80x128xi32, #tpu.memory_space<vmem>>)
      tpu.yield
    }) : () -> ()
    %mul3A_10 = arith.constant 80 : i32
    %mul3A_11 = arith.muli %add3A, %mul3A_10 : i32
    "tpu.region"() ({
      %run_scoped3A = tpu.sem_alloc : memref<!tpu.dma_semaphore, #tpu.memory_space<semaphore_mem>>
      %dma_start3A_120 = arith.constant 0 : i32
      %dma_start3A_121 = tpu.memref_slice %arg4[%mul3A_11, %dma_start3A_120] : memref<2560x128xi32, #tpu.memory_space<hbm>> -> memref<80x128xi32, #tpu.memory_space<hbm>>
      %dma_start3A_122 = arith.constant 0 : i32
      %dma_start3A_123 = tpu.memref_slice %arg4[%mul3A_11, %dma_start3A_122] : memref<2560x128xi32, #tpu.memory_space<hbm>> -> memref<80x128xi32, #tpu.memory_space<hbm>>
      tpu.enqueue_dma source(%dma_start3A_123 : memref<80x128xi32, #tpu.memory_space<hbm>>) target(%arg8 : memref<80x128xi32, #tpu.memory_space<vmem>>) target_semaphore(%run_scoped3A : memref<!tpu.dma_semaphore, #tpu.memory_space<semaphore_mem>>)
      %dma_wait3A = arith.constant 0 : i32
      %dma_wait3A_124 = tpu.memref_slice %arg4[%mul3A_11, %dma_wait3A] : memref<2560x128xi32, #tpu.memory_space<hbm>> -> memref<80x128xi32, #tpu.memory_space<hbm>>
      %dma_wait3A_125 = arith.constant 0 : i32
      %dma_wait3A_126 = tpu.memref_slice %arg4[%mul3A_11, %dma_wait3A_125] : memref<2560x128xi32, #tpu.memory_space<hbm>> -> memref<80x128xi32, #tpu.memory_space<hbm>>
      tpu.wait_dma2 semaphore(%run_scoped3A : memref<!tpu.dma_semaphore, #tpu.memory_space<semaphore_mem>>) src(%dma_wait3A_126 : memref<80x128xi32, #tpu.memory_space<hbm>>) dst(%arg8 : memref<80x128xi32, #tpu.memory_space<vmem>>)
      tpu.yield
    }) : () -> ()
    %barrier3A = arith.constant 0 : index
    tpu.barrier barrier_id(%barrier3A)
    %dma_start3A = arith.constant 0 : i32
    %dma_start3A_12 = arith.constant 0 : i32
    %dma_start3A_13 = arith.constant 0 : i32
    %dma_start3A_14 = arith.constant 0 : i32
    %dma_start3A_15 = tpu.memref_slice %arg9[%dma_start3A_12, %dma_start3A_13, %dma_start3A_14] : memref<8x128x16xf32, #tpu.memory_space<vmem>> -> memref<1x128x16xf32, #tpu.memory_space<vmem>>
    %dma_start3A_16 = tpu.memref_squeeze %dma_start3A_15 : memref<1x128x16xf32, #tpu.memory_space<vmem>> -> memref<128x16xf32, #tpu.memory_space<vmem>>
    %dma_start3A_17 = arith.constant 0 : i32
    %dma_start3A_18 = tpu.memref_slice %arg7[%dma_start3A, %dma_start3A_17] : memref<80x128xi32, #tpu.memory_space<vmem>> -> memref<1x128xi32, #tpu.memory_space<vmem>>
    %dma_start3A_19 = tpu.memref_squeeze %dma_start3A_18 : memref<1x128xi32, #tpu.memory_space<vmem>> -> memref<128xi32, #tpu.memory_space<vmem>>
    %dma_start3A_20 = arith.constant 0 : i32
    %dma_start3A_21 = arith.constant 0 : i32
    %dma_start3A_22 = tpu.memref_slice %arg2[%dma_start3A_20, %dma_start3A_21] : memref<10112x16xf32, #tpu.memory_space<hbm>> -> memref<10112x16xf32, #tpu.memory_space<hbm>>
    tpu.enqueue_indirect_dma source(%dma_start3A_22 : memref<10112x16xf32, #tpu.memory_space<hbm>>) target(%dma_start3A_16 : memref<128x16xf32, #tpu.memory_space<vmem>>) offsets(%dma_start3A_19 : memref<128xi32, #tpu.memory_space<vmem>>) semaphore(%arg11 : memref<!tpu.dma_semaphore, #tpu.memory_space<semaphore_mem>>)
    %dma_start3A_23 = arith.constant 1 : i32
    %dma_start3A_24 = arith.constant 1 : i32
    %dma_start3A_25 = arith.constant 0 : i32
    %dma_start3A_26 = arith.constant 0 : i32
    %dma_start3A_27 = tpu.memref_slice %arg9[%dma_start3A_24, %dma_start3A_25, %dma_start3A_26] : memref<8x128x16xf32, #tpu.memory_space<vmem>> -> memref<1x128x16xf32, #tpu.memory_space<vmem>>
    %dma_start3A_28 = tpu.memref_squeeze %dma_start3A_27 : memref<1x128x16xf32, #tpu.memory_space<vmem>> -> memref<128x16xf32, #tpu.memory_space<vmem>>
    %dma_start3A_29 = arith.constant 0 : i32
    %dma_start3A_30 = tpu.memref_slice %arg7[%dma_start3A_23, %dma_start3A_29] : memref<80x128xi32, #tpu.memory_space<vmem>> -> memref<1x128xi32, #tpu.memory_space<vmem>>
    %dma_start3A_31 = tpu.memref_squeeze %dma_start3A_30 : memref<1x128xi32, #tpu.memory_space<vmem>> -> memref<128xi32, #tpu.memory_space<vmem>>
    %dma_start3A_32 = arith.constant 0 : i32
    %dma_start3A_33 = arith.constant 0 : i32
    %dma_start3A_34 = tpu.memref_slice %arg2[%dma_start3A_32, %dma_start3A_33] : memref<10112x16xf32, #tpu.memory_space<hbm>> -> memref<10112x16xf32, #tpu.memory_space<hbm>>
    tpu.enqueue_indirect_dma source(%dma_start3A_34 : memref<10112x16xf32, #tpu.memory_space<hbm>>) target(%dma_start3A_28 : memref<128x16xf32, #tpu.memory_space<vmem>>) offsets(%dma_start3A_31 : memref<128xi32, #tpu.memory_space<vmem>>) semaphore(%arg12 : memref<!tpu.dma_semaphore, #tpu.memory_space<semaphore_mem>>)
    %dma_start3A_35 = arith.constant 2 : i32
    %dma_start3A_36 = arith.constant 2 : i32
    %dma_start3A_37 = arith.constant 0 : i32
    %dma_start3A_38 = arith.constant 0 : i32
    %dma_start3A_39 = tpu.memref_slice %arg9[%dma_start3A_36, %dma_start3A_37, %dma_start3A_38] : memref<8x128x16xf32, #tpu.memory_space<vmem>> -> memref<1x128x16xf32, #tpu.memory_space<vmem>>
    %dma_start3A_40 = tpu.memref_squeeze %dma_start3A_39 : memref<1x128x16xf32, #tpu.memory_space<vmem>> -> memref<128x16xf32, #tpu.memory_space<vmem>>
    %dma_start3A_41 = arith.constant 0 : i32
    %dma_start3A_42 = tpu.memref_slice %arg7[%dma_start3A_35, %dma_start3A_41] : memref<80x128xi32, #tpu.memory_space<vmem>> -> memref<1x128xi32, #tpu.memory_space<vmem>>
    %dma_start3A_43 = tpu.memref_squeeze %dma_start3A_42 : memref<1x128xi32, #tpu.memory_space<vmem>> -> memref<128xi32, #tpu.memory_space<vmem>>
    %dma_start3A_44 = arith.constant 0 : i32
    %dma_start3A_45 = arith.constant 0 : i32
    %dma_start3A_46 = tpu.memref_slice %arg2[%dma_start3A_44, %dma_start3A_45] : memref<10112x16xf32, #tpu.memory_space<hbm>> -> memref<10112x16xf32, #tpu.memory_space<hbm>>
    tpu.enqueue_indirect_dma source(%dma_start3A_46 : memref<10112x16xf32, #tpu.memory_space<hbm>>) target(%dma_start3A_40 : memref<128x16xf32, #tpu.memory_space<vmem>>) offsets(%dma_start3A_43 : memref<128xi32, #tpu.memory_space<vmem>>) semaphore(%arg13 : memref<!tpu.dma_semaphore, #tpu.memory_space<semaphore_mem>>)
    %dma_start3A_47 = arith.constant 3 : i32
    %dma_start3A_48 = arith.constant 3 : i32
    %dma_start3A_49 = arith.constant 0 : i32
    %dma_start3A_50 = arith.constant 0 : i32
    %dma_start3A_51 = tpu.memref_slice %arg9[%dma_start3A_48, %dma_start3A_49, %dma_start3A_50] : memref<8x128x16xf32, #tpu.memory_space<vmem>> -> memref<1x128x16xf32, #tpu.memory_space<vmem>>
    %dma_start3A_52 = tpu.memref_squeeze %dma_start3A_51 : memref<1x128x16xf32, #tpu.memory_space<vmem>> -> memref<128x16xf32, #tpu.memory_space<vmem>>
    %dma_start3A_53 = arith.constant 0 : i32
    %dma_start3A_54 = tpu.memref_slice %arg7[%dma_start3A_47, %dma_start3A_53] : memref<80x128xi32, #tpu.memory_space<vmem>> -> memref<1x128xi32, #tpu.memory_space<vmem>>
    %dma_start3A_55 = tpu.memref_squeeze %dma_start3A_54 : memref<1x128xi32, #tpu.memory_space<vmem>> -> memref<128xi32, #tpu.memory_space<vmem>>
    %dma_start3A_56 = arith.constant 0 : i32
    %dma_start3A_57 = arith.constant 0 : i32
    %dma_start3A_58 = tpu.memref_slice %arg2[%dma_start3A_56, %dma_start3A_57] : memref<10112x16xf32, #tpu.memory_space<hbm>> -> memref<10112x16xf32, #tpu.memory_space<hbm>>
    tpu.enqueue_indirect_dma source(%dma_start3A_58 : memref<10112x16xf32, #tpu.memory_space<hbm>>) target(%dma_start3A_52 : memref<128x16xf32, #tpu.memory_space<vmem>>) offsets(%dma_start3A_55 : memref<128xi32, #tpu.memory_space<vmem>>) semaphore(%arg14 : memref<!tpu.dma_semaphore, #tpu.memory_space<semaphore_mem>>)
    %dma_start3A_59 = arith.constant 4 : i32
    %dma_start3A_60 = arith.constant 4 : i32
    %dma_start3A_61 = arith.constant 0 : i32
    %dma_start3A_62 = arith.constant 0 : i32
    %dma_start3A_63 = tpu.memref_slice %arg9[%dma_start3A_60, %dma_start3A_61, %dma_start3A_62] : memref<8x128x16xf32, #tpu.memory_space<vmem>> -> memref<1x128x16xf32, #tpu.memory_space<vmem>>
    %dma_start3A_64 = tpu.memref_squeeze %dma_start3A_63 : memref<1x128x16xf32, #tpu.memory_space<vmem>> -> memref<128x16xf32, #tpu.memory_space<vmem>>
    %dma_start3A_65 = arith.constant 0 : i32
    %dma_start3A_66 = tpu.memref_slice %arg7[%dma_start3A_59, %dma_start3A_65] : memref<80x128xi32, #tpu.memory_space<vmem>> -> memref<1x128xi32, #tpu.memory_space<vmem>>
    %dma_start3A_67 = tpu.memref_squeeze %dma_start3A_66 : memref<1x128xi32, #tpu.memory_space<vmem>> -> memref<128xi32, #tpu.memory_space<vmem>>
    %dma_start3A_68 = arith.constant 0 : i32
    %dma_start3A_69 = arith.constant 0 : i32
    %dma_start3A_70 = tpu.memref_slice %arg2[%dma_start3A_68, %dma_start3A_69] : memref<10112x16xf32, #tpu.memory_space<hbm>> -> memref<10112x16xf32, #tpu.memory_space<hbm>>
    tpu.enqueue_indirect_dma source(%dma_start3A_70 : memref<10112x16xf32, #tpu.memory_space<hbm>>) target(%dma_start3A_64 : memref<128x16xf32, #tpu.memory_space<vmem>>) offsets(%dma_start3A_67 : memref<128xi32, #tpu.memory_space<vmem>>) semaphore(%arg15 : memref<!tpu.dma_semaphore, #tpu.memory_space<semaphore_mem>>)
    %dma_start3A_71 = arith.constant 5 : i32
    %dma_start3A_72 = arith.constant 5 : i32
    %dma_start3A_73 = arith.constant 0 : i32
    %dma_start3A_74 = arith.constant 0 : i32
    %dma_start3A_75 = tpu.memref_slice %arg9[%dma_start3A_72, %dma_start3A_73, %dma_start3A_74] : memref<8x128x16xf32, #tpu.memory_space<vmem>> -> memref<1x128x16xf32, #tpu.memory_space<vmem>>
    %dma_start3A_76 = tpu.memref_squeeze %dma_start3A_75 : memref<1x128x16xf32, #tpu.memory_space<vmem>> -> memref<128x16xf32, #tpu.memory_space<vmem>>
    %dma_start3A_77 = arith.constant 0 : i32
    %dma_start3A_78 = tpu.memref_slice %arg7[%dma_start3A_71, %dma_start3A_77] : memref<80x128xi32, #tpu.memory_space<vmem>> -> memref<1x128xi32, #tpu.memory_space<vmem>>
    %dma_start3A_79 = tpu.memref_squeeze %dma_start3A_78 : memref<1x128xi32, #tpu.memory_space<vmem>> -> memref<128xi32, #tpu.memory_space<vmem>>
    %dma_start3A_80 = arith.constant 0 : i32
    %dma_start3A_81 = arith.constant 0 : i32
    %dma_start3A_82 = tpu.memref_slice %arg2[%dma_start3A_80, %dma_start3A_81] : memref<10112x16xf32, #tpu.memory_space<hbm>> -> memref<10112x16xf32, #tpu.memory_space<hbm>>
    tpu.enqueue_indirect_dma source(%dma_start3A_82 : memref<10112x16xf32, #tpu.memory_space<hbm>>) target(%dma_start3A_76 : memref<128x16xf32, #tpu.memory_space<vmem>>) offsets(%dma_start3A_79 : memref<128xi32, #tpu.memory_space<vmem>>) semaphore(%arg16 : memref<!tpu.dma_semaphore, #tpu.memory_space<semaphore_mem>>)
    %dma_start3A_83 = arith.constant 6 : i32
    %dma_start3A_84 = arith.constant 6 : i32
    %dma_start3A_85 = arith.constant 0 : i32
    %dma_start3A_86 = arith.constant 0 : i32
    %dma_start3A_87 = tpu.memref_slice %arg9[%dma_start3A_84, %dma_start3A_85, %dma_start3A_86] : memref<8x128x16xf32, #tpu.memory_space<vmem>> -> memref<1x128x16xf32, #tpu.memory_space<vmem>>
    %dma_start3A_88 = tpu.memref_squeeze %dma_start3A_87 : memref<1x128x16xf32, #tpu.memory_space<vmem>> -> memref<128x16xf32, #tpu.memory_space<vmem>>
    %dma_start3A_89 = arith.constant 0 : i32
    %dma_start3A_90 = tpu.memref_slice %arg7[%dma_start3A_83, %dma_start3A_89] : memref<80x128xi32, #tpu.memory_space<vmem>> -> memref<1x128xi32, #tpu.memory_space<vmem>>
    %dma_start3A_91 = tpu.memref_squeeze %dma_start3A_90 : memref<1x128xi32, #tpu.memory_space<vmem>> -> memref<128xi32, #tpu.memory_space<vmem>>
    %dma_start3A_92 = arith.constant 0 : i32
    %dma_start3A_93 = arith.constant 0 : i32
    %dma_start3A_94 = tpu.memref_slice %arg2[%dma_start3A_92, %dma_start3A_93] : memref<10112x16xf32, #tpu.memory_space<hbm>> -> memref<10112x16xf32, #tpu.memory_space<hbm>>
    tpu.enqueue_indirect_dma source(%dma_start3A_94 : memref<10112x16xf32, #tpu.memory_space<hbm>>) target(%dma_start3A_88 : memref<128x16xf32, #tpu.memory_space<vmem>>) offsets(%dma_start3A_91 : memref<128xi32, #tpu.memory_space<vmem>>) semaphore(%arg17 : memref<!tpu.dma_semaphore, #tpu.memory_space<semaphore_mem>>)
    %dma_start3A_95 = arith.constant 7 : i32
    %dma_start3A_96 = arith.constant 7 : i32
    %dma_start3A_97 = arith.constant 0 : i32
    %dma_start3A_98 = arith.constant 0 : i32
    %dma_start3A_99 = tpu.memref_slice %arg9[%dma_start3A_96, %dma_start3A_97, %dma_start3A_98] : memref<8x128x16xf32, #tpu.memory_space<vmem>> -> memref<1x128x16xf32, #tpu.memory_space<vmem>>
    %dma_start3A_100 = tpu.memref_squeeze %dma_start3A_99 : memref<1x128x16xf32, #tpu.memory_space<vmem>> -> memref<128x16xf32, #tpu.memory_space<vmem>>
    %dma_start3A_101 = arith.constant 0 : i32
    %dma_start3A_102 = tpu.memref_slice %arg7[%dma_start3A_95, %dma_start3A_101] : memref<80x128xi32, #tpu.memory_space<vmem>> -> memref<1x128xi32, #tpu.memory_space<vmem>>
    %dma_start3A_103 = tpu.memref_squeeze %dma_start3A_102 : memref<1x128xi32, #tpu.memory_space<vmem>> -> memref<128xi32, #tpu.memory_space<vmem>>
    %dma_start3A_104 = arith.constant 0 : i32
    %dma_start3A_105 = arith.constant 0 : i32
    %dma_start3A_106 = tpu.memref_slice %arg2[%dma_start3A_104, %dma_start3A_105] : memref<10112x16xf32, #tpu.memory_space<hbm>> -> memref<10112x16xf32, #tpu.memory_space<hbm>>
    tpu.enqueue_indirect_dma source(%dma_start3A_106 : memref<10112x16xf32, #tpu.memory_space<hbm>>) target(%dma_start3A_100 : memref<128x16xf32, #tpu.memory_space<vmem>>) offsets(%dma_start3A_103 : memref<128xi32, #tpu.memory_space<vmem>>) semaphore(%arg18 : memref<!tpu.dma_semaphore, #tpu.memory_space<semaphore_mem>>)
    %scan3A = arith.constant 0 : i32
    %scan3A_107 = arith.constant 0 : i32
    %scan3A_108 = arith.constant 10 : i32
    %scan3A_109 = arith.addi %scan3A_107, %scan3A_108 : i32
    %scan3A_110 = arith.constant 1 : i32
    scf.for %scan3A_120 = %scan3A_107 to %scan3A_109 step %scan3A_110  : i32 {
      %mul3A_121 = arith.constant 8 : i32
      %mul3A_122 = arith.muli %scan3A_120, %mul3A_121 : i32
      %add3A_123 = arith.constant 0 : i32
      %add3A_124 = arith.addi %mul3A_122, %add3A_123 : i32
      %dma_wait3A = arith.constant 0 : i32
      %dma_wait3A_125 = arith.constant 0 : i32
      %dma_wait3A_126 = arith.constant 0 : i32
      %dma_wait3A_127 = tpu.memref_slice %arg9[%dma_wait3A, %dma_wait3A_125, %dma_wait3A_126] : memref<8x128x16xf32, #tpu.memory_space<vmem>> -> memref<1x128x16xf32, #tpu.memory_space<vmem>>
      %dma_wait3A_128 = tpu.memref_squeeze %dma_wait3A_127 : memref<1x128x16xf32, #tpu.memory_space<vmem>> -> memref<128x16xf32, #tpu.memory_space<vmem>>
      %dma_wait3A_129 = arith.constant 0 : i32
      %dma_wait3A_130 = tpu.memref_slice %arg7[%add3A_124, %dma_wait3A_129] : memref<80x128xi32, #tpu.memory_space<vmem>> -> memref<1x128xi32, #tpu.memory_space<vmem>>
      %dma_wait3A_131 = tpu.memref_squeeze %dma_wait3A_130 : memref<1x128xi32, #tpu.memory_space<vmem>> -> memref<128xi32, #tpu.memory_space<vmem>>
      %dma_wait3A_132 = arith.constant 0 : i32
      %dma_wait3A_133 = arith.constant 0 : i32
      %dma_wait3A_134 = tpu.memref_slice %arg2[%dma_wait3A_132, %dma_wait3A_133] : memref<10112x16xf32, #tpu.memory_space<hbm>> -> memref<10112x16xf32, #tpu.memory_space<hbm>>
      tpu.wait_indirect_dma semaphore(%arg11 : memref<!tpu.dma_semaphore, #tpu.memory_space<semaphore_mem>>) src(%dma_wait3A_134 : memref<10112x16xf32, #tpu.memory_space<hbm>>) dst(%dma_wait3A_128 : memref<128x16xf32, #tpu.memory_space<vmem>>)
      %run_scoped3A = arith.constant 0 : i32
      "tpu.region"() ({
        %run_scoped3A_286 = tpu.sem_alloc : memref<!tpu.dma_semaphore, #tpu.memory_space<semaphore_mem>>
        %dma_start3A_287 = arith.constant 0 : i32
        %dma_start3A_288 = arith.constant 0 : i32
        %dma_start3A_289 = tpu.memref_slice %arg9[%run_scoped3A, %dma_start3A_287, %dma_start3A_288] : memref<8x128x16xf32, #tpu.memory_space<vmem>> -> memref<1x128x16xf32, #tpu.memory_space<vmem>>
        %dma_start3A_290 = tpu.memref_squeeze %dma_start3A_289 : memref<1x128x16xf32, #tpu.memory_space<vmem>> -> memref<128x16xf32, #tpu.memory_space<vmem>>
        %dma_start3A_291 = arith.constant 0 : i32
        %dma_start3A_292 = tpu.memref_slice %arg8[%add3A_124, %dma_start3A_291] : memref<80x128xi32, #tpu.memory_space<vmem>> -> memref<1x128xi32, #tpu.memory_space<vmem>>
        %dma_start3A_293 = tpu.memref_squeeze %dma_start3A_292 : memref<1x128xi32, #tpu.memory_space<vmem>> -> memref<128xi32, #tpu.memory_space<vmem>>
        %dma_start3A_294 = arith.constant 0 : i32
        %dma_start3A_295 = arith.constant 0 : i32
        %dma_start3A_296 = tpu.memref_slice %arg10[%dma_start3A_294, %dma_start3A_295] : memref<10112x16xf32, #tpu.memory_space<vmem_shared>> -> memref<10112x16xf32, #tpu.memory_space<vmem_shared>>
        tpu.enqueue_indirect_dma source(%dma_start3A_290 : memref<128x16xf32, #tpu.memory_space<vmem>>) target(%dma_start3A_296 : memref<10112x16xf32, #tpu.memory_space<vmem_shared>>) offsets(%dma_start3A_293 : memref<128xi32, #tpu.memory_space<vmem>>) semaphore(%run_scoped3A_286 : memref<!tpu.dma_semaphore, #tpu.memory_space<semaphore_mem>>) {add = true}
        %dma_wait3A_297 = arith.constant 0 : i32
        %dma_wait3A_298 = arith.constant 0 : i32
        %dma_wait3A_299 = tpu.memref_slice %arg9[%run_scoped3A, %dma_wait3A_297, %dma_wait3A_298] : memref<8x128x16xf32, #tpu.memory_space<vmem>> -> memref<1x128x16xf32, #tpu.memory_space<vmem>>
        %dma_wait3A_300 = tpu.memref_squeeze %dma_wait3A_299 : memref<1x128x16xf32, #tpu.memory_space<vmem>> -> memref<128x16xf32, #tpu.memory_space<vmem>>
        %dma_wait3A_301 = arith.constant 0 : i32
        %dma_wait3A_302 = tpu.memref_slice %arg8[%add3A_124, %dma_wait3A_301] : memref<80x128xi32, #tpu.memory_space<vmem>> -> memref<1x128xi32, #tpu.memory_space<vmem>>
        %dma_wait3A_303 = tpu.memref_squeeze %dma_wait3A_302 : memref<1x128xi32, #tpu.memory_space<vmem>> -> memref<128xi32, #tpu.memory_space<vmem>>
        %dma_wait3A_304 = arith.constant 0 : i32
        %dma_wait3A_305 = arith.constant 0 : i32
        %dma_wait3A_306 = tpu.memref_slice %arg10[%dma_wait3A_304, %dma_wait3A_305] : memref<10112x16xf32, #tpu.memory_space<vmem_shared>> -> memref<10112x16xf32, #tpu.memory_space<vmem_shared>>
        tpu.wait_indirect_dma semaphore(%run_scoped3A_286 : memref<!tpu.dma_semaphore, #tpu.memory_space<semaphore_mem>>) src(%dma_wait3A_300 : memref<128x16xf32, #tpu.memory_space<vmem>>) dst(%dma_wait3A_306 : memref<10112x16xf32, #tpu.memory_space<vmem_shared>>)
        tpu.yield
      }) : () -> ()
      %lt3A = arith.constant 9 : i32
      %lt3A_135 = arith.cmpi slt, %scan3A_120, %lt3A : i32
      %convert_element_type3A_136 = arith.extui %lt3A_135 : i1 to i32
      %cond3A_137 = arith.constant 0 : i32
      %cond3A_138 = arith.cmpi ne, %convert_element_type3A_136, %cond3A_137 : i32
      scf.if %cond3A_138 {
        %add3A_286 = arith.constant 8 : i32
        %add3A_287 = arith.addi %add3A_124, %add3A_286 : i32
        %dma_start3A_288 = arith.constant 0 : i32
        %dma_start3A_289 = arith.constant 0 : i32
        %dma_start3A_290 = arith.constant 0 : i32
        %dma_start3A_291 = tpu.memref_slice %arg9[%dma_start3A_288, %dma_start3A_289, %dma_start3A_290] : memref<8x128x16xf32, #tpu.memory_space<vmem>> -> memref<1x128x16xf32, #tpu.memory_space<vmem>>
        %dma_start3A_292 = tpu.memref_squeeze %dma_start3A_291 : memref<1x128x16xf32, #tpu.memory_space<vmem>> -> memref<128x16xf32, #tpu.memory_space<vmem>>
        %dma_start3A_293 = arith.constant 0 : i32
        %dma_start3A_294 = tpu.memref_slice %arg7[%add3A_287, %dma_start3A_293] : memref<80x128xi32, #tpu.memory_space<vmem>> -> memref<1x128xi32, #tpu.memory_space<vmem>>
        %dma_start3A_295 = tpu.memref_squeeze %dma_start3A_294 : memref<1x128xi32, #tpu.memory_space<vmem>> -> memref<128xi32, #tpu.memory_space<vmem>>
        %dma_start3A_296 = arith.constant 0 : i32
        %dma_start3A_297 = arith.constant 0 : i32
        %dma_start3A_298 = tpu.memref_slice %arg2[%dma_start3A_296, %dma_start3A_297] : memref<10112x16xf32, #tpu.memory_space<hbm>> -> memref<10112x16xf32, #tpu.memory_space<hbm>>
        tpu.enqueue_indirect_dma source(%dma_start3A_298 : memref<10112x16xf32, #tpu.memory_space<hbm>>) target(%dma_start3A_292 : memref<128x16xf32, #tpu.memory_space<vmem>>) offsets(%dma_start3A_295 : memref<128xi32, #tpu.memory_space<vmem>>) semaphore(%arg11 : memref<!tpu.dma_semaphore, #tpu.memory_space<semaphore_mem>>)
      } else {
      }
      %mul3A_139 = arith.constant 8 : i32
      %mul3A_140 = arith.muli %scan3A_120, %mul3A_139 : i32
      %add3A_141 = arith.constant 1 : i32
      %add3A_142 = arith.addi %mul3A_140, %add3A_141 : i32
      %dma_wait3A_143 = arith.constant 1 : i32
      %dma_wait3A_144 = arith.constant 0 : i32
      %dma_wait3A_145 = arith.constant 0 : i32
      %dma_wait3A_146 = tpu.memref_slice %arg9[%dma_wait3A_143, %dma_wait3A_144, %dma_wait3A_145] : memref<8x128x16xf32, #tpu.memory_space<vmem>> -> memref<1x128x16xf32, #tpu.memory_space<vmem>>
      %dma_wait3A_147 = tpu.memref_squeeze %dma_wait3A_146 : memref<1x128x16xf32, #tpu.memory_space<vmem>> -> memref<128x16xf32, #tpu.memory_space<vmem>>
      %dma_wait3A_148 = arith.constant 0 : i32
      %dma_wait3A_149 = tpu.memref_slice %arg7[%add3A_142, %dma_wait3A_148] : memref<80x128xi32, #tpu.memory_space<vmem>> -> memref<1x128xi32, #tpu.memory_space<vmem>>
      %dma_wait3A_150 = tpu.memref_squeeze %dma_wait3A_149 : memref<1x128xi32, #tpu.memory_space<vmem>> -> memref<128xi32, #tpu.memory_space<vmem>>
      %dma_wait3A_151 = arith.constant 0 : i32
      %dma_wait3A_152 = arith.constant 0 : i32
      %dma_wait3A_153 = tpu.memref_slice %arg2[%dma_wait3A_151, %dma_wait3A_152] : memref<10112x16xf32, #tpu.memory_space<hbm>> -> memref<10112x16xf32, #tpu.memory_space<hbm>>
      tpu.wait_indirect_dma semaphore(%arg12 : memref<!tpu.dma_semaphore, #tpu.memory_space<semaphore_mem>>) src(%dma_wait3A_153 : memref<10112x16xf32, #tpu.memory_space<hbm>>) dst(%dma_wait3A_147 : memref<128x16xf32, #tpu.memory_space<vmem>>)
      %run_scoped3A_154 = arith.constant 1 : i32
      "tpu.region"() ({
        %run_scoped3A_286 = tpu.sem_alloc : memref<!tpu.dma_semaphore, #tpu.memory_space<semaphore_mem>>
        %dma_start3A_287 = arith.constant 0 : i32
        %dma_start3A_288 = arith.constant 0 : i32
        %dma_start3A_289 = tpu.memref_slice %arg9[%run_scoped3A_154, %dma_start3A_287, %dma_start3A_288] : memref<8x128x16xf32, #tpu.memory_space<vmem>> -> memref<1x128x16xf32, #tpu.memory_space<vmem>>
        %dma_start3A_290 = tpu.memref_squeeze %dma_start3A_289 : memref<1x128x16xf32, #tpu.memory_space<vmem>> -> memref<128x16xf32, #tpu.memory_space<vmem>>
        %dma_start3A_291 = arith.constant 0 : i32
        %dma_start3A_292 = tpu.memref_slice %arg8[%add3A_142, %dma_start3A_291] : memref<80x128xi32, #tpu.memory_space<vmem>> -> memref<1x128xi32, #tpu.memory_space<vmem>>
        %dma_start3A_293 = tpu.memref_squeeze %dma_start3A_292 : memref<1x128xi32, #tpu.memory_space<vmem>> -> memref<128xi32, #tpu.memory_space<vmem>>
        %dma_start3A_294 = arith.constant 0 : i32
        %dma_start3A_295 = arith.constant 0 : i32
        %dma_start3A_296 = tpu.memref_slice %arg10[%dma_start3A_294, %dma_start3A_295] : memref<10112x16xf32, #tpu.memory_space<vmem_shared>> -> memref<10112x16xf32, #tpu.memory_space<vmem_shared>>
        tpu.enqueue_indirect_dma source(%dma_start3A_290 : memref<128x16xf32, #tpu.memory_space<vmem>>) target(%dma_start3A_296 : memref<10112x16xf32, #tpu.memory_space<vmem_shared>>) offsets(%dma_start3A_293 : memref<128xi32, #tpu.memory_space<vmem>>) semaphore(%run_scoped3A_286 : memref<!tpu.dma_semaphore, #tpu.memory_space<semaphore_mem>>) {add = true}
        %dma_wait3A_297 = arith.constant 0 : i32
        %dma_wait3A_298 = arith.constant 0 : i32
        %dma_wait3A_299 = tpu.memref_slice %arg9[%run_scoped3A_154, %dma_wait3A_297, %dma_wait3A_298] : memref<8x128x16xf32, #tpu.memory_space<vmem>> -> memref<1x128x16xf32, #tpu.memory_space<vmem>>
        %dma_wait3A_300 = tpu.memref_squeeze %dma_wait3A_299 : memref<1x128x16xf32, #tpu.memory_space<vmem>> -> memref<128x16xf32, #tpu.memory_space<vmem>>
        %dma_wait3A_301 = arith.constant 0 : i32
        %dma_wait3A_302 = tpu.memref_slice %arg8[%add3A_142, %dma_wait3A_301] : memref<80x128xi32, #tpu.memory_space<vmem>> -> memref<1x128xi32, #tpu.memory_space<vmem>>
        %dma_wait3A_303 = tpu.memref_squeeze %dma_wait3A_302 : memref<1x128xi32, #tpu.memory_space<vmem>> -> memref<128xi32, #tpu.memory_space<vmem>>
        %dma_wait3A_304 = arith.constant 0 : i32
        %dma_wait3A_305 = arith.constant 0 : i32
        %dma_wait3A_306 = tpu.memref_slice %arg10[%dma_wait3A_304, %dma_wait3A_305] : memref<10112x16xf32, #tpu.memory_space<vmem_shared>> -> memref<10112x16xf32, #tpu.memory_space<vmem_shared>>
        tpu.wait_indirect_dma semaphore(%run_scoped3A_286 : memref<!tpu.dma_semaphore, #tpu.memory_space<semaphore_mem>>) src(%dma_wait3A_300 : memref<128x16xf32, #tpu.memory_space<vmem>>) dst(%dma_wait3A_306 : memref<10112x16xf32, #tpu.memory_space<vmem_shared>>)
        tpu.yield
      }) : () -> ()
      %lt3A_155 = arith.constant 9 : i32
      %lt3A_156 = arith.cmpi slt, %scan3A_120, %lt3A_155 : i32
      %convert_element_type3A_157 = arith.extui %lt3A_156 : i1 to i32
      %cond3A_158 = arith.constant 0 : i32
      %cond3A_159 = arith.cmpi ne, %convert_element_type3A_157, %cond3A_158 : i32
      scf.if %cond3A_159 {
        %add3A_286 = arith.constant 8 : i32
        %add3A_287 = arith.addi %add3A_142, %add3A_286 : i32
        %dma_start3A_288 = arith.constant 1 : i32
        %dma_start3A_289 = arith.constant 0 : i32
        %dma_start3A_290 = arith.constant 0 : i32
        %dma_start3A_291 = tpu.memref_slice %arg9[%dma_start3A_288, %dma_start3A_289, %dma_start3A_290] : memref<8x128x16xf32, #tpu.memory_space<vmem>> -> memref<1x128x16xf32, #tpu.memory_space<vmem>>
        %dma_start3A_292 = tpu.memref_squeeze %dma_start3A_291 : memref<1x128x16xf32, #tpu.memory_space<vmem>> -> memref<128x16xf32, #tpu.memory_space<vmem>>
        %dma_start3A_293 = arith.constant 0 : i32
        %dma_start3A_294 = tpu.memref_slice %arg7[%add3A_287, %dma_start3A_293] : memref<80x128xi32, #tpu.memory_space<vmem>> -> memref<1x128xi32, #tpu.memory_space<vmem>>
        %dma_start3A_295 = tpu.memref_squeeze %dma_start3A_294 : memref<1x128xi32, #tpu.memory_space<vmem>> -> memref<128xi32, #tpu.memory_space<vmem>>
        %dma_start3A_296 = arith.constant 0 : i32
        %dma_start3A_297 = arith.constant 0 : i32
        %dma_start3A_298 = tpu.memref_slice %arg2[%dma_start3A_296, %dma_start3A_297] : memref<10112x16xf32, #tpu.memory_space<hbm>> -> memref<10112x16xf32, #tpu.memory_space<hbm>>
        tpu.enqueue_indirect_dma source(%dma_start3A_298 : memref<10112x16xf32, #tpu.memory_space<hbm>>) target(%dma_start3A_292 : memref<128x16xf32, #tpu.memory_space<vmem>>) offsets(%dma_start3A_295 : memref<128xi32, #tpu.memory_space<vmem>>) semaphore(%arg12 : memref<!tpu.dma_semaphore, #tpu.memory_space<semaphore_mem>>)
      } else {
      }
      %mul3A_160 = arith.constant 8 : i32
      %mul3A_161 = arith.muli %scan3A_120, %mul3A_160 : i32
      %add3A_162 = arith.constant 2 : i32
      %add3A_163 = arith.addi %mul3A_161, %add3A_162 : i32
      %dma_wait3A_164 = arith.constant 2 : i32
      %dma_wait3A_165 = arith.constant 0 : i32
      %dma_wait3A_166 = arith.constant 0 : i32
      %dma_wait3A_167 = tpu.memref_slice %arg9[%dma_wait3A_164, %dma_wait3A_165, %dma_wait3A_166] : memref<8x128x16xf32, #tpu.memory_space<vmem>> -> memref<1x128x16xf32, #tpu.memory_space<vmem>>
      %dma_wait3A_168 = tpu.memref_squeeze %dma_wait3A_167 : memref<1x128x16xf32, #tpu.memory_space<vmem>> -> memref<128x16xf32, #tpu.memory_space<vmem>>
      %dma_wait3A_169 = arith.constant 0 : i32
      %dma_wait3A_170 = tpu.memref_slice %arg7[%add3A_163, %dma_wait3A_169] : memref<80x128xi32, #tpu.memory_space<vmem>> -> memref<1x128xi32, #tpu.memory_space<vmem>>
      %dma_wait3A_171 = tpu.memref_squeeze %dma_wait3A_170 : memref<1x128xi32, #tpu.memory_space<vmem>> -> memref<128xi32, #tpu.memory_space<vmem>>
      %dma_wait3A_172 = arith.constant 0 : i32
      %dma_wait3A_173 = arith.constant 0 : i32
      %dma_wait3A_174 = tpu.memref_slice %arg2[%dma_wait3A_172, %dma_wait3A_173] : memref<10112x16xf32, #tpu.memory_space<hbm>> -> memref<10112x16xf32, #tpu.memory_space<hbm>>
      tpu.wait_indirect_dma semaphore(%arg13 : memref<!tpu.dma_semaphore, #tpu.memory_space<semaphore_mem>>) src(%dma_wait3A_174 : memref<10112x16xf32, #tpu.memory_space<hbm>>) dst(%dma_wait3A_168 : memref<128x16xf32, #tpu.memory_space<vmem>>)
      %run_scoped3A_175 = arith.constant 2 : i32
      "tpu.region"() ({
        %run_scoped3A_286 = tpu.sem_alloc : memref<!tpu.dma_semaphore, #tpu.memory_space<semaphore_mem>>
        %dma_start3A_287 = arith.constant 0 : i32
        %dma_start3A_288 = arith.constant 0 : i32
        %dma_start3A_289 = tpu.memref_slice %arg9[%run_scoped3A_175, %dma_start3A_287, %dma_start3A_288] : memref<8x128x16xf32, #tpu.memory_space<vmem>> -> memref<1x128x16xf32, #tpu.memory_space<vmem>>
        %dma_start3A_290 = tpu.memref_squeeze %dma_start3A_289 : memref<1x128x16xf32, #tpu.memory_space<vmem>> -> memref<128x16xf32, #tpu.memory_space<vmem>>
        %dma_start3A_291 = arith.constant 0 : i32
        %dma_start3A_292 = tpu.memref_slice %arg8[%add3A_163, %dma_start3A_291] : memref<80x128xi32, #tpu.memory_space<vmem>> -> memref<1x128xi32, #tpu.memory_space<vmem>>
        %dma_start3A_293 = tpu.memref_squeeze %dma_start3A_292 : memref<1x128xi32, #tpu.memory_space<vmem>> -> memref<128xi32, #tpu.memory_space<vmem>>
        %dma_start3A_294 = arith.constant 0 : i32
        %dma_start3A_295 = arith.constant 0 : i32
        %dma_start3A_296 = tpu.memref_slice %arg10[%dma_start3A_294, %dma_start3A_295] : memref<10112x16xf32, #tpu.memory_space<vmem_shared>> -> memref<10112x16xf32, #tpu.memory_space<vmem_shared>>
        tpu.enqueue_indirect_dma source(%dma_start3A_290 : memref<128x16xf32, #tpu.memory_space<vmem>>) target(%dma_start3A_296 : memref<10112x16xf32, #tpu.memory_space<vmem_shared>>) offsets(%dma_start3A_293 : memref<128xi32, #tpu.memory_space<vmem>>) semaphore(%run_scoped3A_286 : memref<!tpu.dma_semaphore, #tpu.memory_space<semaphore_mem>>) {add = true}
        %dma_wait3A_297 = arith.constant 0 : i32
        %dma_wait3A_298 = arith.constant 0 : i32
        %dma_wait3A_299 = tpu.memref_slice %arg9[%run_scoped3A_175, %dma_wait3A_297, %dma_wait3A_298] : memref<8x128x16xf32, #tpu.memory_space<vmem>> -> memref<1x128x16xf32, #tpu.memory_space<vmem>>
        %dma_wait3A_300 = tpu.memref_squeeze %dma_wait3A_299 : memref<1x128x16xf32, #tpu.memory_space<vmem>> -> memref<128x16xf32, #tpu.memory_space<vmem>>
        %dma_wait3A_301 = arith.constant 0 : i32
        %dma_wait3A_302 = tpu.memref_slice %arg8[%add3A_163, %dma_wait3A_301] : memref<80x128xi32, #tpu.memory_space<vmem>> -> memref<1x128xi32, #tpu.memory_space<vmem>>
        %dma_wait3A_303 = tpu.memref_squeeze %dma_wait3A_302 : memref<1x128xi32, #tpu.memory_space<vmem>> -> memref<128xi32, #tpu.memory_space<vmem>>
        %dma_wait3A_304 = arith.constant 0 : i32
        %dma_wait3A_305 = arith.constant 0 : i32
        %dma_wait3A_306 = tpu.memref_slice %arg10[%dma_wait3A_304, %dma_wait3A_305] : memref<10112x16xf32, #tpu.memory_space<vmem_shared>> -> memref<10112x16xf32, #tpu.memory_space<vmem_shared>>
        tpu.wait_indirect_dma semaphore(%run_scoped3A_286 : memref<!tpu.dma_semaphore, #tpu.memory_space<semaphore_mem>>) src(%dma_wait3A_300 : memref<128x16xf32, #tpu.memory_space<vmem>>) dst(%dma_wait3A_306 : memref<10112x16xf32, #tpu.memory_space<vmem_shared>>)
        tpu.yield
      }) : () -> ()
      %lt3A_176 = arith.constant 9 : i32
      %lt3A_177 = arith.cmpi slt, %scan3A_120, %lt3A_176 : i32
      %convert_element_type3A_178 = arith.extui %lt3A_177 : i1 to i32
      %cond3A_179 = arith.constant 0 : i32
      %cond3A_180 = arith.cmpi ne, %convert_element_type3A_178, %cond3A_179 : i32
      scf.if %cond3A_180 {
        %add3A_286 = arith.constant 8 : i32
        %add3A_287 = arith.addi %add3A_163, %add3A_286 : i32
        %dma_start3A_288 = arith.constant 2 : i32
        %dma_start3A_289 = arith.constant 0 : i32
        %dma_start3A_290 = arith.constant 0 : i32
        %dma_start3A_291 = tpu.memref_slice %arg9[%dma_start3A_288, %dma_start3A_289, %dma_start3A_290] : memref<8x128x16xf32, #tpu.memory_space<vmem>> -> memref<1x128x16xf32, #tpu.memory_space<vmem>>
        %dma_start3A_292 = tpu.memref_squeeze %dma_start3A_291 : memref<1x128x16xf32, #tpu.memory_space<vmem>> -> memref<128x16xf32, #tpu.memory_space<vmem>>
        %dma_start3A_293 = arith.constant 0 : i32
        %dma_start3A_294 = tpu.memref_slice %arg7[%add3A_287, %dma_start3A_293] : memref<80x128xi32, #tpu.memory_space<vmem>> -> memref<1x128xi32, #tpu.memory_space<vmem>>
        %dma_start3A_295 = tpu.memref_squeeze %dma_start3A_294 : memref<1x128xi32, #tpu.memory_space<vmem>> -> memref<128xi32, #tpu.memory_space<vmem>>
        %dma_start3A_296 = arith.constant 0 : i32
        %dma_start3A_297 = arith.constant 0 : i32
        %dma_start3A_298 = tpu.memref_slice %arg2[%dma_start3A_296, %dma_start3A_297] : memref<10112x16xf32, #tpu.memory_space<hbm>> -> memref<10112x16xf32, #tpu.memory_space<hbm>>
        tpu.enqueue_indirect_dma source(%dma_start3A_298 : memref<10112x16xf32, #tpu.memory_space<hbm>>) target(%dma_start3A_292 : memref<128x16xf32, #tpu.memory_space<vmem>>) offsets(%dma_start3A_295 : memref<128xi32, #tpu.memory_space<vmem>>) semaphore(%arg13 : memref<!tpu.dma_semaphore, #tpu.memory_space<semaphore_mem>>)
      } else {
      }
      %mul3A_181 = arith.constant 8 : i32
      %mul3A_182 = arith.muli %scan3A_120, %mul3A_181 : i32
      %add3A_183 = arith.constant 3 : i32
      %add3A_184 = arith.addi %mul3A_182, %add3A_183 : i32
      %dma_wait3A_185 = arith.constant 3 : i32
      %dma_wait3A_186 = arith.constant 0 : i32
      %dma_wait3A_187 = arith.constant 0 : i32
      %dma_wait3A_188 = tpu.memref_slice %arg9[%dma_wait3A_185, %dma_wait3A_186, %dma_wait3A_187] : memref<8x128x16xf32, #tpu.memory_space<vmem>> -> memref<1x128x16xf32, #tpu.memory_space<vmem>>
      %dma_wait3A_189 = tpu.memref_squeeze %dma_wait3A_188 : memref<1x128x16xf32, #tpu.memory_space<vmem>> -> memref<128x16xf32, #tpu.memory_space<vmem>>
      %dma_wait3A_190 = arith.constant 0 : i32
      %dma_wait3A_191 = tpu.memref_slice %arg7[%add3A_184, %dma_wait3A_190] : memref<80x128xi32, #tpu.memory_space<vmem>> -> memref<1x128xi32, #tpu.memory_space<vmem>>
      %dma_wait3A_192 = tpu.memref_squeeze %dma_wait3A_191 : memref<1x128xi32, #tpu.memory_space<vmem>> -> memref<128xi32, #tpu.memory_space<vmem>>
      %dma_wait3A_193 = arith.constant 0 : i32
      %dma_wait3A_194 = arith.constant 0 : i32
      %dma_wait3A_195 = tpu.memref_slice %arg2[%dma_wait3A_193, %dma_wait3A_194] : memref<10112x16xf32, #tpu.memory_space<hbm>> -> memref<10112x16xf32, #tpu.memory_space<hbm>>
      tpu.wait_indirect_dma semaphore(%arg14 : memref<!tpu.dma_semaphore, #tpu.memory_space<semaphore_mem>>) src(%dma_wait3A_195 : memref<10112x16xf32, #tpu.memory_space<hbm>>) dst(%dma_wait3A_189 : memref<128x16xf32, #tpu.memory_space<vmem>>)
      %run_scoped3A_196 = arith.constant 3 : i32
      "tpu.region"() ({
        %run_scoped3A_286 = tpu.sem_alloc : memref<!tpu.dma_semaphore, #tpu.memory_space<semaphore_mem>>
        %dma_start3A_287 = arith.constant 0 : i32
        %dma_start3A_288 = arith.constant 0 : i32
        %dma_start3A_289 = tpu.memref_slice %arg9[%run_scoped3A_196, %dma_start3A_287, %dma_start3A_288] : memref<8x128x16xf32, #tpu.memory_space<vmem>> -> memref<1x128x16xf32, #tpu.memory_space<vmem>>
        %dma_start3A_290 = tpu.memref_squeeze %dma_start3A_289 : memref<1x128x16xf32, #tpu.memory_space<vmem>> -> memref<128x16xf32, #tpu.memory_space<vmem>>
        %dma_start3A_291 = arith.constant 0 : i32
        %dma_start3A_292 = tpu.memref_slice %arg8[%add3A_184, %dma_start3A_291] : memref<80x128xi32, #tpu.memory_space<vmem>> -> memref<1x128xi32, #tpu.memory_space<vmem>>
        %dma_start3A_293 = tpu.memref_squeeze %dma_start3A_292 : memref<1x128xi32, #tpu.memory_space<vmem>> -> memref<128xi32, #tpu.memory_space<vmem>>
        %dma_start3A_294 = arith.constant 0 : i32
        %dma_start3A_295 = arith.constant 0 : i32
        %dma_start3A_296 = tpu.memref_slice %arg10[%dma_start3A_294, %dma_start3A_295] : memref<10112x16xf32, #tpu.memory_space<vmem_shared>> -> memref<10112x16xf32, #tpu.memory_space<vmem_shared>>
        tpu.enqueue_indirect_dma source(%dma_start3A_290 : memref<128x16xf32, #tpu.memory_space<vmem>>) target(%dma_start3A_296 : memref<10112x16xf32, #tpu.memory_space<vmem_shared>>) offsets(%dma_start3A_293 : memref<128xi32, #tpu.memory_space<vmem>>) semaphore(%run_scoped3A_286 : memref<!tpu.dma_semaphore, #tpu.memory_space<semaphore_mem>>) {add = true}
        %dma_wait3A_297 = arith.constant 0 : i32
        %dma_wait3A_298 = arith.constant 0 : i32
        %dma_wait3A_299 = tpu.memref_slice %arg9[%run_scoped3A_196, %dma_wait3A_297, %dma_wait3A_298] : memref<8x128x16xf32, #tpu.memory_space<vmem>> -> memref<1x128x16xf32, #tpu.memory_space<vmem>>
        %dma_wait3A_300 = tpu.memref_squeeze %dma_wait3A_299 : memref<1x128x16xf32, #tpu.memory_space<vmem>> -> memref<128x16xf32, #tpu.memory_space<vmem>>
        %dma_wait3A_301 = arith.constant 0 : i32
        %dma_wait3A_302 = tpu.memref_slice %arg8[%add3A_184, %dma_wait3A_301] : memref<80x128xi32, #tpu.memory_space<vmem>> -> memref<1x128xi32, #tpu.memory_space<vmem>>
        %dma_wait3A_303 = tpu.memref_squeeze %dma_wait3A_302 : memref<1x128xi32, #tpu.memory_space<vmem>> -> memref<128xi32, #tpu.memory_space<vmem>>
        %dma_wait3A_304 = arith.constant 0 : i32
        %dma_wait3A_305 = arith.constant 0 : i32
        %dma_wait3A_306 = tpu.memref_slice %arg10[%dma_wait3A_304, %dma_wait3A_305] : memref<10112x16xf32, #tpu.memory_space<vmem_shared>> -> memref<10112x16xf32, #tpu.memory_space<vmem_shared>>
        tpu.wait_indirect_dma semaphore(%run_scoped3A_286 : memref<!tpu.dma_semaphore, #tpu.memory_space<semaphore_mem>>) src(%dma_wait3A_300 : memref<128x16xf32, #tpu.memory_space<vmem>>) dst(%dma_wait3A_306 : memref<10112x16xf32, #tpu.memory_space<vmem_shared>>)
        tpu.yield
      }) : () -> ()
      %lt3A_197 = arith.constant 9 : i32
      %lt3A_198 = arith.cmpi slt, %scan3A_120, %lt3A_197 : i32
      %convert_element_type3A_199 = arith.extui %lt3A_198 : i1 to i32
      %cond3A_200 = arith.constant 0 : i32
      %cond3A_201 = arith.cmpi ne, %convert_element_type3A_199, %cond3A_200 : i32
      scf.if %cond3A_201 {
        %add3A_286 = arith.constant 8 : i32
        %add3A_287 = arith.addi %add3A_184, %add3A_286 : i32
        %dma_start3A_288 = arith.constant 3 : i32
        %dma_start3A_289 = arith.constant 0 : i32
        %dma_start3A_290 = arith.constant 0 : i32
        %dma_start3A_291 = tpu.memref_slice %arg9[%dma_start3A_288, %dma_start3A_289, %dma_start3A_290] : memref<8x128x16xf32, #tpu.memory_space<vmem>> -> memref<1x128x16xf32, #tpu.memory_space<vmem>>
        %dma_start3A_292 = tpu.memref_squeeze %dma_start3A_291 : memref<1x128x16xf32, #tpu.memory_space<vmem>> -> memref<128x16xf32, #tpu.memory_space<vmem>>
        %dma_start3A_293 = arith.constant 0 : i32
        %dma_start3A_294 = tpu.memref_slice %arg7[%add3A_287, %dma_start3A_293] : memref<80x128xi32, #tpu.memory_space<vmem>> -> memref<1x128xi32, #tpu.memory_space<vmem>>
        %dma_start3A_295 = tpu.memref_squeeze %dma_start3A_294 : memref<1x128xi32, #tpu.memory_space<vmem>> -> memref<128xi32, #tpu.memory_space<vmem>>
        %dma_start3A_296 = arith.constant 0 : i32
        %dma_start3A_297 = arith.constant 0 : i32
        %dma_start3A_298 = tpu.memref_slice %arg2[%dma_start3A_296, %dma_start3A_297] : memref<10112x16xf32, #tpu.memory_space<hbm>> -> memref<10112x16xf32, #tpu.memory_space<hbm>>
        tpu.enqueue_indirect_dma source(%dma_start3A_298 : memref<10112x16xf32, #tpu.memory_space<hbm>>) target(%dma_start3A_292 : memref<128x16xf32, #tpu.memory_space<vmem>>) offsets(%dma_start3A_295 : memref<128xi32, #tpu.memory_space<vmem>>) semaphore(%arg14 : memref<!tpu.dma_semaphore, #tpu.memory_space<semaphore_mem>>)
      } else {
      }
      %mul3A_202 = arith.constant 8 : i32
      %mul3A_203 = arith.muli %scan3A_120, %mul3A_202 : i32
      %add3A_204 = arith.constant 4 : i32
      %add3A_205 = arith.addi %mul3A_203, %add3A_204 : i32
      %dma_wait3A_206 = arith.constant 4 : i32
      %dma_wait3A_207 = arith.constant 0 : i32
      %dma_wait3A_208 = arith.constant 0 : i32
      %dma_wait3A_209 = tpu.memref_slice %arg9[%dma_wait3A_206, %dma_wait3A_207, %dma_wait3A_208] : memref<8x128x16xf32, #tpu.memory_space<vmem>> -> memref<1x128x16xf32, #tpu.memory_space<vmem>>
      %dma_wait3A_210 = tpu.memref_squeeze %dma_wait3A_209 : memref<1x128x16xf32, #tpu.memory_space<vmem>> -> memref<128x16xf32, #tpu.memory_space<vmem>>
      %dma_wait3A_211 = arith.constant 0 : i32
      %dma_wait3A_212 = tpu.memref_slice %arg7[%add3A_205, %dma_wait3A_211] : memref<80x128xi32, #tpu.memory_space<vmem>> -> memref<1x128xi32, #tpu.memory_space<vmem>>
      %dma_wait3A_213 = tpu.memref_squeeze %dma_wait3A_212 : memref<1x128xi32, #tpu.memory_space<vmem>> -> memref<128xi32, #tpu.memory_space<vmem>>
      %dma_wait3A_214 = arith.constant 0 : i32
      %dma_wait3A_215 = arith.constant 0 : i32
      %dma_wait3A_216 = tpu.memref_slice %arg2[%dma_wait3A_214, %dma_wait3A_215] : memref<10112x16xf32, #tpu.memory_space<hbm>> -> memref<10112x16xf32, #tpu.memory_space<hbm>>
      tpu.wait_indirect_dma semaphore(%arg15 : memref<!tpu.dma_semaphore, #tpu.memory_space<semaphore_mem>>) src(%dma_wait3A_216 : memref<10112x16xf32, #tpu.memory_space<hbm>>) dst(%dma_wait3A_210 : memref<128x16xf32, #tpu.memory_space<vmem>>)
      %run_scoped3A_217 = arith.constant 4 : i32
      "tpu.region"() ({
        %run_scoped3A_286 = tpu.sem_alloc : memref<!tpu.dma_semaphore, #tpu.memory_space<semaphore_mem>>
        %dma_start3A_287 = arith.constant 0 : i32
        %dma_start3A_288 = arith.constant 0 : i32
        %dma_start3A_289 = tpu.memref_slice %arg9[%run_scoped3A_217, %dma_start3A_287, %dma_start3A_288] : memref<8x128x16xf32, #tpu.memory_space<vmem>> -> memref<1x128x16xf32, #tpu.memory_space<vmem>>
        %dma_start3A_290 = tpu.memref_squeeze %dma_start3A_289 : memref<1x128x16xf32, #tpu.memory_space<vmem>> -> memref<128x16xf32, #tpu.memory_space<vmem>>
        %dma_start3A_291 = arith.constant 0 : i32
        %dma_start3A_292 = tpu.memref_slice %arg8[%add3A_205, %dma_start3A_291] : memref<80x128xi32, #tpu.memory_space<vmem>> -> memref<1x128xi32, #tpu.memory_space<vmem>>
        %dma_start3A_293 = tpu.memref_squeeze %dma_start3A_292 : memref<1x128xi32, #tpu.memory_space<vmem>> -> memref<128xi32, #tpu.memory_space<vmem>>
        %dma_start3A_294 = arith.constant 0 : i32
        %dma_start3A_295 = arith.constant 0 : i32
        %dma_start3A_296 = tpu.memref_slice %arg10[%dma_start3A_294, %dma_start3A_295] : memref<10112x16xf32, #tpu.memory_space<vmem_shared>> -> memref<10112x16xf32, #tpu.memory_space<vmem_shared>>
        tpu.enqueue_indirect_dma source(%dma_start3A_290 : memref<128x16xf32, #tpu.memory_space<vmem>>) target(%dma_start3A_296 : memref<10112x16xf32, #tpu.memory_space<vmem_shared>>) offsets(%dma_start3A_293 : memref<128xi32, #tpu.memory_space<vmem>>) semaphore(%run_scoped3A_286 : memref<!tpu.dma_semaphore, #tpu.memory_space<semaphore_mem>>) {add = true}
        %dma_wait3A_297 = arith.constant 0 : i32
        %dma_wait3A_298 = arith.constant 0 : i32
        %dma_wait3A_299 = tpu.memref_slice %arg9[%run_scoped3A_217, %dma_wait3A_297, %dma_wait3A_298] : memref<8x128x16xf32, #tpu.memory_space<vmem>> -> memref<1x128x16xf32, #tpu.memory_space<vmem>>
        %dma_wait3A_300 = tpu.memref_squeeze %dma_wait3A_299 : memref<1x128x16xf32, #tpu.memory_space<vmem>> -> memref<128x16xf32, #tpu.memory_space<vmem>>
        %dma_wait3A_301 = arith.constant 0 : i32
        %dma_wait3A_302 = tpu.memref_slice %arg8[%add3A_205, %dma_wait3A_301] : memref<80x128xi32, #tpu.memory_space<vmem>> -> memref<1x128xi32, #tpu.memory_space<vmem>>
        %dma_wait3A_303 = tpu.memref_squeeze %dma_wait3A_302 : memref<1x128xi32, #tpu.memory_space<vmem>> -> memref<128xi32, #tpu.memory_space<vmem>>
        %dma_wait3A_304 = arith.constant 0 : i32
        %dma_wait3A_305 = arith.constant 0 : i32
        %dma_wait3A_306 = tpu.memref_slice %arg10[%dma_wait3A_304, %dma_wait3A_305] : memref<10112x16xf32, #tpu.memory_space<vmem_shared>> -> memref<10112x16xf32, #tpu.memory_space<vmem_shared>>
        tpu.wait_indirect_dma semaphore(%run_scoped3A_286 : memref<!tpu.dma_semaphore, #tpu.memory_space<semaphore_mem>>) src(%dma_wait3A_300 : memref<128x16xf32, #tpu.memory_space<vmem>>) dst(%dma_wait3A_306 : memref<10112x16xf32, #tpu.memory_space<vmem_shared>>)
        tpu.yield
      }) : () -> ()
      %lt3A_218 = arith.constant 9 : i32
      %lt3A_219 = arith.cmpi slt, %scan3A_120, %lt3A_218 : i32
      %convert_element_type3A_220 = arith.extui %lt3A_219 : i1 to i32
      %cond3A_221 = arith.constant 0 : i32
      %cond3A_222 = arith.cmpi ne, %convert_element_type3A_220, %cond3A_221 : i32
      scf.if %cond3A_222 {
        %add3A_286 = arith.constant 8 : i32
        %add3A_287 = arith.addi %add3A_205, %add3A_286 : i32
        %dma_start3A_288 = arith.constant 4 : i32
        %dma_start3A_289 = arith.constant 0 : i32
        %dma_start3A_290 = arith.constant 0 : i32
        %dma_start3A_291 = tpu.memref_slice %arg9[%dma_start3A_288, %dma_start3A_289, %dma_start3A_290] : memref<8x128x16xf32, #tpu.memory_space<vmem>> -> memref<1x128x16xf32, #tpu.memory_space<vmem>>
        %dma_start3A_292 = tpu.memref_squeeze %dma_start3A_291 : memref<1x128x16xf32, #tpu.memory_space<vmem>> -> memref<128x16xf32, #tpu.memory_space<vmem>>
        %dma_start3A_293 = arith.constant 0 : i32
        %dma_start3A_294 = tpu.memref_slice %arg7[%add3A_287, %dma_start3A_293] : memref<80x128xi32, #tpu.memory_space<vmem>> -> memref<1x128xi32, #tpu.memory_space<vmem>>
        %dma_start3A_295 = tpu.memref_squeeze %dma_start3A_294 : memref<1x128xi32, #tpu.memory_space<vmem>> -> memref<128xi32, #tpu.memory_space<vmem>>
        %dma_start3A_296 = arith.constant 0 : i32
        %dma_start3A_297 = arith.constant 0 : i32
        %dma_start3A_298 = tpu.memref_slice %arg2[%dma_start3A_296, %dma_start3A_297] : memref<10112x16xf32, #tpu.memory_space<hbm>> -> memref<10112x16xf32, #tpu.memory_space<hbm>>
        tpu.enqueue_indirect_dma source(%dma_start3A_298 : memref<10112x16xf32, #tpu.memory_space<hbm>>) target(%dma_start3A_292 : memref<128x16xf32, #tpu.memory_space<vmem>>) offsets(%dma_start3A_295 : memref<128xi32, #tpu.memory_space<vmem>>) semaphore(%arg15 : memref<!tpu.dma_semaphore, #tpu.memory_space<semaphore_mem>>)
      } else {
      }
      %mul3A_223 = arith.constant 8 : i32
      %mul3A_224 = arith.muli %scan3A_120, %mul3A_223 : i32
      %add3A_225 = arith.constant 5 : i32
      %add3A_226 = arith.addi %mul3A_224, %add3A_225 : i32
      %dma_wait3A_227 = arith.constant 5 : i32
      %dma_wait3A_228 = arith.constant 0 : i32
      %dma_wait3A_229 = arith.constant 0 : i32
      %dma_wait3A_230 = tpu.memref_slice %arg9[%dma_wait3A_227, %dma_wait3A_228, %dma_wait3A_229] : memref<8x128x16xf32, #tpu.memory_space<vmem>> -> memref<1x128x16xf32, #tpu.memory_space<vmem>>
      %dma_wait3A_231 = tpu.memref_squeeze %dma_wait3A_230 : memref<1x128x16xf32, #tpu.memory_space<vmem>> -> memref<128x16xf32, #tpu.memory_space<vmem>>
      %dma_wait3A_232 = arith.constant 0 : i32
      %dma_wait3A_233 = tpu.memref_slice %arg7[%add3A_226, %dma_wait3A_232] : memref<80x128xi32, #tpu.memory_space<vmem>> -> memref<1x128xi32, #tpu.memory_space<vmem>>
      %dma_wait3A_234 = tpu.memref_squeeze %dma_wait3A_233 : memref<1x128xi32, #tpu.memory_space<vmem>> -> memref<128xi32, #tpu.memory_space<vmem>>
      %dma_wait3A_235 = arith.constant 0 : i32
      %dma_wait3A_236 = arith.constant 0 : i32
      %dma_wait3A_237 = tpu.memref_slice %arg2[%dma_wait3A_235, %dma_wait3A_236] : memref<10112x16xf32, #tpu.memory_space<hbm>> -> memref<10112x16xf32, #tpu.memory_space<hbm>>
      tpu.wait_indirect_dma semaphore(%arg16 : memref<!tpu.dma_semaphore, #tpu.memory_space<semaphore_mem>>) src(%dma_wait3A_237 : memref<10112x16xf32, #tpu.memory_space<hbm>>) dst(%dma_wait3A_231 : memref<128x16xf32, #tpu.memory_space<vmem>>)
      %run_scoped3A_238 = arith.constant 5 : i32
      "tpu.region"() ({
        %run_scoped3A_286 = tpu.sem_alloc : memref<!tpu.dma_semaphore, #tpu.memory_space<semaphore_mem>>
        %dma_start3A_287 = arith.constant 0 : i32
        %dma_start3A_288 = arith.constant 0 : i32
        %dma_start3A_289 = tpu.memref_slice %arg9[%run_scoped3A_238, %dma_start3A_287, %dma_start3A_288] : memref<8x128x16xf32, #tpu.memory_space<vmem>> -> memref<1x128x16xf32, #tpu.memory_space<vmem>>
        %dma_start3A_290 = tpu.memref_squeeze %dma_start3A_289 : memref<1x128x16xf32, #tpu.memory_space<vmem>> -> memref<128x16xf32, #tpu.memory_space<vmem>>
        %dma_start3A_291 = arith.constant 0 : i32
        %dma_start3A_292 = tpu.memref_slice %arg8[%add3A_226, %dma_start3A_291] : memref<80x128xi32, #tpu.memory_space<vmem>> -> memref<1x128xi32, #tpu.memory_space<vmem>>
        %dma_start3A_293 = tpu.memref_squeeze %dma_start3A_292 : memref<1x128xi32, #tpu.memory_space<vmem>> -> memref<128xi32, #tpu.memory_space<vmem>>
        %dma_start3A_294 = arith.constant 0 : i32
        %dma_start3A_295 = arith.constant 0 : i32
        %dma_start3A_296 = tpu.memref_slice %arg10[%dma_start3A_294, %dma_start3A_295] : memref<10112x16xf32, #tpu.memory_space<vmem_shared>> -> memref<10112x16xf32, #tpu.memory_space<vmem_shared>>
        tpu.enqueue_indirect_dma source(%dma_start3A_290 : memref<128x16xf32, #tpu.memory_space<vmem>>) target(%dma_start3A_296 : memref<10112x16xf32, #tpu.memory_space<vmem_shared>>) offsets(%dma_start3A_293 : memref<128xi32, #tpu.memory_space<vmem>>) semaphore(%run_scoped3A_286 : memref<!tpu.dma_semaphore, #tpu.memory_space<semaphore_mem>>) {add = true}
        %dma_wait3A_297 = arith.constant 0 : i32
        %dma_wait3A_298 = arith.constant 0 : i32
        %dma_wait3A_299 = tpu.memref_slice %arg9[%run_scoped3A_238, %dma_wait3A_297, %dma_wait3A_298] : memref<8x128x16xf32, #tpu.memory_space<vmem>> -> memref<1x128x16xf32, #tpu.memory_space<vmem>>
        %dma_wait3A_300 = tpu.memref_squeeze %dma_wait3A_299 : memref<1x128x16xf32, #tpu.memory_space<vmem>> -> memref<128x16xf32, #tpu.memory_space<vmem>>
        %dma_wait3A_301 = arith.constant 0 : i32
        %dma_wait3A_302 = tpu.memref_slice %arg8[%add3A_226, %dma_wait3A_301] : memref<80x128xi32, #tpu.memory_space<vmem>> -> memref<1x128xi32, #tpu.memory_space<vmem>>
        %dma_wait3A_303 = tpu.memref_squeeze %dma_wait3A_302 : memref<1x128xi32, #tpu.memory_space<vmem>> -> memref<128xi32, #tpu.memory_space<vmem>>
        %dma_wait3A_304 = arith.constant 0 : i32
        %dma_wait3A_305 = arith.constant 0 : i32
        %dma_wait3A_306 = tpu.memref_slice %arg10[%dma_wait3A_304, %dma_wait3A_305] : memref<10112x16xf32, #tpu.memory_space<vmem_shared>> -> memref<10112x16xf32, #tpu.memory_space<vmem_shared>>
        tpu.wait_indirect_dma semaphore(%run_scoped3A_286 : memref<!tpu.dma_semaphore, #tpu.memory_space<semaphore_mem>>) src(%dma_wait3A_300 : memref<128x16xf32, #tpu.memory_space<vmem>>) dst(%dma_wait3A_306 : memref<10112x16xf32, #tpu.memory_space<vmem_shared>>)
        tpu.yield
      }) : () -> ()
      %lt3A_239 = arith.constant 9 : i32
      %lt3A_240 = arith.cmpi slt, %scan3A_120, %lt3A_239 : i32
      %convert_element_type3A_241 = arith.extui %lt3A_240 : i1 to i32
      %cond3A_242 = arith.constant 0 : i32
      %cond3A_243 = arith.cmpi ne, %convert_element_type3A_241, %cond3A_242 : i32
      scf.if %cond3A_243 {
        %add3A_286 = arith.constant 8 : i32
        %add3A_287 = arith.addi %add3A_226, %add3A_286 : i32
        %dma_start3A_288 = arith.constant 5 : i32
        %dma_start3A_289 = arith.constant 0 : i32
        %dma_start3A_290 = arith.constant 0 : i32
        %dma_start3A_291 = tpu.memref_slice %arg9[%dma_start3A_288, %dma_start3A_289, %dma_start3A_290] : memref<8x128x16xf32, #tpu.memory_space<vmem>> -> memref<1x128x16xf32, #tpu.memory_space<vmem>>
        %dma_start3A_292 = tpu.memref_squeeze %dma_start3A_291 : memref<1x128x16xf32, #tpu.memory_space<vmem>> -> memref<128x16xf32, #tpu.memory_space<vmem>>
        %dma_start3A_293 = arith.constant 0 : i32
        %dma_start3A_294 = tpu.memref_slice %arg7[%add3A_287, %dma_start3A_293] : memref<80x128xi32, #tpu.memory_space<vmem>> -> memref<1x128xi32, #tpu.memory_space<vmem>>
        %dma_start3A_295 = tpu.memref_squeeze %dma_start3A_294 : memref<1x128xi32, #tpu.memory_space<vmem>> -> memref<128xi32, #tpu.memory_space<vmem>>
        %dma_start3A_296 = arith.constant 0 : i32
        %dma_start3A_297 = arith.constant 0 : i32
        %dma_start3A_298 = tpu.memref_slice %arg2[%dma_start3A_296, %dma_start3A_297] : memref<10112x16xf32, #tpu.memory_space<hbm>> -> memref<10112x16xf32, #tpu.memory_space<hbm>>
        tpu.enqueue_indirect_dma source(%dma_start3A_298 : memref<10112x16xf32, #tpu.memory_space<hbm>>) target(%dma_start3A_292 : memref<128x16xf32, #tpu.memory_space<vmem>>) offsets(%dma_start3A_295 : memref<128xi32, #tpu.memory_space<vmem>>) semaphore(%arg16 : memref<!tpu.dma_semaphore, #tpu.memory_space<semaphore_mem>>)
      } else {
      }
      %mul3A_244 = arith.constant 8 : i32
      %mul3A_245 = arith.muli %scan3A_120, %mul3A_244 : i32
      %add3A_246 = arith.constant 6 : i32
      %add3A_247 = arith.addi %mul3A_245, %add3A_246 : i32
      %dma_wait3A_248 = arith.constant 6 : i32
      %dma_wait3A_249 = arith.constant 0 : i32
      %dma_wait3A_250 = arith.constant 0 : i32
      %dma_wait3A_251 = tpu.memref_slice %arg9[%dma_wait3A_248, %dma_wait3A_249, %dma_wait3A_250] : memref<8x128x16xf32, #tpu.memory_space<vmem>> -> memref<1x128x16xf32, #tpu.memory_space<vmem>>
      %dma_wait3A_252 = tpu.memref_squeeze %dma_wait3A_251 : memref<1x128x16xf32, #tpu.memory_space<vmem>> -> memref<128x16xf32, #tpu.memory_space<vmem>>
      %dma_wait3A_253 = arith.constant 0 : i32
      %dma_wait3A_254 = tpu.memref_slice %arg7[%add3A_247, %dma_wait3A_253] : memref<80x128xi32, #tpu.memory_space<vmem>> -> memref<1x128xi32, #tpu.memory_space<vmem>>
      %dma_wait3A_255 = tpu.memref_squeeze %dma_wait3A_254 : memref<1x128xi32, #tpu.memory_space<vmem>> -> memref<128xi32, #tpu.memory_space<vmem>>
      %dma_wait3A_256 = arith.constant 0 : i32
      %dma_wait3A_257 = arith.constant 0 : i32
      %dma_wait3A_258 = tpu.memref_slice %arg2[%dma_wait3A_256, %dma_wait3A_257] : memref<10112x16xf32, #tpu.memory_space<hbm>> -> memref<10112x16xf32, #tpu.memory_space<hbm>>
      tpu.wait_indirect_dma semaphore(%arg17 : memref<!tpu.dma_semaphore, #tpu.memory_space<semaphore_mem>>) src(%dma_wait3A_258 : memref<10112x16xf32, #tpu.memory_space<hbm>>) dst(%dma_wait3A_252 : memref<128x16xf32, #tpu.memory_space<vmem>>)
      %run_scoped3A_259 = arith.constant 6 : i32
      "tpu.region"() ({
        %run_scoped3A_286 = tpu.sem_alloc : memref<!tpu.dma_semaphore, #tpu.memory_space<semaphore_mem>>
        %dma_start3A_287 = arith.constant 0 : i32
        %dma_start3A_288 = arith.constant 0 : i32
        %dma_start3A_289 = tpu.memref_slice %arg9[%run_scoped3A_259, %dma_start3A_287, %dma_start3A_288] : memref<8x128x16xf32, #tpu.memory_space<vmem>> -> memref<1x128x16xf32, #tpu.memory_space<vmem>>
        %dma_start3A_290 = tpu.memref_squeeze %dma_start3A_289 : memref<1x128x16xf32, #tpu.memory_space<vmem>> -> memref<128x16xf32, #tpu.memory_space<vmem>>
        %dma_start3A_291 = arith.constant 0 : i32
        %dma_start3A_292 = tpu.memref_slice %arg8[%add3A_247, %dma_start3A_291] : memref<80x128xi32, #tpu.memory_space<vmem>> -> memref<1x128xi32, #tpu.memory_space<vmem>>
        %dma_start3A_293 = tpu.memref_squeeze %dma_start3A_292 : memref<1x128xi32, #tpu.memory_space<vmem>> -> memref<128xi32, #tpu.memory_space<vmem>>
        %dma_start3A_294 = arith.constant 0 : i32
        %dma_start3A_295 = arith.constant 0 : i32
        %dma_start3A_296 = tpu.memref_slice %arg10[%dma_start3A_294, %dma_start3A_295] : memref<10112x16xf32, #tpu.memory_space<vmem_shared>> -> memref<10112x16xf32, #tpu.memory_space<vmem_shared>>
        tpu.enqueue_indirect_dma source(%dma_start3A_290 : memref<128x16xf32, #tpu.memory_space<vmem>>) target(%dma_start3A_296 : memref<10112x16xf32, #tpu.memory_space<vmem_shared>>) offsets(%dma_start3A_293 : memref<128xi32, #tpu.memory_space<vmem>>) semaphore(%run_scoped3A_286 : memref<!tpu.dma_semaphore, #tpu.memory_space<semaphore_mem>>) {add = true}
        %dma_wait3A_297 = arith.constant 0 : i32
        %dma_wait3A_298 = arith.constant 0 : i32
        %dma_wait3A_299 = tpu.memref_slice %arg9[%run_scoped3A_259, %dma_wait3A_297, %dma_wait3A_298] : memref<8x128x16xf32, #tpu.memory_space<vmem>> -> memref<1x128x16xf32, #tpu.memory_space<vmem>>
        %dma_wait3A_300 = tpu.memref_squeeze %dma_wait3A_299 : memref<1x128x16xf32, #tpu.memory_space<vmem>> -> memref<128x16xf32, #tpu.memory_space<vmem>>
        %dma_wait3A_301 = arith.constant 0 : i32
        %dma_wait3A_302 = tpu.memref_slice %arg8[%add3A_247, %dma_wait3A_301] : memref<80x128xi32, #tpu.memory_space<vmem>> -> memref<1x128xi32, #tpu.memory_space<vmem>>
        %dma_wait3A_303 = tpu.memref_squeeze %dma_wait3A_302 : memref<1x128xi32, #tpu.memory_space<vmem>> -> memref<128xi32, #tpu.memory_space<vmem>>
        %dma_wait3A_304 = arith.constant 0 : i32
        %dma_wait3A_305 = arith.constant 0 : i32
        %dma_wait3A_306 = tpu.memref_slice %arg10[%dma_wait3A_304, %dma_wait3A_305] : memref<10112x16xf32, #tpu.memory_space<vmem_shared>> -> memref<10112x16xf32, #tpu.memory_space<vmem_shared>>
        tpu.wait_indirect_dma semaphore(%run_scoped3A_286 : memref<!tpu.dma_semaphore, #tpu.memory_space<semaphore_mem>>) src(%dma_wait3A_300 : memref<128x16xf32, #tpu.memory_space<vmem>>) dst(%dma_wait3A_306 : memref<10112x16xf32, #tpu.memory_space<vmem_shared>>)
        tpu.yield
      }) : () -> ()
      %lt3A_260 = arith.constant 9 : i32
      %lt3A_261 = arith.cmpi slt, %scan3A_120, %lt3A_260 : i32
      %convert_element_type3A_262 = arith.extui %lt3A_261 : i1 to i32
      %cond3A_263 = arith.constant 0 : i32
      %cond3A_264 = arith.cmpi ne, %convert_element_type3A_262, %cond3A_263 : i32
      scf.if %cond3A_264 {
        %add3A_286 = arith.constant 8 : i32
        %add3A_287 = arith.addi %add3A_247, %add3A_286 : i32
        %dma_start3A_288 = arith.constant 6 : i32
        %dma_start3A_289 = arith.constant 0 : i32
        %dma_start3A_290 = arith.constant 0 : i32
        %dma_start3A_291 = tpu.memref_slice %arg9[%dma_start3A_288, %dma_start3A_289, %dma_start3A_290] : memref<8x128x16xf32, #tpu.memory_space<vmem>> -> memref<1x128x16xf32, #tpu.memory_space<vmem>>
        %dma_start3A_292 = tpu.memref_squeeze %dma_start3A_291 : memref<1x128x16xf32, #tpu.memory_space<vmem>> -> memref<128x16xf32, #tpu.memory_space<vmem>>
        %dma_start3A_293 = arith.constant 0 : i32
        %dma_start3A_294 = tpu.memref_slice %arg7[%add3A_287, %dma_start3A_293] : memref<80x128xi32, #tpu.memory_space<vmem>> -> memref<1x128xi32, #tpu.memory_space<vmem>>
        %dma_start3A_295 = tpu.memref_squeeze %dma_start3A_294 : memref<1x128xi32, #tpu.memory_space<vmem>> -> memref<128xi32, #tpu.memory_space<vmem>>
        %dma_start3A_296 = arith.constant 0 : i32
        %dma_start3A_297 = arith.constant 0 : i32
        %dma_start3A_298 = tpu.memref_slice %arg2[%dma_start3A_296, %dma_start3A_297] : memref<10112x16xf32, #tpu.memory_space<hbm>> -> memref<10112x16xf32, #tpu.memory_space<hbm>>
        tpu.enqueue_indirect_dma source(%dma_start3A_298 : memref<10112x16xf32, #tpu.memory_space<hbm>>) target(%dma_start3A_292 : memref<128x16xf32, #tpu.memory_space<vmem>>) offsets(%dma_start3A_295 : memref<128xi32, #tpu.memory_space<vmem>>) semaphore(%arg17 : memref<!tpu.dma_semaphore, #tpu.memory_space<semaphore_mem>>)
      } else {
      }
      %mul3A_265 = arith.constant 8 : i32
      %mul3A_266 = arith.muli %scan3A_120, %mul3A_265 : i32
      %add3A_267 = arith.constant 7 : i32
      %add3A_268 = arith.addi %mul3A_266, %add3A_267 : i32
      %dma_wait3A_269 = arith.constant 7 : i32
      %dma_wait3A_270 = arith.constant 0 : i32
      %dma_wait3A_271 = arith.constant 0 : i32
      %dma_wait3A_272 = tpu.memref_slice %arg9[%dma_wait3A_269, %dma_wait3A_270, %dma_wait3A_271] : memref<8x128x16xf32, #tpu.memory_space<vmem>> -> memref<1x128x16xf32, #tpu.memory_space<vmem>>
      %dma_wait3A_273 = tpu.memref_squeeze %dma_wait3A_272 : memref<1x128x16xf32, #tpu.memory_space<vmem>> -> memref<128x16xf32, #tpu.memory_space<vmem>>
      %dma_wait3A_274 = arith.constant 0 : i32
      %dma_wait3A_275 = tpu.memref_slice %arg7[%add3A_268, %dma_wait3A_274] : memref<80x128xi32, #tpu.memory_space<vmem>> -> memref<1x128xi32, #tpu.memory_space<vmem>>
      %dma_wait3A_276 = tpu.memref_squeeze %dma_wait3A_275 : memref<1x128xi32, #tpu.memory_space<vmem>> -> memref<128xi32, #tpu.memory_space<vmem>>
      %dma_wait3A_277 = arith.constant 0 : i32
      %dma_wait3A_278 = arith.constant 0 : i32
      %dma_wait3A_279 = tpu.memref_slice %arg2[%dma_wait3A_277, %dma_wait3A_278] : memref<10112x16xf32, #tpu.memory_space<hbm>> -> memref<10112x16xf32, #tpu.memory_space<hbm>>
      tpu.wait_indirect_dma semaphore(%arg18 : memref<!tpu.dma_semaphore, #tpu.memory_space<semaphore_mem>>) src(%dma_wait3A_279 : memref<10112x16xf32, #tpu.memory_space<hbm>>) dst(%dma_wait3A_273 : memref<128x16xf32, #tpu.memory_space<vmem>>)
      %run_scoped3A_280 = arith.constant 7 : i32
      "tpu.region"() ({
        %run_scoped3A_286 = tpu.sem_alloc : memref<!tpu.dma_semaphore, #tpu.memory_space<semaphore_mem>>
        %dma_start3A_287 = arith.constant 0 : i32
        %dma_start3A_288 = arith.constant 0 : i32
        %dma_start3A_289 = tpu.memref_slice %arg9[%run_scoped3A_280, %dma_start3A_287, %dma_start3A_288] : memref<8x128x16xf32, #tpu.memory_space<vmem>> -> memref<1x128x16xf32, #tpu.memory_space<vmem>>
        %dma_start3A_290 = tpu.memref_squeeze %dma_start3A_289 : memref<1x128x16xf32, #tpu.memory_space<vmem>> -> memref<128x16xf32, #tpu.memory_space<vmem>>
        %dma_start3A_291 = arith.constant 0 : i32
        %dma_start3A_292 = tpu.memref_slice %arg8[%add3A_268, %dma_start3A_291] : memref<80x128xi32, #tpu.memory_space<vmem>> -> memref<1x128xi32, #tpu.memory_space<vmem>>
        %dma_start3A_293 = tpu.memref_squeeze %dma_start3A_292 : memref<1x128xi32, #tpu.memory_space<vmem>> -> memref<128xi32, #tpu.memory_space<vmem>>
        %dma_start3A_294 = arith.constant 0 : i32
        %dma_start3A_295 = arith.constant 0 : i32
        %dma_start3A_296 = tpu.memref_slice %arg10[%dma_start3A_294, %dma_start3A_295] : memref<10112x16xf32, #tpu.memory_space<vmem_shared>> -> memref<10112x16xf32, #tpu.memory_space<vmem_shared>>
        tpu.enqueue_indirect_dma source(%dma_start3A_290 : memref<128x16xf32, #tpu.memory_space<vmem>>) target(%dma_start3A_296 : memref<10112x16xf32, #tpu.memory_space<vmem_shared>>) offsets(%dma_start3A_293 : memref<128xi32, #tpu.memory_space<vmem>>) semaphore(%run_scoped3A_286 : memref<!tpu.dma_semaphore, #tpu.memory_space<semaphore_mem>>) {add = true}
        %dma_wait3A_297 = arith.constant 0 : i32
        %dma_wait3A_298 = arith.constant 0 : i32
        %dma_wait3A_299 = tpu.memref_slice %arg9[%run_scoped3A_280, %dma_wait3A_297, %dma_wait3A_298] : memref<8x128x16xf32, #tpu.memory_space<vmem>> -> memref<1x128x16xf32, #tpu.memory_space<vmem>>
        %dma_wait3A_300 = tpu.memref_squeeze %dma_wait3A_299 : memref<1x128x16xf32, #tpu.memory_space<vmem>> -> memref<128x16xf32, #tpu.memory_space<vmem>>
        %dma_wait3A_301 = arith.constant 0 : i32
        %dma_wait3A_302 = tpu.memref_slice %arg8[%add3A_268, %dma_wait3A_301] : memref<80x128xi32, #tpu.memory_space<vmem>> -> memref<1x128xi32, #tpu.memory_space<vmem>>
        %dma_wait3A_303 = tpu.memref_squeeze %dma_wait3A_302 : memref<1x128xi32, #tpu.memory_space<vmem>> -> memref<128xi32, #tpu.memory_space<vmem>>
        %dma_wait3A_304 = arith.constant 0 : i32
        %dma_wait3A_305 = arith.constant 0 : i32
        %dma_wait3A_306 = tpu.memref_slice %arg10[%dma_wait3A_304, %dma_wait3A_305] : memref<10112x16xf32, #tpu.memory_space<vmem_shared>> -> memref<10112x16xf32, #tpu.memory_space<vmem_shared>>
        tpu.wait_indirect_dma semaphore(%run_scoped3A_286 : memref<!tpu.dma_semaphore, #tpu.memory_space<semaphore_mem>>) src(%dma_wait3A_300 : memref<128x16xf32, #tpu.memory_space<vmem>>) dst(%dma_wait3A_306 : memref<10112x16xf32, #tpu.memory_space<vmem_shared>>)
        tpu.yield
      }) : () -> ()
      %lt3A_281 = arith.constant 9 : i32
      %lt3A_282 = arith.cmpi slt, %scan3A_120, %lt3A_281 : i32
      %convert_element_type3A_283 = arith.extui %lt3A_282 : i1 to i32
      %cond3A_284 = arith.constant 0 : i32
      %cond3A_285 = arith.cmpi ne, %convert_element_type3A_283, %cond3A_284 : i32
      scf.if %cond3A_285 {
        %add3A_286 = arith.constant 8 : i32
        %add3A_287 = arith.addi %add3A_268, %add3A_286 : i32
        %dma_start3A_288 = arith.constant 7 : i32
        %dma_start3A_289 = arith.constant 0 : i32
        %dma_start3A_290 = arith.constant 0 : i32
        %dma_start3A_291 = tpu.memref_slice %arg9[%dma_start3A_288, %dma_start3A_289, %dma_start3A_290] : memref<8x128x16xf32, #tpu.memory_space<vmem>> -> memref<1x128x16xf32, #tpu.memory_space<vmem>>
        %dma_start3A_292 = tpu.memref_squeeze %dma_start3A_291 : memref<1x128x16xf32, #tpu.memory_space<vmem>> -> memref<128x16xf32, #tpu.memory_space<vmem>>
        %dma_start3A_293 = arith.constant 0 : i32
        %dma_start3A_294 = tpu.memref_slice %arg7[%add3A_287, %dma_start3A_293] : memref<80x128xi32, #tpu.memory_space<vmem>> -> memref<1x128xi32, #tpu.memory_space<vmem>>
        %dma_start3A_295 = tpu.memref_squeeze %dma_start3A_294 : memref<1x128xi32, #tpu.memory_space<vmem>> -> memref<128xi32, #tpu.memory_space<vmem>>
        %dma_start3A_296 = arith.constant 0 : i32
        %dma_start3A_297 = arith.constant 0 : i32
        %dma_start3A_298 = tpu.memref_slice %arg2[%dma_start3A_296, %dma_start3A_297] : memref<10112x16xf32, #tpu.memory_space<hbm>> -> memref<10112x16xf32, #tpu.memory_space<hbm>>
        tpu.enqueue_indirect_dma source(%dma_start3A_298 : memref<10112x16xf32, #tpu.memory_space<hbm>>) target(%dma_start3A_292 : memref<128x16xf32, #tpu.memory_space<vmem>>) offsets(%dma_start3A_295 : memref<128xi32, #tpu.memory_space<vmem>>) semaphore(%arg18 : memref<!tpu.dma_semaphore, #tpu.memory_space<semaphore_mem>>)
      } else {
      }
    }
    %scan3A_111 = arith.constant 10 : i32
    %barrier3A_112 = arith.constant 0 : index
    tpu.barrier barrier_id(%barrier3A_112)
    %mul3A_113 = arith.constant 632 : i32
    %mul3A_114 = arith.muli %arg1, %mul3A_113 : i32
    %mul3A_115 = arith.constant 10112 : i32
    %mul3A_116 = arith.muli %arg0, %mul3A_115 : i32
    %mul3A_117 = arith.constant 632 : i32
    %mul3A_118 = arith.muli %arg1, %mul3A_117 : i32
    %add3A_119 = arith.addi %mul3A_116, %mul3A_118 : i32
    "tpu.region"() ({
      %run_scoped3A = tpu.sem_alloc : memref<!tpu.dma_semaphore, #tpu.memory_space<semaphore_mem>>
      %dma_start3A_120 = arith.constant 0 : i32
      %dma_start3A_121 = tpu.memref_slice %arg6[%add3A_119, %dma_start3A_120] : memref<20224x16xf32, #tpu.memory_space<hbm>> -> memref<632x16xf32, #tpu.memory_space<hbm>>
      %dma_start3A_122 = arith.constant 0 : i32
      %dma_start3A_123 = tpu.memref_slice %arg10[%mul3A_114, %dma_start3A_122] : memref<10112x16xf32, #tpu.memory_space<vmem_shared>> -> memref<632x16xf32, #tpu.memory_space<vmem_shared>>
      tpu.enqueue_dma source(%dma_start3A_123 : memref<632x16xf32, #tpu.memory_space<vmem_shared>>) target(%dma_start3A_121 : memref<632x16xf32, #tpu.memory_space<hbm>>) target_semaphore(%run_scoped3A : memref<!tpu.dma_semaphore, #tpu.memory_space<semaphore_mem>>)
      %dma_wait3A = arith.constant 0 : i32
      %dma_wait3A_124 = tpu.memref_slice %arg6[%add3A_119, %dma_wait3A] : memref<20224x16xf32, #tpu.memory_space<hbm>> -> memref<632x16xf32, #tpu.memory_space<hbm>>
      %dma_wait3A_125 = arith.constant 0 : i32
      %dma_wait3A_126 = tpu.memref_slice %arg10[%mul3A_114, %dma_wait3A_125] : memref<10112x16xf32, #tpu.memory_space<vmem_shared>> -> memref<632x16xf32, #tpu.memory_space<vmem_shared>>
      tpu.wait_dma2 semaphore(%run_scoped3A : memref<!tpu.dma_semaphore, #tpu.memory_space<semaphore_mem>>) src(%dma_wait3A_126 : memref<632x16xf32, #tpu.memory_space<vmem_shared>>) dst(%dma_wait3A_124 : memref<632x16xf32, #tpu.memory_space<hbm>>)
      tpu.yield
    }) : () -> ()
    return
  }
}

#map = affine_map<(d0, d1) -> (0, 0)>
module attributes {stable_mosaic.version = 14 : i64} {
  func.func @_sc_agg(%arg0: i32, %arg1: i32, %arg2: memref<10112x16xf32, #tpu.memory_space<hbm>>, %arg3: memref<2560x128xi32, #tpu.memory_space<hbm>>, %arg4: memref<2560x128xi32, #tpu.memory_space<hbm>>, %arg5: memref<760x16xf32, #tpu.memory_space<hbm>>, %arg6: memref<20224x16xf32, #tpu.memory_space<hbm>>, %arg7: memref<80x128xi32, #tpu.memory_space<vmem>>, %arg8: memref<80x128xi32, #tpu.memory_space<vmem>>, %arg9: memref<8x128x16xf32, #tpu.memory_space<vmem>>, %arg10: memref<10112x16xf32, #tpu.memory_space<vmem_shared>>, %arg11: memref<!tpu.dma_semaphore, #tpu.memory_space<semaphore_mem>>, %arg12: memref<!tpu.dma_semaphore, #tpu.memory_space<semaphore_mem>>, %arg13: memref<!tpu.dma_semaphore, #tpu.memory_space<semaphore_mem>>, %arg14: memref<!tpu.dma_semaphore, #tpu.memory_space<semaphore_mem>>, %arg15: memref<!tpu.dma_semaphore, #tpu.memory_space<semaphore_mem>>, %arg16: memref<!tpu.dma_semaphore, #tpu.memory_space<semaphore_mem>>, %arg17: memref<!tpu.dma_semaphore, #tpu.memory_space<semaphore_mem>>, %arg18: memref<!tpu.dma_semaphore, #tpu.memory_space<semaphore_mem>>) attributes {dimension_semantics = [#tpu.dimension_semantics<core_parallel>, #tpu.dimension_semantics<subcore_parallel>], iteration_bounds = array<i64: 2, 16>, scalar_prefetch = 0 : i64, scratch_operands = 12 : i64, tpu.core_type = #tpu.core_type<sc_vector_subcore>, window_params = [{transform_indices = #map}, {transform_indices = #map}, {transform_indices = #map}, {transform_indices = #map}, {transform_indices = #map}]} {
    %mul3A = arith.constant 16 : i32
    %mul3A_0 = arith.muli %arg0, %mul3A : i32
    %add3A = arith.addi %mul3A_0, %arg1 : i32
    %eq3A = arith.constant 0 : i32
    %eq3A_1 = arith.cmpi eq, %arg0, %eq3A : i32
    %convert_element_type3A = arith.extui %eq3A_1 : i1 to i32
    %cond3A = arith.constant 0 : i32
    %cond3A_2 = arith.cmpi ne, %convert_element_type3A, %cond3A : i32
    scf.if %cond3A_2 {
      %mul3A_120 = arith.constant 632 : i32
      %mul3A_121 = arith.muli %arg1, %mul3A_120 : i32
      %mul3A_122 = arith.constant 632 : i32
      %mul3A_123 = arith.muli %arg1, %mul3A_122 : i32
      "tpu.region"() ({
        %run_scoped3A = tpu.sem_alloc : memref<!tpu.dma_semaphore, #tpu.memory_space<semaphore_mem>>
        %dma_start3A_124 = arith.constant 0 : i32
        %dma_start3A_125 = tpu.memref_slice %arg10[%mul3A_123, %dma_start3A_124] : memref<10112x16xf32, #tpu.memory_space<vmem_shared>> -> memref<632x16xf32, #tpu.memory_space<vmem_shared>>
        %dma_start3A_126 = arith.constant 0 : i32
        %dma_start3A_127 = tpu.memref_slice %arg2[%mul3A_121, %dma_start3A_126] : memref<10112x16xf32, #tpu.memory_space<hbm>> -> memref<632x16xf32, #tpu.memory_space<hbm>>
        tpu.enqueue_dma source(%dma_start3A_127 : memref<632x16xf32, #tpu.memory_space<hbm>>) target(%dma_start3A_125 : memref<632x16xf32, #tpu.memory_space<vmem_shared>>) target_semaphore(%run_scoped3A : memref<!tpu.dma_semaphore, #tpu.memory_space<semaphore_mem>>)
        %dma_wait3A = arith.constant 0 : i32
        %dma_wait3A_128 = tpu.memref_slice %arg10[%mul3A_123, %dma_wait3A] : memref<10112x16xf32, #tpu.memory_space<vmem_shared>> -> memref<632x16xf32, #tpu.memory_space<vmem_shared>>
        %dma_wait3A_129 = arith.constant 0 : i32
        %dma_wait3A_130 = tpu.memref_slice %arg2[%mul3A_121, %dma_wait3A_129] : memref<10112x16xf32, #tpu.memory_space<hbm>> -> memref<632x16xf32, #tpu.memory_space<hbm>>
        tpu.wait_dma2 semaphore(%run_scoped3A : memref<!tpu.dma_semaphore, #tpu.memory_space<semaphore_mem>>) src(%dma_wait3A_130 : memref<632x16xf32, #tpu.memory_space<hbm>>) dst(%dma_wait3A_128 : memref<632x16xf32, #tpu.memory_space<vmem_shared>>)
        tpu.yield
      }) : () -> ()
    } else {
    }
    %eq3A_3 = arith.constant 1 : i32
    %eq3A_4 = arith.cmpi eq, %arg0, %eq3A_3 : i32
    %convert_element_type3A_5 = arith.extui %eq3A_4 : i1 to i32
    %cond3A_6 = arith.constant 0 : i32
    %cond3A_7 = arith.cmpi ne, %convert_element_type3A_5, %cond3A_6 : i32
    scf.if %cond3A_7 {
      %mul3A_120 = arith.constant 632 : i32
      %mul3A_121 = arith.muli %arg1, %mul3A_120 : i32
      "tpu.region"() ({
        %run_scoped3A = tpu.sem_alloc : memref<!tpu.dma_semaphore, #tpu.memory_space<semaphore_mem>>
        %dma_start3A_122 = arith.constant 0 : i32
        %dma_start3A_123 = tpu.memref_slice %arg10[%mul3A_121, %dma_start3A_122] : memref<10112x16xf32, #tpu.memory_space<vmem_shared>> -> memref<632x16xf32, #tpu.memory_space<vmem_shared>>
        %dma_start3A_124 = arith.constant 0 : i32
        %dma_start3A_125 = arith.constant 0 : i32
        %dma_start3A_126 = tpu.memref_slice %arg5[%dma_start3A_124, %dma_start3A_125] : memref<760x16xf32, #tpu.memory_space<hbm>> -> memref<632x16xf32, #tpu.memory_space<hbm>>
        tpu.enqueue_dma source(%dma_start3A_126 : memref<632x16xf32, #tpu.memory_space<hbm>>) target(%dma_start3A_123 : memref<632x16xf32, #tpu.memory_space<vmem_shared>>) target_semaphore(%run_scoped3A : memref<!tpu.dma_semaphore, #tpu.memory_space<semaphore_mem>>)
        %dma_wait3A = arith.constant 0 : i32
        %dma_wait3A_127 = tpu.memref_slice %arg10[%mul3A_121, %dma_wait3A] : memref<10112x16xf32, #tpu.memory_space<vmem_shared>> -> memref<632x16xf32, #tpu.memory_space<vmem_shared>>
        %dma_wait3A_128 = arith.constant 0 : i32
        %dma_wait3A_129 = arith.constant 0 : i32
        %dma_wait3A_130 = tpu.memref_slice %arg5[%dma_wait3A_128, %dma_wait3A_129] : memref<760x16xf32, #tpu.memory_space<hbm>> -> memref<632x16xf32, #tpu.memory_space<hbm>>
        tpu.wait_dma2 semaphore(%run_scoped3A : memref<!tpu.dma_semaphore, #tpu.memory_space<semaphore_mem>>) src(%dma_wait3A_130 : memref<632x16xf32, #tpu.memory_space<hbm>>) dst(%dma_wait3A_127 : memref<632x16xf32, #tpu.memory_space<vmem_shared>>)
        tpu.yield
      }) : () -> ()
    } else {
    }
    %mul3A_8 = arith.constant 80 : i32
    %mul3A_9 = arith.muli %add3A, %mul3A_8 : i32
    "tpu.region"() ({
      %run_scoped3A = tpu.sem_alloc : memref<!tpu.dma_semaphore, #tpu.memory_space<semaphore_mem>>
      %dma_start3A_120 = arith.constant 0 : i32
      %dma_start3A_121 = tpu.memref_slice %arg3[%mul3A_9, %dma_start3A_120] : memref<2560x128xi32, #tpu.memory_space<hbm>> -> memref<80x128xi32, #tpu.memory_space<hbm>>
      %dma_start3A_122 = arith.constant 0 : i32
      %dma_start3A_123 = tpu.memref_slice %arg3[%mul3A_9, %dma_start3A_122] : memref<2560x128xi32, #tpu.memory_space<hbm>> -> memref<80x128xi32, #tpu.memory_space<hbm>>
      tpu.enqueue_dma source(%dma_start3A_123 : memref<80x128xi32, #tpu.memory_space<hbm>>) target(%arg7 : memref<80x128xi32, #tpu.memory_space<vmem>>) target_semaphore(%run_scoped3A : memref<!tpu.dma_semaphore, #tpu.memory_space<semaphore_mem>>)
      %dma_wait3A = arith.constant 0 : i32
      %dma_wait3A_124 = tpu.memref_slice %arg3[%mul3A_9, %dma_wait3A] : memref<2560x128xi32, #tpu.memory_space<hbm>> -> memref<80x128xi32, #tpu.memory_space<hbm>>
      %dma_wait3A_125 = arith.constant 0 : i32
      %dma_wait3A_126 = tpu.memref_slice %arg3[%mul3A_9, %dma_wait3A_125] : memref<2560x128xi32, #tpu.memory_space<hbm>> -> memref<80x128xi32, #tpu.memory_space<hbm>>
      tpu.wait_dma2 semaphore(%run_scoped3A : memref<!tpu.dma_semaphore, #tpu.memory_space<semaphore_mem>>) src(%dma_wait3A_126 : memref<80x128xi32, #tpu.memory_space<hbm>>) dst(%arg7 : memref<80x128xi32, #tpu.memory_space<vmem>>)
      tpu.yield
    }) : () -> ()
    %mul3A_10 = arith.constant 80 : i32
    %mul3A_11 = arith.muli %add3A, %mul3A_10 : i32
    "tpu.region"() ({
      %run_scoped3A = tpu.sem_alloc : memref<!tpu.dma_semaphore, #tpu.memory_space<semaphore_mem>>
      %dma_start3A_120 = arith.constant 0 : i32
      %dma_start3A_121 = tpu.memref_slice %arg4[%mul3A_11, %dma_start3A_120] : memref<2560x128xi32, #tpu.memory_space<hbm>> -> memref<80x128xi32, #tpu.memory_space<hbm>>
      %dma_start3A_122 = arith.constant 0 : i32
      %dma_start3A_123 = tpu.memref_slice %arg4[%mul3A_11, %dma_start3A_122] : memref<2560x128xi32, #tpu.memory_space<hbm>> -> memref<80x128xi32, #tpu.memory_space<hbm>>
      tpu.enqueue_dma source(%dma_start3A_123 : memref<80x128xi32, #tpu.memory_space<hbm>>) target(%arg8 : memref<80x128xi32, #tpu.memory_space<vmem>>) target_semaphore(%run_scoped3A : memref<!tpu.dma_semaphore, #tpu.memory_space<semaphore_mem>>)
      %dma_wait3A = arith.constant 0 : i32
      %dma_wait3A_124 = tpu.memref_slice %arg4[%mul3A_11, %dma_wait3A] : memref<2560x128xi32, #tpu.memory_space<hbm>> -> memref<80x128xi32, #tpu.memory_space<hbm>>
      %dma_wait3A_125 = arith.constant 0 : i32
      %dma_wait3A_126 = tpu.memref_slice %arg4[%mul3A_11, %dma_wait3A_125] : memref<2560x128xi32, #tpu.memory_space<hbm>> -> memref<80x128xi32, #tpu.memory_space<hbm>>
      tpu.wait_dma2 semaphore(%run_scoped3A : memref<!tpu.dma_semaphore, #tpu.memory_space<semaphore_mem>>) src(%dma_wait3A_126 : memref<80x128xi32, #tpu.memory_space<hbm>>) dst(%arg8 : memref<80x128xi32, #tpu.memory_space<vmem>>)
      tpu.yield
    }) : () -> ()
    %barrier3A = arith.constant 0 : index
    tpu.barrier barrier_id(%barrier3A)
    %dma_start3A = arith.constant 0 : i32
    %dma_start3A_12 = arith.constant 0 : i32
    %dma_start3A_13 = arith.constant 0 : i32
    %dma_start3A_14 = arith.constant 0 : i32
    %dma_start3A_15 = tpu.memref_slice %arg9[%dma_start3A_12, %dma_start3A_13, %dma_start3A_14] : memref<8x128x16xf32, #tpu.memory_space<vmem>> -> memref<1x128x16xf32, #tpu.memory_space<vmem>>
    %dma_start3A_16 = tpu.memref_squeeze %dma_start3A_15 : memref<1x128x16xf32, #tpu.memory_space<vmem>> -> memref<128x16xf32, #tpu.memory_space<vmem>>
    %dma_start3A_17 = arith.constant 0 : i32
    %dma_start3A_18 = tpu.memref_slice %arg7[%dma_start3A, %dma_start3A_17] : memref<80x128xi32, #tpu.memory_space<vmem>> -> memref<1x128xi32, #tpu.memory_space<vmem>>
    %dma_start3A_19 = tpu.memref_squeeze %dma_start3A_18 : memref<1x128xi32, #tpu.memory_space<vmem>> -> memref<128xi32, #tpu.memory_space<vmem>>
    %dma_start3A_20 = arith.constant 0 : i32
    %dma_start3A_21 = arith.constant 0 : i32
    %dma_start3A_22 = tpu.memref_slice %arg2[%dma_start3A_20, %dma_start3A_21] : memref<10112x16xf32, #tpu.memory_space<hbm>> -> memref<10112x16xf32, #tpu.memory_space<hbm>>
    tpu.enqueue_indirect_dma source(%dma_start3A_22 : memref<10112x16xf32, #tpu.memory_space<hbm>>) target(%dma_start3A_16 : memref<128x16xf32, #tpu.memory_space<vmem>>) offsets(%dma_start3A_19 : memref<128xi32, #tpu.memory_space<vmem>>) semaphore(%arg11 : memref<!tpu.dma_semaphore, #tpu.memory_space<semaphore_mem>>)
    %dma_start3A_23 = arith.constant 1 : i32
    %dma_start3A_24 = arith.constant 1 : i32
    %dma_start3A_25 = arith.constant 0 : i32
    %dma_start3A_26 = arith.constant 0 : i32
    %dma_start3A_27 = tpu.memref_slice %arg9[%dma_start3A_24, %dma_start3A_25, %dma_start3A_26] : memref<8x128x16xf32, #tpu.memory_space<vmem>> -> memref<1x128x16xf32, #tpu.memory_space<vmem>>
    %dma_start3A_28 = tpu.memref_squeeze %dma_start3A_27 : memref<1x128x16xf32, #tpu.memory_space<vmem>> -> memref<128x16xf32, #tpu.memory_space<vmem>>
    %dma_start3A_29 = arith.constant 0 : i32
    %dma_start3A_30 = tpu.memref_slice %arg7[%dma_start3A_23, %dma_start3A_29] : memref<80x128xi32, #tpu.memory_space<vmem>> -> memref<1x128xi32, #tpu.memory_space<vmem>>
    %dma_start3A_31 = tpu.memref_squeeze %dma_start3A_30 : memref<1x128xi32, #tpu.memory_space<vmem>> -> memref<128xi32, #tpu.memory_space<vmem>>
    %dma_start3A_32 = arith.constant 0 : i32
    %dma_start3A_33 = arith.constant 0 : i32
    %dma_start3A_34 = tpu.memref_slice %arg2[%dma_start3A_32, %dma_start3A_33] : memref<10112x16xf32, #tpu.memory_space<hbm>> -> memref<10112x16xf32, #tpu.memory_space<hbm>>
    tpu.enqueue_indirect_dma source(%dma_start3A_34 : memref<10112x16xf32, #tpu.memory_space<hbm>>) target(%dma_start3A_28 : memref<128x16xf32, #tpu.memory_space<vmem>>) offsets(%dma_start3A_31 : memref<128xi32, #tpu.memory_space<vmem>>) semaphore(%arg12 : memref<!tpu.dma_semaphore, #tpu.memory_space<semaphore_mem>>)
    %dma_start3A_35 = arith.constant 2 : i32
    %dma_start3A_36 = arith.constant 2 : i32
    %dma_start3A_37 = arith.constant 0 : i32
    %dma_start3A_38 = arith.constant 0 : i32
    %dma_start3A_39 = tpu.memref_slice %arg9[%dma_start3A_36, %dma_start3A_37, %dma_start3A_38] : memref<8x128x16xf32, #tpu.memory_space<vmem>> -> memref<1x128x16xf32, #tpu.memory_space<vmem>>
    %dma_start3A_40 = tpu.memref_squeeze %dma_start3A_39 : memref<1x128x16xf32, #tpu.memory_space<vmem>> -> memref<128x16xf32, #tpu.memory_space<vmem>>
    %dma_start3A_41 = arith.constant 0 : i32
    %dma_start3A_42 = tpu.memref_slice %arg7[%dma_start3A_35, %dma_start3A_41] : memref<80x128xi32, #tpu.memory_space<vmem>> -> memref<1x128xi32, #tpu.memory_space<vmem>>
    %dma_start3A_43 = tpu.memref_squeeze %dma_start3A_42 : memref<1x128xi32, #tpu.memory_space<vmem>> -> memref<128xi32, #tpu.memory_space<vmem>>
    %dma_start3A_44 = arith.constant 0 : i32
    %dma_start3A_45 = arith.constant 0 : i32
    %dma_start3A_46 = tpu.memref_slice %arg2[%dma_start3A_44, %dma_start3A_45] : memref<10112x16xf32, #tpu.memory_space<hbm>> -> memref<10112x16xf32, #tpu.memory_space<hbm>>
    tpu.enqueue_indirect_dma source(%dma_start3A_46 : memref<10112x16xf32, #tpu.memory_space<hbm>>) target(%dma_start3A_40 : memref<128x16xf32, #tpu.memory_space<vmem>>) offsets(%dma_start3A_43 : memref<128xi32, #tpu.memory_space<vmem>>) semaphore(%arg13 : memref<!tpu.dma_semaphore, #tpu.memory_space<semaphore_mem>>)
    %dma_start3A_47 = arith.constant 3 : i32
    %dma_start3A_48 = arith.constant 3 : i32
    %dma_start3A_49 = arith.constant 0 : i32
    %dma_start3A_50 = arith.constant 0 : i32
    %dma_start3A_51 = tpu.memref_slice %arg9[%dma_start3A_48, %dma_start3A_49, %dma_start3A_50] : memref<8x128x16xf32, #tpu.memory_space<vmem>> -> memref<1x128x16xf32, #tpu.memory_space<vmem>>
    %dma_start3A_52 = tpu.memref_squeeze %dma_start3A_51 : memref<1x128x16xf32, #tpu.memory_space<vmem>> -> memref<128x16xf32, #tpu.memory_space<vmem>>
    %dma_start3A_53 = arith.constant 0 : i32
    %dma_start3A_54 = tpu.memref_slice %arg7[%dma_start3A_47, %dma_start3A_53] : memref<80x128xi32, #tpu.memory_space<vmem>> -> memref<1x128xi32, #tpu.memory_space<vmem>>
    %dma_start3A_55 = tpu.memref_squeeze %dma_start3A_54 : memref<1x128xi32, #tpu.memory_space<vmem>> -> memref<128xi32, #tpu.memory_space<vmem>>
    %dma_start3A_56 = arith.constant 0 : i32
    %dma_start3A_57 = arith.constant 0 : i32
    %dma_start3A_58 = tpu.memref_slice %arg2[%dma_start3A_56, %dma_start3A_57] : memref<10112x16xf32, #tpu.memory_space<hbm>> -> memref<10112x16xf32, #tpu.memory_space<hbm>>
    tpu.enqueue_indirect_dma source(%dma_start3A_58 : memref<10112x16xf32, #tpu.memory_space<hbm>>) target(%dma_start3A_52 : memref<128x16xf32, #tpu.memory_space<vmem>>) offsets(%dma_start3A_55 : memref<128xi32, #tpu.memory_space<vmem>>) semaphore(%arg14 : memref<!tpu.dma_semaphore, #tpu.memory_space<semaphore_mem>>)
    %dma_start3A_59 = arith.constant 4 : i32
    %dma_start3A_60 = arith.constant 4 : i32
    %dma_start3A_61 = arith.constant 0 : i32
    %dma_start3A_62 = arith.constant 0 : i32
    %dma_start3A_63 = tpu.memref_slice %arg9[%dma_start3A_60, %dma_start3A_61, %dma_start3A_62] : memref<8x128x16xf32, #tpu.memory_space<vmem>> -> memref<1x128x16xf32, #tpu.memory_space<vmem>>
    %dma_start3A_64 = tpu.memref_squeeze %dma_start3A_63 : memref<1x128x16xf32, #tpu.memory_space<vmem>> -> memref<128x16xf32, #tpu.memory_space<vmem>>
    %dma_start3A_65 = arith.constant 0 : i32
    %dma_start3A_66 = tpu.memref_slice %arg7[%dma_start3A_59, %dma_start3A_65] : memref<80x128xi32, #tpu.memory_space<vmem>> -> memref<1x128xi32, #tpu.memory_space<vmem>>
    %dma_start3A_67 = tpu.memref_squeeze %dma_start3A_66 : memref<1x128xi32, #tpu.memory_space<vmem>> -> memref<128xi32, #tpu.memory_space<vmem>>
    %dma_start3A_68 = arith.constant 0 : i32
    %dma_start3A_69 = arith.constant 0 : i32
    %dma_start3A_70 = tpu.memref_slice %arg2[%dma_start3A_68, %dma_start3A_69] : memref<10112x16xf32, #tpu.memory_space<hbm>> -> memref<10112x16xf32, #tpu.memory_space<hbm>>
    tpu.enqueue_indirect_dma source(%dma_start3A_70 : memref<10112x16xf32, #tpu.memory_space<hbm>>) target(%dma_start3A_64 : memref<128x16xf32, #tpu.memory_space<vmem>>) offsets(%dma_start3A_67 : memref<128xi32, #tpu.memory_space<vmem>>) semaphore(%arg15 : memref<!tpu.dma_semaphore, #tpu.memory_space<semaphore_mem>>)
    %dma_start3A_71 = arith.constant 5 : i32
    %dma_start3A_72 = arith.constant 5 : i32
    %dma_start3A_73 = arith.constant 0 : i32
    %dma_start3A_74 = arith.constant 0 : i32
    %dma_start3A_75 = tpu.memref_slice %arg9[%dma_start3A_72, %dma_start3A_73, %dma_start3A_74] : memref<8x128x16xf32, #tpu.memory_space<vmem>> -> memref<1x128x16xf32, #tpu.memory_space<vmem>>
    %dma_start3A_76 = tpu.memref_squeeze %dma_start3A_75 : memref<1x128x16xf32, #tpu.memory_space<vmem>> -> memref<128x16xf32, #tpu.memory_space<vmem>>
    %dma_start3A_77 = arith.constant 0 : i32
    %dma_start3A_78 = tpu.memref_slice %arg7[%dma_start3A_71, %dma_start3A_77] : memref<80x128xi32, #tpu.memory_space<vmem>> -> memref<1x128xi32, #tpu.memory_space<vmem>>
    %dma_start3A_79 = tpu.memref_squeeze %dma_start3A_78 : memref<1x128xi32, #tpu.memory_space<vmem>> -> memref<128xi32, #tpu.memory_space<vmem>>
    %dma_start3A_80 = arith.constant 0 : i32
    %dma_start3A_81 = arith.constant 0 : i32
    %dma_start3A_82 = tpu.memref_slice %arg2[%dma_start3A_80, %dma_start3A_81] : memref<10112x16xf32, #tpu.memory_space<hbm>> -> memref<10112x16xf32, #tpu.memory_space<hbm>>
    tpu.enqueue_indirect_dma source(%dma_start3A_82 : memref<10112x16xf32, #tpu.memory_space<hbm>>) target(%dma_start3A_76 : memref<128x16xf32, #tpu.memory_space<vmem>>) offsets(%dma_start3A_79 : memref<128xi32, #tpu.memory_space<vmem>>) semaphore(%arg16 : memref<!tpu.dma_semaphore, #tpu.memory_space<semaphore_mem>>)
    %dma_start3A_83 = arith.constant 6 : i32
    %dma_start3A_84 = arith.constant 6 : i32
    %dma_start3A_85 = arith.constant 0 : i32
    %dma_start3A_86 = arith.constant 0 : i32
    %dma_start3A_87 = tpu.memref_slice %arg9[%dma_start3A_84, %dma_start3A_85, %dma_start3A_86] : memref<8x128x16xf32, #tpu.memory_space<vmem>> -> memref<1x128x16xf32, #tpu.memory_space<vmem>>
    %dma_start3A_88 = tpu.memref_squeeze %dma_start3A_87 : memref<1x128x16xf32, #tpu.memory_space<vmem>> -> memref<128x16xf32, #tpu.memory_space<vmem>>
    %dma_start3A_89 = arith.constant 0 : i32
    %dma_start3A_90 = tpu.memref_slice %arg7[%dma_start3A_83, %dma_start3A_89] : memref<80x128xi32, #tpu.memory_space<vmem>> -> memref<1x128xi32, #tpu.memory_space<vmem>>
    %dma_start3A_91 = tpu.memref_squeeze %dma_start3A_90 : memref<1x128xi32, #tpu.memory_space<vmem>> -> memref<128xi32, #tpu.memory_space<vmem>>
    %dma_start3A_92 = arith.constant 0 : i32
    %dma_start3A_93 = arith.constant 0 : i32
    %dma_start3A_94 = tpu.memref_slice %arg2[%dma_start3A_92, %dma_start3A_93] : memref<10112x16xf32, #tpu.memory_space<hbm>> -> memref<10112x16xf32, #tpu.memory_space<hbm>>
    tpu.enqueue_indirect_dma source(%dma_start3A_94 : memref<10112x16xf32, #tpu.memory_space<hbm>>) target(%dma_start3A_88 : memref<128x16xf32, #tpu.memory_space<vmem>>) offsets(%dma_start3A_91 : memref<128xi32, #tpu.memory_space<vmem>>) semaphore(%arg17 : memref<!tpu.dma_semaphore, #tpu.memory_space<semaphore_mem>>)
    %dma_start3A_95 = arith.constant 7 : i32
    %dma_start3A_96 = arith.constant 7 : i32
    %dma_start3A_97 = arith.constant 0 : i32
    %dma_start3A_98 = arith.constant 0 : i32
    %dma_start3A_99 = tpu.memref_slice %arg9[%dma_start3A_96, %dma_start3A_97, %dma_start3A_98] : memref<8x128x16xf32, #tpu.memory_space<vmem>> -> memref<1x128x16xf32, #tpu.memory_space<vmem>>
    %dma_start3A_100 = tpu.memref_squeeze %dma_start3A_99 : memref<1x128x16xf32, #tpu.memory_space<vmem>> -> memref<128x16xf32, #tpu.memory_space<vmem>>
    %dma_start3A_101 = arith.constant 0 : i32
    %dma_start3A_102 = tpu.memref_slice %arg7[%dma_start3A_95, %dma_start3A_101] : memref<80x128xi32, #tpu.memory_space<vmem>> -> memref<1x128xi32, #tpu.memory_space<vmem>>
    %dma_start3A_103 = tpu.memref_squeeze %dma_start3A_102 : memref<1x128xi32, #tpu.memory_space<vmem>> -> memref<128xi32, #tpu.memory_space<vmem>>
    %dma_start3A_104 = arith.constant 0 : i32
    %dma_start3A_105 = arith.constant 0 : i32
    %dma_start3A_106 = tpu.memref_slice %arg2[%dma_start3A_104, %dma_start3A_105] : memref<10112x16xf32, #tpu.memory_space<hbm>> -> memref<10112x16xf32, #tpu.memory_space<hbm>>
    tpu.enqueue_indirect_dma source(%dma_start3A_106 : memref<10112x16xf32, #tpu.memory_space<hbm>>) target(%dma_start3A_100 : memref<128x16xf32, #tpu.memory_space<vmem>>) offsets(%dma_start3A_103 : memref<128xi32, #tpu.memory_space<vmem>>) semaphore(%arg18 : memref<!tpu.dma_semaphore, #tpu.memory_space<semaphore_mem>>)
    %scan3A = arith.constant 0 : i32
    %scan3A_107 = arith.constant 0 : i32
    %scan3A_108 = arith.constant 10 : i32
    %scan3A_109 = arith.addi %scan3A_107, %scan3A_108 : i32
    %scan3A_110 = arith.constant 1 : i32
    scf.for %scan3A_120 = %scan3A_107 to %scan3A_109 step %scan3A_110  : i32 {
      %mul3A_121 = arith.constant 8 : i32
      %mul3A_122 = arith.muli %scan3A_120, %mul3A_121 : i32
      %add3A_123 = arith.constant 0 : i32
      %add3A_124 = arith.addi %mul3A_122, %add3A_123 : i32
      %dma_wait3A = arith.constant 0 : i32
      %dma_wait3A_125 = arith.constant 0 : i32
      %dma_wait3A_126 = arith.constant 0 : i32
      %dma_wait3A_127 = tpu.memref_slice %arg9[%dma_wait3A, %dma_wait3A_125, %dma_wait3A_126] : memref<8x128x16xf32, #tpu.memory_space<vmem>> -> memref<1x128x16xf32, #tpu.memory_space<vmem>>
      %dma_wait3A_128 = tpu.memref_squeeze %dma_wait3A_127 : memref<1x128x16xf32, #tpu.memory_space<vmem>> -> memref<128x16xf32, #tpu.memory_space<vmem>>
      %dma_wait3A_129 = arith.constant 0 : i32
      %dma_wait3A_130 = tpu.memref_slice %arg7[%add3A_124, %dma_wait3A_129] : memref<80x128xi32, #tpu.memory_space<vmem>> -> memref<1x128xi32, #tpu.memory_space<vmem>>
      %dma_wait3A_131 = tpu.memref_squeeze %dma_wait3A_130 : memref<1x128xi32, #tpu.memory_space<vmem>> -> memref<128xi32, #tpu.memory_space<vmem>>
      %dma_wait3A_132 = arith.constant 0 : i32
      %dma_wait3A_133 = arith.constant 0 : i32
      %dma_wait3A_134 = tpu.memref_slice %arg2[%dma_wait3A_132, %dma_wait3A_133] : memref<10112x16xf32, #tpu.memory_space<hbm>> -> memref<10112x16xf32, #tpu.memory_space<hbm>>
      tpu.wait_indirect_dma semaphore(%arg11 : memref<!tpu.dma_semaphore, #tpu.memory_space<semaphore_mem>>) src(%dma_wait3A_134 : memref<10112x16xf32, #tpu.memory_space<hbm>>) dst(%dma_wait3A_128 : memref<128x16xf32, #tpu.memory_space<vmem>>)
      %run_scoped3A = arith.constant 0 : i32
      "tpu.region"() ({
        %run_scoped3A_286 = tpu.sem_alloc : memref<!tpu.dma_semaphore, #tpu.memory_space<semaphore_mem>>
        %dma_start3A_287 = arith.constant 0 : i32
        %dma_start3A_288 = arith.constant 0 : i32
        %dma_start3A_289 = tpu.memref_slice %arg9[%run_scoped3A, %dma_start3A_287, %dma_start3A_288] : memref<8x128x16xf32, #tpu.memory_space<vmem>> -> memref<1x128x16xf32, #tpu.memory_space<vmem>>
        %dma_start3A_290 = tpu.memref_squeeze %dma_start3A_289 : memref<1x128x16xf32, #tpu.memory_space<vmem>> -> memref<128x16xf32, #tpu.memory_space<vmem>>
        %dma_start3A_291 = arith.constant 0 : i32
        %dma_start3A_292 = tpu.memref_slice %arg8[%add3A_124, %dma_start3A_291] : memref<80x128xi32, #tpu.memory_space<vmem>> -> memref<1x128xi32, #tpu.memory_space<vmem>>
        %dma_start3A_293 = tpu.memref_squeeze %dma_start3A_292 : memref<1x128xi32, #tpu.memory_space<vmem>> -> memref<128xi32, #tpu.memory_space<vmem>>
        %dma_start3A_294 = arith.constant 0 : i32
        %dma_start3A_295 = arith.constant 0 : i32
        %dma_start3A_296 = tpu.memref_slice %arg10[%dma_start3A_294, %dma_start3A_295] : memref<10112x16xf32, #tpu.memory_space<vmem_shared>> -> memref<10112x16xf32, #tpu.memory_space<vmem_shared>>
        tpu.enqueue_indirect_dma source(%dma_start3A_290 : memref<128x16xf32, #tpu.memory_space<vmem>>) target(%dma_start3A_296 : memref<10112x16xf32, #tpu.memory_space<vmem_shared>>) offsets(%dma_start3A_293 : memref<128xi32, #tpu.memory_space<vmem>>) semaphore(%run_scoped3A_286 : memref<!tpu.dma_semaphore, #tpu.memory_space<semaphore_mem>>) {add = true}
        %dma_wait3A_297 = arith.constant 0 : i32
        %dma_wait3A_298 = arith.constant 0 : i32
        %dma_wait3A_299 = tpu.memref_slice %arg9[%run_scoped3A, %dma_wait3A_297, %dma_wait3A_298] : memref<8x128x16xf32, #tpu.memory_space<vmem>> -> memref<1x128x16xf32, #tpu.memory_space<vmem>>
        %dma_wait3A_300 = tpu.memref_squeeze %dma_wait3A_299 : memref<1x128x16xf32, #tpu.memory_space<vmem>> -> memref<128x16xf32, #tpu.memory_space<vmem>>
        %dma_wait3A_301 = arith.constant 0 : i32
        %dma_wait3A_302 = tpu.memref_slice %arg8[%add3A_124, %dma_wait3A_301] : memref<80x128xi32, #tpu.memory_space<vmem>> -> memref<1x128xi32, #tpu.memory_space<vmem>>
        %dma_wait3A_303 = tpu.memref_squeeze %dma_wait3A_302 : memref<1x128xi32, #tpu.memory_space<vmem>> -> memref<128xi32, #tpu.memory_space<vmem>>
        %dma_wait3A_304 = arith.constant 0 : i32
        %dma_wait3A_305 = arith.constant 0 : i32
        %dma_wait3A_306 = tpu.memref_slice %arg10[%dma_wait3A_304, %dma_wait3A_305] : memref<10112x16xf32, #tpu.memory_space<vmem_shared>> -> memref<10112x16xf32, #tpu.memory_space<vmem_shared>>
        tpu.wait_indirect_dma semaphore(%run_scoped3A_286 : memref<!tpu.dma_semaphore, #tpu.memory_space<semaphore_mem>>) src(%dma_wait3A_300 : memref<128x16xf32, #tpu.memory_space<vmem>>) dst(%dma_wait3A_306 : memref<10112x16xf32, #tpu.memory_space<vmem_shared>>)
        tpu.yield
      }) : () -> ()
      %lt3A = arith.constant 9 : i32
      %lt3A_135 = arith.cmpi slt, %scan3A_120, %lt3A : i32
      %convert_element_type3A_136 = arith.extui %lt3A_135 : i1 to i32
      %cond3A_137 = arith.constant 0 : i32
      %cond3A_138 = arith.cmpi ne, %convert_element_type3A_136, %cond3A_137 : i32
      scf.if %cond3A_138 {
        %add3A_286 = arith.constant 8 : i32
        %add3A_287 = arith.addi %add3A_124, %add3A_286 : i32
        %dma_start3A_288 = arith.constant 0 : i32
        %dma_start3A_289 = arith.constant 0 : i32
        %dma_start3A_290 = arith.constant 0 : i32
        %dma_start3A_291 = tpu.memref_slice %arg9[%dma_start3A_288, %dma_start3A_289, %dma_start3A_290] : memref<8x128x16xf32, #tpu.memory_space<vmem>> -> memref<1x128x16xf32, #tpu.memory_space<vmem>>
        %dma_start3A_292 = tpu.memref_squeeze %dma_start3A_291 : memref<1x128x16xf32, #tpu.memory_space<vmem>> -> memref<128x16xf32, #tpu.memory_space<vmem>>
        %dma_start3A_293 = arith.constant 0 : i32
        %dma_start3A_294 = tpu.memref_slice %arg7[%add3A_287, %dma_start3A_293] : memref<80x128xi32, #tpu.memory_space<vmem>> -> memref<1x128xi32, #tpu.memory_space<vmem>>
        %dma_start3A_295 = tpu.memref_squeeze %dma_start3A_294 : memref<1x128xi32, #tpu.memory_space<vmem>> -> memref<128xi32, #tpu.memory_space<vmem>>
        %dma_start3A_296 = arith.constant 0 : i32
        %dma_start3A_297 = arith.constant 0 : i32
        %dma_start3A_298 = tpu.memref_slice %arg2[%dma_start3A_296, %dma_start3A_297] : memref<10112x16xf32, #tpu.memory_space<hbm>> -> memref<10112x16xf32, #tpu.memory_space<hbm>>
        tpu.enqueue_indirect_dma source(%dma_start3A_298 : memref<10112x16xf32, #tpu.memory_space<hbm>>) target(%dma_start3A_292 : memref<128x16xf32, #tpu.memory_space<vmem>>) offsets(%dma_start3A_295 : memref<128xi32, #tpu.memory_space<vmem>>) semaphore(%arg11 : memref<!tpu.dma_semaphore, #tpu.memory_space<semaphore_mem>>)
      } else {
      }
      %mul3A_139 = arith.constant 8 : i32
      %mul3A_140 = arith.muli %scan3A_120, %mul3A_139 : i32
      %add3A_141 = arith.constant 1 : i32
      %add3A_142 = arith.addi %mul3A_140, %add3A_141 : i32
      %dma_wait3A_143 = arith.constant 1 : i32
      %dma_wait3A_144 = arith.constant 0 : i32
      %dma_wait3A_145 = arith.constant 0 : i32
      %dma_wait3A_146 = tpu.memref_slice %arg9[%dma_wait3A_143, %dma_wait3A_144, %dma_wait3A_145] : memref<8x128x16xf32, #tpu.memory_space<vmem>> -> memref<1x128x16xf32, #tpu.memory_space<vmem>>
      %dma_wait3A_147 = tpu.memref_squeeze %dma_wait3A_146 : memref<1x128x16xf32, #tpu.memory_space<vmem>> -> memref<128x16xf32, #tpu.memory_space<vmem>>
      %dma_wait3A_148 = arith.constant 0 : i32
      %dma_wait3A_149 = tpu.memref_slice %arg7[%add3A_142, %dma_wait3A_148] : memref<80x128xi32, #tpu.memory_space<vmem>> -> memref<1x128xi32, #tpu.memory_space<vmem>>
      %dma_wait3A_150 = tpu.memref_squeeze %dma_wait3A_149 : memref<1x128xi32, #tpu.memory_space<vmem>> -> memref<128xi32, #tpu.memory_space<vmem>>
      %dma_wait3A_151 = arith.constant 0 : i32
      %dma_wait3A_152 = arith.constant 0 : i32
      %dma_wait3A_153 = tpu.memref_slice %arg2[%dma_wait3A_151, %dma_wait3A_152] : memref<10112x16xf32, #tpu.memory_space<hbm>> -> memref<10112x16xf32, #tpu.memory_space<hbm>>
      tpu.wait_indirect_dma semaphore(%arg12 : memref<!tpu.dma_semaphore, #tpu.memory_space<semaphore_mem>>) src(%dma_wait3A_153 : memref<10112x16xf32, #tpu.memory_space<hbm>>) dst(%dma_wait3A_147 : memref<128x16xf32, #tpu.memory_space<vmem>>)
      %run_scoped3A_154 = arith.constant 1 : i32
      "tpu.region"() ({
        %run_scoped3A_286 = tpu.sem_alloc : memref<!tpu.dma_semaphore, #tpu.memory_space<semaphore_mem>>
        %dma_start3A_287 = arith.constant 0 : i32
        %dma_start3A_288 = arith.constant 0 : i32
        %dma_start3A_289 = tpu.memref_slice %arg9[%run_scoped3A_154, %dma_start3A_287, %dma_start3A_288] : memref<8x128x16xf32, #tpu.memory_space<vmem>> -> memref<1x128x16xf32, #tpu.memory_space<vmem>>
        %dma_start3A_290 = tpu.memref_squeeze %dma_start3A_289 : memref<1x128x16xf32, #tpu.memory_space<vmem>> -> memref<128x16xf32, #tpu.memory_space<vmem>>
        %dma_start3A_291 = arith.constant 0 : i32
        %dma_start3A_292 = tpu.memref_slice %arg8[%add3A_142, %dma_start3A_291] : memref<80x128xi32, #tpu.memory_space<vmem>> -> memref<1x128xi32, #tpu.memory_space<vmem>>
        %dma_start3A_293 = tpu.memref_squeeze %dma_start3A_292 : memref<1x128xi32, #tpu.memory_space<vmem>> -> memref<128xi32, #tpu.memory_space<vmem>>
        %dma_start3A_294 = arith.constant 0 : i32
        %dma_start3A_295 = arith.constant 0 : i32
        %dma_start3A_296 = tpu.memref_slice %arg10[%dma_start3A_294, %dma_start3A_295] : memref<10112x16xf32, #tpu.memory_space<vmem_shared>> -> memref<10112x16xf32, #tpu.memory_space<vmem_shared>>
        tpu.enqueue_indirect_dma source(%dma_start3A_290 : memref<128x16xf32, #tpu.memory_space<vmem>>) target(%dma_start3A_296 : memref<10112x16xf32, #tpu.memory_space<vmem_shared>>) offsets(%dma_start3A_293 : memref<128xi32, #tpu.memory_space<vmem>>) semaphore(%run_scoped3A_286 : memref<!tpu.dma_semaphore, #tpu.memory_space<semaphore_mem>>) {add = true}
        %dma_wait3A_297 = arith.constant 0 : i32
        %dma_wait3A_298 = arith.constant 0 : i32
        %dma_wait3A_299 = tpu.memref_slice %arg9[%run_scoped3A_154, %dma_wait3A_297, %dma_wait3A_298] : memref<8x128x16xf32, #tpu.memory_space<vmem>> -> memref<1x128x16xf32, #tpu.memory_space<vmem>>
        %dma_wait3A_300 = tpu.memref_squeeze %dma_wait3A_299 : memref<1x128x16xf32, #tpu.memory_space<vmem>> -> memref<128x16xf32, #tpu.memory_space<vmem>>
        %dma_wait3A_301 = arith.constant 0 : i32
        %dma_wait3A_302 = tpu.memref_slice %arg8[%add3A_142, %dma_wait3A_301] : memref<80x128xi32, #tpu.memory_space<vmem>> -> memref<1x128xi32, #tpu.memory_space<vmem>>
        %dma_wait3A_303 = tpu.memref_squeeze %dma_wait3A_302 : memref<1x128xi32, #tpu.memory_space<vmem>> -> memref<128xi32, #tpu.memory_space<vmem>>
        %dma_wait3A_304 = arith.constant 0 : i32
        %dma_wait3A_305 = arith.constant 0 : i32
        %dma_wait3A_306 = tpu.memref_slice %arg10[%dma_wait3A_304, %dma_wait3A_305] : memref<10112x16xf32, #tpu.memory_space<vmem_shared>> -> memref<10112x16xf32, #tpu.memory_space<vmem_shared>>
        tpu.wait_indirect_dma semaphore(%run_scoped3A_286 : memref<!tpu.dma_semaphore, #tpu.memory_space<semaphore_mem>>) src(%dma_wait3A_300 : memref<128x16xf32, #tpu.memory_space<vmem>>) dst(%dma_wait3A_306 : memref<10112x16xf32, #tpu.memory_space<vmem_shared>>)
        tpu.yield
      }) : () -> ()
      %lt3A_155 = arith.constant 9 : i32
      %lt3A_156 = arith.cmpi slt, %scan3A_120, %lt3A_155 : i32
      %convert_element_type3A_157 = arith.extui %lt3A_156 : i1 to i32
      %cond3A_158 = arith.constant 0 : i32
      %cond3A_159 = arith.cmpi ne, %convert_element_type3A_157, %cond3A_158 : i32
      scf.if %cond3A_159 {
        %add3A_286 = arith.constant 8 : i32
        %add3A_287 = arith.addi %add3A_142, %add3A_286 : i32
        %dma_start3A_288 = arith.constant 1 : i32
        %dma_start3A_289 = arith.constant 0 : i32
        %dma_start3A_290 = arith.constant 0 : i32
        %dma_start3A_291 = tpu.memref_slice %arg9[%dma_start3A_288, %dma_start3A_289, %dma_start3A_290] : memref<8x128x16xf32, #tpu.memory_space<vmem>> -> memref<1x128x16xf32, #tpu.memory_space<vmem>>
        %dma_start3A_292 = tpu.memref_squeeze %dma_start3A_291 : memref<1x128x16xf32, #tpu.memory_space<vmem>> -> memref<128x16xf32, #tpu.memory_space<vmem>>
        %dma_start3A_293 = arith.constant 0 : i32
        %dma_start3A_294 = tpu.memref_slice %arg7[%add3A_287, %dma_start3A_293] : memref<80x128xi32, #tpu.memory_space<vmem>> -> memref<1x128xi32, #tpu.memory_space<vmem>>
        %dma_start3A_295 = tpu.memref_squeeze %dma_start3A_294 : memref<1x128xi32, #tpu.memory_space<vmem>> -> memref<128xi32, #tpu.memory_space<vmem>>
        %dma_start3A_296 = arith.constant 0 : i32
        %dma_start3A_297 = arith.constant 0 : i32
        %dma_start3A_298 = tpu.memref_slice %arg2[%dma_start3A_296, %dma_start3A_297] : memref<10112x16xf32, #tpu.memory_space<hbm>> -> memref<10112x16xf32, #tpu.memory_space<hbm>>
        tpu.enqueue_indirect_dma source(%dma_start3A_298 : memref<10112x16xf32, #tpu.memory_space<hbm>>) target(%dma_start3A_292 : memref<128x16xf32, #tpu.memory_space<vmem>>) offsets(%dma_start3A_295 : memref<128xi32, #tpu.memory_space<vmem>>) semaphore(%arg12 : memref<!tpu.dma_semaphore, #tpu.memory_space<semaphore_mem>>)
      } else {
      }
      %mul3A_160 = arith.constant 8 : i32
      %mul3A_161 = arith.muli %scan3A_120, %mul3A_160 : i32
      %add3A_162 = arith.constant 2 : i32
      %add3A_163 = arith.addi %mul3A_161, %add3A_162 : i32
      %dma_wait3A_164 = arith.constant 2 : i32
      %dma_wait3A_165 = arith.constant 0 : i32
      %dma_wait3A_166 = arith.constant 0 : i32
      %dma_wait3A_167 = tpu.memref_slice %arg9[%dma_wait3A_164, %dma_wait3A_165, %dma_wait3A_166] : memref<8x128x16xf32, #tpu.memory_space<vmem>> -> memref<1x128x16xf32, #tpu.memory_space<vmem>>
      %dma_wait3A_168 = tpu.memref_squeeze %dma_wait3A_167 : memref<1x128x16xf32, #tpu.memory_space<vmem>> -> memref<128x16xf32, #tpu.memory_space<vmem>>
      %dma_wait3A_169 = arith.constant 0 : i32
      %dma_wait3A_170 = tpu.memref_slice %arg7[%add3A_163, %dma_wait3A_169] : memref<80x128xi32, #tpu.memory_space<vmem>> -> memref<1x128xi32, #tpu.memory_space<vmem>>
      %dma_wait3A_171 = tpu.memref_squeeze %dma_wait3A_170 : memref<1x128xi32, #tpu.memory_space<vmem>> -> memref<128xi32, #tpu.memory_space<vmem>>
      %dma_wait3A_172 = arith.constant 0 : i32
      %dma_wait3A_173 = arith.constant 0 : i32
      %dma_wait3A_174 = tpu.memref_slice %arg2[%dma_wait3A_172, %dma_wait3A_173] : memref<10112x16xf32, #tpu.memory_space<hbm>> -> memref<10112x16xf32, #tpu.memory_space<hbm>>
      tpu.wait_indirect_dma semaphore(%arg13 : memref<!tpu.dma_semaphore, #tpu.memory_space<semaphore_mem>>) src(%dma_wait3A_174 : memref<10112x16xf32, #tpu.memory_space<hbm>>) dst(%dma_wait3A_168 : memref<128x16xf32, #tpu.memory_space<vmem>>)
      %run_scoped3A_175 = arith.constant 2 : i32
      "tpu.region"() ({
        %run_scoped3A_286 = tpu.sem_alloc : memref<!tpu.dma_semaphore, #tpu.memory_space<semaphore_mem>>
        %dma_start3A_287 = arith.constant 0 : i32
        %dma_start3A_288 = arith.constant 0 : i32
        %dma_start3A_289 = tpu.memref_slice %arg9[%run_scoped3A_175, %dma_start3A_287, %dma_start3A_288] : memref<8x128x16xf32, #tpu.memory_space<vmem>> -> memref<1x128x16xf32, #tpu.memory_space<vmem>>
        %dma_start3A_290 = tpu.memref_squeeze %dma_start3A_289 : memref<1x128x16xf32, #tpu.memory_space<vmem>> -> memref<128x16xf32, #tpu.memory_space<vmem>>
        %dma_start3A_291 = arith.constant 0 : i32
        %dma_start3A_292 = tpu.memref_slice %arg8[%add3A_163, %dma_start3A_291] : memref<80x128xi32, #tpu.memory_space<vmem>> -> memref<1x128xi32, #tpu.memory_space<vmem>>
        %dma_start3A_293 = tpu.memref_squeeze %dma_start3A_292 : memref<1x128xi32, #tpu.memory_space<vmem>> -> memref<128xi32, #tpu.memory_space<vmem>>
        %dma_start3A_294 = arith.constant 0 : i32
        %dma_start3A_295 = arith.constant 0 : i32
        %dma_start3A_296 = tpu.memref_slice %arg10[%dma_start3A_294, %dma_start3A_295] : memref<10112x16xf32, #tpu.memory_space<vmem_shared>> -> memref<10112x16xf32, #tpu.memory_space<vmem_shared>>
        tpu.enqueue_indirect_dma source(%dma_start3A_290 : memref<128x16xf32, #tpu.memory_space<vmem>>) target(%dma_start3A_296 : memref<10112x16xf32, #tpu.memory_space<vmem_shared>>) offsets(%dma_start3A_293 : memref<128xi32, #tpu.memory_space<vmem>>) semaphore(%run_scoped3A_286 : memref<!tpu.dma_semaphore, #tpu.memory_space<semaphore_mem>>) {add = true}
        %dma_wait3A_297 = arith.constant 0 : i32
        %dma_wait3A_298 = arith.constant 0 : i32
        %dma_wait3A_299 = tpu.memref_slice %arg9[%run_scoped3A_175, %dma_wait3A_297, %dma_wait3A_298] : memref<8x128x16xf32, #tpu.memory_space<vmem>> -> memref<1x128x16xf32, #tpu.memory_space<vmem>>
        %dma_wait3A_300 = tpu.memref_squeeze %dma_wait3A_299 : memref<1x128x16xf32, #tpu.memory_space<vmem>> -> memref<128x16xf32, #tpu.memory_space<vmem>>
        %dma_wait3A_301 = arith.constant 0 : i32
        %dma_wait3A_302 = tpu.memref_slice %arg8[%add3A_163, %dma_wait3A_301] : memref<80x128xi32, #tpu.memory_space<vmem>> -> memref<1x128xi32, #tpu.memory_space<vmem>>
        %dma_wait3A_303 = tpu.memref_squeeze %dma_wait3A_302 : memref<1x128xi32, #tpu.memory_space<vmem>> -> memref<128xi32, #tpu.memory_space<vmem>>
        %dma_wait3A_304 = arith.constant 0 : i32
        %dma_wait3A_305 = arith.constant 0 : i32
        %dma_wait3A_306 = tpu.memref_slice %arg10[%dma_wait3A_304, %dma_wait3A_305] : memref<10112x16xf32, #tpu.memory_space<vmem_shared>> -> memref<10112x16xf32, #tpu.memory_space<vmem_shared>>
        tpu.wait_indirect_dma semaphore(%run_scoped3A_286 : memref<!tpu.dma_semaphore, #tpu.memory_space<semaphore_mem>>) src(%dma_wait3A_300 : memref<128x16xf32, #tpu.memory_space<vmem>>) dst(%dma_wait3A_306 : memref<10112x16xf32, #tpu.memory_space<vmem_shared>>)
        tpu.yield
      }) : () -> ()
      %lt3A_176 = arith.constant 9 : i32
      %lt3A_177 = arith.cmpi slt, %scan3A_120, %lt3A_176 : i32
      %convert_element_type3A_178 = arith.extui %lt3A_177 : i1 to i32
      %cond3A_179 = arith.constant 0 : i32
      %cond3A_180 = arith.cmpi ne, %convert_element_type3A_178, %cond3A_179 : i32
      scf.if %cond3A_180 {
        %add3A_286 = arith.constant 8 : i32
        %add3A_287 = arith.addi %add3A_163, %add3A_286 : i32
        %dma_start3A_288 = arith.constant 2 : i32
        %dma_start3A_289 = arith.constant 0 : i32
        %dma_start3A_290 = arith.constant 0 : i32
        %dma_start3A_291 = tpu.memref_slice %arg9[%dma_start3A_288, %dma_start3A_289, %dma_start3A_290] : memref<8x128x16xf32, #tpu.memory_space<vmem>> -> memref<1x128x16xf32, #tpu.memory_space<vmem>>
        %dma_start3A_292 = tpu.memref_squeeze %dma_start3A_291 : memref<1x128x16xf32, #tpu.memory_space<vmem>> -> memref<128x16xf32, #tpu.memory_space<vmem>>
        %dma_start3A_293 = arith.constant 0 : i32
        %dma_start3A_294 = tpu.memref_slice %arg7[%add3A_287, %dma_start3A_293] : memref<80x128xi32, #tpu.memory_space<vmem>> -> memref<1x128xi32, #tpu.memory_space<vmem>>
        %dma_start3A_295 = tpu.memref_squeeze %dma_start3A_294 : memref<1x128xi32, #tpu.memory_space<vmem>> -> memref<128xi32, #tpu.memory_space<vmem>>
        %dma_start3A_296 = arith.constant 0 : i32
        %dma_start3A_297 = arith.constant 0 : i32
        %dma_start3A_298 = tpu.memref_slice %arg2[%dma_start3A_296, %dma_start3A_297] : memref<10112x16xf32, #tpu.memory_space<hbm>> -> memref<10112x16xf32, #tpu.memory_space<hbm>>
        tpu.enqueue_indirect_dma source(%dma_start3A_298 : memref<10112x16xf32, #tpu.memory_space<hbm>>) target(%dma_start3A_292 : memref<128x16xf32, #tpu.memory_space<vmem>>) offsets(%dma_start3A_295 : memref<128xi32, #tpu.memory_space<vmem>>) semaphore(%arg13 : memref<!tpu.dma_semaphore, #tpu.memory_space<semaphore_mem>>)
      } else {
      }
      %mul3A_181 = arith.constant 8 : i32
      %mul3A_182 = arith.muli %scan3A_120, %mul3A_181 : i32
      %add3A_183 = arith.constant 3 : i32
      %add3A_184 = arith.addi %mul3A_182, %add3A_183 : i32
      %dma_wait3A_185 = arith.constant 3 : i32
      %dma_wait3A_186 = arith.constant 0 : i32
      %dma_wait3A_187 = arith.constant 0 : i32
      %dma_wait3A_188 = tpu.memref_slice %arg9[%dma_wait3A_185, %dma_wait3A_186, %dma_wait3A_187] : memref<8x128x16xf32, #tpu.memory_space<vmem>> -> memref<1x128x16xf32, #tpu.memory_space<vmem>>
      %dma_wait3A_189 = tpu.memref_squeeze %dma_wait3A_188 : memref<1x128x16xf32, #tpu.memory_space<vmem>> -> memref<128x16xf32, #tpu.memory_space<vmem>>
      %dma_wait3A_190 = arith.constant 0 : i32
      %dma_wait3A_191 = tpu.memref_slice %arg7[%add3A_184, %dma_wait3A_190] : memref<80x128xi32, #tpu.memory_space<vmem>> -> memref<1x128xi32, #tpu.memory_space<vmem>>
      %dma_wait3A_192 = tpu.memref_squeeze %dma_wait3A_191 : memref<1x128xi32, #tpu.memory_space<vmem>> -> memref<128xi32, #tpu.memory_space<vmem>>
      %dma_wait3A_193 = arith.constant 0 : i32
      %dma_wait3A_194 = arith.constant 0 : i32
      %dma_wait3A_195 = tpu.memref_slice %arg2[%dma_wait3A_193, %dma_wait3A_194] : memref<10112x16xf32, #tpu.memory_space<hbm>> -> memref<10112x16xf32, #tpu.memory_space<hbm>>
      tpu.wait_indirect_dma semaphore(%arg14 : memref<!tpu.dma_semaphore, #tpu.memory_space<semaphore_mem>>) src(%dma_wait3A_195 : memref<10112x16xf32, #tpu.memory_space<hbm>>) dst(%dma_wait3A_189 : memref<128x16xf32, #tpu.memory_space<vmem>>)
      %run_scoped3A_196 = arith.constant 3 : i32
      "tpu.region"() ({
        %run_scoped3A_286 = tpu.sem_alloc : memref<!tpu.dma_semaphore, #tpu.memory_space<semaphore_mem>>
        %dma_start3A_287 = arith.constant 0 : i32
        %dma_start3A_288 = arith.constant 0 : i32
        %dma_start3A_289 = tpu.memref_slice %arg9[%run_scoped3A_196, %dma_start3A_287, %dma_start3A_288] : memref<8x128x16xf32, #tpu.memory_space<vmem>> -> memref<1x128x16xf32, #tpu.memory_space<vmem>>
        %dma_start3A_290 = tpu.memref_squeeze %dma_start3A_289 : memref<1x128x16xf32, #tpu.memory_space<vmem>> -> memref<128x16xf32, #tpu.memory_space<vmem>>
        %dma_start3A_291 = arith.constant 0 : i32
        %dma_start3A_292 = tpu.memref_slice %arg8[%add3A_184, %dma_start3A_291] : memref<80x128xi32, #tpu.memory_space<vmem>> -> memref<1x128xi32, #tpu.memory_space<vmem>>
        %dma_start3A_293 = tpu.memref_squeeze %dma_start3A_292 : memref<1x128xi32, #tpu.memory_space<vmem>> -> memref<128xi32, #tpu.memory_space<vmem>>
        %dma_start3A_294 = arith.constant 0 : i32
        %dma_start3A_295 = arith.constant 0 : i32
        %dma_start3A_296 = tpu.memref_slice %arg10[%dma_start3A_294, %dma_start3A_295] : memref<10112x16xf32, #tpu.memory_space<vmem_shared>> -> memref<10112x16xf32, #tpu.memory_space<vmem_shared>>
        tpu.enqueue_indirect_dma source(%dma_start3A_290 : memref<128x16xf32, #tpu.memory_space<vmem>>) target(%dma_start3A_296 : memref<10112x16xf32, #tpu.memory_space<vmem_shared>>) offsets(%dma_start3A_293 : memref<128xi32, #tpu.memory_space<vmem>>) semaphore(%run_scoped3A_286 : memref<!tpu.dma_semaphore, #tpu.memory_space<semaphore_mem>>) {add = true}
        %dma_wait3A_297 = arith.constant 0 : i32
        %dma_wait3A_298 = arith.constant 0 : i32
        %dma_wait3A_299 = tpu.memref_slice %arg9[%run_scoped3A_196, %dma_wait3A_297, %dma_wait3A_298] : memref<8x128x16xf32, #tpu.memory_space<vmem>> -> memref<1x128x16xf32, #tpu.memory_space<vmem>>
        %dma_wait3A_300 = tpu.memref_squeeze %dma_wait3A_299 : memref<1x128x16xf32, #tpu.memory_space<vmem>> -> memref<128x16xf32, #tpu.memory_space<vmem>>
        %dma_wait3A_301 = arith.constant 0 : i32
        %dma_wait3A_302 = tpu.memref_slice %arg8[%add3A_184, %dma_wait3A_301] : memref<80x128xi32, #tpu.memory_space<vmem>> -> memref<1x128xi32, #tpu.memory_space<vmem>>
        %dma_wait3A_303 = tpu.memref_squeeze %dma_wait3A_302 : memref<1x128xi32, #tpu.memory_space<vmem>> -> memref<128xi32, #tpu.memory_space<vmem>>
        %dma_wait3A_304 = arith.constant 0 : i32
        %dma_wait3A_305 = arith.constant 0 : i32
        %dma_wait3A_306 = tpu.memref_slice %arg10[%dma_wait3A_304, %dma_wait3A_305] : memref<10112x16xf32, #tpu.memory_space<vmem_shared>> -> memref<10112x16xf32, #tpu.memory_space<vmem_shared>>
        tpu.wait_indirect_dma semaphore(%run_scoped3A_286 : memref<!tpu.dma_semaphore, #tpu.memory_space<semaphore_mem>>) src(%dma_wait3A_300 : memref<128x16xf32, #tpu.memory_space<vmem>>) dst(%dma_wait3A_306 : memref<10112x16xf32, #tpu.memory_space<vmem_shared>>)
        tpu.yield
      }) : () -> ()
      %lt3A_197 = arith.constant 9 : i32
      %lt3A_198 = arith.cmpi slt, %scan3A_120, %lt3A_197 : i32
      %convert_element_type3A_199 = arith.extui %lt3A_198 : i1 to i32
      %cond3A_200 = arith.constant 0 : i32
      %cond3A_201 = arith.cmpi ne, %convert_element_type3A_199, %cond3A_200 : i32
      scf.if %cond3A_201 {
        %add3A_286 = arith.constant 8 : i32
        %add3A_287 = arith.addi %add3A_184, %add3A_286 : i32
        %dma_start3A_288 = arith.constant 3 : i32
        %dma_start3A_289 = arith.constant 0 : i32
        %dma_start3A_290 = arith.constant 0 : i32
        %dma_start3A_291 = tpu.memref_slice %arg9[%dma_start3A_288, %dma_start3A_289, %dma_start3A_290] : memref<8x128x16xf32, #tpu.memory_space<vmem>> -> memref<1x128x16xf32, #tpu.memory_space<vmem>>
        %dma_start3A_292 = tpu.memref_squeeze %dma_start3A_291 : memref<1x128x16xf32, #tpu.memory_space<vmem>> -> memref<128x16xf32, #tpu.memory_space<vmem>>
        %dma_start3A_293 = arith.constant 0 : i32
        %dma_start3A_294 = tpu.memref_slice %arg7[%add3A_287, %dma_start3A_293] : memref<80x128xi32, #tpu.memory_space<vmem>> -> memref<1x128xi32, #tpu.memory_space<vmem>>
        %dma_start3A_295 = tpu.memref_squeeze %dma_start3A_294 : memref<1x128xi32, #tpu.memory_space<vmem>> -> memref<128xi32, #tpu.memory_space<vmem>>
        %dma_start3A_296 = arith.constant 0 : i32
        %dma_start3A_297 = arith.constant 0 : i32
        %dma_start3A_298 = tpu.memref_slice %arg2[%dma_start3A_296, %dma_start3A_297] : memref<10112x16xf32, #tpu.memory_space<hbm>> -> memref<10112x16xf32, #tpu.memory_space<hbm>>
        tpu.enqueue_indirect_dma source(%dma_start3A_298 : memref<10112x16xf32, #tpu.memory_space<hbm>>) target(%dma_start3A_292 : memref<128x16xf32, #tpu.memory_space<vmem>>) offsets(%dma_start3A_295 : memref<128xi32, #tpu.memory_space<vmem>>) semaphore(%arg14 : memref<!tpu.dma_semaphore, #tpu.memory_space<semaphore_mem>>)
      } else {
      }
      %mul3A_202 = arith.constant 8 : i32
      %mul3A_203 = arith.muli %scan3A_120, %mul3A_202 : i32
      %add3A_204 = arith.constant 4 : i32
      %add3A_205 = arith.addi %mul3A_203, %add3A_204 : i32
      %dma_wait3A_206 = arith.constant 4 : i32
      %dma_wait3A_207 = arith.constant 0 : i32
      %dma_wait3A_208 = arith.constant 0 : i32
      %dma_wait3A_209 = tpu.memref_slice %arg9[%dma_wait3A_206, %dma_wait3A_207, %dma_wait3A_208] : memref<8x128x16xf32, #tpu.memory_space<vmem>> -> memref<1x128x16xf32, #tpu.memory_space<vmem>>
      %dma_wait3A_210 = tpu.memref_squeeze %dma_wait3A_209 : memref<1x128x16xf32, #tpu.memory_space<vmem>> -> memref<128x16xf32, #tpu.memory_space<vmem>>
      %dma_wait3A_211 = arith.constant 0 : i32
      %dma_wait3A_212 = tpu.memref_slice %arg7[%add3A_205, %dma_wait3A_211] : memref<80x128xi32, #tpu.memory_space<vmem>> -> memref<1x128xi32, #tpu.memory_space<vmem>>
      %dma_wait3A_213 = tpu.memref_squeeze %dma_wait3A_212 : memref<1x128xi32, #tpu.memory_space<vmem>> -> memref<128xi32, #tpu.memory_space<vmem>>
      %dma_wait3A_214 = arith.constant 0 : i32
      %dma_wait3A_215 = arith.constant 0 : i32
      %dma_wait3A_216 = tpu.memref_slice %arg2[%dma_wait3A_214, %dma_wait3A_215] : memref<10112x16xf32, #tpu.memory_space<hbm>> -> memref<10112x16xf32, #tpu.memory_space<hbm>>
      tpu.wait_indirect_dma semaphore(%arg15 : memref<!tpu.dma_semaphore, #tpu.memory_space<semaphore_mem>>) src(%dma_wait3A_216 : memref<10112x16xf32, #tpu.memory_space<hbm>>) dst(%dma_wait3A_210 : memref<128x16xf32, #tpu.memory_space<vmem>>)
      %run_scoped3A_217 = arith.constant 4 : i32
      "tpu.region"() ({
        %run_scoped3A_286 = tpu.sem_alloc : memref<!tpu.dma_semaphore, #tpu.memory_space<semaphore_mem>>
        %dma_start3A_287 = arith.constant 0 : i32
        %dma_start3A_288 = arith.constant 0 : i32
        %dma_start3A_289 = tpu.memref_slice %arg9[%run_scoped3A_217, %dma_start3A_287, %dma_start3A_288] : memref<8x128x16xf32, #tpu.memory_space<vmem>> -> memref<1x128x16xf32, #tpu.memory_space<vmem>>
        %dma_start3A_290 = tpu.memref_squeeze %dma_start3A_289 : memref<1x128x16xf32, #tpu.memory_space<vmem>> -> memref<128x16xf32, #tpu.memory_space<vmem>>
        %dma_start3A_291 = arith.constant 0 : i32
        %dma_start3A_292 = tpu.memref_slice %arg8[%add3A_205, %dma_start3A_291] : memref<80x128xi32, #tpu.memory_space<vmem>> -> memref<1x128xi32, #tpu.memory_space<vmem>>
        %dma_start3A_293 = tpu.memref_squeeze %dma_start3A_292 : memref<1x128xi32, #tpu.memory_space<vmem>> -> memref<128xi32, #tpu.memory_space<vmem>>
        %dma_start3A_294 = arith.constant 0 : i32
        %dma_start3A_295 = arith.constant 0 : i32
        %dma_start3A_296 = tpu.memref_slice %arg10[%dma_start3A_294, %dma_start3A_295] : memref<10112x16xf32, #tpu.memory_space<vmem_shared>> -> memref<10112x16xf32, #tpu.memory_space<vmem_shared>>
        tpu.enqueue_indirect_dma source(%dma_start3A_290 : memref<128x16xf32, #tpu.memory_space<vmem>>) target(%dma_start3A_296 : memref<10112x16xf32, #tpu.memory_space<vmem_shared>>) offsets(%dma_start3A_293 : memref<128xi32, #tpu.memory_space<vmem>>) semaphore(%run_scoped3A_286 : memref<!tpu.dma_semaphore, #tpu.memory_space<semaphore_mem>>) {add = true}
        %dma_wait3A_297 = arith.constant 0 : i32
        %dma_wait3A_298 = arith.constant 0 : i32
        %dma_wait3A_299 = tpu.memref_slice %arg9[%run_scoped3A_217, %dma_wait3A_297, %dma_wait3A_298] : memref<8x128x16xf32, #tpu.memory_space<vmem>> -> memref<1x128x16xf32, #tpu.memory_space<vmem>>
        %dma_wait3A_300 = tpu.memref_squeeze %dma_wait3A_299 : memref<1x128x16xf32, #tpu.memory_space<vmem>> -> memref<128x16xf32, #tpu.memory_space<vmem>>
        %dma_wait3A_301 = arith.constant 0 : i32
        %dma_wait3A_302 = tpu.memref_slice %arg8[%add3A_205, %dma_wait3A_301] : memref<80x128xi32, #tpu.memory_space<vmem>> -> memref<1x128xi32, #tpu.memory_space<vmem>>
        %dma_wait3A_303 = tpu.memref_squeeze %dma_wait3A_302 : memref<1x128xi32, #tpu.memory_space<vmem>> -> memref<128xi32, #tpu.memory_space<vmem>>
        %dma_wait3A_304 = arith.constant 0 : i32
        %dma_wait3A_305 = arith.constant 0 : i32
        %dma_wait3A_306 = tpu.memref_slice %arg10[%dma_wait3A_304, %dma_wait3A_305] : memref<10112x16xf32, #tpu.memory_space<vmem_shared>> -> memref<10112x16xf32, #tpu.memory_space<vmem_shared>>
        tpu.wait_indirect_dma semaphore(%run_scoped3A_286 : memref<!tpu.dma_semaphore, #tpu.memory_space<semaphore_mem>>) src(%dma_wait3A_300 : memref<128x16xf32, #tpu.memory_space<vmem>>) dst(%dma_wait3A_306 : memref<10112x16xf32, #tpu.memory_space<vmem_shared>>)
        tpu.yield
      }) : () -> ()
      %lt3A_218 = arith.constant 9 : i32
      %lt3A_219 = arith.cmpi slt, %scan3A_120, %lt3A_218 : i32
      %convert_element_type3A_220 = arith.extui %lt3A_219 : i1 to i32
      %cond3A_221 = arith.constant 0 : i32
      %cond3A_222 = arith.cmpi ne, %convert_element_type3A_220, %cond3A_221 : i32
      scf.if %cond3A_222 {
        %add3A_286 = arith.constant 8 : i32
        %add3A_287 = arith.addi %add3A_205, %add3A_286 : i32
        %dma_start3A_288 = arith.constant 4 : i32
        %dma_start3A_289 = arith.constant 0 : i32
        %dma_start3A_290 = arith.constant 0 : i32
        %dma_start3A_291 = tpu.memref_slice %arg9[%dma_start3A_288, %dma_start3A_289, %dma_start3A_290] : memref<8x128x16xf32, #tpu.memory_space<vmem>> -> memref<1x128x16xf32, #tpu.memory_space<vmem>>
        %dma_start3A_292 = tpu.memref_squeeze %dma_start3A_291 : memref<1x128x16xf32, #tpu.memory_space<vmem>> -> memref<128x16xf32, #tpu.memory_space<vmem>>
        %dma_start3A_293 = arith.constant 0 : i32
        %dma_start3A_294 = tpu.memref_slice %arg7[%add3A_287, %dma_start3A_293] : memref<80x128xi32, #tpu.memory_space<vmem>> -> memref<1x128xi32, #tpu.memory_space<vmem>>
        %dma_start3A_295 = tpu.memref_squeeze %dma_start3A_294 : memref<1x128xi32, #tpu.memory_space<vmem>> -> memref<128xi32, #tpu.memory_space<vmem>>
        %dma_start3A_296 = arith.constant 0 : i32
        %dma_start3A_297 = arith.constant 0 : i32
        %dma_start3A_298 = tpu.memref_slice %arg2[%dma_start3A_296, %dma_start3A_297] : memref<10112x16xf32, #tpu.memory_space<hbm>> -> memref<10112x16xf32, #tpu.memory_space<hbm>>
        tpu.enqueue_indirect_dma source(%dma_start3A_298 : memref<10112x16xf32, #tpu.memory_space<hbm>>) target(%dma_start3A_292 : memref<128x16xf32, #tpu.memory_space<vmem>>) offsets(%dma_start3A_295 : memref<128xi32, #tpu.memory_space<vmem>>) semaphore(%arg15 : memref<!tpu.dma_semaphore, #tpu.memory_space<semaphore_mem>>)
      } else {
      }
      %mul3A_223 = arith.constant 8 : i32
      %mul3A_224 = arith.muli %scan3A_120, %mul3A_223 : i32
      %add3A_225 = arith.constant 5 : i32
      %add3A_226 = arith.addi %mul3A_224, %add3A_225 : i32
      %dma_wait3A_227 = arith.constant 5 : i32
      %dma_wait3A_228 = arith.constant 0 : i32
      %dma_wait3A_229 = arith.constant 0 : i32
      %dma_wait3A_230 = tpu.memref_slice %arg9[%dma_wait3A_227, %dma_wait3A_228, %dma_wait3A_229] : memref<8x128x16xf32, #tpu.memory_space<vmem>> -> memref<1x128x16xf32, #tpu.memory_space<vmem>>
      %dma_wait3A_231 = tpu.memref_squeeze %dma_wait3A_230 : memref<1x128x16xf32, #tpu.memory_space<vmem>> -> memref<128x16xf32, #tpu.memory_space<vmem>>
      %dma_wait3A_232 = arith.constant 0 : i32
      %dma_wait3A_233 = tpu.memref_slice %arg7[%add3A_226, %dma_wait3A_232] : memref<80x128xi32, #tpu.memory_space<vmem>> -> memref<1x128xi32, #tpu.memory_space<vmem>>
      %dma_wait3A_234 = tpu.memref_squeeze %dma_wait3A_233 : memref<1x128xi32, #tpu.memory_space<vmem>> -> memref<128xi32, #tpu.memory_space<vmem>>
      %dma_wait3A_235 = arith.constant 0 : i32
      %dma_wait3A_236 = arith.constant 0 : i32
      %dma_wait3A_237 = tpu.memref_slice %arg2[%dma_wait3A_235, %dma_wait3A_236] : memref<10112x16xf32, #tpu.memory_space<hbm>> -> memref<10112x16xf32, #tpu.memory_space<hbm>>
      tpu.wait_indirect_dma semaphore(%arg16 : memref<!tpu.dma_semaphore, #tpu.memory_space<semaphore_mem>>) src(%dma_wait3A_237 : memref<10112x16xf32, #tpu.memory_space<hbm>>) dst(%dma_wait3A_231 : memref<128x16xf32, #tpu.memory_space<vmem>>)
      %run_scoped3A_238 = arith.constant 5 : i32
      "tpu.region"() ({
        %run_scoped3A_286 = tpu.sem_alloc : memref<!tpu.dma_semaphore, #tpu.memory_space<semaphore_mem>>
        %dma_start3A_287 = arith.constant 0 : i32
        %dma_start3A_288 = arith.constant 0 : i32
        %dma_start3A_289 = tpu.memref_slice %arg9[%run_scoped3A_238, %dma_start3A_287, %dma_start3A_288] : memref<8x128x16xf32, #tpu.memory_space<vmem>> -> memref<1x128x16xf32, #tpu.memory_space<vmem>>
        %dma_start3A_290 = tpu.memref_squeeze %dma_start3A_289 : memref<1x128x16xf32, #tpu.memory_space<vmem>> -> memref<128x16xf32, #tpu.memory_space<vmem>>
        %dma_start3A_291 = arith.constant 0 : i32
        %dma_start3A_292 = tpu.memref_slice %arg8[%add3A_226, %dma_start3A_291] : memref<80x128xi32, #tpu.memory_space<vmem>> -> memref<1x128xi32, #tpu.memory_space<vmem>>
        %dma_start3A_293 = tpu.memref_squeeze %dma_start3A_292 : memref<1x128xi32, #tpu.memory_space<vmem>> -> memref<128xi32, #tpu.memory_space<vmem>>
        %dma_start3A_294 = arith.constant 0 : i32
        %dma_start3A_295 = arith.constant 0 : i32
        %dma_start3A_296 = tpu.memref_slice %arg10[%dma_start3A_294, %dma_start3A_295] : memref<10112x16xf32, #tpu.memory_space<vmem_shared>> -> memref<10112x16xf32, #tpu.memory_space<vmem_shared>>
        tpu.enqueue_indirect_dma source(%dma_start3A_290 : memref<128x16xf32, #tpu.memory_space<vmem>>) target(%dma_start3A_296 : memref<10112x16xf32, #tpu.memory_space<vmem_shared>>) offsets(%dma_start3A_293 : memref<128xi32, #tpu.memory_space<vmem>>) semaphore(%run_scoped3A_286 : memref<!tpu.dma_semaphore, #tpu.memory_space<semaphore_mem>>) {add = true}
        %dma_wait3A_297 = arith.constant 0 : i32
        %dma_wait3A_298 = arith.constant 0 : i32
        %dma_wait3A_299 = tpu.memref_slice %arg9[%run_scoped3A_238, %dma_wait3A_297, %dma_wait3A_298] : memref<8x128x16xf32, #tpu.memory_space<vmem>> -> memref<1x128x16xf32, #tpu.memory_space<vmem>>
        %dma_wait3A_300 = tpu.memref_squeeze %dma_wait3A_299 : memref<1x128x16xf32, #tpu.memory_space<vmem>> -> memref<128x16xf32, #tpu.memory_space<vmem>>
        %dma_wait3A_301 = arith.constant 0 : i32
        %dma_wait3A_302 = tpu.memref_slice %arg8[%add3A_226, %dma_wait3A_301] : memref<80x128xi32, #tpu.memory_space<vmem>> -> memref<1x128xi32, #tpu.memory_space<vmem>>
        %dma_wait3A_303 = tpu.memref_squeeze %dma_wait3A_302 : memref<1x128xi32, #tpu.memory_space<vmem>> -> memref<128xi32, #tpu.memory_space<vmem>>
        %dma_wait3A_304 = arith.constant 0 : i32
        %dma_wait3A_305 = arith.constant 0 : i32
        %dma_wait3A_306 = tpu.memref_slice %arg10[%dma_wait3A_304, %dma_wait3A_305] : memref<10112x16xf32, #tpu.memory_space<vmem_shared>> -> memref<10112x16xf32, #tpu.memory_space<vmem_shared>>
        tpu.wait_indirect_dma semaphore(%run_scoped3A_286 : memref<!tpu.dma_semaphore, #tpu.memory_space<semaphore_mem>>) src(%dma_wait3A_300 : memref<128x16xf32, #tpu.memory_space<vmem>>) dst(%dma_wait3A_306 : memref<10112x16xf32, #tpu.memory_space<vmem_shared>>)
        tpu.yield
      }) : () -> ()
      %lt3A_239 = arith.constant 9 : i32
      %lt3A_240 = arith.cmpi slt, %scan3A_120, %lt3A_239 : i32
      %convert_element_type3A_241 = arith.extui %lt3A_240 : i1 to i32
      %cond3A_242 = arith.constant 0 : i32
      %cond3A_243 = arith.cmpi ne, %convert_element_type3A_241, %cond3A_242 : i32
      scf.if %cond3A_243 {
        %add3A_286 = arith.constant 8 : i32
        %add3A_287 = arith.addi %add3A_226, %add3A_286 : i32
        %dma_start3A_288 = arith.constant 5 : i32
        %dma_start3A_289 = arith.constant 0 : i32
        %dma_start3A_290 = arith.constant 0 : i32
        %dma_start3A_291 = tpu.memref_slice %arg9[%dma_start3A_288, %dma_start3A_289, %dma_start3A_290] : memref<8x128x16xf32, #tpu.memory_space<vmem>> -> memref<1x128x16xf32, #tpu.memory_space<vmem>>
        %dma_start3A_292 = tpu.memref_squeeze %dma_start3A_291 : memref<1x128x16xf32, #tpu.memory_space<vmem>> -> memref<128x16xf32, #tpu.memory_space<vmem>>
        %dma_start3A_293 = arith.constant 0 : i32
        %dma_start3A_294 = tpu.memref_slice %arg7[%add3A_287, %dma_start3A_293] : memref<80x128xi32, #tpu.memory_space<vmem>> -> memref<1x128xi32, #tpu.memory_space<vmem>>
        %dma_start3A_295 = tpu.memref_squeeze %dma_start3A_294 : memref<1x128xi32, #tpu.memory_space<vmem>> -> memref<128xi32, #tpu.memory_space<vmem>>
        %dma_start3A_296 = arith.constant 0 : i32
        %dma_start3A_297 = arith.constant 0 : i32
        %dma_start3A_298 = tpu.memref_slice %arg2[%dma_start3A_296, %dma_start3A_297] : memref<10112x16xf32, #tpu.memory_space<hbm>> -> memref<10112x16xf32, #tpu.memory_space<hbm>>
        tpu.enqueue_indirect_dma source(%dma_start3A_298 : memref<10112x16xf32, #tpu.memory_space<hbm>>) target(%dma_start3A_292 : memref<128x16xf32, #tpu.memory_space<vmem>>) offsets(%dma_start3A_295 : memref<128xi32, #tpu.memory_space<vmem>>) semaphore(%arg16 : memref<!tpu.dma_semaphore, #tpu.memory_space<semaphore_mem>>)
      } else {
      }
      %mul3A_244 = arith.constant 8 : i32
      %mul3A_245 = arith.muli %scan3A_120, %mul3A_244 : i32
      %add3A_246 = arith.constant 6 : i32
      %add3A_247 = arith.addi %mul3A_245, %add3A_246 : i32
      %dma_wait3A_248 = arith.constant 6 : i32
      %dma_wait3A_249 = arith.constant 0 : i32
      %dma_wait3A_250 = arith.constant 0 : i32
      %dma_wait3A_251 = tpu.memref_slice %arg9[%dma_wait3A_248, %dma_wait3A_249, %dma_wait3A_250] : memref<8x128x16xf32, #tpu.memory_space<vmem>> -> memref<1x128x16xf32, #tpu.memory_space<vmem>>
      %dma_wait3A_252 = tpu.memref_squeeze %dma_wait3A_251 : memref<1x128x16xf32, #tpu.memory_space<vmem>> -> memref<128x16xf32, #tpu.memory_space<vmem>>
      %dma_wait3A_253 = arith.constant 0 : i32
      %dma_wait3A_254 = tpu.memref_slice %arg7[%add3A_247, %dma_wait3A_253] : memref<80x128xi32, #tpu.memory_space<vmem>> -> memref<1x128xi32, #tpu.memory_space<vmem>>
      %dma_wait3A_255 = tpu.memref_squeeze %dma_wait3A_254 : memref<1x128xi32, #tpu.memory_space<vmem>> -> memref<128xi32, #tpu.memory_space<vmem>>
      %dma_wait3A_256 = arith.constant 0 : i32
      %dma_wait3A_257 = arith.constant 0 : i32
      %dma_wait3A_258 = tpu.memref_slice %arg2[%dma_wait3A_256, %dma_wait3A_257] : memref<10112x16xf32, #tpu.memory_space<hbm>> -> memref<10112x16xf32, #tpu.memory_space<hbm>>
      tpu.wait_indirect_dma semaphore(%arg17 : memref<!tpu.dma_semaphore, #tpu.memory_space<semaphore_mem>>) src(%dma_wait3A_258 : memref<10112x16xf32, #tpu.memory_space<hbm>>) dst(%dma_wait3A_252 : memref<128x16xf32, #tpu.memory_space<vmem>>)
      %run_scoped3A_259 = arith.constant 6 : i32
      "tpu.region"() ({
        %run_scoped3A_286 = tpu.sem_alloc : memref<!tpu.dma_semaphore, #tpu.memory_space<semaphore_mem>>
        %dma_start3A_287 = arith.constant 0 : i32
        %dma_start3A_288 = arith.constant 0 : i32
        %dma_start3A_289 = tpu.memref_slice %arg9[%run_scoped3A_259, %dma_start3A_287, %dma_start3A_288] : memref<8x128x16xf32, #tpu.memory_space<vmem>> -> memref<1x128x16xf32, #tpu.memory_space<vmem>>
        %dma_start3A_290 = tpu.memref_squeeze %dma_start3A_289 : memref<1x128x16xf32, #tpu.memory_space<vmem>> -> memref<128x16xf32, #tpu.memory_space<vmem>>
        %dma_start3A_291 = arith.constant 0 : i32
        %dma_start3A_292 = tpu.memref_slice %arg8[%add3A_247, %dma_start3A_291] : memref<80x128xi32, #tpu.memory_space<vmem>> -> memref<1x128xi32, #tpu.memory_space<vmem>>
        %dma_start3A_293 = tpu.memref_squeeze %dma_start3A_292 : memref<1x128xi32, #tpu.memory_space<vmem>> -> memref<128xi32, #tpu.memory_space<vmem>>
        %dma_start3A_294 = arith.constant 0 : i32
        %dma_start3A_295 = arith.constant 0 : i32
        %dma_start3A_296 = tpu.memref_slice %arg10[%dma_start3A_294, %dma_start3A_295] : memref<10112x16xf32, #tpu.memory_space<vmem_shared>> -> memref<10112x16xf32, #tpu.memory_space<vmem_shared>>
        tpu.enqueue_indirect_dma source(%dma_start3A_290 : memref<128x16xf32, #tpu.memory_space<vmem>>) target(%dma_start3A_296 : memref<10112x16xf32, #tpu.memory_space<vmem_shared>>) offsets(%dma_start3A_293 : memref<128xi32, #tpu.memory_space<vmem>>) semaphore(%run_scoped3A_286 : memref<!tpu.dma_semaphore, #tpu.memory_space<semaphore_mem>>) {add = true}
        %dma_wait3A_297 = arith.constant 0 : i32
        %dma_wait3A_298 = arith.constant 0 : i32
        %dma_wait3A_299 = tpu.memref_slice %arg9[%run_scoped3A_259, %dma_wait3A_297, %dma_wait3A_298] : memref<8x128x16xf32, #tpu.memory_space<vmem>> -> memref<1x128x16xf32, #tpu.memory_space<vmem>>
        %dma_wait3A_300 = tpu.memref_squeeze %dma_wait3A_299 : memref<1x128x16xf32, #tpu.memory_space<vmem>> -> memref<128x16xf32, #tpu.memory_space<vmem>>
        %dma_wait3A_301 = arith.constant 0 : i32
        %dma_wait3A_302 = tpu.memref_slice %arg8[%add3A_247, %dma_wait3A_301] : memref<80x128xi32, #tpu.memory_space<vmem>> -> memref<1x128xi32, #tpu.memory_space<vmem>>
        %dma_wait3A_303 = tpu.memref_squeeze %dma_wait3A_302 : memref<1x128xi32, #tpu.memory_space<vmem>> -> memref<128xi32, #tpu.memory_space<vmem>>
        %dma_wait3A_304 = arith.constant 0 : i32
        %dma_wait3A_305 = arith.constant 0 : i32
        %dma_wait3A_306 = tpu.memref_slice %arg10[%dma_wait3A_304, %dma_wait3A_305] : memref<10112x16xf32, #tpu.memory_space<vmem_shared>> -> memref<10112x16xf32, #tpu.memory_space<vmem_shared>>
        tpu.wait_indirect_dma semaphore(%run_scoped3A_286 : memref<!tpu.dma_semaphore, #tpu.memory_space<semaphore_mem>>) src(%dma_wait3A_300 : memref<128x16xf32, #tpu.memory_space<vmem>>) dst(%dma_wait3A_306 : memref<10112x16xf32, #tpu.memory_space<vmem_shared>>)
        tpu.yield
      }) : () -> ()
      %lt3A_260 = arith.constant 9 : i32
      %lt3A_261 = arith.cmpi slt, %scan3A_120, %lt3A_260 : i32
      %convert_element_type3A_262 = arith.extui %lt3A_261 : i1 to i32
      %cond3A_263 = arith.constant 0 : i32
      %cond3A_264 = arith.cmpi ne, %convert_element_type3A_262, %cond3A_263 : i32
      scf.if %cond3A_264 {
        %add3A_286 = arith.constant 8 : i32
        %add3A_287 = arith.addi %add3A_247, %add3A_286 : i32
        %dma_start3A_288 = arith.constant 6 : i32
        %dma_start3A_289 = arith.constant 0 : i32
        %dma_start3A_290 = arith.constant 0 : i32
        %dma_start3A_291 = tpu.memref_slice %arg9[%dma_start3A_288, %dma_start3A_289, %dma_start3A_290] : memref<8x128x16xf32, #tpu.memory_space<vmem>> -> memref<1x128x16xf32, #tpu.memory_space<vmem>>
        %dma_start3A_292 = tpu.memref_squeeze %dma_start3A_291 : memref<1x128x16xf32, #tpu.memory_space<vmem>> -> memref<128x16xf32, #tpu.memory_space<vmem>>
        %dma_start3A_293 = arith.constant 0 : i32
        %dma_start3A_294 = tpu.memref_slice %arg7[%add3A_287, %dma_start3A_293] : memref<80x128xi32, #tpu.memory_space<vmem>> -> memref<1x128xi32, #tpu.memory_space<vmem>>
        %dma_start3A_295 = tpu.memref_squeeze %dma_start3A_294 : memref<1x128xi32, #tpu.memory_space<vmem>> -> memref<128xi32, #tpu.memory_space<vmem>>
        %dma_start3A_296 = arith.constant 0 : i32
        %dma_start3A_297 = arith.constant 0 : i32
        %dma_start3A_298 = tpu.memref_slice %arg2[%dma_start3A_296, %dma_start3A_297] : memref<10112x16xf32, #tpu.memory_space<hbm>> -> memref<10112x16xf32, #tpu.memory_space<hbm>>
        tpu.enqueue_indirect_dma source(%dma_start3A_298 : memref<10112x16xf32, #tpu.memory_space<hbm>>) target(%dma_start3A_292 : memref<128x16xf32, #tpu.memory_space<vmem>>) offsets(%dma_start3A_295 : memref<128xi32, #tpu.memory_space<vmem>>) semaphore(%arg17 : memref<!tpu.dma_semaphore, #tpu.memory_space<semaphore_mem>>)
      } else {
      }
      %mul3A_265 = arith.constant 8 : i32
      %mul3A_266 = arith.muli %scan3A_120, %mul3A_265 : i32
      %add3A_267 = arith.constant 7 : i32
      %add3A_268 = arith.addi %mul3A_266, %add3A_267 : i32
      %dma_wait3A_269 = arith.constant 7 : i32
      %dma_wait3A_270 = arith.constant 0 : i32
      %dma_wait3A_271 = arith.constant 0 : i32
      %dma_wait3A_272 = tpu.memref_slice %arg9[%dma_wait3A_269, %dma_wait3A_270, %dma_wait3A_271] : memref<8x128x16xf32, #tpu.memory_space<vmem>> -> memref<1x128x16xf32, #tpu.memory_space<vmem>>
      %dma_wait3A_273 = tpu.memref_squeeze %dma_wait3A_272 : memref<1x128x16xf32, #tpu.memory_space<vmem>> -> memref<128x16xf32, #tpu.memory_space<vmem>>
      %dma_wait3A_274 = arith.constant 0 : i32
      %dma_wait3A_275 = tpu.memref_slice %arg7[%add3A_268, %dma_wait3A_274] : memref<80x128xi32, #tpu.memory_space<vmem>> -> memref<1x128xi32, #tpu.memory_space<vmem>>
      %dma_wait3A_276 = tpu.memref_squeeze %dma_wait3A_275 : memref<1x128xi32, #tpu.memory_space<vmem>> -> memref<128xi32, #tpu.memory_space<vmem>>
      %dma_wait3A_277 = arith.constant 0 : i32
      %dma_wait3A_278 = arith.constant 0 : i32
      %dma_wait3A_279 = tpu.memref_slice %arg2[%dma_wait3A_277, %dma_wait3A_278] : memref<10112x16xf32, #tpu.memory_space<hbm>> -> memref<10112x16xf32, #tpu.memory_space<hbm>>
      tpu.wait_indirect_dma semaphore(%arg18 : memref<!tpu.dma_semaphore, #tpu.memory_space<semaphore_mem>>) src(%dma_wait3A_279 : memref<10112x16xf32, #tpu.memory_space<hbm>>) dst(%dma_wait3A_273 : memref<128x16xf32, #tpu.memory_space<vmem>>)
      %run_scoped3A_280 = arith.constant 7 : i32
      "tpu.region"() ({
        %run_scoped3A_286 = tpu.sem_alloc : memref<!tpu.dma_semaphore, #tpu.memory_space<semaphore_mem>>
        %dma_start3A_287 = arith.constant 0 : i32
        %dma_start3A_288 = arith.constant 0 : i32
        %dma_start3A_289 = tpu.memref_slice %arg9[%run_scoped3A_280, %dma_start3A_287, %dma_start3A_288] : memref<8x128x16xf32, #tpu.memory_space<vmem>> -> memref<1x128x16xf32, #tpu.memory_space<vmem>>
        %dma_start3A_290 = tpu.memref_squeeze %dma_start3A_289 : memref<1x128x16xf32, #tpu.memory_space<vmem>> -> memref<128x16xf32, #tpu.memory_space<vmem>>
        %dma_start3A_291 = arith.constant 0 : i32
        %dma_start3A_292 = tpu.memref_slice %arg8[%add3A_268, %dma_start3A_291] : memref<80x128xi32, #tpu.memory_space<vmem>> -> memref<1x128xi32, #tpu.memory_space<vmem>>
        %dma_start3A_293 = tpu.memref_squeeze %dma_start3A_292 : memref<1x128xi32, #tpu.memory_space<vmem>> -> memref<128xi32, #tpu.memory_space<vmem>>
        %dma_start3A_294 = arith.constant 0 : i32
        %dma_start3A_295 = arith.constant 0 : i32
        %dma_start3A_296 = tpu.memref_slice %arg10[%dma_start3A_294, %dma_start3A_295] : memref<10112x16xf32, #tpu.memory_space<vmem_shared>> -> memref<10112x16xf32, #tpu.memory_space<vmem_shared>>
        tpu.enqueue_indirect_dma source(%dma_start3A_290 : memref<128x16xf32, #tpu.memory_space<vmem>>) target(%dma_start3A_296 : memref<10112x16xf32, #tpu.memory_space<vmem_shared>>) offsets(%dma_start3A_293 : memref<128xi32, #tpu.memory_space<vmem>>) semaphore(%run_scoped3A_286 : memref<!tpu.dma_semaphore, #tpu.memory_space<semaphore_mem>>) {add = true}
        %dma_wait3A_297 = arith.constant 0 : i32
        %dma_wait3A_298 = arith.constant 0 : i32
        %dma_wait3A_299 = tpu.memref_slice %arg9[%run_scoped3A_280, %dma_wait3A_297, %dma_wait3A_298] : memref<8x128x16xf32, #tpu.memory_space<vmem>> -> memref<1x128x16xf32, #tpu.memory_space<vmem>>
        %dma_wait3A_300 = tpu.memref_squeeze %dma_wait3A_299 : memref<1x128x16xf32, #tpu.memory_space<vmem>> -> memref<128x16xf32, #tpu.memory_space<vmem>>
        %dma_wait3A_301 = arith.constant 0 : i32
        %dma_wait3A_302 = tpu.memref_slice %arg8[%add3A_268, %dma_wait3A_301] : memref<80x128xi32, #tpu.memory_space<vmem>> -> memref<1x128xi32, #tpu.memory_space<vmem>>
        %dma_wait3A_303 = tpu.memref_squeeze %dma_wait3A_302 : memref<1x128xi32, #tpu.memory_space<vmem>> -> memref<128xi32, #tpu.memory_space<vmem>>
        %dma_wait3A_304 = arith.constant 0 : i32
        %dma_wait3A_305 = arith.constant 0 : i32
        %dma_wait3A_306 = tpu.memref_slice %arg10[%dma_wait3A_304, %dma_wait3A_305] : memref<10112x16xf32, #tpu.memory_space<vmem_shared>> -> memref<10112x16xf32, #tpu.memory_space<vmem_shared>>
        tpu.wait_indirect_dma semaphore(%run_scoped3A_286 : memref<!tpu.dma_semaphore, #tpu.memory_space<semaphore_mem>>) src(%dma_wait3A_300 : memref<128x16xf32, #tpu.memory_space<vmem>>) dst(%dma_wait3A_306 : memref<10112x16xf32, #tpu.memory_space<vmem_shared>>)
        tpu.yield
      }) : () -> ()
      %lt3A_281 = arith.constant 9 : i32
      %lt3A_282 = arith.cmpi slt, %scan3A_120, %lt3A_281 : i32
      %convert_element_type3A_283 = arith.extui %lt3A_282 : i1 to i32
      %cond3A_284 = arith.constant 0 : i32
      %cond3A_285 = arith.cmpi ne, %convert_element_type3A_283, %cond3A_284 : i32
      scf.if %cond3A_285 {
        %add3A_286 = arith.constant 8 : i32
        %add3A_287 = arith.addi %add3A_268, %add3A_286 : i32
        %dma_start3A_288 = arith.constant 7 : i32
        %dma_start3A_289 = arith.constant 0 : i32
        %dma_start3A_290 = arith.constant 0 : i32
        %dma_start3A_291 = tpu.memref_slice %arg9[%dma_start3A_288, %dma_start3A_289, %dma_start3A_290] : memref<8x128x16xf32, #tpu.memory_space<vmem>> -> memref<1x128x16xf32, #tpu.memory_space<vmem>>
        %dma_start3A_292 = tpu.memref_squeeze %dma_start3A_291 : memref<1x128x16xf32, #tpu.memory_space<vmem>> -> memref<128x16xf32, #tpu.memory_space<vmem>>
        %dma_start3A_293 = arith.constant 0 : i32
        %dma_start3A_294 = tpu.memref_slice %arg7[%add3A_287, %dma_start3A_293] : memref<80x128xi32, #tpu.memory_space<vmem>> -> memref<1x128xi32, #tpu.memory_space<vmem>>
        %dma_start3A_295 = tpu.memref_squeeze %dma_start3A_294 : memref<1x128xi32, #tpu.memory_space<vmem>> -> memref<128xi32, #tpu.memory_space<vmem>>
        %dma_start3A_296 = arith.constant 0 : i32
        %dma_start3A_297 = arith.constant 0 : i32
        %dma_start3A_298 = tpu.memref_slice %arg2[%dma_start3A_296, %dma_start3A_297] : memref<10112x16xf32, #tpu.memory_space<hbm>> -> memref<10112x16xf32, #tpu.memory_space<hbm>>
        tpu.enqueue_indirect_dma source(%dma_start3A_298 : memref<10112x16xf32, #tpu.memory_space<hbm>>) target(%dma_start3A_292 : memref<128x16xf32, #tpu.memory_space<vmem>>) offsets(%dma_start3A_295 : memref<128xi32, #tpu.memory_space<vmem>>) semaphore(%arg18 : memref<!tpu.dma_semaphore, #tpu.memory_space<semaphore_mem>>)
      } else {
      }
    }
    %scan3A_111 = arith.constant 10 : i32
    %barrier3A_112 = arith.constant 0 : index
    tpu.barrier barrier_id(%barrier3A_112)
    %mul3A_113 = arith.constant 632 : i32
    %mul3A_114 = arith.muli %arg1, %mul3A_113 : i32
    %mul3A_115 = arith.constant 10112 : i32
    %mul3A_116 = arith.muli %arg0, %mul3A_115 : i32
    %mul3A_117 = arith.constant 632 : i32
    %mul3A_118 = arith.muli %arg1, %mul3A_117 : i32
    %add3A_119 = arith.addi %mul3A_116, %mul3A_118 : i32
    "tpu.region"() ({
      %run_scoped3A = tpu.sem_alloc : memref<!tpu.dma_semaphore, #tpu.memory_space<semaphore_mem>>
      %dma_start3A_120 = arith.constant 0 : i32
      %dma_start3A_121 = tpu.memref_slice %arg6[%add3A_119, %dma_start3A_120] : memref<20224x16xf32, #tpu.memory_space<hbm>> -> memref<632x16xf32, #tpu.memory_space<hbm>>
      %dma_start3A_122 = arith.constant 0 : i32
      %dma_start3A_123 = tpu.memref_slice %arg10[%mul3A_114, %dma_start3A_122] : memref<10112x16xf32, #tpu.memory_space<vmem_shared>> -> memref<632x16xf32, #tpu.memory_space<vmem_shared>>
      tpu.enqueue_dma source(%dma_start3A_123 : memref<632x16xf32, #tpu.memory_space<vmem_shared>>) target(%dma_start3A_121 : memref<632x16xf32, #tpu.memory_space<hbm>>) target_semaphore(%run_scoped3A : memref<!tpu.dma_semaphore, #tpu.memory_space<semaphore_mem>>)
      %dma_wait3A = arith.constant 0 : i32
      %dma_wait3A_124 = tpu.memref_slice %arg6[%add3A_119, %dma_wait3A] : memref<20224x16xf32, #tpu.memory_space<hbm>> -> memref<632x16xf32, #tpu.memory_space<hbm>>
      %dma_wait3A_125 = arith.constant 0 : i32
      %dma_wait3A_126 = tpu.memref_slice %arg10[%mul3A_114, %dma_wait3A_125] : memref<10112x16xf32, #tpu.memory_space<vmem_shared>> -> memref<632x16xf32, #tpu.memory_space<vmem_shared>>
      tpu.wait_dma2 semaphore(%run_scoped3A : memref<!tpu.dma_semaphore, #tpu.memory_space<semaphore_mem>>) src(%dma_wait3A_126 : memref<632x16xf32, #tpu.memory_space<vmem_shared>>) dst(%dma_wait3A_124 : memref<632x16xf32, #tpu.memory_space<hbm>>)
      tpu.yield
    }) : () -> ()
    return
  }
}

#map = affine_map<(d0, d1) -> (0, 0)>
module attributes {stable_mosaic.version = 14 : i64} {
  func.func @_sc_agg(%arg0: i32, %arg1: i32, %arg2: memref<10112x16xf32, #tpu.memory_space<hbm>>, %arg3: memref<2560x128xi32, #tpu.memory_space<hbm>>, %arg4: memref<2560x128xi32, #tpu.memory_space<hbm>>, %arg5: memref<760x16xf32, #tpu.memory_space<hbm>>, %arg6: memref<20224x16xf32, #tpu.memory_space<hbm>>, %arg7: memref<80x128xi32, #tpu.memory_space<vmem>>, %arg8: memref<80x128xi32, #tpu.memory_space<vmem>>, %arg9: memref<8x128x16xf32, #tpu.memory_space<vmem>>, %arg10: memref<10112x16xf32, #tpu.memory_space<vmem_shared>>, %arg11: memref<!tpu.dma_semaphore, #tpu.memory_space<semaphore_mem>>, %arg12: memref<!tpu.dma_semaphore, #tpu.memory_space<semaphore_mem>>, %arg13: memref<!tpu.dma_semaphore, #tpu.memory_space<semaphore_mem>>, %arg14: memref<!tpu.dma_semaphore, #tpu.memory_space<semaphore_mem>>, %arg15: memref<!tpu.dma_semaphore, #tpu.memory_space<semaphore_mem>>, %arg16: memref<!tpu.dma_semaphore, #tpu.memory_space<semaphore_mem>>, %arg17: memref<!tpu.dma_semaphore, #tpu.memory_space<semaphore_mem>>, %arg18: memref<!tpu.dma_semaphore, #tpu.memory_space<semaphore_mem>>) attributes {dimension_semantics = [#tpu.dimension_semantics<core_parallel>, #tpu.dimension_semantics<subcore_parallel>], iteration_bounds = array<i64: 2, 16>, scalar_prefetch = 0 : i64, scratch_operands = 12 : i64, tpu.core_type = #tpu.core_type<sc_vector_subcore>, window_params = [{transform_indices = #map}, {transform_indices = #map}, {transform_indices = #map}, {transform_indices = #map}, {transform_indices = #map}]} {
    %mul3A = arith.constant 16 : i32
    %mul3A_0 = arith.muli %arg0, %mul3A : i32
    %add3A = arith.addi %mul3A_0, %arg1 : i32
    %eq3A = arith.constant 0 : i32
    %eq3A_1 = arith.cmpi eq, %arg0, %eq3A : i32
    %convert_element_type3A = arith.extui %eq3A_1 : i1 to i32
    %cond3A = arith.constant 0 : i32
    %cond3A_2 = arith.cmpi ne, %convert_element_type3A, %cond3A : i32
    scf.if %cond3A_2 {
      %mul3A_120 = arith.constant 632 : i32
      %mul3A_121 = arith.muli %arg1, %mul3A_120 : i32
      %mul3A_122 = arith.constant 632 : i32
      %mul3A_123 = arith.muli %arg1, %mul3A_122 : i32
      "tpu.region"() ({
        %run_scoped3A = tpu.sem_alloc : memref<!tpu.dma_semaphore, #tpu.memory_space<semaphore_mem>>
        %dma_start3A_124 = arith.constant 0 : i32
        %dma_start3A_125 = tpu.memref_slice %arg10[%mul3A_123, %dma_start3A_124] : memref<10112x16xf32, #tpu.memory_space<vmem_shared>> -> memref<632x16xf32, #tpu.memory_space<vmem_shared>>
        %dma_start3A_126 = arith.constant 0 : i32
        %dma_start3A_127 = tpu.memref_slice %arg2[%mul3A_121, %dma_start3A_126] : memref<10112x16xf32, #tpu.memory_space<hbm>> -> memref<632x16xf32, #tpu.memory_space<hbm>>
        tpu.enqueue_dma source(%dma_start3A_127 : memref<632x16xf32, #tpu.memory_space<hbm>>) target(%dma_start3A_125 : memref<632x16xf32, #tpu.memory_space<vmem_shared>>) target_semaphore(%run_scoped3A : memref<!tpu.dma_semaphore, #tpu.memory_space<semaphore_mem>>)
        %dma_wait3A = arith.constant 0 : i32
        %dma_wait3A_128 = tpu.memref_slice %arg10[%mul3A_123, %dma_wait3A] : memref<10112x16xf32, #tpu.memory_space<vmem_shared>> -> memref<632x16xf32, #tpu.memory_space<vmem_shared>>
        %dma_wait3A_129 = arith.constant 0 : i32
        %dma_wait3A_130 = tpu.memref_slice %arg2[%mul3A_121, %dma_wait3A_129] : memref<10112x16xf32, #tpu.memory_space<hbm>> -> memref<632x16xf32, #tpu.memory_space<hbm>>
        tpu.wait_dma2 semaphore(%run_scoped3A : memref<!tpu.dma_semaphore, #tpu.memory_space<semaphore_mem>>) src(%dma_wait3A_130 : memref<632x16xf32, #tpu.memory_space<hbm>>) dst(%dma_wait3A_128 : memref<632x16xf32, #tpu.memory_space<vmem_shared>>)
        tpu.yield
      }) : () -> ()
    } else {
    }
    %eq3A_3 = arith.constant 1 : i32
    %eq3A_4 = arith.cmpi eq, %arg0, %eq3A_3 : i32
    %convert_element_type3A_5 = arith.extui %eq3A_4 : i1 to i32
    %cond3A_6 = arith.constant 0 : i32
    %cond3A_7 = arith.cmpi ne, %convert_element_type3A_5, %cond3A_6 : i32
    scf.if %cond3A_7 {
      %mul3A_120 = arith.constant 632 : i32
      %mul3A_121 = arith.muli %arg1, %mul3A_120 : i32
      "tpu.region"() ({
        %run_scoped3A = tpu.sem_alloc : memref<!tpu.dma_semaphore, #tpu.memory_space<semaphore_mem>>
        %dma_start3A_122 = arith.constant 0 : i32
        %dma_start3A_123 = tpu.memref_slice %arg10[%mul3A_121, %dma_start3A_122] : memref<10112x16xf32, #tpu.memory_space<vmem_shared>> -> memref<632x16xf32, #tpu.memory_space<vmem_shared>>
        %dma_start3A_124 = arith.constant 0 : i32
        %dma_start3A_125 = arith.constant 0 : i32
        %dma_start3A_126 = tpu.memref_slice %arg5[%dma_start3A_124, %dma_start3A_125] : memref<760x16xf32, #tpu.memory_space<hbm>> -> memref<632x16xf32, #tpu.memory_space<hbm>>
        tpu.enqueue_dma source(%dma_start3A_126 : memref<632x16xf32, #tpu.memory_space<hbm>>) target(%dma_start3A_123 : memref<632x16xf32, #tpu.memory_space<vmem_shared>>) target_semaphore(%run_scoped3A : memref<!tpu.dma_semaphore, #tpu.memory_space<semaphore_mem>>)
        %dma_wait3A = arith.constant 0 : i32
        %dma_wait3A_127 = tpu.memref_slice %arg10[%mul3A_121, %dma_wait3A] : memref<10112x16xf32, #tpu.memory_space<vmem_shared>> -> memref<632x16xf32, #tpu.memory_space<vmem_shared>>
        %dma_wait3A_128 = arith.constant 0 : i32
        %dma_wait3A_129 = arith.constant 0 : i32
        %dma_wait3A_130 = tpu.memref_slice %arg5[%dma_wait3A_128, %dma_wait3A_129] : memref<760x16xf32, #tpu.memory_space<hbm>> -> memref<632x16xf32, #tpu.memory_space<hbm>>
        tpu.wait_dma2 semaphore(%run_scoped3A : memref<!tpu.dma_semaphore, #tpu.memory_space<semaphore_mem>>) src(%dma_wait3A_130 : memref<632x16xf32, #tpu.memory_space<hbm>>) dst(%dma_wait3A_127 : memref<632x16xf32, #tpu.memory_space<vmem_shared>>)
        tpu.yield
      }) : () -> ()
    } else {
    }
    %mul3A_8 = arith.constant 80 : i32
    %mul3A_9 = arith.muli %add3A, %mul3A_8 : i32
    "tpu.region"() ({
      %run_scoped3A = tpu.sem_alloc : memref<!tpu.dma_semaphore, #tpu.memory_space<semaphore_mem>>
      %dma_start3A_120 = arith.constant 0 : i32
      %dma_start3A_121 = tpu.memref_slice %arg3[%mul3A_9, %dma_start3A_120] : memref<2560x128xi32, #tpu.memory_space<hbm>> -> memref<80x128xi32, #tpu.memory_space<hbm>>
      %dma_start3A_122 = arith.constant 0 : i32
      %dma_start3A_123 = tpu.memref_slice %arg3[%mul3A_9, %dma_start3A_122] : memref<2560x128xi32, #tpu.memory_space<hbm>> -> memref<80x128xi32, #tpu.memory_space<hbm>>
      tpu.enqueue_dma source(%dma_start3A_123 : memref<80x128xi32, #tpu.memory_space<hbm>>) target(%arg7 : memref<80x128xi32, #tpu.memory_space<vmem>>) target_semaphore(%run_scoped3A : memref<!tpu.dma_semaphore, #tpu.memory_space<semaphore_mem>>)
      %dma_wait3A = arith.constant 0 : i32
      %dma_wait3A_124 = tpu.memref_slice %arg3[%mul3A_9, %dma_wait3A] : memref<2560x128xi32, #tpu.memory_space<hbm>> -> memref<80x128xi32, #tpu.memory_space<hbm>>
      %dma_wait3A_125 = arith.constant 0 : i32
      %dma_wait3A_126 = tpu.memref_slice %arg3[%mul3A_9, %dma_wait3A_125] : memref<2560x128xi32, #tpu.memory_space<hbm>> -> memref<80x128xi32, #tpu.memory_space<hbm>>
      tpu.wait_dma2 semaphore(%run_scoped3A : memref<!tpu.dma_semaphore, #tpu.memory_space<semaphore_mem>>) src(%dma_wait3A_126 : memref<80x128xi32, #tpu.memory_space<hbm>>) dst(%arg7 : memref<80x128xi32, #tpu.memory_space<vmem>>)
      tpu.yield
    }) : () -> ()
    %mul3A_10 = arith.constant 80 : i32
    %mul3A_11 = arith.muli %add3A, %mul3A_10 : i32
    "tpu.region"() ({
      %run_scoped3A = tpu.sem_alloc : memref<!tpu.dma_semaphore, #tpu.memory_space<semaphore_mem>>
      %dma_start3A_120 = arith.constant 0 : i32
      %dma_start3A_121 = tpu.memref_slice %arg4[%mul3A_11, %dma_start3A_120] : memref<2560x128xi32, #tpu.memory_space<hbm>> -> memref<80x128xi32, #tpu.memory_space<hbm>>
      %dma_start3A_122 = arith.constant 0 : i32
      %dma_start3A_123 = tpu.memref_slice %arg4[%mul3A_11, %dma_start3A_122] : memref<2560x128xi32, #tpu.memory_space<hbm>> -> memref<80x128xi32, #tpu.memory_space<hbm>>
      tpu.enqueue_dma source(%dma_start3A_123 : memref<80x128xi32, #tpu.memory_space<hbm>>) target(%arg8 : memref<80x128xi32, #tpu.memory_space<vmem>>) target_semaphore(%run_scoped3A : memref<!tpu.dma_semaphore, #tpu.memory_space<semaphore_mem>>)
      %dma_wait3A = arith.constant 0 : i32
      %dma_wait3A_124 = tpu.memref_slice %arg4[%mul3A_11, %dma_wait3A] : memref<2560x128xi32, #tpu.memory_space<hbm>> -> memref<80x128xi32, #tpu.memory_space<hbm>>
      %dma_wait3A_125 = arith.constant 0 : i32
      %dma_wait3A_126 = tpu.memref_slice %arg4[%mul3A_11, %dma_wait3A_125] : memref<2560x128xi32, #tpu.memory_space<hbm>> -> memref<80x128xi32, #tpu.memory_space<hbm>>
      tpu.wait_dma2 semaphore(%run_scoped3A : memref<!tpu.dma_semaphore, #tpu.memory_space<semaphore_mem>>) src(%dma_wait3A_126 : memref<80x128xi32, #tpu.memory_space<hbm>>) dst(%arg8 : memref<80x128xi32, #tpu.memory_space<vmem>>)
      tpu.yield
    }) : () -> ()
    %barrier3A = arith.constant 0 : index
    tpu.barrier barrier_id(%barrier3A)
    %dma_start3A = arith.constant 0 : i32
    %dma_start3A_12 = arith.constant 0 : i32
    %dma_start3A_13 = arith.constant 0 : i32
    %dma_start3A_14 = arith.constant 0 : i32
    %dma_start3A_15 = tpu.memref_slice %arg9[%dma_start3A_12, %dma_start3A_13, %dma_start3A_14] : memref<8x128x16xf32, #tpu.memory_space<vmem>> -> memref<1x128x16xf32, #tpu.memory_space<vmem>>
    %dma_start3A_16 = tpu.memref_squeeze %dma_start3A_15 : memref<1x128x16xf32, #tpu.memory_space<vmem>> -> memref<128x16xf32, #tpu.memory_space<vmem>>
    %dma_start3A_17 = arith.constant 0 : i32
    %dma_start3A_18 = tpu.memref_slice %arg7[%dma_start3A, %dma_start3A_17] : memref<80x128xi32, #tpu.memory_space<vmem>> -> memref<1x128xi32, #tpu.memory_space<vmem>>
    %dma_start3A_19 = tpu.memref_squeeze %dma_start3A_18 : memref<1x128xi32, #tpu.memory_space<vmem>> -> memref<128xi32, #tpu.memory_space<vmem>>
    %dma_start3A_20 = arith.constant 0 : i32
    %dma_start3A_21 = arith.constant 0 : i32
    %dma_start3A_22 = tpu.memref_slice %arg2[%dma_start3A_20, %dma_start3A_21] : memref<10112x16xf32, #tpu.memory_space<hbm>> -> memref<10112x16xf32, #tpu.memory_space<hbm>>
    tpu.enqueue_indirect_dma source(%dma_start3A_22 : memref<10112x16xf32, #tpu.memory_space<hbm>>) target(%dma_start3A_16 : memref<128x16xf32, #tpu.memory_space<vmem>>) offsets(%dma_start3A_19 : memref<128xi32, #tpu.memory_space<vmem>>) semaphore(%arg11 : memref<!tpu.dma_semaphore, #tpu.memory_space<semaphore_mem>>)
    %dma_start3A_23 = arith.constant 1 : i32
    %dma_start3A_24 = arith.constant 1 : i32
    %dma_start3A_25 = arith.constant 0 : i32
    %dma_start3A_26 = arith.constant 0 : i32
    %dma_start3A_27 = tpu.memref_slice %arg9[%dma_start3A_24, %dma_start3A_25, %dma_start3A_26] : memref<8x128x16xf32, #tpu.memory_space<vmem>> -> memref<1x128x16xf32, #tpu.memory_space<vmem>>
    %dma_start3A_28 = tpu.memref_squeeze %dma_start3A_27 : memref<1x128x16xf32, #tpu.memory_space<vmem>> -> memref<128x16xf32, #tpu.memory_space<vmem>>
    %dma_start3A_29 = arith.constant 0 : i32
    %dma_start3A_30 = tpu.memref_slice %arg7[%dma_start3A_23, %dma_start3A_29] : memref<80x128xi32, #tpu.memory_space<vmem>> -> memref<1x128xi32, #tpu.memory_space<vmem>>
    %dma_start3A_31 = tpu.memref_squeeze %dma_start3A_30 : memref<1x128xi32, #tpu.memory_space<vmem>> -> memref<128xi32, #tpu.memory_space<vmem>>
    %dma_start3A_32 = arith.constant 0 : i32
    %dma_start3A_33 = arith.constant 0 : i32
    %dma_start3A_34 = tpu.memref_slice %arg2[%dma_start3A_32, %dma_start3A_33] : memref<10112x16xf32, #tpu.memory_space<hbm>> -> memref<10112x16xf32, #tpu.memory_space<hbm>>
    tpu.enqueue_indirect_dma source(%dma_start3A_34 : memref<10112x16xf32, #tpu.memory_space<hbm>>) target(%dma_start3A_28 : memref<128x16xf32, #tpu.memory_space<vmem>>) offsets(%dma_start3A_31 : memref<128xi32, #tpu.memory_space<vmem>>) semaphore(%arg12 : memref<!tpu.dma_semaphore, #tpu.memory_space<semaphore_mem>>)
    %dma_start3A_35 = arith.constant 2 : i32
    %dma_start3A_36 = arith.constant 2 : i32
    %dma_start3A_37 = arith.constant 0 : i32
    %dma_start3A_38 = arith.constant 0 : i32
    %dma_start3A_39 = tpu.memref_slice %arg9[%dma_start3A_36, %dma_start3A_37, %dma_start3A_38] : memref<8x128x16xf32, #tpu.memory_space<vmem>> -> memref<1x128x16xf32, #tpu.memory_space<vmem>>
    %dma_start3A_40 = tpu.memref_squeeze %dma_start3A_39 : memref<1x128x16xf32, #tpu.memory_space<vmem>> -> memref<128x16xf32, #tpu.memory_space<vmem>>
    %dma_start3A_41 = arith.constant 0 : i32
    %dma_start3A_42 = tpu.memref_slice %arg7[%dma_start3A_35, %dma_start3A_41] : memref<80x128xi32, #tpu.memory_space<vmem>> -> memref<1x128xi32, #tpu.memory_space<vmem>>
    %dma_start3A_43 = tpu.memref_squeeze %dma_start3A_42 : memref<1x128xi32, #tpu.memory_space<vmem>> -> memref<128xi32, #tpu.memory_space<vmem>>
    %dma_start3A_44 = arith.constant 0 : i32
    %dma_start3A_45 = arith.constant 0 : i32
    %dma_start3A_46 = tpu.memref_slice %arg2[%dma_start3A_44, %dma_start3A_45] : memref<10112x16xf32, #tpu.memory_space<hbm>> -> memref<10112x16xf32, #tpu.memory_space<hbm>>
    tpu.enqueue_indirect_dma source(%dma_start3A_46 : memref<10112x16xf32, #tpu.memory_space<hbm>>) target(%dma_start3A_40 : memref<128x16xf32, #tpu.memory_space<vmem>>) offsets(%dma_start3A_43 : memref<128xi32, #tpu.memory_space<vmem>>) semaphore(%arg13 : memref<!tpu.dma_semaphore, #tpu.memory_space<semaphore_mem>>)
    %dma_start3A_47 = arith.constant 3 : i32
    %dma_start3A_48 = arith.constant 3 : i32
    %dma_start3A_49 = arith.constant 0 : i32
    %dma_start3A_50 = arith.constant 0 : i32
    %dma_start3A_51 = tpu.memref_slice %arg9[%dma_start3A_48, %dma_start3A_49, %dma_start3A_50] : memref<8x128x16xf32, #tpu.memory_space<vmem>> -> memref<1x128x16xf32, #tpu.memory_space<vmem>>
    %dma_start3A_52 = tpu.memref_squeeze %dma_start3A_51 : memref<1x128x16xf32, #tpu.memory_space<vmem>> -> memref<128x16xf32, #tpu.memory_space<vmem>>
    %dma_start3A_53 = arith.constant 0 : i32
    %dma_start3A_54 = tpu.memref_slice %arg7[%dma_start3A_47, %dma_start3A_53] : memref<80x128xi32, #tpu.memory_space<vmem>> -> memref<1x128xi32, #tpu.memory_space<vmem>>
    %dma_start3A_55 = tpu.memref_squeeze %dma_start3A_54 : memref<1x128xi32, #tpu.memory_space<vmem>> -> memref<128xi32, #tpu.memory_space<vmem>>
    %dma_start3A_56 = arith.constant 0 : i32
    %dma_start3A_57 = arith.constant 0 : i32
    %dma_start3A_58 = tpu.memref_slice %arg2[%dma_start3A_56, %dma_start3A_57] : memref<10112x16xf32, #tpu.memory_space<hbm>> -> memref<10112x16xf32, #tpu.memory_space<hbm>>
    tpu.enqueue_indirect_dma source(%dma_start3A_58 : memref<10112x16xf32, #tpu.memory_space<hbm>>) target(%dma_start3A_52 : memref<128x16xf32, #tpu.memory_space<vmem>>) offsets(%dma_start3A_55 : memref<128xi32, #tpu.memory_space<vmem>>) semaphore(%arg14 : memref<!tpu.dma_semaphore, #tpu.memory_space<semaphore_mem>>)
    %dma_start3A_59 = arith.constant 4 : i32
    %dma_start3A_60 = arith.constant 4 : i32
    %dma_start3A_61 = arith.constant 0 : i32
    %dma_start3A_62 = arith.constant 0 : i32
    %dma_start3A_63 = tpu.memref_slice %arg9[%dma_start3A_60, %dma_start3A_61, %dma_start3A_62] : memref<8x128x16xf32, #tpu.memory_space<vmem>> -> memref<1x128x16xf32, #tpu.memory_space<vmem>>
    %dma_start3A_64 = tpu.memref_squeeze %dma_start3A_63 : memref<1x128x16xf32, #tpu.memory_space<vmem>> -> memref<128x16xf32, #tpu.memory_space<vmem>>
    %dma_start3A_65 = arith.constant 0 : i32
    %dma_start3A_66 = tpu.memref_slice %arg7[%dma_start3A_59, %dma_start3A_65] : memref<80x128xi32, #tpu.memory_space<vmem>> -> memref<1x128xi32, #tpu.memory_space<vmem>>
    %dma_start3A_67 = tpu.memref_squeeze %dma_start3A_66 : memref<1x128xi32, #tpu.memory_space<vmem>> -> memref<128xi32, #tpu.memory_space<vmem>>
    %dma_start3A_68 = arith.constant 0 : i32
    %dma_start3A_69 = arith.constant 0 : i32
    %dma_start3A_70 = tpu.memref_slice %arg2[%dma_start3A_68, %dma_start3A_69] : memref<10112x16xf32, #tpu.memory_space<hbm>> -> memref<10112x16xf32, #tpu.memory_space<hbm>>
    tpu.enqueue_indirect_dma source(%dma_start3A_70 : memref<10112x16xf32, #tpu.memory_space<hbm>>) target(%dma_start3A_64 : memref<128x16xf32, #tpu.memory_space<vmem>>) offsets(%dma_start3A_67 : memref<128xi32, #tpu.memory_space<vmem>>) semaphore(%arg15 : memref<!tpu.dma_semaphore, #tpu.memory_space<semaphore_mem>>)
    %dma_start3A_71 = arith.constant 5 : i32
    %dma_start3A_72 = arith.constant 5 : i32
    %dma_start3A_73 = arith.constant 0 : i32
    %dma_start3A_74 = arith.constant 0 : i32
    %dma_start3A_75 = tpu.memref_slice %arg9[%dma_start3A_72, %dma_start3A_73, %dma_start3A_74] : memref<8x128x16xf32, #tpu.memory_space<vmem>> -> memref<1x128x16xf32, #tpu.memory_space<vmem>>
    %dma_start3A_76 = tpu.memref_squeeze %dma_start3A_75 : memref<1x128x16xf32, #tpu.memory_space<vmem>> -> memref<128x16xf32, #tpu.memory_space<vmem>>
    %dma_start3A_77 = arith.constant 0 : i32
    %dma_start3A_78 = tpu.memref_slice %arg7[%dma_start3A_71, %dma_start3A_77] : memref<80x128xi32, #tpu.memory_space<vmem>> -> memref<1x128xi32, #tpu.memory_space<vmem>>
    %dma_start3A_79 = tpu.memref_squeeze %dma_start3A_78 : memref<1x128xi32, #tpu.memory_space<vmem>> -> memref<128xi32, #tpu.memory_space<vmem>>
    %dma_start3A_80 = arith.constant 0 : i32
    %dma_start3A_81 = arith.constant 0 : i32
    %dma_start3A_82 = tpu.memref_slice %arg2[%dma_start3A_80, %dma_start3A_81] : memref<10112x16xf32, #tpu.memory_space<hbm>> -> memref<10112x16xf32, #tpu.memory_space<hbm>>
    tpu.enqueue_indirect_dma source(%dma_start3A_82 : memref<10112x16xf32, #tpu.memory_space<hbm>>) target(%dma_start3A_76 : memref<128x16xf32, #tpu.memory_space<vmem>>) offsets(%dma_start3A_79 : memref<128xi32, #tpu.memory_space<vmem>>) semaphore(%arg16 : memref<!tpu.dma_semaphore, #tpu.memory_space<semaphore_mem>>)
    %dma_start3A_83 = arith.constant 6 : i32
    %dma_start3A_84 = arith.constant 6 : i32
    %dma_start3A_85 = arith.constant 0 : i32
    %dma_start3A_86 = arith.constant 0 : i32
    %dma_start3A_87 = tpu.memref_slice %arg9[%dma_start3A_84, %dma_start3A_85, %dma_start3A_86] : memref<8x128x16xf32, #tpu.memory_space<vmem>> -> memref<1x128x16xf32, #tpu.memory_space<vmem>>
    %dma_start3A_88 = tpu.memref_squeeze %dma_start3A_87 : memref<1x128x16xf32, #tpu.memory_space<vmem>> -> memref<128x16xf32, #tpu.memory_space<vmem>>
    %dma_start3A_89 = arith.constant 0 : i32
    %dma_start3A_90 = tpu.memref_slice %arg7[%dma_start3A_83, %dma_start3A_89] : memref<80x128xi32, #tpu.memory_space<vmem>> -> memref<1x128xi32, #tpu.memory_space<vmem>>
    %dma_start3A_91 = tpu.memref_squeeze %dma_start3A_90 : memref<1x128xi32, #tpu.memory_space<vmem>> -> memref<128xi32, #tpu.memory_space<vmem>>
    %dma_start3A_92 = arith.constant 0 : i32
    %dma_start3A_93 = arith.constant 0 : i32
    %dma_start3A_94 = tpu.memref_slice %arg2[%dma_start3A_92, %dma_start3A_93] : memref<10112x16xf32, #tpu.memory_space<hbm>> -> memref<10112x16xf32, #tpu.memory_space<hbm>>
    tpu.enqueue_indirect_dma source(%dma_start3A_94 : memref<10112x16xf32, #tpu.memory_space<hbm>>) target(%dma_start3A_88 : memref<128x16xf32, #tpu.memory_space<vmem>>) offsets(%dma_start3A_91 : memref<128xi32, #tpu.memory_space<vmem>>) semaphore(%arg17 : memref<!tpu.dma_semaphore, #tpu.memory_space<semaphore_mem>>)
    %dma_start3A_95 = arith.constant 7 : i32
    %dma_start3A_96 = arith.constant 7 : i32
    %dma_start3A_97 = arith.constant 0 : i32
    %dma_start3A_98 = arith.constant 0 : i32
    %dma_start3A_99 = tpu.memref_slice %arg9[%dma_start3A_96, %dma_start3A_97, %dma_start3A_98] : memref<8x128x16xf32, #tpu.memory_space<vmem>> -> memref<1x128x16xf32, #tpu.memory_space<vmem>>
    %dma_start3A_100 = tpu.memref_squeeze %dma_start3A_99 : memref<1x128x16xf32, #tpu.memory_space<vmem>> -> memref<128x16xf32, #tpu.memory_space<vmem>>
    %dma_start3A_101 = arith.constant 0 : i32
    %dma_start3A_102 = tpu.memref_slice %arg7[%dma_start3A_95, %dma_start3A_101] : memref<80x128xi32, #tpu.memory_space<vmem>> -> memref<1x128xi32, #tpu.memory_space<vmem>>
    %dma_start3A_103 = tpu.memref_squeeze %dma_start3A_102 : memref<1x128xi32, #tpu.memory_space<vmem>> -> memref<128xi32, #tpu.memory_space<vmem>>
    %dma_start3A_104 = arith.constant 0 : i32
    %dma_start3A_105 = arith.constant 0 : i32
    %dma_start3A_106 = tpu.memref_slice %arg2[%dma_start3A_104, %dma_start3A_105] : memref<10112x16xf32, #tpu.memory_space<hbm>> -> memref<10112x16xf32, #tpu.memory_space<hbm>>
    tpu.enqueue_indirect_dma source(%dma_start3A_106 : memref<10112x16xf32, #tpu.memory_space<hbm>>) target(%dma_start3A_100 : memref<128x16xf32, #tpu.memory_space<vmem>>) offsets(%dma_start3A_103 : memref<128xi32, #tpu.memory_space<vmem>>) semaphore(%arg18 : memref<!tpu.dma_semaphore, #tpu.memory_space<semaphore_mem>>)
    %scan3A = arith.constant 0 : i32
    %scan3A_107 = arith.constant 0 : i32
    %scan3A_108 = arith.constant 10 : i32
    %scan3A_109 = arith.addi %scan3A_107, %scan3A_108 : i32
    %scan3A_110 = arith.constant 1 : i32
    scf.for %scan3A_120 = %scan3A_107 to %scan3A_109 step %scan3A_110  : i32 {
      %mul3A_121 = arith.constant 8 : i32
      %mul3A_122 = arith.muli %scan3A_120, %mul3A_121 : i32
      %add3A_123 = arith.constant 0 : i32
      %add3A_124 = arith.addi %mul3A_122, %add3A_123 : i32
      %dma_wait3A = arith.constant 0 : i32
      %dma_wait3A_125 = arith.constant 0 : i32
      %dma_wait3A_126 = arith.constant 0 : i32
      %dma_wait3A_127 = tpu.memref_slice %arg9[%dma_wait3A, %dma_wait3A_125, %dma_wait3A_126] : memref<8x128x16xf32, #tpu.memory_space<vmem>> -> memref<1x128x16xf32, #tpu.memory_space<vmem>>
      %dma_wait3A_128 = tpu.memref_squeeze %dma_wait3A_127 : memref<1x128x16xf32, #tpu.memory_space<vmem>> -> memref<128x16xf32, #tpu.memory_space<vmem>>
      %dma_wait3A_129 = arith.constant 0 : i32
      %dma_wait3A_130 = tpu.memref_slice %arg7[%add3A_124, %dma_wait3A_129] : memref<80x128xi32, #tpu.memory_space<vmem>> -> memref<1x128xi32, #tpu.memory_space<vmem>>
      %dma_wait3A_131 = tpu.memref_squeeze %dma_wait3A_130 : memref<1x128xi32, #tpu.memory_space<vmem>> -> memref<128xi32, #tpu.memory_space<vmem>>
      %dma_wait3A_132 = arith.constant 0 : i32
      %dma_wait3A_133 = arith.constant 0 : i32
      %dma_wait3A_134 = tpu.memref_slice %arg2[%dma_wait3A_132, %dma_wait3A_133] : memref<10112x16xf32, #tpu.memory_space<hbm>> -> memref<10112x16xf32, #tpu.memory_space<hbm>>
      tpu.wait_indirect_dma semaphore(%arg11 : memref<!tpu.dma_semaphore, #tpu.memory_space<semaphore_mem>>) src(%dma_wait3A_134 : memref<10112x16xf32, #tpu.memory_space<hbm>>) dst(%dma_wait3A_128 : memref<128x16xf32, #tpu.memory_space<vmem>>)
      %run_scoped3A = arith.constant 0 : i32
      "tpu.region"() ({
        %run_scoped3A_286 = tpu.sem_alloc : memref<!tpu.dma_semaphore, #tpu.memory_space<semaphore_mem>>
        %dma_start3A_287 = arith.constant 0 : i32
        %dma_start3A_288 = arith.constant 0 : i32
        %dma_start3A_289 = tpu.memref_slice %arg9[%run_scoped3A, %dma_start3A_287, %dma_start3A_288] : memref<8x128x16xf32, #tpu.memory_space<vmem>> -> memref<1x128x16xf32, #tpu.memory_space<vmem>>
        %dma_start3A_290 = tpu.memref_squeeze %dma_start3A_289 : memref<1x128x16xf32, #tpu.memory_space<vmem>> -> memref<128x16xf32, #tpu.memory_space<vmem>>
        %dma_start3A_291 = arith.constant 0 : i32
        %dma_start3A_292 = tpu.memref_slice %arg8[%add3A_124, %dma_start3A_291] : memref<80x128xi32, #tpu.memory_space<vmem>> -> memref<1x128xi32, #tpu.memory_space<vmem>>
        %dma_start3A_293 = tpu.memref_squeeze %dma_start3A_292 : memref<1x128xi32, #tpu.memory_space<vmem>> -> memref<128xi32, #tpu.memory_space<vmem>>
        %dma_start3A_294 = arith.constant 0 : i32
        %dma_start3A_295 = arith.constant 0 : i32
        %dma_start3A_296 = tpu.memref_slice %arg10[%dma_start3A_294, %dma_start3A_295] : memref<10112x16xf32, #tpu.memory_space<vmem_shared>> -> memref<10112x16xf32, #tpu.memory_space<vmem_shared>>
        tpu.enqueue_indirect_dma source(%dma_start3A_290 : memref<128x16xf32, #tpu.memory_space<vmem>>) target(%dma_start3A_296 : memref<10112x16xf32, #tpu.memory_space<vmem_shared>>) offsets(%dma_start3A_293 : memref<128xi32, #tpu.memory_space<vmem>>) semaphore(%run_scoped3A_286 : memref<!tpu.dma_semaphore, #tpu.memory_space<semaphore_mem>>) {add = true}
        %dma_wait3A_297 = arith.constant 0 : i32
        %dma_wait3A_298 = arith.constant 0 : i32
        %dma_wait3A_299 = tpu.memref_slice %arg9[%run_scoped3A, %dma_wait3A_297, %dma_wait3A_298] : memref<8x128x16xf32, #tpu.memory_space<vmem>> -> memref<1x128x16xf32, #tpu.memory_space<vmem>>
        %dma_wait3A_300 = tpu.memref_squeeze %dma_wait3A_299 : memref<1x128x16xf32, #tpu.memory_space<vmem>> -> memref<128x16xf32, #tpu.memory_space<vmem>>
        %dma_wait3A_301 = arith.constant 0 : i32
        %dma_wait3A_302 = tpu.memref_slice %arg8[%add3A_124, %dma_wait3A_301] : memref<80x128xi32, #tpu.memory_space<vmem>> -> memref<1x128xi32, #tpu.memory_space<vmem>>
        %dma_wait3A_303 = tpu.memref_squeeze %dma_wait3A_302 : memref<1x128xi32, #tpu.memory_space<vmem>> -> memref<128xi32, #tpu.memory_space<vmem>>
        %dma_wait3A_304 = arith.constant 0 : i32
        %dma_wait3A_305 = arith.constant 0 : i32
        %dma_wait3A_306 = tpu.memref_slice %arg10[%dma_wait3A_304, %dma_wait3A_305] : memref<10112x16xf32, #tpu.memory_space<vmem_shared>> -> memref<10112x16xf32, #tpu.memory_space<vmem_shared>>
        tpu.wait_indirect_dma semaphore(%run_scoped3A_286 : memref<!tpu.dma_semaphore, #tpu.memory_space<semaphore_mem>>) src(%dma_wait3A_300 : memref<128x16xf32, #tpu.memory_space<vmem>>) dst(%dma_wait3A_306 : memref<10112x16xf32, #tpu.memory_space<vmem_shared>>)
        tpu.yield
      }) : () -> ()
      %lt3A = arith.constant 9 : i32
      %lt3A_135 = arith.cmpi slt, %scan3A_120, %lt3A : i32
      %convert_element_type3A_136 = arith.extui %lt3A_135 : i1 to i32
      %cond3A_137 = arith.constant 0 : i32
      %cond3A_138 = arith.cmpi ne, %convert_element_type3A_136, %cond3A_137 : i32
      scf.if %cond3A_138 {
        %add3A_286 = arith.constant 8 : i32
        %add3A_287 = arith.addi %add3A_124, %add3A_286 : i32
        %dma_start3A_288 = arith.constant 0 : i32
        %dma_start3A_289 = arith.constant 0 : i32
        %dma_start3A_290 = arith.constant 0 : i32
        %dma_start3A_291 = tpu.memref_slice %arg9[%dma_start3A_288, %dma_start3A_289, %dma_start3A_290] : memref<8x128x16xf32, #tpu.memory_space<vmem>> -> memref<1x128x16xf32, #tpu.memory_space<vmem>>
        %dma_start3A_292 = tpu.memref_squeeze %dma_start3A_291 : memref<1x128x16xf32, #tpu.memory_space<vmem>> -> memref<128x16xf32, #tpu.memory_space<vmem>>
        %dma_start3A_293 = arith.constant 0 : i32
        %dma_start3A_294 = tpu.memref_slice %arg7[%add3A_287, %dma_start3A_293] : memref<80x128xi32, #tpu.memory_space<vmem>> -> memref<1x128xi32, #tpu.memory_space<vmem>>
        %dma_start3A_295 = tpu.memref_squeeze %dma_start3A_294 : memref<1x128xi32, #tpu.memory_space<vmem>> -> memref<128xi32, #tpu.memory_space<vmem>>
        %dma_start3A_296 = arith.constant 0 : i32
        %dma_start3A_297 = arith.constant 0 : i32
        %dma_start3A_298 = tpu.memref_slice %arg2[%dma_start3A_296, %dma_start3A_297] : memref<10112x16xf32, #tpu.memory_space<hbm>> -> memref<10112x16xf32, #tpu.memory_space<hbm>>
        tpu.enqueue_indirect_dma source(%dma_start3A_298 : memref<10112x16xf32, #tpu.memory_space<hbm>>) target(%dma_start3A_292 : memref<128x16xf32, #tpu.memory_space<vmem>>) offsets(%dma_start3A_295 : memref<128xi32, #tpu.memory_space<vmem>>) semaphore(%arg11 : memref<!tpu.dma_semaphore, #tpu.memory_space<semaphore_mem>>)
      } else {
      }
      %mul3A_139 = arith.constant 8 : i32
      %mul3A_140 = arith.muli %scan3A_120, %mul3A_139 : i32
      %add3A_141 = arith.constant 1 : i32
      %add3A_142 = arith.addi %mul3A_140, %add3A_141 : i32
      %dma_wait3A_143 = arith.constant 1 : i32
      %dma_wait3A_144 = arith.constant 0 : i32
      %dma_wait3A_145 = arith.constant 0 : i32
      %dma_wait3A_146 = tpu.memref_slice %arg9[%dma_wait3A_143, %dma_wait3A_144, %dma_wait3A_145] : memref<8x128x16xf32, #tpu.memory_space<vmem>> -> memref<1x128x16xf32, #tpu.memory_space<vmem>>
      %dma_wait3A_147 = tpu.memref_squeeze %dma_wait3A_146 : memref<1x128x16xf32, #tpu.memory_space<vmem>> -> memref<128x16xf32, #tpu.memory_space<vmem>>
      %dma_wait3A_148 = arith.constant 0 : i32
      %dma_wait3A_149 = tpu.memref_slice %arg7[%add3A_142, %dma_wait3A_148] : memref<80x128xi32, #tpu.memory_space<vmem>> -> memref<1x128xi32, #tpu.memory_space<vmem>>
      %dma_wait3A_150 = tpu.memref_squeeze %dma_wait3A_149 : memref<1x128xi32, #tpu.memory_space<vmem>> -> memref<128xi32, #tpu.memory_space<vmem>>
      %dma_wait3A_151 = arith.constant 0 : i32
      %dma_wait3A_152 = arith.constant 0 : i32
      %dma_wait3A_153 = tpu.memref_slice %arg2[%dma_wait3A_151, %dma_wait3A_152] : memref<10112x16xf32, #tpu.memory_space<hbm>> -> memref<10112x16xf32, #tpu.memory_space<hbm>>
      tpu.wait_indirect_dma semaphore(%arg12 : memref<!tpu.dma_semaphore, #tpu.memory_space<semaphore_mem>>) src(%dma_wait3A_153 : memref<10112x16xf32, #tpu.memory_space<hbm>>) dst(%dma_wait3A_147 : memref<128x16xf32, #tpu.memory_space<vmem>>)
      %run_scoped3A_154 = arith.constant 1 : i32
      "tpu.region"() ({
        %run_scoped3A_286 = tpu.sem_alloc : memref<!tpu.dma_semaphore, #tpu.memory_space<semaphore_mem>>
        %dma_start3A_287 = arith.constant 0 : i32
        %dma_start3A_288 = arith.constant 0 : i32
        %dma_start3A_289 = tpu.memref_slice %arg9[%run_scoped3A_154, %dma_start3A_287, %dma_start3A_288] : memref<8x128x16xf32, #tpu.memory_space<vmem>> -> memref<1x128x16xf32, #tpu.memory_space<vmem>>
        %dma_start3A_290 = tpu.memref_squeeze %dma_start3A_289 : memref<1x128x16xf32, #tpu.memory_space<vmem>> -> memref<128x16xf32, #tpu.memory_space<vmem>>
        %dma_start3A_291 = arith.constant 0 : i32
        %dma_start3A_292 = tpu.memref_slice %arg8[%add3A_142, %dma_start3A_291] : memref<80x128xi32, #tpu.memory_space<vmem>> -> memref<1x128xi32, #tpu.memory_space<vmem>>
        %dma_start3A_293 = tpu.memref_squeeze %dma_start3A_292 : memref<1x128xi32, #tpu.memory_space<vmem>> -> memref<128xi32, #tpu.memory_space<vmem>>
        %dma_start3A_294 = arith.constant 0 : i32
        %dma_start3A_295 = arith.constant 0 : i32
        %dma_start3A_296 = tpu.memref_slice %arg10[%dma_start3A_294, %dma_start3A_295] : memref<10112x16xf32, #tpu.memory_space<vmem_shared>> -> memref<10112x16xf32, #tpu.memory_space<vmem_shared>>
        tpu.enqueue_indirect_dma source(%dma_start3A_290 : memref<128x16xf32, #tpu.memory_space<vmem>>) target(%dma_start3A_296 : memref<10112x16xf32, #tpu.memory_space<vmem_shared>>) offsets(%dma_start3A_293 : memref<128xi32, #tpu.memory_space<vmem>>) semaphore(%run_scoped3A_286 : memref<!tpu.dma_semaphore, #tpu.memory_space<semaphore_mem>>) {add = true}
        %dma_wait3A_297 = arith.constant 0 : i32
        %dma_wait3A_298 = arith.constant 0 : i32
        %dma_wait3A_299 = tpu.memref_slice %arg9[%run_scoped3A_154, %dma_wait3A_297, %dma_wait3A_298] : memref<8x128x16xf32, #tpu.memory_space<vmem>> -> memref<1x128x16xf32, #tpu.memory_space<vmem>>
        %dma_wait3A_300 = tpu.memref_squeeze %dma_wait3A_299 : memref<1x128x16xf32, #tpu.memory_space<vmem>> -> memref<128x16xf32, #tpu.memory_space<vmem>>
        %dma_wait3A_301 = arith.constant 0 : i32
        %dma_wait3A_302 = tpu.memref_slice %arg8[%add3A_142, %dma_wait3A_301] : memref<80x128xi32, #tpu.memory_space<vmem>> -> memref<1x128xi32, #tpu.memory_space<vmem>>
        %dma_wait3A_303 = tpu.memref_squeeze %dma_wait3A_302 : memref<1x128xi32, #tpu.memory_space<vmem>> -> memref<128xi32, #tpu.memory_space<vmem>>
        %dma_wait3A_304 = arith.constant 0 : i32
        %dma_wait3A_305 = arith.constant 0 : i32
        %dma_wait3A_306 = tpu.memref_slice %arg10[%dma_wait3A_304, %dma_wait3A_305] : memref<10112x16xf32, #tpu.memory_space<vmem_shared>> -> memref<10112x16xf32, #tpu.memory_space<vmem_shared>>
        tpu.wait_indirect_dma semaphore(%run_scoped3A_286 : memref<!tpu.dma_semaphore, #tpu.memory_space<semaphore_mem>>) src(%dma_wait3A_300 : memref<128x16xf32, #tpu.memory_space<vmem>>) dst(%dma_wait3A_306 : memref<10112x16xf32, #tpu.memory_space<vmem_shared>>)
        tpu.yield
      }) : () -> ()
      %lt3A_155 = arith.constant 9 : i32
      %lt3A_156 = arith.cmpi slt, %scan3A_120, %lt3A_155 : i32
      %convert_element_type3A_157 = arith.extui %lt3A_156 : i1 to i32
      %cond3A_158 = arith.constant 0 : i32
      %cond3A_159 = arith.cmpi ne, %convert_element_type3A_157, %cond3A_158 : i32
      scf.if %cond3A_159 {
        %add3A_286 = arith.constant 8 : i32
        %add3A_287 = arith.addi %add3A_142, %add3A_286 : i32
        %dma_start3A_288 = arith.constant 1 : i32
        %dma_start3A_289 = arith.constant 0 : i32
        %dma_start3A_290 = arith.constant 0 : i32
        %dma_start3A_291 = tpu.memref_slice %arg9[%dma_start3A_288, %dma_start3A_289, %dma_start3A_290] : memref<8x128x16xf32, #tpu.memory_space<vmem>> -> memref<1x128x16xf32, #tpu.memory_space<vmem>>
        %dma_start3A_292 = tpu.memref_squeeze %dma_start3A_291 : memref<1x128x16xf32, #tpu.memory_space<vmem>> -> memref<128x16xf32, #tpu.memory_space<vmem>>
        %dma_start3A_293 = arith.constant 0 : i32
        %dma_start3A_294 = tpu.memref_slice %arg7[%add3A_287, %dma_start3A_293] : memref<80x128xi32, #tpu.memory_space<vmem>> -> memref<1x128xi32, #tpu.memory_space<vmem>>
        %dma_start3A_295 = tpu.memref_squeeze %dma_start3A_294 : memref<1x128xi32, #tpu.memory_space<vmem>> -> memref<128xi32, #tpu.memory_space<vmem>>
        %dma_start3A_296 = arith.constant 0 : i32
        %dma_start3A_297 = arith.constant 0 : i32
        %dma_start3A_298 = tpu.memref_slice %arg2[%dma_start3A_296, %dma_start3A_297] : memref<10112x16xf32, #tpu.memory_space<hbm>> -> memref<10112x16xf32, #tpu.memory_space<hbm>>
        tpu.enqueue_indirect_dma source(%dma_start3A_298 : memref<10112x16xf32, #tpu.memory_space<hbm>>) target(%dma_start3A_292 : memref<128x16xf32, #tpu.memory_space<vmem>>) offsets(%dma_start3A_295 : memref<128xi32, #tpu.memory_space<vmem>>) semaphore(%arg12 : memref<!tpu.dma_semaphore, #tpu.memory_space<semaphore_mem>>)
      } else {
      }
      %mul3A_160 = arith.constant 8 : i32
      %mul3A_161 = arith.muli %scan3A_120, %mul3A_160 : i32
      %add3A_162 = arith.constant 2 : i32
      %add3A_163 = arith.addi %mul3A_161, %add3A_162 : i32
      %dma_wait3A_164 = arith.constant 2 : i32
      %dma_wait3A_165 = arith.constant 0 : i32
      %dma_wait3A_166 = arith.constant 0 : i32
      %dma_wait3A_167 = tpu.memref_slice %arg9[%dma_wait3A_164, %dma_wait3A_165, %dma_wait3A_166] : memref<8x128x16xf32, #tpu.memory_space<vmem>> -> memref<1x128x16xf32, #tpu.memory_space<vmem>>
      %dma_wait3A_168 = tpu.memref_squeeze %dma_wait3A_167 : memref<1x128x16xf32, #tpu.memory_space<vmem>> -> memref<128x16xf32, #tpu.memory_space<vmem>>
      %dma_wait3A_169 = arith.constant 0 : i32
      %dma_wait3A_170 = tpu.memref_slice %arg7[%add3A_163, %dma_wait3A_169] : memref<80x128xi32, #tpu.memory_space<vmem>> -> memref<1x128xi32, #tpu.memory_space<vmem>>
      %dma_wait3A_171 = tpu.memref_squeeze %dma_wait3A_170 : memref<1x128xi32, #tpu.memory_space<vmem>> -> memref<128xi32, #tpu.memory_space<vmem>>
      %dma_wait3A_172 = arith.constant 0 : i32
      %dma_wait3A_173 = arith.constant 0 : i32
      %dma_wait3A_174 = tpu.memref_slice %arg2[%dma_wait3A_172, %dma_wait3A_173] : memref<10112x16xf32, #tpu.memory_space<hbm>> -> memref<10112x16xf32, #tpu.memory_space<hbm>>
      tpu.wait_indirect_dma semaphore(%arg13 : memref<!tpu.dma_semaphore, #tpu.memory_space<semaphore_mem>>) src(%dma_wait3A_174 : memref<10112x16xf32, #tpu.memory_space<hbm>>) dst(%dma_wait3A_168 : memref<128x16xf32, #tpu.memory_space<vmem>>)
      %run_scoped3A_175 = arith.constant 2 : i32
      "tpu.region"() ({
        %run_scoped3A_286 = tpu.sem_alloc : memref<!tpu.dma_semaphore, #tpu.memory_space<semaphore_mem>>
        %dma_start3A_287 = arith.constant 0 : i32
        %dma_start3A_288 = arith.constant 0 : i32
        %dma_start3A_289 = tpu.memref_slice %arg9[%run_scoped3A_175, %dma_start3A_287, %dma_start3A_288] : memref<8x128x16xf32, #tpu.memory_space<vmem>> -> memref<1x128x16xf32, #tpu.memory_space<vmem>>
        %dma_start3A_290 = tpu.memref_squeeze %dma_start3A_289 : memref<1x128x16xf32, #tpu.memory_space<vmem>> -> memref<128x16xf32, #tpu.memory_space<vmem>>
        %dma_start3A_291 = arith.constant 0 : i32
        %dma_start3A_292 = tpu.memref_slice %arg8[%add3A_163, %dma_start3A_291] : memref<80x128xi32, #tpu.memory_space<vmem>> -> memref<1x128xi32, #tpu.memory_space<vmem>>
        %dma_start3A_293 = tpu.memref_squeeze %dma_start3A_292 : memref<1x128xi32, #tpu.memory_space<vmem>> -> memref<128xi32, #tpu.memory_space<vmem>>
        %dma_start3A_294 = arith.constant 0 : i32
        %dma_start3A_295 = arith.constant 0 : i32
        %dma_start3A_296 = tpu.memref_slice %arg10[%dma_start3A_294, %dma_start3A_295] : memref<10112x16xf32, #tpu.memory_space<vmem_shared>> -> memref<10112x16xf32, #tpu.memory_space<vmem_shared>>
        tpu.enqueue_indirect_dma source(%dma_start3A_290 : memref<128x16xf32, #tpu.memory_space<vmem>>) target(%dma_start3A_296 : memref<10112x16xf32, #tpu.memory_space<vmem_shared>>) offsets(%dma_start3A_293 : memref<128xi32, #tpu.memory_space<vmem>>) semaphore(%run_scoped3A_286 : memref<!tpu.dma_semaphore, #tpu.memory_space<semaphore_mem>>) {add = true}
        %dma_wait3A_297 = arith.constant 0 : i32
        %dma_wait3A_298 = arith.constant 0 : i32
        %dma_wait3A_299 = tpu.memref_slice %arg9[%run_scoped3A_175, %dma_wait3A_297, %dma_wait3A_298] : memref<8x128x16xf32, #tpu.memory_space<vmem>> -> memref<1x128x16xf32, #tpu.memory_space<vmem>>
        %dma_wait3A_300 = tpu.memref_squeeze %dma_wait3A_299 : memref<1x128x16xf32, #tpu.memory_space<vmem>> -> memref<128x16xf32, #tpu.memory_space<vmem>>
        %dma_wait3A_301 = arith.constant 0 : i32
        %dma_wait3A_302 = tpu.memref_slice %arg8[%add3A_163, %dma_wait3A_301] : memref<80x128xi32, #tpu.memory_space<vmem>> -> memref<1x128xi32, #tpu.memory_space<vmem>>
        %dma_wait3A_303 = tpu.memref_squeeze %dma_wait3A_302 : memref<1x128xi32, #tpu.memory_space<vmem>> -> memref<128xi32, #tpu.memory_space<vmem>>
        %dma_wait3A_304 = arith.constant 0 : i32
        %dma_wait3A_305 = arith.constant 0 : i32
        %dma_wait3A_306 = tpu.memref_slice %arg10[%dma_wait3A_304, %dma_wait3A_305] : memref<10112x16xf32, #tpu.memory_space<vmem_shared>> -> memref<10112x16xf32, #tpu.memory_space<vmem_shared>>
        tpu.wait_indirect_dma semaphore(%run_scoped3A_286 : memref<!tpu.dma_semaphore, #tpu.memory_space<semaphore_mem>>) src(%dma_wait3A_300 : memref<128x16xf32, #tpu.memory_space<vmem>>) dst(%dma_wait3A_306 : memref<10112x16xf32, #tpu.memory_space<vmem_shared>>)
        tpu.yield
      }) : () -> ()
      %lt3A_176 = arith.constant 9 : i32
      %lt3A_177 = arith.cmpi slt, %scan3A_120, %lt3A_176 : i32
      %convert_element_type3A_178 = arith.extui %lt3A_177 : i1 to i32
      %cond3A_179 = arith.constant 0 : i32
      %cond3A_180 = arith.cmpi ne, %convert_element_type3A_178, %cond3A_179 : i32
      scf.if %cond3A_180 {
        %add3A_286 = arith.constant 8 : i32
        %add3A_287 = arith.addi %add3A_163, %add3A_286 : i32
        %dma_start3A_288 = arith.constant 2 : i32
        %dma_start3A_289 = arith.constant 0 : i32
        %dma_start3A_290 = arith.constant 0 : i32
        %dma_start3A_291 = tpu.memref_slice %arg9[%dma_start3A_288, %dma_start3A_289, %dma_start3A_290] : memref<8x128x16xf32, #tpu.memory_space<vmem>> -> memref<1x128x16xf32, #tpu.memory_space<vmem>>
        %dma_start3A_292 = tpu.memref_squeeze %dma_start3A_291 : memref<1x128x16xf32, #tpu.memory_space<vmem>> -> memref<128x16xf32, #tpu.memory_space<vmem>>
        %dma_start3A_293 = arith.constant 0 : i32
        %dma_start3A_294 = tpu.memref_slice %arg7[%add3A_287, %dma_start3A_293] : memref<80x128xi32, #tpu.memory_space<vmem>> -> memref<1x128xi32, #tpu.memory_space<vmem>>
        %dma_start3A_295 = tpu.memref_squeeze %dma_start3A_294 : memref<1x128xi32, #tpu.memory_space<vmem>> -> memref<128xi32, #tpu.memory_space<vmem>>
        %dma_start3A_296 = arith.constant 0 : i32
        %dma_start3A_297 = arith.constant 0 : i32
        %dma_start3A_298 = tpu.memref_slice %arg2[%dma_start3A_296, %dma_start3A_297] : memref<10112x16xf32, #tpu.memory_space<hbm>> -> memref<10112x16xf32, #tpu.memory_space<hbm>>
        tpu.enqueue_indirect_dma source(%dma_start3A_298 : memref<10112x16xf32, #tpu.memory_space<hbm>>) target(%dma_start3A_292 : memref<128x16xf32, #tpu.memory_space<vmem>>) offsets(%dma_start3A_295 : memref<128xi32, #tpu.memory_space<vmem>>) semaphore(%arg13 : memref<!tpu.dma_semaphore, #tpu.memory_space<semaphore_mem>>)
      } else {
      }
      %mul3A_181 = arith.constant 8 : i32
      %mul3A_182 = arith.muli %scan3A_120, %mul3A_181 : i32
      %add3A_183 = arith.constant 3 : i32
      %add3A_184 = arith.addi %mul3A_182, %add3A_183 : i32
      %dma_wait3A_185 = arith.constant 3 : i32
      %dma_wait3A_186 = arith.constant 0 : i32
      %dma_wait3A_187 = arith.constant 0 : i32
      %dma_wait3A_188 = tpu.memref_slice %arg9[%dma_wait3A_185, %dma_wait3A_186, %dma_wait3A_187] : memref<8x128x16xf32, #tpu.memory_space<vmem>> -> memref<1x128x16xf32, #tpu.memory_space<vmem>>
      %dma_wait3A_189 = tpu.memref_squeeze %dma_wait3A_188 : memref<1x128x16xf32, #tpu.memory_space<vmem>> -> memref<128x16xf32, #tpu.memory_space<vmem>>
      %dma_wait3A_190 = arith.constant 0 : i32
      %dma_wait3A_191 = tpu.memref_slice %arg7[%add3A_184, %dma_wait3A_190] : memref<80x128xi32, #tpu.memory_space<vmem>> -> memref<1x128xi32, #tpu.memory_space<vmem>>
      %dma_wait3A_192 = tpu.memref_squeeze %dma_wait3A_191 : memref<1x128xi32, #tpu.memory_space<vmem>> -> memref<128xi32, #tpu.memory_space<vmem>>
      %dma_wait3A_193 = arith.constant 0 : i32
      %dma_wait3A_194 = arith.constant 0 : i32
      %dma_wait3A_195 = tpu.memref_slice %arg2[%dma_wait3A_193, %dma_wait3A_194] : memref<10112x16xf32, #tpu.memory_space<hbm>> -> memref<10112x16xf32, #tpu.memory_space<hbm>>
      tpu.wait_indirect_dma semaphore(%arg14 : memref<!tpu.dma_semaphore, #tpu.memory_space<semaphore_mem>>) src(%dma_wait3A_195 : memref<10112x16xf32, #tpu.memory_space<hbm>>) dst(%dma_wait3A_189 : memref<128x16xf32, #tpu.memory_space<vmem>>)
      %run_scoped3A_196 = arith.constant 3 : i32
      "tpu.region"() ({
        %run_scoped3A_286 = tpu.sem_alloc : memref<!tpu.dma_semaphore, #tpu.memory_space<semaphore_mem>>
        %dma_start3A_287 = arith.constant 0 : i32
        %dma_start3A_288 = arith.constant 0 : i32
        %dma_start3A_289 = tpu.memref_slice %arg9[%run_scoped3A_196, %dma_start3A_287, %dma_start3A_288] : memref<8x128x16xf32, #tpu.memory_space<vmem>> -> memref<1x128x16xf32, #tpu.memory_space<vmem>>
        %dma_start3A_290 = tpu.memref_squeeze %dma_start3A_289 : memref<1x128x16xf32, #tpu.memory_space<vmem>> -> memref<128x16xf32, #tpu.memory_space<vmem>>
        %dma_start3A_291 = arith.constant 0 : i32
        %dma_start3A_292 = tpu.memref_slice %arg8[%add3A_184, %dma_start3A_291] : memref<80x128xi32, #tpu.memory_space<vmem>> -> memref<1x128xi32, #tpu.memory_space<vmem>>
        %dma_start3A_293 = tpu.memref_squeeze %dma_start3A_292 : memref<1x128xi32, #tpu.memory_space<vmem>> -> memref<128xi32, #tpu.memory_space<vmem>>
        %dma_start3A_294 = arith.constant 0 : i32
        %dma_start3A_295 = arith.constant 0 : i32
        %dma_start3A_296 = tpu.memref_slice %arg10[%dma_start3A_294, %dma_start3A_295] : memref<10112x16xf32, #tpu.memory_space<vmem_shared>> -> memref<10112x16xf32, #tpu.memory_space<vmem_shared>>
        tpu.enqueue_indirect_dma source(%dma_start3A_290 : memref<128x16xf32, #tpu.memory_space<vmem>>) target(%dma_start3A_296 : memref<10112x16xf32, #tpu.memory_space<vmem_shared>>) offsets(%dma_start3A_293 : memref<128xi32, #tpu.memory_space<vmem>>) semaphore(%run_scoped3A_286 : memref<!tpu.dma_semaphore, #tpu.memory_space<semaphore_mem>>) {add = true}
        %dma_wait3A_297 = arith.constant 0 : i32
        %dma_wait3A_298 = arith.constant 0 : i32
        %dma_wait3A_299 = tpu.memref_slice %arg9[%run_scoped3A_196, %dma_wait3A_297, %dma_wait3A_298] : memref<8x128x16xf32, #tpu.memory_space<vmem>> -> memref<1x128x16xf32, #tpu.memory_space<vmem>>
        %dma_wait3A_300 = tpu.memref_squeeze %dma_wait3A_299 : memref<1x128x16xf32, #tpu.memory_space<vmem>> -> memref<128x16xf32, #tpu.memory_space<vmem>>
        %dma_wait3A_301 = arith.constant 0 : i32
        %dma_wait3A_302 = tpu.memref_slice %arg8[%add3A_184, %dma_wait3A_301] : memref<80x128xi32, #tpu.memory_space<vmem>> -> memref<1x128xi32, #tpu.memory_space<vmem>>
        %dma_wait3A_303 = tpu.memref_squeeze %dma_wait3A_302 : memref<1x128xi32, #tpu.memory_space<vmem>> -> memref<128xi32, #tpu.memory_space<vmem>>
        %dma_wait3A_304 = arith.constant 0 : i32
        %dma_wait3A_305 = arith.constant 0 : i32
        %dma_wait3A_306 = tpu.memref_slice %arg10[%dma_wait3A_304, %dma_wait3A_305] : memref<10112x16xf32, #tpu.memory_space<vmem_shared>> -> memref<10112x16xf32, #tpu.memory_space<vmem_shared>>
        tpu.wait_indirect_dma semaphore(%run_scoped3A_286 : memref<!tpu.dma_semaphore, #tpu.memory_space<semaphore_mem>>) src(%dma_wait3A_300 : memref<128x16xf32, #tpu.memory_space<vmem>>) dst(%dma_wait3A_306 : memref<10112x16xf32, #tpu.memory_space<vmem_shared>>)
        tpu.yield
      }) : () -> ()
      %lt3A_197 = arith.constant 9 : i32
      %lt3A_198 = arith.cmpi slt, %scan3A_120, %lt3A_197 : i32
      %convert_element_type3A_199 = arith.extui %lt3A_198 : i1 to i32
      %cond3A_200 = arith.constant 0 : i32
      %cond3A_201 = arith.cmpi ne, %convert_element_type3A_199, %cond3A_200 : i32
      scf.if %cond3A_201 {
        %add3A_286 = arith.constant 8 : i32
        %add3A_287 = arith.addi %add3A_184, %add3A_286 : i32
        %dma_start3A_288 = arith.constant 3 : i32
        %dma_start3A_289 = arith.constant 0 : i32
        %dma_start3A_290 = arith.constant 0 : i32
        %dma_start3A_291 = tpu.memref_slice %arg9[%dma_start3A_288, %dma_start3A_289, %dma_start3A_290] : memref<8x128x16xf32, #tpu.memory_space<vmem>> -> memref<1x128x16xf32, #tpu.memory_space<vmem>>
        %dma_start3A_292 = tpu.memref_squeeze %dma_start3A_291 : memref<1x128x16xf32, #tpu.memory_space<vmem>> -> memref<128x16xf32, #tpu.memory_space<vmem>>
        %dma_start3A_293 = arith.constant 0 : i32
        %dma_start3A_294 = tpu.memref_slice %arg7[%add3A_287, %dma_start3A_293] : memref<80x128xi32, #tpu.memory_space<vmem>> -> memref<1x128xi32, #tpu.memory_space<vmem>>
        %dma_start3A_295 = tpu.memref_squeeze %dma_start3A_294 : memref<1x128xi32, #tpu.memory_space<vmem>> -> memref<128xi32, #tpu.memory_space<vmem>>
        %dma_start3A_296 = arith.constant 0 : i32
        %dma_start3A_297 = arith.constant 0 : i32
        %dma_start3A_298 = tpu.memref_slice %arg2[%dma_start3A_296, %dma_start3A_297] : memref<10112x16xf32, #tpu.memory_space<hbm>> -> memref<10112x16xf32, #tpu.memory_space<hbm>>
        tpu.enqueue_indirect_dma source(%dma_start3A_298 : memref<10112x16xf32, #tpu.memory_space<hbm>>) target(%dma_start3A_292 : memref<128x16xf32, #tpu.memory_space<vmem>>) offsets(%dma_start3A_295 : memref<128xi32, #tpu.memory_space<vmem>>) semaphore(%arg14 : memref<!tpu.dma_semaphore, #tpu.memory_space<semaphore_mem>>)
      } else {
      }
      %mul3A_202 = arith.constant 8 : i32
      %mul3A_203 = arith.muli %scan3A_120, %mul3A_202 : i32
      %add3A_204 = arith.constant 4 : i32
      %add3A_205 = arith.addi %mul3A_203, %add3A_204 : i32
      %dma_wait3A_206 = arith.constant 4 : i32
      %dma_wait3A_207 = arith.constant 0 : i32
      %dma_wait3A_208 = arith.constant 0 : i32
      %dma_wait3A_209 = tpu.memref_slice %arg9[%dma_wait3A_206, %dma_wait3A_207, %dma_wait3A_208] : memref<8x128x16xf32, #tpu.memory_space<vmem>> -> memref<1x128x16xf32, #tpu.memory_space<vmem>>
      %dma_wait3A_210 = tpu.memref_squeeze %dma_wait3A_209 : memref<1x128x16xf32, #tpu.memory_space<vmem>> -> memref<128x16xf32, #tpu.memory_space<vmem>>
      %dma_wait3A_211 = arith.constant 0 : i32
      %dma_wait3A_212 = tpu.memref_slice %arg7[%add3A_205, %dma_wait3A_211] : memref<80x128xi32, #tpu.memory_space<vmem>> -> memref<1x128xi32, #tpu.memory_space<vmem>>
      %dma_wait3A_213 = tpu.memref_squeeze %dma_wait3A_212 : memref<1x128xi32, #tpu.memory_space<vmem>> -> memref<128xi32, #tpu.memory_space<vmem>>
      %dma_wait3A_214 = arith.constant 0 : i32
      %dma_wait3A_215 = arith.constant 0 : i32
      %dma_wait3A_216 = tpu.memref_slice %arg2[%dma_wait3A_214, %dma_wait3A_215] : memref<10112x16xf32, #tpu.memory_space<hbm>> -> memref<10112x16xf32, #tpu.memory_space<hbm>>
      tpu.wait_indirect_dma semaphore(%arg15 : memref<!tpu.dma_semaphore, #tpu.memory_space<semaphore_mem>>) src(%dma_wait3A_216 : memref<10112x16xf32, #tpu.memory_space<hbm>>) dst(%dma_wait3A_210 : memref<128x16xf32, #tpu.memory_space<vmem>>)
      %run_scoped3A_217 = arith.constant 4 : i32
      "tpu.region"() ({
        %run_scoped3A_286 = tpu.sem_alloc : memref<!tpu.dma_semaphore, #tpu.memory_space<semaphore_mem>>
        %dma_start3A_287 = arith.constant 0 : i32
        %dma_start3A_288 = arith.constant 0 : i32
        %dma_start3A_289 = tpu.memref_slice %arg9[%run_scoped3A_217, %dma_start3A_287, %dma_start3A_288] : memref<8x128x16xf32, #tpu.memory_space<vmem>> -> memref<1x128x16xf32, #tpu.memory_space<vmem>>
        %dma_start3A_290 = tpu.memref_squeeze %dma_start3A_289 : memref<1x128x16xf32, #tpu.memory_space<vmem>> -> memref<128x16xf32, #tpu.memory_space<vmem>>
        %dma_start3A_291 = arith.constant 0 : i32
        %dma_start3A_292 = tpu.memref_slice %arg8[%add3A_205, %dma_start3A_291] : memref<80x128xi32, #tpu.memory_space<vmem>> -> memref<1x128xi32, #tpu.memory_space<vmem>>
        %dma_start3A_293 = tpu.memref_squeeze %dma_start3A_292 : memref<1x128xi32, #tpu.memory_space<vmem>> -> memref<128xi32, #tpu.memory_space<vmem>>
        %dma_start3A_294 = arith.constant 0 : i32
        %dma_start3A_295 = arith.constant 0 : i32
        %dma_start3A_296 = tpu.memref_slice %arg10[%dma_start3A_294, %dma_start3A_295] : memref<10112x16xf32, #tpu.memory_space<vmem_shared>> -> memref<10112x16xf32, #tpu.memory_space<vmem_shared>>
        tpu.enqueue_indirect_dma source(%dma_start3A_290 : memref<128x16xf32, #tpu.memory_space<vmem>>) target(%dma_start3A_296 : memref<10112x16xf32, #tpu.memory_space<vmem_shared>>) offsets(%dma_start3A_293 : memref<128xi32, #tpu.memory_space<vmem>>) semaphore(%run_scoped3A_286 : memref<!tpu.dma_semaphore, #tpu.memory_space<semaphore_mem>>) {add = true}
        %dma_wait3A_297 = arith.constant 0 : i32
        %dma_wait3A_298 = arith.constant 0 : i32
        %dma_wait3A_299 = tpu.memref_slice %arg9[%run_scoped3A_217, %dma_wait3A_297, %dma_wait3A_298] : memref<8x128x16xf32, #tpu.memory_space<vmem>> -> memref<1x128x16xf32, #tpu.memory_space<vmem>>
        %dma_wait3A_300 = tpu.memref_squeeze %dma_wait3A_299 : memref<1x128x16xf32, #tpu.memory_space<vmem>> -> memref<128x16xf32, #tpu.memory_space<vmem>>
        %dma_wait3A_301 = arith.constant 0 : i32
        %dma_wait3A_302 = tpu.memref_slice %arg8[%add3A_205, %dma_wait3A_301] : memref<80x128xi32, #tpu.memory_space<vmem>> -> memref<1x128xi32, #tpu.memory_space<vmem>>
        %dma_wait3A_303 = tpu.memref_squeeze %dma_wait3A_302 : memref<1x128xi32, #tpu.memory_space<vmem>> -> memref<128xi32, #tpu.memory_space<vmem>>
        %dma_wait3A_304 = arith.constant 0 : i32
        %dma_wait3A_305 = arith.constant 0 : i32
        %dma_wait3A_306 = tpu.memref_slice %arg10[%dma_wait3A_304, %dma_wait3A_305] : memref<10112x16xf32, #tpu.memory_space<vmem_shared>> -> memref<10112x16xf32, #tpu.memory_space<vmem_shared>>
        tpu.wait_indirect_dma semaphore(%run_scoped3A_286 : memref<!tpu.dma_semaphore, #tpu.memory_space<semaphore_mem>>) src(%dma_wait3A_300 : memref<128x16xf32, #tpu.memory_space<vmem>>) dst(%dma_wait3A_306 : memref<10112x16xf32, #tpu.memory_space<vmem_shared>>)
        tpu.yield
      }) : () -> ()
      %lt3A_218 = arith.constant 9 : i32
      %lt3A_219 = arith.cmpi slt, %scan3A_120, %lt3A_218 : i32
      %convert_element_type3A_220 = arith.extui %lt3A_219 : i1 to i32
      %cond3A_221 = arith.constant 0 : i32
      %cond3A_222 = arith.cmpi ne, %convert_element_type3A_220, %cond3A_221 : i32
      scf.if %cond3A_222 {
        %add3A_286 = arith.constant 8 : i32
        %add3A_287 = arith.addi %add3A_205, %add3A_286 : i32
        %dma_start3A_288 = arith.constant 4 : i32
        %dma_start3A_289 = arith.constant 0 : i32
        %dma_start3A_290 = arith.constant 0 : i32
        %dma_start3A_291 = tpu.memref_slice %arg9[%dma_start3A_288, %dma_start3A_289, %dma_start3A_290] : memref<8x128x16xf32, #tpu.memory_space<vmem>> -> memref<1x128x16xf32, #tpu.memory_space<vmem>>
        %dma_start3A_292 = tpu.memref_squeeze %dma_start3A_291 : memref<1x128x16xf32, #tpu.memory_space<vmem>> -> memref<128x16xf32, #tpu.memory_space<vmem>>
        %dma_start3A_293 = arith.constant 0 : i32
        %dma_start3A_294 = tpu.memref_slice %arg7[%add3A_287, %dma_start3A_293] : memref<80x128xi32, #tpu.memory_space<vmem>> -> memref<1x128xi32, #tpu.memory_space<vmem>>
        %dma_start3A_295 = tpu.memref_squeeze %dma_start3A_294 : memref<1x128xi32, #tpu.memory_space<vmem>> -> memref<128xi32, #tpu.memory_space<vmem>>
        %dma_start3A_296 = arith.constant 0 : i32
        %dma_start3A_297 = arith.constant 0 : i32
        %dma_start3A_298 = tpu.memref_slice %arg2[%dma_start3A_296, %dma_start3A_297] : memref<10112x16xf32, #tpu.memory_space<hbm>> -> memref<10112x16xf32, #tpu.memory_space<hbm>>
        tpu.enqueue_indirect_dma source(%dma_start3A_298 : memref<10112x16xf32, #tpu.memory_space<hbm>>) target(%dma_start3A_292 : memref<128x16xf32, #tpu.memory_space<vmem>>) offsets(%dma_start3A_295 : memref<128xi32, #tpu.memory_space<vmem>>) semaphore(%arg15 : memref<!tpu.dma_semaphore, #tpu.memory_space<semaphore_mem>>)
      } else {
      }
      %mul3A_223 = arith.constant 8 : i32
      %mul3A_224 = arith.muli %scan3A_120, %mul3A_223 : i32
      %add3A_225 = arith.constant 5 : i32
      %add3A_226 = arith.addi %mul3A_224, %add3A_225 : i32
      %dma_wait3A_227 = arith.constant 5 : i32
      %dma_wait3A_228 = arith.constant 0 : i32
      %dma_wait3A_229 = arith.constant 0 : i32
      %dma_wait3A_230 = tpu.memref_slice %arg9[%dma_wait3A_227, %dma_wait3A_228, %dma_wait3A_229] : memref<8x128x16xf32, #tpu.memory_space<vmem>> -> memref<1x128x16xf32, #tpu.memory_space<vmem>>
      %dma_wait3A_231 = tpu.memref_squeeze %dma_wait3A_230 : memref<1x128x16xf32, #tpu.memory_space<vmem>> -> memref<128x16xf32, #tpu.memory_space<vmem>>
      %dma_wait3A_232 = arith.constant 0 : i32
      %dma_wait3A_233 = tpu.memref_slice %arg7[%add3A_226, %dma_wait3A_232] : memref<80x128xi32, #tpu.memory_space<vmem>> -> memref<1x128xi32, #tpu.memory_space<vmem>>
      %dma_wait3A_234 = tpu.memref_squeeze %dma_wait3A_233 : memref<1x128xi32, #tpu.memory_space<vmem>> -> memref<128xi32, #tpu.memory_space<vmem>>
      %dma_wait3A_235 = arith.constant 0 : i32
      %dma_wait3A_236 = arith.constant 0 : i32
      %dma_wait3A_237 = tpu.memref_slice %arg2[%dma_wait3A_235, %dma_wait3A_236] : memref<10112x16xf32, #tpu.memory_space<hbm>> -> memref<10112x16xf32, #tpu.memory_space<hbm>>
      tpu.wait_indirect_dma semaphore(%arg16 : memref<!tpu.dma_semaphore, #tpu.memory_space<semaphore_mem>>) src(%dma_wait3A_237 : memref<10112x16xf32, #tpu.memory_space<hbm>>) dst(%dma_wait3A_231 : memref<128x16xf32, #tpu.memory_space<vmem>>)
      %run_scoped3A_238 = arith.constant 5 : i32
      "tpu.region"() ({
        %run_scoped3A_286 = tpu.sem_alloc : memref<!tpu.dma_semaphore, #tpu.memory_space<semaphore_mem>>
        %dma_start3A_287 = arith.constant 0 : i32
        %dma_start3A_288 = arith.constant 0 : i32
        %dma_start3A_289 = tpu.memref_slice %arg9[%run_scoped3A_238, %dma_start3A_287, %dma_start3A_288] : memref<8x128x16xf32, #tpu.memory_space<vmem>> -> memref<1x128x16xf32, #tpu.memory_space<vmem>>
        %dma_start3A_290 = tpu.memref_squeeze %dma_start3A_289 : memref<1x128x16xf32, #tpu.memory_space<vmem>> -> memref<128x16xf32, #tpu.memory_space<vmem>>
        %dma_start3A_291 = arith.constant 0 : i32
        %dma_start3A_292 = tpu.memref_slice %arg8[%add3A_226, %dma_start3A_291] : memref<80x128xi32, #tpu.memory_space<vmem>> -> memref<1x128xi32, #tpu.memory_space<vmem>>
        %dma_start3A_293 = tpu.memref_squeeze %dma_start3A_292 : memref<1x128xi32, #tpu.memory_space<vmem>> -> memref<128xi32, #tpu.memory_space<vmem>>
        %dma_start3A_294 = arith.constant 0 : i32
        %dma_start3A_295 = arith.constant 0 : i32
        %dma_start3A_296 = tpu.memref_slice %arg10[%dma_start3A_294, %dma_start3A_295] : memref<10112x16xf32, #tpu.memory_space<vmem_shared>> -> memref<10112x16xf32, #tpu.memory_space<vmem_shared>>
        tpu.enqueue_indirect_dma source(%dma_start3A_290 : memref<128x16xf32, #tpu.memory_space<vmem>>) target(%dma_start3A_296 : memref<10112x16xf32, #tpu.memory_space<vmem_shared>>) offsets(%dma_start3A_293 : memref<128xi32, #tpu.memory_space<vmem>>) semaphore(%run_scoped3A_286 : memref<!tpu.dma_semaphore, #tpu.memory_space<semaphore_mem>>) {add = true}
        %dma_wait3A_297 = arith.constant 0 : i32
        %dma_wait3A_298 = arith.constant 0 : i32
        %dma_wait3A_299 = tpu.memref_slice %arg9[%run_scoped3A_238, %dma_wait3A_297, %dma_wait3A_298] : memref<8x128x16xf32, #tpu.memory_space<vmem>> -> memref<1x128x16xf32, #tpu.memory_space<vmem>>
        %dma_wait3A_300 = tpu.memref_squeeze %dma_wait3A_299 : memref<1x128x16xf32, #tpu.memory_space<vmem>> -> memref<128x16xf32, #tpu.memory_space<vmem>>
        %dma_wait3A_301 = arith.constant 0 : i32
        %dma_wait3A_302 = tpu.memref_slice %arg8[%add3A_226, %dma_wait3A_301] : memref<80x128xi32, #tpu.memory_space<vmem>> -> memref<1x128xi32, #tpu.memory_space<vmem>>
        %dma_wait3A_303 = tpu.memref_squeeze %dma_wait3A_302 : memref<1x128xi32, #tpu.memory_space<vmem>> -> memref<128xi32, #tpu.memory_space<vmem>>
        %dma_wait3A_304 = arith.constant 0 : i32
        %dma_wait3A_305 = arith.constant 0 : i32
        %dma_wait3A_306 = tpu.memref_slice %arg10[%dma_wait3A_304, %dma_wait3A_305] : memref<10112x16xf32, #tpu.memory_space<vmem_shared>> -> memref<10112x16xf32, #tpu.memory_space<vmem_shared>>
        tpu.wait_indirect_dma semaphore(%run_scoped3A_286 : memref<!tpu.dma_semaphore, #tpu.memory_space<semaphore_mem>>) src(%dma_wait3A_300 : memref<128x16xf32, #tpu.memory_space<vmem>>) dst(%dma_wait3A_306 : memref<10112x16xf32, #tpu.memory_space<vmem_shared>>)
        tpu.yield
      }) : () -> ()
      %lt3A_239 = arith.constant 9 : i32
      %lt3A_240 = arith.cmpi slt, %scan3A_120, %lt3A_239 : i32
      %convert_element_type3A_241 = arith.extui %lt3A_240 : i1 to i32
      %cond3A_242 = arith.constant 0 : i32
      %cond3A_243 = arith.cmpi ne, %convert_element_type3A_241, %cond3A_242 : i32
      scf.if %cond3A_243 {
        %add3A_286 = arith.constant 8 : i32
        %add3A_287 = arith.addi %add3A_226, %add3A_286 : i32
        %dma_start3A_288 = arith.constant 5 : i32
        %dma_start3A_289 = arith.constant 0 : i32
        %dma_start3A_290 = arith.constant 0 : i32
        %dma_start3A_291 = tpu.memref_slice %arg9[%dma_start3A_288, %dma_start3A_289, %dma_start3A_290] : memref<8x128x16xf32, #tpu.memory_space<vmem>> -> memref<1x128x16xf32, #tpu.memory_space<vmem>>
        %dma_start3A_292 = tpu.memref_squeeze %dma_start3A_291 : memref<1x128x16xf32, #tpu.memory_space<vmem>> -> memref<128x16xf32, #tpu.memory_space<vmem>>
        %dma_start3A_293 = arith.constant 0 : i32
        %dma_start3A_294 = tpu.memref_slice %arg7[%add3A_287, %dma_start3A_293] : memref<80x128xi32, #tpu.memory_space<vmem>> -> memref<1x128xi32, #tpu.memory_space<vmem>>
        %dma_start3A_295 = tpu.memref_squeeze %dma_start3A_294 : memref<1x128xi32, #tpu.memory_space<vmem>> -> memref<128xi32, #tpu.memory_space<vmem>>
        %dma_start3A_296 = arith.constant 0 : i32
        %dma_start3A_297 = arith.constant 0 : i32
        %dma_start3A_298 = tpu.memref_slice %arg2[%dma_start3A_296, %dma_start3A_297] : memref<10112x16xf32, #tpu.memory_space<hbm>> -> memref<10112x16xf32, #tpu.memory_space<hbm>>
        tpu.enqueue_indirect_dma source(%dma_start3A_298 : memref<10112x16xf32, #tpu.memory_space<hbm>>) target(%dma_start3A_292 : memref<128x16xf32, #tpu.memory_space<vmem>>) offsets(%dma_start3A_295 : memref<128xi32, #tpu.memory_space<vmem>>) semaphore(%arg16 : memref<!tpu.dma_semaphore, #tpu.memory_space<semaphore_mem>>)
      } else {
      }
      %mul3A_244 = arith.constant 8 : i32
      %mul3A_245 = arith.muli %scan3A_120, %mul3A_244 : i32
      %add3A_246 = arith.constant 6 : i32
      %add3A_247 = arith.addi %mul3A_245, %add3A_246 : i32
      %dma_wait3A_248 = arith.constant 6 : i32
      %dma_wait3A_249 = arith.constant 0 : i32
      %dma_wait3A_250 = arith.constant 0 : i32
      %dma_wait3A_251 = tpu.memref_slice %arg9[%dma_wait3A_248, %dma_wait3A_249, %dma_wait3A_250] : memref<8x128x16xf32, #tpu.memory_space<vmem>> -> memref<1x128x16xf32, #tpu.memory_space<vmem>>
      %dma_wait3A_252 = tpu.memref_squeeze %dma_wait3A_251 : memref<1x128x16xf32, #tpu.memory_space<vmem>> -> memref<128x16xf32, #tpu.memory_space<vmem>>
      %dma_wait3A_253 = arith.constant 0 : i32
      %dma_wait3A_254 = tpu.memref_slice %arg7[%add3A_247, %dma_wait3A_253] : memref<80x128xi32, #tpu.memory_space<vmem>> -> memref<1x128xi32, #tpu.memory_space<vmem>>
      %dma_wait3A_255 = tpu.memref_squeeze %dma_wait3A_254 : memref<1x128xi32, #tpu.memory_space<vmem>> -> memref<128xi32, #tpu.memory_space<vmem>>
      %dma_wait3A_256 = arith.constant 0 : i32
      %dma_wait3A_257 = arith.constant 0 : i32
      %dma_wait3A_258 = tpu.memref_slice %arg2[%dma_wait3A_256, %dma_wait3A_257] : memref<10112x16xf32, #tpu.memory_space<hbm>> -> memref<10112x16xf32, #tpu.memory_space<hbm>>
      tpu.wait_indirect_dma semaphore(%arg17 : memref<!tpu.dma_semaphore, #tpu.memory_space<semaphore_mem>>) src(%dma_wait3A_258 : memref<10112x16xf32, #tpu.memory_space<hbm>>) dst(%dma_wait3A_252 : memref<128x16xf32, #tpu.memory_space<vmem>>)
      %run_scoped3A_259 = arith.constant 6 : i32
      "tpu.region"() ({
        %run_scoped3A_286 = tpu.sem_alloc : memref<!tpu.dma_semaphore, #tpu.memory_space<semaphore_mem>>
        %dma_start3A_287 = arith.constant 0 : i32
        %dma_start3A_288 = arith.constant 0 : i32
        %dma_start3A_289 = tpu.memref_slice %arg9[%run_scoped3A_259, %dma_start3A_287, %dma_start3A_288] : memref<8x128x16xf32, #tpu.memory_space<vmem>> -> memref<1x128x16xf32, #tpu.memory_space<vmem>>
        %dma_start3A_290 = tpu.memref_squeeze %dma_start3A_289 : memref<1x128x16xf32, #tpu.memory_space<vmem>> -> memref<128x16xf32, #tpu.memory_space<vmem>>
        %dma_start3A_291 = arith.constant 0 : i32
        %dma_start3A_292 = tpu.memref_slice %arg8[%add3A_247, %dma_start3A_291] : memref<80x128xi32, #tpu.memory_space<vmem>> -> memref<1x128xi32, #tpu.memory_space<vmem>>
        %dma_start3A_293 = tpu.memref_squeeze %dma_start3A_292 : memref<1x128xi32, #tpu.memory_space<vmem>> -> memref<128xi32, #tpu.memory_space<vmem>>
        %dma_start3A_294 = arith.constant 0 : i32
        %dma_start3A_295 = arith.constant 0 : i32
        %dma_start3A_296 = tpu.memref_slice %arg10[%dma_start3A_294, %dma_start3A_295] : memref<10112x16xf32, #tpu.memory_space<vmem_shared>> -> memref<10112x16xf32, #tpu.memory_space<vmem_shared>>
        tpu.enqueue_indirect_dma source(%dma_start3A_290 : memref<128x16xf32, #tpu.memory_space<vmem>>) target(%dma_start3A_296 : memref<10112x16xf32, #tpu.memory_space<vmem_shared>>) offsets(%dma_start3A_293 : memref<128xi32, #tpu.memory_space<vmem>>) semaphore(%run_scoped3A_286 : memref<!tpu.dma_semaphore, #tpu.memory_space<semaphore_mem>>) {add = true}
        %dma_wait3A_297 = arith.constant 0 : i32
        %dma_wait3A_298 = arith.constant 0 : i32
        %dma_wait3A_299 = tpu.memref_slice %arg9[%run_scoped3A_259, %dma_wait3A_297, %dma_wait3A_298] : memref<8x128x16xf32, #tpu.memory_space<vmem>> -> memref<1x128x16xf32, #tpu.memory_space<vmem>>
        %dma_wait3A_300 = tpu.memref_squeeze %dma_wait3A_299 : memref<1x128x16xf32, #tpu.memory_space<vmem>> -> memref<128x16xf32, #tpu.memory_space<vmem>>
        %dma_wait3A_301 = arith.constant 0 : i32
        %dma_wait3A_302 = tpu.memref_slice %arg8[%add3A_247, %dma_wait3A_301] : memref<80x128xi32, #tpu.memory_space<vmem>> -> memref<1x128xi32, #tpu.memory_space<vmem>>
        %dma_wait3A_303 = tpu.memref_squeeze %dma_wait3A_302 : memref<1x128xi32, #tpu.memory_space<vmem>> -> memref<128xi32, #tpu.memory_space<vmem>>
        %dma_wait3A_304 = arith.constant 0 : i32
        %dma_wait3A_305 = arith.constant 0 : i32
        %dma_wait3A_306 = tpu.memref_slice %arg10[%dma_wait3A_304, %dma_wait3A_305] : memref<10112x16xf32, #tpu.memory_space<vmem_shared>> -> memref<10112x16xf32, #tpu.memory_space<vmem_shared>>
        tpu.wait_indirect_dma semaphore(%run_scoped3A_286 : memref<!tpu.dma_semaphore, #tpu.memory_space<semaphore_mem>>) src(%dma_wait3A_300 : memref<128x16xf32, #tpu.memory_space<vmem>>) dst(%dma_wait3A_306 : memref<10112x16xf32, #tpu.memory_space<vmem_shared>>)
        tpu.yield
      }) : () -> ()
      %lt3A_260 = arith.constant 9 : i32
      %lt3A_261 = arith.cmpi slt, %scan3A_120, %lt3A_260 : i32
      %convert_element_type3A_262 = arith.extui %lt3A_261 : i1 to i32
      %cond3A_263 = arith.constant 0 : i32
      %cond3A_264 = arith.cmpi ne, %convert_element_type3A_262, %cond3A_263 : i32
      scf.if %cond3A_264 {
        %add3A_286 = arith.constant 8 : i32
        %add3A_287 = arith.addi %add3A_247, %add3A_286 : i32
        %dma_start3A_288 = arith.constant 6 : i32
        %dma_start3A_289 = arith.constant 0 : i32
        %dma_start3A_290 = arith.constant 0 : i32
        %dma_start3A_291 = tpu.memref_slice %arg9[%dma_start3A_288, %dma_start3A_289, %dma_start3A_290] : memref<8x128x16xf32, #tpu.memory_space<vmem>> -> memref<1x128x16xf32, #tpu.memory_space<vmem>>
        %dma_start3A_292 = tpu.memref_squeeze %dma_start3A_291 : memref<1x128x16xf32, #tpu.memory_space<vmem>> -> memref<128x16xf32, #tpu.memory_space<vmem>>
        %dma_start3A_293 = arith.constant 0 : i32
        %dma_start3A_294 = tpu.memref_slice %arg7[%add3A_287, %dma_start3A_293] : memref<80x128xi32, #tpu.memory_space<vmem>> -> memref<1x128xi32, #tpu.memory_space<vmem>>
        %dma_start3A_295 = tpu.memref_squeeze %dma_start3A_294 : memref<1x128xi32, #tpu.memory_space<vmem>> -> memref<128xi32, #tpu.memory_space<vmem>>
        %dma_start3A_296 = arith.constant 0 : i32
        %dma_start3A_297 = arith.constant 0 : i32
        %dma_start3A_298 = tpu.memref_slice %arg2[%dma_start3A_296, %dma_start3A_297] : memref<10112x16xf32, #tpu.memory_space<hbm>> -> memref<10112x16xf32, #tpu.memory_space<hbm>>
        tpu.enqueue_indirect_dma source(%dma_start3A_298 : memref<10112x16xf32, #tpu.memory_space<hbm>>) target(%dma_start3A_292 : memref<128x16xf32, #tpu.memory_space<vmem>>) offsets(%dma_start3A_295 : memref<128xi32, #tpu.memory_space<vmem>>) semaphore(%arg17 : memref<!tpu.dma_semaphore, #tpu.memory_space<semaphore_mem>>)
      } else {
      }
      %mul3A_265 = arith.constant 8 : i32
      %mul3A_266 = arith.muli %scan3A_120, %mul3A_265 : i32
      %add3A_267 = arith.constant 7 : i32
      %add3A_268 = arith.addi %mul3A_266, %add3A_267 : i32
      %dma_wait3A_269 = arith.constant 7 : i32
      %dma_wait3A_270 = arith.constant 0 : i32
      %dma_wait3A_271 = arith.constant 0 : i32
      %dma_wait3A_272 = tpu.memref_slice %arg9[%dma_wait3A_269, %dma_wait3A_270, %dma_wait3A_271] : memref<8x128x16xf32, #tpu.memory_space<vmem>> -> memref<1x128x16xf32, #tpu.memory_space<vmem>>
      %dma_wait3A_273 = tpu.memref_squeeze %dma_wait3A_272 : memref<1x128x16xf32, #tpu.memory_space<vmem>> -> memref<128x16xf32, #tpu.memory_space<vmem>>
      %dma_wait3A_274 = arith.constant 0 : i32
      %dma_wait3A_275 = tpu.memref_slice %arg7[%add3A_268, %dma_wait3A_274] : memref<80x128xi32, #tpu.memory_space<vmem>> -> memref<1x128xi32, #tpu.memory_space<vmem>>
      %dma_wait3A_276 = tpu.memref_squeeze %dma_wait3A_275 : memref<1x128xi32, #tpu.memory_space<vmem>> -> memref<128xi32, #tpu.memory_space<vmem>>
      %dma_wait3A_277 = arith.constant 0 : i32
      %dma_wait3A_278 = arith.constant 0 : i32
      %dma_wait3A_279 = tpu.memref_slice %arg2[%dma_wait3A_277, %dma_wait3A_278] : memref<10112x16xf32, #tpu.memory_space<hbm>> -> memref<10112x16xf32, #tpu.memory_space<hbm>>
      tpu.wait_indirect_dma semaphore(%arg18 : memref<!tpu.dma_semaphore, #tpu.memory_space<semaphore_mem>>) src(%dma_wait3A_279 : memref<10112x16xf32, #tpu.memory_space<hbm>>) dst(%dma_wait3A_273 : memref<128x16xf32, #tpu.memory_space<vmem>>)
      %run_scoped3A_280 = arith.constant 7 : i32
      "tpu.region"() ({
        %run_scoped3A_286 = tpu.sem_alloc : memref<!tpu.dma_semaphore, #tpu.memory_space<semaphore_mem>>
        %dma_start3A_287 = arith.constant 0 : i32
        %dma_start3A_288 = arith.constant 0 : i32
        %dma_start3A_289 = tpu.memref_slice %arg9[%run_scoped3A_280, %dma_start3A_287, %dma_start3A_288] : memref<8x128x16xf32, #tpu.memory_space<vmem>> -> memref<1x128x16xf32, #tpu.memory_space<vmem>>
        %dma_start3A_290 = tpu.memref_squeeze %dma_start3A_289 : memref<1x128x16xf32, #tpu.memory_space<vmem>> -> memref<128x16xf32, #tpu.memory_space<vmem>>
        %dma_start3A_291 = arith.constant 0 : i32
        %dma_start3A_292 = tpu.memref_slice %arg8[%add3A_268, %dma_start3A_291] : memref<80x128xi32, #tpu.memory_space<vmem>> -> memref<1x128xi32, #tpu.memory_space<vmem>>
        %dma_start3A_293 = tpu.memref_squeeze %dma_start3A_292 : memref<1x128xi32, #tpu.memory_space<vmem>> -> memref<128xi32, #tpu.memory_space<vmem>>
        %dma_start3A_294 = arith.constant 0 : i32
        %dma_start3A_295 = arith.constant 0 : i32
        %dma_start3A_296 = tpu.memref_slice %arg10[%dma_start3A_294, %dma_start3A_295] : memref<10112x16xf32, #tpu.memory_space<vmem_shared>> -> memref<10112x16xf32, #tpu.memory_space<vmem_shared>>
        tpu.enqueue_indirect_dma source(%dma_start3A_290 : memref<128x16xf32, #tpu.memory_space<vmem>>) target(%dma_start3A_296 : memref<10112x16xf32, #tpu.memory_space<vmem_shared>>) offsets(%dma_start3A_293 : memref<128xi32, #tpu.memory_space<vmem>>) semaphore(%run_scoped3A_286 : memref<!tpu.dma_semaphore, #tpu.memory_space<semaphore_mem>>) {add = true}
        %dma_wait3A_297 = arith.constant 0 : i32
        %dma_wait3A_298 = arith.constant 0 : i32
        %dma_wait3A_299 = tpu.memref_slice %arg9[%run_scoped3A_280, %dma_wait3A_297, %dma_wait3A_298] : memref<8x128x16xf32, #tpu.memory_space<vmem>> -> memref<1x128x16xf32, #tpu.memory_space<vmem>>
        %dma_wait3A_300 = tpu.memref_squeeze %dma_wait3A_299 : memref<1x128x16xf32, #tpu.memory_space<vmem>> -> memref<128x16xf32, #tpu.memory_space<vmem>>
        %dma_wait3A_301 = arith.constant 0 : i32
        %dma_wait3A_302 = tpu.memref_slice %arg8[%add3A_268, %dma_wait3A_301] : memref<80x128xi32, #tpu.memory_space<vmem>> -> memref<1x128xi32, #tpu.memory_space<vmem>>
        %dma_wait3A_303 = tpu.memref_squeeze %dma_wait3A_302 : memref<1x128xi32, #tpu.memory_space<vmem>> -> memref<128xi32, #tpu.memory_space<vmem>>
        %dma_wait3A_304 = arith.constant 0 : i32
        %dma_wait3A_305 = arith.constant 0 : i32
        %dma_wait3A_306 = tpu.memref_slice %arg10[%dma_wait3A_304, %dma_wait3A_305] : memref<10112x16xf32, #tpu.memory_space<vmem_shared>> -> memref<10112x16xf32, #tpu.memory_space<vmem_shared>>
        tpu.wait_indirect_dma semaphore(%run_scoped3A_286 : memref<!tpu.dma_semaphore, #tpu.memory_space<semaphore_mem>>) src(%dma_wait3A_300 : memref<128x16xf32, #tpu.memory_space<vmem>>) dst(%dma_wait3A_306 : memref<10112x16xf32, #tpu.memory_space<vmem_shared>>)
        tpu.yield
      }) : () -> ()
      %lt3A_281 = arith.constant 9 : i32
      %lt3A_282 = arith.cmpi slt, %scan3A_120, %lt3A_281 : i32
      %convert_element_type3A_283 = arith.extui %lt3A_282 : i1 to i32
      %cond3A_284 = arith.constant 0 : i32
      %cond3A_285 = arith.cmpi ne, %convert_element_type3A_283, %cond3A_284 : i32
      scf.if %cond3A_285 {
        %add3A_286 = arith.constant 8 : i32
        %add3A_287 = arith.addi %add3A_268, %add3A_286 : i32
        %dma_start3A_288 = arith.constant 7 : i32
        %dma_start3A_289 = arith.constant 0 : i32
        %dma_start3A_290 = arith.constant 0 : i32
        %dma_start3A_291 = tpu.memref_slice %arg9[%dma_start3A_288, %dma_start3A_289, %dma_start3A_290] : memref<8x128x16xf32, #tpu.memory_space<vmem>> -> memref<1x128x16xf32, #tpu.memory_space<vmem>>
        %dma_start3A_292 = tpu.memref_squeeze %dma_start3A_291 : memref<1x128x16xf32, #tpu.memory_space<vmem>> -> memref<128x16xf32, #tpu.memory_space<vmem>>
        %dma_start3A_293 = arith.constant 0 : i32
        %dma_start3A_294 = tpu.memref_slice %arg7[%add3A_287, %dma_start3A_293] : memref<80x128xi32, #tpu.memory_space<vmem>> -> memref<1x128xi32, #tpu.memory_space<vmem>>
        %dma_start3A_295 = tpu.memref_squeeze %dma_start3A_294 : memref<1x128xi32, #tpu.memory_space<vmem>> -> memref<128xi32, #tpu.memory_space<vmem>>
        %dma_start3A_296 = arith.constant 0 : i32
        %dma_start3A_297 = arith.constant 0 : i32
        %dma_start3A_298 = tpu.memref_slice %arg2[%dma_start3A_296, %dma_start3A_297] : memref<10112x16xf32, #tpu.memory_space<hbm>> -> memref<10112x16xf32, #tpu.memory_space<hbm>>
        tpu.enqueue_indirect_dma source(%dma_start3A_298 : memref<10112x16xf32, #tpu.memory_space<hbm>>) target(%dma_start3A_292 : memref<128x16xf32, #tpu.memory_space<vmem>>) offsets(%dma_start3A_295 : memref<128xi32, #tpu.memory_space<vmem>>) semaphore(%arg18 : memref<!tpu.dma_semaphore, #tpu.memory_space<semaphore_mem>>)
      } else {
      }
    }
    %scan3A_111 = arith.constant 10 : i32
    %barrier3A_112 = arith.constant 0 : index
    tpu.barrier barrier_id(%barrier3A_112)
    %mul3A_113 = arith.constant 632 : i32
    %mul3A_114 = arith.muli %arg1, %mul3A_113 : i32
    %mul3A_115 = arith.constant 10112 : i32
    %mul3A_116 = arith.muli %arg0, %mul3A_115 : i32
    %mul3A_117 = arith.constant 632 : i32
    %mul3A_118 = arith.muli %arg1, %mul3A_117 : i32
    %add3A_119 = arith.addi %mul3A_116, %mul3A_118 : i32
    "tpu.region"() ({
      %run_scoped3A = tpu.sem_alloc : memref<!tpu.dma_semaphore, #tpu.memory_space<semaphore_mem>>
      %dma_start3A_120 = arith.constant 0 : i32
      %dma_start3A_121 = tpu.memref_slice %arg6[%add3A_119, %dma_start3A_120] : memref<20224x16xf32, #tpu.memory_space<hbm>> -> memref<632x16xf32, #tpu.memory_space<hbm>>
      %dma_start3A_122 = arith.constant 0 : i32
      %dma_start3A_123 = tpu.memref_slice %arg10[%mul3A_114, %dma_start3A_122] : memref<10112x16xf32, #tpu.memory_space<vmem_shared>> -> memref<632x16xf32, #tpu.memory_space<vmem_shared>>
      tpu.enqueue_dma source(%dma_start3A_123 : memref<632x16xf32, #tpu.memory_space<vmem_shared>>) target(%dma_start3A_121 : memref<632x16xf32, #tpu.memory_space<hbm>>) target_semaphore(%run_scoped3A : memref<!tpu.dma_semaphore, #tpu.memory_space<semaphore_mem>>)
      %dma_wait3A = arith.constant 0 : i32
      %dma_wait3A_124 = tpu.memref_slice %arg6[%add3A_119, %dma_wait3A] : memref<20224x16xf32, #tpu.memory_space<hbm>> -> memref<632x16xf32, #tpu.memory_space<hbm>>
      %dma_wait3A_125 = arith.constant 0 : i32
      %dma_wait3A_126 = tpu.memref_slice %arg10[%mul3A_114, %dma_wait3A_125] : memref<10112x16xf32, #tpu.memory_space<vmem_shared>> -> memref<632x16xf32, #tpu.memory_space<vmem_shared>>
      tpu.wait_dma2 semaphore(%run_scoped3A : memref<!tpu.dma_semaphore, #tpu.memory_space<semaphore_mem>>) src(%dma_wait3A_126 : memref<632x16xf32, #tpu.memory_space<vmem_shared>>) dst(%dma_wait3A_124 : memref<632x16xf32, #tpu.memory_space<hbm>>)
      tpu.yield
    }) : () -> ()
    return
  }
}

module attributes {stable_mosaic.version = 14 : i64} {
  func.func @_tc_mm0_body(%arg0: memref<1264x8x128xf32, #tpu.memory_space<vmem>>, %arg1: memref<128x16xf32, #tpu.memory_space<vmem>>, %arg2: memref<1264x128xf32, #tpu.memory_space<vmem>>) attributes {dimension_semantics = [], scalar_prefetch = 0 : i64, scratch_operands = 0 : i64, tpu.core_type = #tpu.core_type<tc>} {
    %get3A = arith.constant 0 : index
    %get3A_0 = arith.constant 0 : index
    %get3A_1 = arith.constant 0 : index
    %get3A_2 = vector.load %arg0[%get3A, %get3A_0, %get3A_1] : memref<1264x8x128xf32, #tpu.memory_space<vmem>>, vector<1264x1x128xf32>
    %get3A_3 = vector.shape_cast %get3A_2 : vector<1264x1x128xf32> to vector<1264x128xf32>
    %get3A_4 = arith.constant 0 : index
    %get3A_5 = arith.constant 0 : index
    %get3A_6 = vector.load %arg1[%get3A_4, %get3A_5] : memref<128x16xf32, #tpu.memory_space<vmem>>, vector<128x16xf32>
    %dot_general3A = arith.constant dense<0.000000e+00> : vector<1264x16xf32>
    %dot_general3A_7 = tpu.matmul %get3A_3, %get3A_6, %dot_general3A {dimension_numbers = #tpu.dot_dimension_numbers<[1], [0], [0], [1], [0, 0, 1, 1], [], []>, transpose_lhs_hint = false} : vector<1264x128xf32>, vector<128x16xf32>, vector<1264x16xf32> -> vector<1264x16xf32>
    %get3A_8 = arith.constant 0 : index
    %get3A_9 = arith.constant 1 : index
    %get3A_10 = arith.constant 0 : index
    %get3A_11 = vector.load %arg0[%get3A_8, %get3A_9, %get3A_10] : memref<1264x8x128xf32, #tpu.memory_space<vmem>>, vector<1264x1x128xf32>
    %get3A_12 = vector.shape_cast %get3A_11 : vector<1264x1x128xf32> to vector<1264x128xf32>
    %get3A_13 = arith.constant 0 : index
    %get3A_14 = arith.constant 0 : index
    %get3A_15 = vector.load %arg1[%get3A_13, %get3A_14] : memref<128x16xf32, #tpu.memory_space<vmem>>, vector<128x16xf32>
    %dot_general3A_16 = arith.constant dense<0.000000e+00> : vector<1264x16xf32>
    %dot_general3A_17 = tpu.matmul %get3A_12, %get3A_15, %dot_general3A_16 {dimension_numbers = #tpu.dot_dimension_numbers<[1], [0], [0], [1], [0, 0, 1, 1], [], []>, transpose_lhs_hint = false} : vector<1264x128xf32>, vector<128x16xf32>, vector<1264x16xf32> -> vector<1264x16xf32>
    %get3A_18 = arith.constant 0 : index
    %get3A_19 = arith.constant 2 : index
    %get3A_20 = arith.constant 0 : index
    %get3A_21 = vector.load %arg0[%get3A_18, %get3A_19, %get3A_20] : memref<1264x8x128xf32, #tpu.memory_space<vmem>>, vector<1264x1x128xf32>
    %get3A_22 = vector.shape_cast %get3A_21 : vector<1264x1x128xf32> to vector<1264x128xf32>
    %get3A_23 = arith.constant 0 : index
    %get3A_24 = arith.constant 0 : index
    %get3A_25 = vector.load %arg1[%get3A_23, %get3A_24] : memref<128x16xf32, #tpu.memory_space<vmem>>, vector<128x16xf32>
    %dot_general3A_26 = arith.constant dense<0.000000e+00> : vector<1264x16xf32>
    %dot_general3A_27 = tpu.matmul %get3A_22, %get3A_25, %dot_general3A_26 {dimension_numbers = #tpu.dot_dimension_numbers<[1], [0], [0], [1], [0, 0, 1, 1], [], []>, transpose_lhs_hint = false} : vector<1264x128xf32>, vector<128x16xf32>, vector<1264x16xf32> -> vector<1264x16xf32>
    %get3A_28 = arith.constant 0 : index
    %get3A_29 = arith.constant 3 : index
    %get3A_30 = arith.constant 0 : index
    %get3A_31 = vector.load %arg0[%get3A_28, %get3A_29, %get3A_30] : memref<1264x8x128xf32, #tpu.memory_space<vmem>>, vector<1264x1x128xf32>
    %get3A_32 = vector.shape_cast %get3A_31 : vector<1264x1x128xf32> to vector<1264x128xf32>
    %get3A_33 = arith.constant 0 : index
    %get3A_34 = arith.constant 0 : index
    %get3A_35 = vector.load %arg1[%get3A_33, %get3A_34] : memref<128x16xf32, #tpu.memory_space<vmem>>, vector<128x16xf32>
    %dot_general3A_36 = arith.constant dense<0.000000e+00> : vector<1264x16xf32>
    %dot_general3A_37 = tpu.matmul %get3A_32, %get3A_35, %dot_general3A_36 {dimension_numbers = #tpu.dot_dimension_numbers<[1], [0], [0], [1], [0, 0, 1, 1], [], []>, transpose_lhs_hint = false} : vector<1264x128xf32>, vector<128x16xf32>, vector<1264x16xf32> -> vector<1264x16xf32>
    %get3A_38 = arith.constant 0 : index
    %get3A_39 = arith.constant 4 : index
    %get3A_40 = arith.constant 0 : index
    %get3A_41 = vector.load %arg0[%get3A_38, %get3A_39, %get3A_40] : memref<1264x8x128xf32, #tpu.memory_space<vmem>>, vector<1264x1x128xf32>
    %get3A_42 = vector.shape_cast %get3A_41 : vector<1264x1x128xf32> to vector<1264x128xf32>
    %get3A_43 = arith.constant 0 : index
    %get3A_44 = arith.constant 0 : index
    %get3A_45 = vector.load %arg1[%get3A_43, %get3A_44] : memref<128x16xf32, #tpu.memory_space<vmem>>, vector<128x16xf32>
    %dot_general3A_46 = arith.constant dense<0.000000e+00> : vector<1264x16xf32>
    %dot_general3A_47 = tpu.matmul %get3A_42, %get3A_45, %dot_general3A_46 {dimension_numbers = #tpu.dot_dimension_numbers<[1], [0], [0], [1], [0, 0, 1, 1], [], []>, transpose_lhs_hint = false} : vector<1264x128xf32>, vector<128x16xf32>, vector<1264x16xf32> -> vector<1264x16xf32>
    %get3A_48 = arith.constant 0 : index
    %get3A_49 = arith.constant 5 : index
    %get3A_50 = arith.constant 0 : index
    %get3A_51 = vector.load %arg0[%get3A_48, %get3A_49, %get3A_50] : memref<1264x8x128xf32, #tpu.memory_space<vmem>>, vector<1264x1x128xf32>
    %get3A_52 = vector.shape_cast %get3A_51 : vector<1264x1x128xf32> to vector<1264x128xf32>
    %get3A_53 = arith.constant 0 : index
    %get3A_54 = arith.constant 0 : index
    %get3A_55 = vector.load %arg1[%get3A_53, %get3A_54] : memref<128x16xf32, #tpu.memory_space<vmem>>, vector<128x16xf32>
    %dot_general3A_56 = arith.constant dense<0.000000e+00> : vector<1264x16xf32>
    %dot_general3A_57 = tpu.matmul %get3A_52, %get3A_55, %dot_general3A_56 {dimension_numbers = #tpu.dot_dimension_numbers<[1], [0], [0], [1], [0, 0, 1, 1], [], []>, transpose_lhs_hint = false} : vector<1264x128xf32>, vector<128x16xf32>, vector<1264x16xf32> -> vector<1264x16xf32>
    %get3A_58 = arith.constant 0 : index
    %get3A_59 = arith.constant 6 : index
    %get3A_60 = arith.constant 0 : index
    %get3A_61 = vector.load %arg0[%get3A_58, %get3A_59, %get3A_60] : memref<1264x8x128xf32, #tpu.memory_space<vmem>>, vector<1264x1x128xf32>
    %get3A_62 = vector.shape_cast %get3A_61 : vector<1264x1x128xf32> to vector<1264x128xf32>
    %get3A_63 = arith.constant 0 : index
    %get3A_64 = arith.constant 0 : index
    %get3A_65 = vector.load %arg1[%get3A_63, %get3A_64] : memref<128x16xf32, #tpu.memory_space<vmem>>, vector<128x16xf32>
    %dot_general3A_66 = arith.constant dense<0.000000e+00> : vector<1264x16xf32>
    %dot_general3A_67 = tpu.matmul %get3A_62, %get3A_65, %dot_general3A_66 {dimension_numbers = #tpu.dot_dimension_numbers<[1], [0], [0], [1], [0, 0, 1, 1], [], []>, transpose_lhs_hint = false} : vector<1264x128xf32>, vector<128x16xf32>, vector<1264x16xf32> -> vector<1264x16xf32>
    %get3A_68 = arith.constant 0 : index
    %get3A_69 = arith.constant 7 : index
    %get3A_70 = arith.constant 0 : index
    %get3A_71 = vector.load %arg0[%get3A_68, %get3A_69, %get3A_70] : memref<1264x8x128xf32, #tpu.memory_space<vmem>>, vector<1264x1x128xf32>
    %get3A_72 = vector.shape_cast %get3A_71 : vector<1264x1x128xf32> to vector<1264x128xf32>
    %get3A_73 = arith.constant 0 : index
    %get3A_74 = arith.constant 0 : index
    %get3A_75 = vector.load %arg1[%get3A_73, %get3A_74] : memref<128x16xf32, #tpu.memory_space<vmem>>, vector<128x16xf32>
    %dot_general3A_76 = arith.constant dense<0.000000e+00> : vector<1264x16xf32>
    %dot_general3A_77 = tpu.matmul %get3A_72, %get3A_75, %dot_general3A_76 {dimension_numbers = #tpu.dot_dimension_numbers<[1], [0], [0], [1], [0, 0, 1, 1], [], []>, transpose_lhs_hint = false} : vector<1264x128xf32>, vector<128x16xf32>, vector<1264x16xf32> -> vector<1264x16xf32>
    %concatenate3A = tpu.concatenate %dot_general3A_7, %dot_general3A_17, %dot_general3A_27, %dot_general3A_37, %dot_general3A_47, %dot_general3A_57, %dot_general3A_67, %dot_general3A_77 in 1 : vector<1264x16xf32>, vector<1264x16xf32>, vector<1264x16xf32>, vector<1264x16xf32>, vector<1264x16xf32>, vector<1264x16xf32>, vector<1264x16xf32>, vector<1264x16xf32> -> vector<1264x128xf32>
    %swap3A = arith.constant 0 : index
    %swap3A_78 = arith.constant 0 : index
    %swap3A_79 = vector.load %arg2[%swap3A, %swap3A_78] : memref<1264x128xf32, #tpu.memory_space<vmem>>, vector<1264x128xf32>
    tpu.vector_store %arg2[%swap3A, %swap3A_78], %concatenate3A {strides = array<i32>} : memref<1264x128xf32, #tpu.memory_space<vmem>>, vector<1264x128xf32>,
    return
  }
}

module attributes {stable_mosaic.version = 14 : i64} {
  func.func @_tc_head_body(%arg0: memref<2x1264x128xf32, #tpu.memory_space<vmem>>, %arg1: memref<1264x128xf32, #tpu.memory_space<vmem>>, %arg2: memref<1264x128xf32, #tpu.memory_space<vmem>>, %arg3: memref<1264x128xf32, #tpu.memory_space<vmem>>) attributes {dimension_semantics = [], scalar_prefetch = 0 : i64, scratch_operands = 0 : i64, tpu.core_type = #tpu.core_type<tc>} {
    %get3A = arith.constant 0 : index
    %get3A_0 = arith.constant 0 : index
    %get3A_1 = arith.constant 0 : index
    %get3A_2 = vector.load %arg0[%get3A, %get3A_0, %get3A_1] : memref<2x1264x128xf32, #tpu.memory_space<vmem>>, vector<1x1264x128xf32>
    %get3A_3 = vector.shape_cast %get3A_2 : vector<1x1264x128xf32> to vector<1264x128xf32>
    %get3A_4 = arith.constant 1 : index
    %get3A_5 = arith.constant 0 : index
    %get3A_6 = arith.constant 0 : index
    %get3A_7 = vector.load %arg0[%get3A_4, %get3A_5, %get3A_6] : memref<2x1264x128xf32, #tpu.memory_space<vmem>>, vector<1x1264x128xf32>
    %get3A_8 = vector.shape_cast %get3A_7 : vector<1x1264x128xf32> to vector<1264x128xf32>
    %add3A = arith.addf %get3A_3, %get3A_8 : vector<1264x128xf32>
    %add3A_9 = arith.constant 1.000000e+00 : f32
    %add3A_10 = vector.broadcast %add3A_9 : f32 to vector<1264x128xf32>
    %add3A_11 = arith.addf %add3A, %add3A_10 : vector<1264x128xf32>
    %rsqrt3A = math.rsqrt %add3A_11 : vector<1264x128xf32>
    %swap3A = arith.constant 0 : index
    %swap3A_12 = arith.constant 0 : index
    %swap3A_13 = vector.load %arg3[%swap3A, %swap3A_12] : memref<1264x128xf32, #tpu.memory_space<vmem>>, vector<1264x128xf32>
    tpu.vector_store %arg3[%swap3A, %swap3A_12], %rsqrt3A {strides = array<i32>} : memref<1264x128xf32, #tpu.memory_space<vmem>>, vector<1264x128xf32>,
    %get3A_14 = arith.constant 0 : index
    %get3A_15 = arith.constant 0 : index
    %get3A_16 = vector.load %arg1[%get3A_14, %get3A_15] : memref<1264x128xf32, #tpu.memory_space<vmem>>, vector<1264x128xf32>
    %mul3A = arith.mulf %rsqrt3A, %get3A_16 : vector<1264x128xf32>
    %swap3A_17 = arith.constant 0 : index
    %swap3A_18 = arith.constant 0 : index
    %swap3A_19 = vector.load %arg2[%swap3A_17, %swap3A_18] : memref<1264x128xf32, #tpu.memory_space<vmem>>, vector<1264x128xf32>
    tpu.vector_store %arg2[%swap3A_17, %swap3A_18], %mul3A {strides = array<i32>} : memref<1264x128xf32, #tpu.memory_space<vmem>>, vector<1264x128xf32>,
    return
  }
}

module attributes {stable_mosaic.version = 14 : i64} {
  func.func @_tc_mid_body(%arg0: memref<2x1264x128xf32, #tpu.memory_space<vmem>>, %arg1: memref<1264x128xf32, #tpu.memory_space<vmem>>, %arg2: memref<1x128xf32, #tpu.memory_space<vmem>>, %arg3: memref<128x128xf32, #tpu.memory_space<vmem>>, %arg4: memref<1264x128xf32, #tpu.memory_space<vmem>>) attributes {dimension_semantics = [], scalar_prefetch = 0 : i64, scratch_operands = 0 : i64, tpu.core_type = #tpu.core_type<tc>} {
    %get3A = arith.constant 0 : index
    %get3A_0 = arith.constant 0 : index
    %get3A_1 = vector.load %arg1[%get3A, %get3A_0] : memref<1264x128xf32, #tpu.memory_space<vmem>>, vector<1264x128xf32>
    %get3A_2 = arith.constant 0 : index
    %get3A_3 = arith.constant 0 : index
    %get3A_4 = arith.constant 0 : index
    %get3A_5 = vector.load %arg0[%get3A_2, %get3A_3, %get3A_4] : memref<2x1264x128xf32, #tpu.memory_space<vmem>>, vector<1x1264x128xf32>
    %get3A_6 = vector.shape_cast %get3A_5 : vector<1x1264x128xf32> to vector<1264x128xf32>
    %get3A_7 = arith.constant 1 : index
    %get3A_8 = arith.constant 0 : index
    %get3A_9 = arith.constant 0 : index
    %get3A_10 = vector.load %arg0[%get3A_7, %get3A_8, %get3A_9] : memref<2x1264x128xf32, #tpu.memory_space<vmem>>, vector<1x1264x128xf32>
    %get3A_11 = vector.shape_cast %get3A_10 : vector<1x1264x128xf32> to vector<1264x128xf32>
    %add3A = arith.addf %get3A_6, %get3A_11 : vector<1264x128xf32>
    %mul3A = arith.mulf %get3A_1, %add3A : vector<1264x128xf32>
    %get3A_12 = arith.constant 0 : index
    %get3A_13 = arith.constant 0 : index
    %get3A_14 = vector.load %arg2[%get3A_12, %get3A_13] : memref<1x128xf32, #tpu.memory_space<vmem>>, vector<1x128xf32>
    %add3A_15 = vector.broadcast %get3A_14 : vector<1x128xf32> to vector<1264x128xf32>
    %add3A_16 = arith.addf %mul3A, %add3A_15 : vector<1264x128xf32>
    %max3A = arith.constant 0.000000e+00 : f32
    %max3A_17 = vector.broadcast %max3A : f32 to vector<1264x128xf32>
    %max3A_18 = arith.maximumf %add3A_16, %max3A_17 : vector<1264x128xf32>
    %get3A_19 = arith.constant 0 : index
    %get3A_20 = arith.constant 0 : index
    %get3A_21 = vector.load %arg3[%get3A_19, %get3A_20] : memref<128x128xf32, #tpu.memory_space<vmem>>, vector<128x128xf32>
    %dot_general3A = arith.constant dense<0.000000e+00> : vector<1264x128xf32>
    %dot_general3A_22 = tpu.matmul %max3A_18, %get3A_21, %dot_general3A {dimension_numbers = #tpu.dot_dimension_numbers<[1], [0], [0], [1], [0, 0, 1, 1], [], []>, transpose_lhs_hint = false} : vector<1264x128xf32>, vector<128x128xf32>, vector<1264x128xf32> -> vector<1264x128xf32>
    %mul3A_23 = arith.mulf %get3A_1, %dot_general3A_22 : vector<1264x128xf32>
    %iota3A = tpu.iota {dimensions = array<i32: 0>} : vector<1264x128xi32>
    %lt3A = arith.constant 1250 : i32
    %lt3A_24 = vector.broadcast %lt3A : i32 to vector<1264x128xi32>
    %lt3A_25 = arith.cmpi slt, %iota3A, %lt3A_24 : vector<1264x128xi32>
    %jit3A = arith.constant 0.000000e+00 : f32
    %broadcast_in_dim3A = vector.broadcast %jit3A : f32 to vector<1264x128xf32>
    %select_n3A = arith.select %lt3A_25, %mul3A_23, %broadcast_in_dim3A : vector<1264x128xi1>, vector<1264x128xf32>
    %swap3A = arith.constant 0 : index
    %swap3A_26 = arith.constant 0 : index
    %swap3A_27 = vector.load %arg4[%swap3A, %swap3A_26] : memref<1264x128xf32, #tpu.memory_space<vmem>>, vector<1264x128xf32>
    tpu.vector_store %arg4[%swap3A, %swap3A_26], %select_n3A {strides = array<i32>} : memref<1264x128xf32, #tpu.memory_space<vmem>>, vector<1264x128xf32>,
    return
  }
}

module attributes {stable_mosaic.version = 14 : i64} {
  func.func @_tc_mid3_body(%arg0: memref<2x1264x128xf32, #tpu.memory_space<vmem>>, %arg1: memref<1264x128xf32, #tpu.memory_space<vmem>>, %arg2: memref<1x128xf32, #tpu.memory_space<vmem>>, %arg3: memref<1264x128xf32, #tpu.memory_space<vmem>>) attributes {dimension_semantics = [], scalar_prefetch = 0 : i64, scratch_operands = 0 : i64, tpu.core_type = #tpu.core_type<tc>} {
    %get3A = arith.constant 0 : index
    %get3A_0 = arith.constant 0 : index
    %get3A_1 = vector.load %arg1[%get3A, %get3A_0] : memref<1264x128xf32, #tpu.memory_space<vmem>>, vector<1264x128xf32>
    %get3A_2 = arith.constant 0 : index
    %get3A_3 = arith.constant 0 : index
    %get3A_4 = arith.constant 0 : index
    %get3A_5 = vector.load %arg0[%get3A_2, %get3A_3, %get3A_4] : memref<2x1264x128xf32, #tpu.memory_space<vmem>>, vector<1x1264x128xf32>
    %get3A_6 = vector.shape_cast %get3A_5 : vector<1x1264x128xf32> to vector<1264x128xf32>
    %get3A_7 = arith.constant 1 : index
    %get3A_8 = arith.constant 0 : index
    %get3A_9 = arith.constant 0 : index
    %get3A_10 = vector.load %arg0[%get3A_7, %get3A_8, %get3A_9] : memref<2x1264x128xf32, #tpu.memory_space<vmem>>, vector<1x1264x128xf32>
    %get3A_11 = vector.shape_cast %get3A_10 : vector<1x1264x128xf32> to vector<1264x128xf32>
    %add3A = arith.addf %get3A_6, %get3A_11 : vector<1264x128xf32>
    %mul3A = arith.mulf %get3A_1, %add3A : vector<1264x128xf32>
    %get3A_12 = arith.constant 0 : index
    %get3A_13 = arith.constant 0 : index
    %get3A_14 = vector.load %arg2[%get3A_12, %get3A_13] : memref<1x128xf32, #tpu.memory_space<vmem>>, vector<1x128xf32>
    %add3A_15 = vector.broadcast %get3A_14 : vector<1x128xf32> to vector<1264x128xf32>
    %add3A_16 = arith.addf %mul3A, %add3A_15 : vector<1264x128xf32>
    %max3A = arith.constant 0.000000e+00 : f32
    %max3A_17 = vector.broadcast %max3A : f32 to vector<1264x128xf32>
    %max3A_18 = arith.maximumf %add3A_16, %max3A_17 : vector<1264x128xf32>
    %iota3A = tpu.iota {dimensions = array<i32: 0>} : vector<1264x128xi32>
    %lt3A = arith.constant 1250 : i32
    %lt3A_19 = vector.broadcast %lt3A : i32 to vector<1264x128xi32>
    %lt3A_20 = arith.cmpi slt, %iota3A, %lt3A_19 : vector<1264x128xi32>
    %mul3A_21 = arith.mulf %get3A_1, %max3A_18 : vector<1264x128xf32>
    %jit3A = arith.constant 0.000000e+00 : f32
    %broadcast_in_dim3A = vector.broadcast %jit3A : f32 to vector<1264x128xf32>
    %select_n3A = arith.select %lt3A_20, %mul3A_21, %broadcast_in_dim3A : vector<1264x128xi1>, vector<1264x128xf32>
    %swap3A = arith.constant 0 : index
    %swap3A_22 = arith.constant 0 : index
    %swap3A_23 = vector.load %arg3[%swap3A, %swap3A_22] : memref<1264x128xf32, #tpu.memory_space<vmem>>, vector<1264x128xf32>
    tpu.vector_store %arg3[%swap3A, %swap3A_22], %select_n3A {strides = array<i32>} : memref<1264x128xf32, #tpu.memory_space<vmem>>, vector<1264x128xf32>,
    return
  }
}

module attributes {stable_mosaic.version = 14 : i64} {
  func.func @_tc_tail_body(%arg0: memref<2x1264x128xf32, #tpu.memory_space<vmem>>, %arg1: memref<1264x128xf32, #tpu.memory_space<vmem>>, %arg2: memref<16x128xf32, #tpu.memory_space<vmem>>, %arg3: memref<1x128xf32, #tpu.memory_space<vmem>>, %arg4: memref<1264x8x128xf32, #tpu.memory_space<vmem>>) attributes {dimension_semantics = [], scalar_prefetch = 0 : i64, scratch_operands = 0 : i64, tpu.core_type = #tpu.core_type<tc>} {
    %get3A = arith.constant 0 : index
    %get3A_0 = arith.constant 0 : index
    %get3A_1 = vector.load %arg1[%get3A, %get3A_0] : memref<1264x128xf32, #tpu.memory_space<vmem>>, vector<1264x128xf32>
    %get3A_2 = arith.constant 0 : index
    %get3A_3 = arith.constant 0 : index
    %get3A_4 = arith.constant 0 : index
    %get3A_5 = vector.load %arg0[%get3A_2, %get3A_3, %get3A_4] : memref<2x1264x128xf32, #tpu.memory_space<vmem>>, vector<1x1264x128xf32>
    %get3A_6 = vector.shape_cast %get3A_5 : vector<1x1264x128xf32> to vector<1264x128xf32>
    %get3A_7 = arith.constant 1 : index
    %get3A_8 = arith.constant 0 : index
    %get3A_9 = arith.constant 0 : index
    %get3A_10 = vector.load %arg0[%get3A_7, %get3A_8, %get3A_9] : memref<2x1264x128xf32, #tpu.memory_space<vmem>>, vector<1x1264x128xf32>
    %get3A_11 = vector.shape_cast %get3A_10 : vector<1x1264x128xf32> to vector<1264x128xf32>
    %add3A = arith.addf %get3A_6, %get3A_11 : vector<1264x128xf32>
    %mul3A = arith.mulf %get3A_1, %add3A : vector<1264x128xf32>
    %slice3A = vector.extract_strided_slice %mul3A {offsets = [0, 0], sizes = [1264, 16], strides = [1, 1]} : vector<1264x128xf32> to vector<1264x16xf32>
    %get3A_12 = arith.constant 0 : index
    %get3A_13 = arith.constant 0 : index
    %get3A_14 = vector.load %arg2[%get3A_12, %get3A_13] : memref<16x128xf32, #tpu.memory_space<vmem>>, vector<16x128xf32>
    %dot_general3A = arith.constant dense<0.000000e+00> : vector<1264x128xf32>
    %dot_general3A_15 = tpu.matmul %slice3A, %get3A_14, %dot_general3A {dimension_numbers = #tpu.dot_dimension_numbers<[1], [0], [0], [1], [0, 0, 1, 1], [], []>, transpose_lhs_hint = false} : vector<1264x16xf32>, vector<16x128xf32>, vector<1264x128xf32> -> vector<1264x128xf32>
    %get3A_16 = arith.constant 0 : index
    %get3A_17 = arith.constant 0 : index
    %get3A_18 = vector.load %arg3[%get3A_16, %get3A_17] : memref<1x128xf32, #tpu.memory_space<vmem>>, vector<1x128xf32>
    %add3A_19 = vector.broadcast %get3A_18 : vector<1x128xf32> to vector<1264x128xf32>
    %add3A_20 = arith.addf %dot_general3A_15, %add3A_19 : vector<1264x128xf32>
    %swap3A = arith.constant 0 : index
    %swap3A_21 = arith.constant 0 : index
    %swap3A_22 = arith.constant 0 : index
    %swap3A_23 = vector.load %arg4[%swap3A, %swap3A_21, %swap3A_22] : memref<1264x8x128xf32, #tpu.memory_space<vmem>>, vector<1264x1x128xf32>
    %swap3A_24 = vector.shape_cast %swap3A_23 : vector<1264x1x128xf32> to vector<1264x128xf32>
    %swap3A_25 = vector.shape_cast %add3A_20 : vector<1264x128xf32> to vector<1264x1x128xf32>
    tpu.vector_store %arg4[%swap3A, %swap3A_21, %swap3A_22], %swap3A_25 {strides = array<i32>} : memref<1264x8x128xf32, #tpu.memory_space<vmem>>, vector<1264x1x128xf32>,
    %slice3A_26 = vector.extract_strided_slice %mul3A {offsets = [0, 16], sizes = [1264, 16], strides = [1, 1]} : vector<1264x128xf32> to vector<1264x16xf32>
    %get3A_27 = arith.constant 0 : index
    %get3A_28 = arith.constant 0 : index
    %get3A_29 = vector.load %arg2[%get3A_27, %get3A_28] : memref<16x128xf32, #tpu.memory_space<vmem>>, vector<16x128xf32>
    %dot_general3A_30 = arith.constant dense<0.000000e+00> : vector<1264x128xf32>
    %dot_general3A_31 = tpu.matmul %slice3A_26, %get3A_29, %dot_general3A_30 {dimension_numbers = #tpu.dot_dimension_numbers<[1], [0], [0], [1], [0, 0, 1, 1], [], []>, transpose_lhs_hint = false} : vector<1264x16xf32>, vector<16x128xf32>, vector<1264x128xf32> -> vector<1264x128xf32>
    %get3A_32 = arith.constant 0 : index
    %get3A_33 = arith.constant 0 : index
    %get3A_34 = vector.load %arg3[%get3A_32, %get3A_33] : memref<1x128xf32, #tpu.memory_space<vmem>>, vector<1x128xf32>
    %add3A_35 = vector.broadcast %get3A_34 : vector<1x128xf32> to vector<1264x128xf32>
    %add3A_36 = arith.addf %dot_general3A_31, %add3A_35 : vector<1264x128xf32>
    %swap3A_37 = arith.constant 0 : index
    %swap3A_38 = arith.constant 1 : index
    %swap3A_39 = arith.constant 0 : index
    %swap3A_40 = vector.load %arg4[%swap3A_37, %swap3A_38, %swap3A_39] : memref<1264x8x128xf32, #tpu.memory_space<vmem>>, vector<1264x1x128xf32>
    %swap3A_41 = vector.shape_cast %swap3A_40 : vector<1264x1x128xf32> to vector<1264x128xf32>
    %swap3A_42 = vector.shape_cast %add3A_36 : vector<1264x128xf32> to vector<1264x1x128xf32>
    tpu.vector_store %arg4[%swap3A_37, %swap3A_38, %swap3A_39], %swap3A_42 {strides = array<i32>} : memref<1264x8x128xf32, #tpu.memory_space<vmem>>, vector<1264x1x128xf32>,
    %slice3A_43 = vector.extract_strided_slice %mul3A {offsets = [0, 32], sizes = [1264, 16], strides = [1, 1]} : vector<1264x128xf32> to vector<1264x16xf32>
    %get3A_44 = arith.constant 0 : index
    %get3A_45 = arith.constant 0 : index
    %get3A_46 = vector.load %arg2[%get3A_44, %get3A_45] : memref<16x128xf32, #tpu.memory_space<vmem>>, vector<16x128xf32>
    %dot_general3A_47 = arith.constant dense<0.000000e+00> : vector<1264x128xf32>
    %dot_general3A_48 = tpu.matmul %slice3A_43, %get3A_46, %dot_general3A_47 {dimension_numbers = #tpu.dot_dimension_numbers<[1], [0], [0], [1], [0, 0, 1, 1], [], []>, transpose_lhs_hint = false} : vector<1264x16xf32>, vector<16x128xf32>, vector<1264x128xf32> -> vector<1264x128xf32>
    %get3A_49 = arith.constant 0 : index
    %get3A_50 = arith.constant 0 : index
    %get3A_51 = vector.load %arg3[%get3A_49, %get3A_50] : memref<1x128xf32, #tpu.memory_space<vmem>>, vector<1x128xf32>
    %add3A_52 = vector.broadcast %get3A_51 : vector<1x128xf32> to vector<1264x128xf32>
    %add3A_53 = arith.addf %dot_general3A_48, %add3A_52 : vector<1264x128xf32>
    %swap3A_54 = arith.constant 0 : index
    %swap3A_55 = arith.constant 2 : index
    %swap3A_56 = arith.constant 0 : index
    %swap3A_57 = vector.load %arg4[%swap3A_54, %swap3A_55, %swap3A_56] : memref<1264x8x128xf32, #tpu.memory_space<vmem>>, vector<1264x1x128xf32>
    %swap3A_58 = vector.shape_cast %swap3A_57 : vector<1264x1x128xf32> to vector<1264x128xf32>
    %swap3A_59 = vector.shape_cast %add3A_53 : vector<1264x128xf32> to vector<1264x1x128xf32>
    tpu.vector_store %arg4[%swap3A_54, %swap3A_55, %swap3A_56], %swap3A_59 {strides = array<i32>} : memref<1264x8x128xf32, #tpu.memory_space<vmem>>, vector<1264x1x128xf32>,
    %slice3A_60 = vector.extract_strided_slice %mul3A {offsets = [0, 48], sizes = [1264, 16], strides = [1, 1]} : vector<1264x128xf32> to vector<1264x16xf32>
    %get3A_61 = arith.constant 0 : index
    %get3A_62 = arith.constant 0 : index
    %get3A_63 = vector.load %arg2[%get3A_61, %get3A_62] : memref<16x128xf32, #tpu.memory_space<vmem>>, vector<16x128xf32>
    %dot_general3A_64 = arith.constant dense<0.000000e+00> : vector<1264x128xf32>
    %dot_general3A_65 = tpu.matmul %slice3A_60, %get3A_63, %dot_general3A_64 {dimension_numbers = #tpu.dot_dimension_numbers<[1], [0], [0], [1], [0, 0, 1, 1], [], []>, transpose_lhs_hint = false} : vector<1264x16xf32>, vector<16x128xf32>, vector<1264x128xf32> -> vector<1264x128xf32>
    %get3A_66 = arith.constant 0 : index
    %get3A_67 = arith.constant 0 : index
    %get3A_68 = vector.load %arg3[%get3A_66, %get3A_67] : memref<1x128xf32, #tpu.memory_space<vmem>>, vector<1x128xf32>
    %add3A_69 = vector.broadcast %get3A_68 : vector<1x128xf32> to vector<1264x128xf32>
    %add3A_70 = arith.addf %dot_general3A_65, %add3A_69 : vector<1264x128xf32>
    %swap3A_71 = arith.constant 0 : index
    %swap3A_72 = arith.constant 3 : index
    %swap3A_73 = arith.constant 0 : index
    %swap3A_74 = vector.load %arg4[%swap3A_71, %swap3A_72, %swap3A_73] : memref<1264x8x128xf32, #tpu.memory_space<vmem>>, vector<1264x1x128xf32>
    %swap3A_75 = vector.shape_cast %swap3A_74 : vector<1264x1x128xf32> to vector<1264x128xf32>
    %swap3A_76 = vector.shape_cast %add3A_70 : vector<1264x128xf32> to vector<1264x1x128xf32>
    tpu.vector_store %arg4[%swap3A_71, %swap3A_72, %swap3A_73], %swap3A_76 {strides = array<i32>} : memref<1264x8x128xf32, #tpu.memory_space<vmem>>, vector<1264x1x128xf32>,
    %slice3A_77 = vector.extract_strided_slice %mul3A {offsets = [0, 64], sizes = [1264, 16], strides = [1, 1]} : vector<1264x128xf32> to vector<1264x16xf32>
    %get3A_78 = arith.constant 0 : index
    %get3A_79 = arith.constant 0 : index
    %get3A_80 = vector.load %arg2[%get3A_78, %get3A_79] : memref<16x128xf32, #tpu.memory_space<vmem>>, vector<16x128xf32>
    %dot_general3A_81 = arith.constant dense<0.000000e+00> : vector<1264x128xf32>
    %dot_general3A_82 = tpu.matmul %slice3A_77, %get3A_80, %dot_general3A_81 {dimension_numbers = #tpu.dot_dimension_numbers<[1], [0], [0], [1], [0, 0, 1, 1], [], []>, transpose_lhs_hint = false} : vector<1264x16xf32>, vector<16x128xf32>, vector<1264x128xf32> -> vector<1264x128xf32>
    %get3A_83 = arith.constant 0 : index
    %get3A_84 = arith.constant 0 : index
    %get3A_85 = vector.load %arg3[%get3A_83, %get3A_84] : memref<1x128xf32, #tpu.memory_space<vmem>>, vector<1x128xf32>
    %add3A_86 = vector.broadcast %get3A_85 : vector<1x128xf32> to vector<1264x128xf32>
    %add3A_87 = arith.addf %dot_general3A_82, %add3A_86 : vector<1264x128xf32>
    %swap3A_88 = arith.constant 0 : index
    %swap3A_89 = arith.constant 4 : index
    %swap3A_90 = arith.constant 0 : index
    %swap3A_91 = vector.load %arg4[%swap3A_88, %swap3A_89, %swap3A_90] : memref<1264x8x128xf32, #tpu.memory_space<vmem>>, vector<1264x1x128xf32>
    %swap3A_92 = vector.shape_cast %swap3A_91 : vector<1264x1x128xf32> to vector<1264x128xf32>
    %swap3A_93 = vector.shape_cast %add3A_87 : vector<1264x128xf32> to vector<1264x1x128xf32>
    tpu.vector_store %arg4[%swap3A_88, %swap3A_89, %swap3A_90], %swap3A_93 {strides = array<i32>} : memref<1264x8x128xf32, #tpu.memory_space<vmem>>, vector<1264x1x128xf32>,
    %slice3A_94 = vector.extract_strided_slice %mul3A {offsets = [0, 80], sizes = [1264, 16], strides = [1, 1]} : vector<1264x128xf32> to vector<1264x16xf32>
    %get3A_95 = arith.constant 0 : index
    %get3A_96 = arith.constant 0 : index
    %get3A_97 = vector.load %arg2[%get3A_95, %get3A_96] : memref<16x128xf32, #tpu.memory_space<vmem>>, vector<16x128xf32>
    %dot_general3A_98 = arith.constant dense<0.000000e+00> : vector<1264x128xf32>
    %dot_general3A_99 = tpu.matmul %slice3A_94, %get3A_97, %dot_general3A_98 {dimension_numbers = #tpu.dot_dimension_numbers<[1], [0], [0], [1], [0, 0, 1, 1], [], []>, transpose_lhs_hint = false} : vector<1264x16xf32>, vector<16x128xf32>, vector<1264x128xf32> -> vector<1264x128xf32>
    %get3A_100 = arith.constant 0 : index
    %get3A_101 = arith.constant 0 : index
    %get3A_102 = vector.load %arg3[%get3A_100, %get3A_101] : memref<1x128xf32, #tpu.memory_space<vmem>>, vector<1x128xf32>
    %add3A_103 = vector.broadcast %get3A_102 : vector<1x128xf32> to vector<1264x128xf32>
    %add3A_104 = arith.addf %dot_general3A_99, %add3A_103 : vector<1264x128xf32>
    %swap3A_105 = arith.constant 0 : index
    %swap3A_106 = arith.constant 5 : index
    %swap3A_107 = arith.constant 0 : index
    %swap3A_108 = vector.load %arg4[%swap3A_105, %swap3A_106, %swap3A_107] : memref<1264x8x128xf32, #tpu.memory_space<vmem>>, vector<1264x1x128xf32>
    %swap3A_109 = vector.shape_cast %swap3A_108 : vector<1264x1x128xf32> to vector<1264x128xf32>
    %swap3A_110 = vector.shape_cast %add3A_104 : vector<1264x128xf32> to vector<1264x1x128xf32>
    tpu.vector_store %arg4[%swap3A_105, %swap3A_106, %swap3A_107], %swap3A_110 {strides = array<i32>} : memref<1264x8x128xf32, #tpu.memory_space<vmem>>, vector<1264x1x128xf32>,
    %slice3A_111 = vector.extract_strided_slice %mul3A {offsets = [0, 96], sizes = [1264, 16], strides = [1, 1]} : vector<1264x128xf32> to vector<1264x16xf32>
    %get3A_112 = arith.constant 0 : index
    %get3A_113 = arith.constant 0 : index
    %get3A_114 = vector.load %arg2[%get3A_112, %get3A_113] : memref<16x128xf32, #tpu.memory_space<vmem>>, vector<16x128xf32>
    %dot_general3A_115 = arith.constant dense<0.000000e+00> : vector<1264x128xf32>
    %dot_general3A_116 = tpu.matmul %slice3A_111, %get3A_114, %dot_general3A_115 {dimension_numbers = #tpu.dot_dimension_numbers<[1], [0], [0], [1], [0, 0, 1, 1], [], []>, transpose_lhs_hint = false} : vector<1264x16xf32>, vector<16x128xf32>, vector<1264x128xf32> -> vector<1264x128xf32>
    %get3A_117 = arith.constant 0 : index
    %get3A_118 = arith.constant 0 : index
    %get3A_119 = vector.load %arg3[%get3A_117, %get3A_118] : memref<1x128xf32, #tpu.memory_space<vmem>>, vector<1x128xf32>
    %add3A_120 = vector.broadcast %get3A_119 : vector<1x128xf32> to vector<1264x128xf32>
    %add3A_121 = arith.addf %dot_general3A_116, %add3A_120 : vector<1264x128xf32>
    %swap3A_122 = arith.constant 0 : index
    %swap3A_123 = arith.constant 6 : index
    %swap3A_124 = arith.constant 0 : index
    %swap3A_125 = vector.load %arg4[%swap3A_122, %swap3A_123, %swap3A_124] : memref<1264x8x128xf32, #tpu.memory_space<vmem>>, vector<1264x1x128xf32>
    %swap3A_126 = vector.shape_cast %swap3A_125 : vector<1264x1x128xf32> to vector<1264x128xf32>
    %swap3A_127 = vector.shape_cast %add3A_121 : vector<1264x128xf32> to vector<1264x1x128xf32>
    tpu.vector_store %arg4[%swap3A_122, %swap3A_123, %swap3A_124], %swap3A_127 {strides = array<i32>} : memref<1264x8x128xf32, #tpu.memory_space<vmem>>, vector<1264x1x128xf32>,
    %slice3A_128 = vector.extract_strided_slice %mul3A {offsets = [0, 112], sizes = [1264, 16], strides = [1, 1]} : vector<1264x128xf32> to vector<1264x16xf32>
    %get3A_129 = arith.constant 0 : index
    %get3A_130 = arith.constant 0 : index
    %get3A_131 = vector.load %arg2[%get3A_129, %get3A_130] : memref<16x128xf32, #tpu.memory_space<vmem>>, vector<16x128xf32>
    %dot_general3A_132 = arith.constant dense<0.000000e+00> : vector<1264x128xf32>
    %dot_general3A_133 = tpu.matmul %slice3A_128, %get3A_131, %dot_general3A_132 {dimension_numbers = #tpu.dot_dimension_numbers<[1], [0], [0], [1], [0, 0, 1, 1], [], []>, transpose_lhs_hint = false} : vector<1264x16xf32>, vector<16x128xf32>, vector<1264x128xf32> -> vector<1264x128xf32>
    %get3A_134 = arith.constant 0 : index
    %get3A_135 = arith.constant 0 : index
    %get3A_136 = vector.load %arg3[%get3A_134, %get3A_135] : memref<1x128xf32, #tpu.memory_space<vmem>>, vector<1x128xf32>
    %add3A_137 = vector.broadcast %get3A_136 : vector<1x128xf32> to vector<1264x128xf32>
    %add3A_138 = arith.addf %dot_general3A_133, %add3A_137 : vector<1264x128xf32>
    %swap3A_139 = arith.constant 0 : index
    %swap3A_140 = arith.constant 7 : index
    %swap3A_141 = arith.constant 0 : index
    %swap3A_142 = vector.load %arg4[%swap3A_139, %swap3A_140, %swap3A_141] : memref<1264x8x128xf32, #tpu.memory_space<vmem>>, vector<1264x1x128xf32>
    %swap3A_143 = vector.shape_cast %swap3A_142 : vector<1264x1x128xf32> to vector<1264x128xf32>
    %swap3A_144 = vector.shape_cast %add3A_138 : vector<1264x128xf32> to vector<1264x1x128xf32>
    tpu.vector_store %arg4[%swap3A_139, %swap3A_140, %swap3A_141], %swap3A_144 {strides = array<i32>} : memref<1264x8x128xf32, #tpu.memory_space<vmem>>, vector<1264x1x128xf32>,
    return
  }
}

</mosaic_0001>

<sc_bundles>
// kernel: kernel.13.cloned.1.call-start
scs
__scs_entry_jumppad:
0x0: {  	(pc) =	sbr.rel $0x88, $3  }
0x1: {  	(tag) =	ssettag $0x0;
	lr =	simm.s32 $0x1  }
0x2: {  	[smem:$0x3F97] =	sst lr;
	_ =	strace $0xD0000000  }
0x3: {  	_ = 	snop  }
0x4: {  	_ = 	snop  }
0x5: {  	_ = 	snop  }
0x6: {  	_ = 	snop  }
0x7: {  	_ = 	snop  }
__scs_overlays_trampoline_lowered:
0x8: {  	[smem:$0x3FA6] =	sst s0  }
0x9: {  	[smem:$0x3FA7] =	sst s1  }
0xa: {  	[smem:$0x3FA8] =	sst s2  }
0xb: {  	[smem:$0x3FA9] =	sst s3  }
0xc: {  	[smem:$0x3FAA] =	sst s4  }
0xd: {  	[smem:$0x3FAB] =	sst s5  }
0xe: {  	[smem:$0x3FAC] =	sst s6  }
0xf: {  	[smem:$0x3FAD] =	sst s7  }
0x10: {  	[smem:$0x3FAE] =	sst s8  }
0x11: {  	[smem:$0x3FAF] =	sst s9;
	s0 =	simm.s32 @!p0 $0x0  }
0x12: {  	s1 =	sld [smem:$0x3F95];
	s0 =	simm.s32 @p0 $0x1  }
0x13: {  	[smem:$0x3FB0] =	sst s0;
	s0 =	simm.s32 @!p1 $0x0  }
0x14: {  	s2 =	sld [smem:$0x3F94];
	s0 =	simm.s32 @p1 $0x1  }
0x15: {  	[smem:$0x3FB1] =	sst s0;
	s0 =	simm.s32 @!p2 $0x0  }
0x16: {  	s3 =	sld [smem:$0x3FDB];
	s0 =	simm.s32 @p2 $0x1  }
0x17: {  	s4 =	simm.s32 $0x1BF5;
	[smem:$0x3FB3] =	sst s0  }
0x18: {  	s0 =	sld [smem:$0x3F96];
	_ =	swait.ge [sflag:s4], $0x0  }
0x19: {  	s7 =	sld [smem:$0x3F97]  }
0x1a: {  	s8 =	sadd.s32 $0xFFFFE003, lr  }
0x1b: {  	s9 =	sadd.s32 $0xFFFFFEF7, lr;
	s5 =	simm.s32 $0xFFFFFFFF;
	p2 =	slt.u32 s8, $0xFFFFF086  }
0x1c: {  	p1 =	slt.u32 s9, $0xF7A;
	s5 =	simm.s32 @!p2 $0x0  }
0x1d: {  	s5 =	simm.s32 @p1 $0x1;
	p0 =	seq.s32 s7, s2  }
0x1e: {  	s7 =	smul.u32 @!p0 $0xF7A, s2;
	p2 =	seq.s32 @!p0 s5, $0x0  }
0x1f: {  	s9 =	smul.u32 $0xF7A, s1;
	s8 =	simm.s32 @!p0 $0x1BF5;
	p2 =	por !p2, p0  }
0x20: {  	[sflag:s8] =	ssyncset.s32 @!p0 $0xFFFFF086;
	s6 =	sadd.s32 @!p0 s3, s7;
	s7 =	simm.s32 @!p0 $0x108  }
0x21: {  	s3 =	sadd.s32 s3, s9;
	s6 =	sadd.s32 @!p0 $0x88, s6;
	s7 =	simm.s32 @p2 $0x1082  }
0x22: {  	[simem:s7], [sflag:s8] =	dma.local @!p0 [hbm:s6], $0xF7A  }
0x23: {  	s9 =	sor.u32 $0xD0000000, s2;
	s6 =	simm.s32 $0x108;
	_ =	swait.ge @!p0 [sflag:s8], $0x0  }
0x24: {  	s3 =	sadd.s32 $0x88, s3;
	s6 =	simm.s32 @!p1 $0x1082;
	[sflag:s4] =	ssyncset.s32 $0xFFFFF086  }
0x25: {  	[simem:s6], [sflag:s4] =	dma.local [hbm:s3], $0xF7A  }
0x26: {  	[smem:$0x3F97] =	sst s1;
	(tag) =	ssettag s2;
	_ =	strace s9  }
0x27: {  	s1 =	sld [smem:$0x3FA7]  }
0x28: {  	s2 =	sld [smem:$0x3FA8]  }
0x29: {  	s4 =	sld [smem:$0x3FAA]  }
0x2a: {  	p0 =	seq.s32 s5, $0x0;
	s5 =	sld [smem:$0x3FAB]  }
0x2b: {  	s6 =	sld [smem:$0x3FAC]  }
0x2c: {  	s7 =	sld [smem:$0x3FAD]  }
0x2d: {  	s3 =	simm.s32 $0x108;
	s8 =	sld [smem:$0x3FAE]  }
0x2e: {  	s3 =	simm.s32 @!p0 $0x1082;
	s9 =	sld [smem:$0x3FAF]  }
0x2f: {  	lr =	sadd.s32 s0, s3;
	s0 =	sld [smem:$0x3FA6]  }
0x30: {  	s3 =	sld [smem:$0x3FA9]  }
0x31: {  	[smem:$0x3FB2] =	sst s10  }
0x32: {  	s10 =	sld [smem:$0x3FB0];
	_ =	sdelay $0x3  }
0x33: {  	p0 =	seq.s32 s10, $0x1;
	s10 =	sld [smem:$0x3FB2];
	_ =	sdelay $0x3  }
0x34: {  	[smem:$0x3FB2] =	sst s10  }
0x35: {  	s10 =	sld [smem:$0x3FB1];
	_ =	sdelay $0x3  }
0x36: {  	p1 =	seq.s32 s10, $0x1;
	s10 =	sld [smem:$0x3FB2];
	_ =	sdelay $0x3  }
0x37: {  	[smem:$0x3FB2] =	sst s10  }
0x38: {  	s10 =	sld [smem:$0x3FB3]  }
0x39: {  	_ = 	snop;
	(pc) =	sbr.ind lr, $3  }
0x3a: {  	_ = 	snop  }
0x3b: {  	_ = 	snop  }
0x3c: {  	p2 =	seq.s32 s10, $0x1;
	s10 =	sld [smem:$0x3FB2]  }
0x3d: {  	_ =	shalt  }
0x3e: {  	_ =	shalt  }
0x3f: {  	_ =	shalt  }
0x40: {  	_ =	shalt  }
0x41: {  	_ =	shalt  }
0x42: {  	_ =	shalt  }
0x43: {  	_ =	shalt  }
0x44: {  	_ =	shalt  }
0x45: {  	_ =	shalt  }
0x46: {  	_ =	shalt  }
0x47: {  	_ =	shalt  }
0x48: {  	_ =	shalt  }
0x49: {  	_ =	shalt  }
0x4a: {  	_ =	shalt  }
0x4b: {  	_ =	shalt  }
0x4c: {  	_ =	shalt  }
0x4d: {  	_ =	shalt  }
0x4e: {  	_ =	shalt  }
0x4f: {  	_ =	shalt  }
0x50: {  	_ =	shalt  }
0x51: {  	_ =	shalt  }
0x52: {  	_ =	shalt  }
0x53: {  	_ =	shalt  }
0x54: {  	_ =	shalt  }
0x55: {  	_ =	shalt  }
0x56: {  	_ =	shalt  }
0x57: {  	_ =	shalt  }
0x58: {  	_ =	shalt  }
0x59: {  	_ =	shalt  }
0x5a: {  	_ =	shalt  }
0x5b: {  	_ =	shalt  }
0x5c: {  	_ =	shalt  }
0x5d: {  	_ =	shalt  }
0x5e: {  	_ =	shalt  }
0x5f: {  	_ =	shalt  }
0x60: {  	_ =	shalt  }
0x61: {  	_ =	shalt  }
0x62: {  	_ =	shalt  }
0x63: {  	_ =	shalt  }
0x64: {  	_ =	shalt  }
0x65: {  	_ =	shalt  }
0x66: {  	_ =	shalt  }
0x67: {  	_ =	shalt  }
0x68: {  	_ =	shalt  }
0x69: {  	_ =	shalt  }
0x6a: {  	_ =	shalt  }
0x6b: {  	_ =	shalt  }
0x6c: {  	_ =	shalt  }
0x6d: {  	_ =	shalt  }
0x6e: {  	_ =	shalt  }
0x6f: {  	_ =	shalt  }
0x70: {  	_ =	shalt  }
0x71: {  	_ =	shalt  }
0x72: {  	_ =	shalt  }
0x73: {  	_ =	shalt  }
0x74: {  	_ =	shalt  }
0x75: {  	_ =	shalt  }
0x76: {  	_ =	shalt  }
0x77: {  	_ =	shalt  }
0x78: {  	_ =	shalt  }
0x79: {  	_ =	shalt  }
0x7a: {  	_ =	shalt  }
0x7b: {  	_ =	shalt  }
0x7c: {  	_ =	shalt  }
0x7d: {  	_ =	shalt  }
0x7e: {  	_ =	shalt  }
0x7f: {  	_ =	shalt  }
0x80: {  	_ =	shalt  }
0x81: {  	_ =	shalt  }
0x82: {  	_ =	shalt  }
0x83: {  	_ =	shalt  }
0x84: {  	_ =	shalt  }
0x85: {  	_ =	shalt  }
0x86: {  	_ =	shalt  }
0x87: {  	_ =	shalt  }
.Lfunc_end0:
.L_simem_size_0:
called_computation_lowered:
.L_overlay_start_0:
0x88: {  	s2 =	sld [smem:$0x3FD9]  }
0x89: {  	s3 =	sld [smem:$0x3FFE];
	_ =	sdelay $0x1  }
0x8a: {  	s1 =	srdreg.scid  }
0x8b: {  	s0 =	sand.u32 $0x1, s1  }
0x8c: {  	s16 =	sshll.u32 s0, $0xA;
	s2 =	sadd.s32 s3, s2  }
0x8d: {  	s2 =	sadd.s32 s2, s16  }
0x8e: {  	[smem:$0x3FBE] =	sst s2  }
0x8f: {  	_ = 	snop  }
0x90: {  	(tm) =	ssettm $0x1  }
0x91: {  	s17 =	sld [smem:$0x3FFB];
	_ =	sdelay $0x3  }
0x92: {  	_ =	strace s17  }
0x93: {  	s2 =	sld [smem:$0x3FFC];
	_ =	sdelay $0x3  }
0x94: {  	_ =	strace s2  }
0x95: {  	s2 =	sld [smem:$0x3FFD];
	_ =	sdelay $0x3  }
0x96: {  	_ =	strace s2  }
0x97: {  	_ =	strace $0x8FFFFFFF  }
0x98: {  	s18 =	sld [smem:$0x3FDB];
	_ =	sdelay $0x1  }
0x99: {  	s19 =	simm.s32 $_scs_section_size  }
0x9a: {  	s4 =	simm.s32 $_size__tile_overlayer_lowered;
	s5 =	simm.s32 $_tile_overlayer_lowered  }
0x9b: {  	s22 =	simm.s32 $0x1BFF;
	s21 =	sshll.u32 s5, $0x1;
	s2 =	sadd.s32 s19, s18  }
0x9c: {  	s6 =	simm.s32 $0x0;
	s20 =	sshll.u32 s4, $0x1;
	s4 =	sadd.s32 s21, s2  }
0x9d: {  	[timem:s6], [sflag:s22] =	dma.local [hbm:s4], s20  }
0x9e: {  	_ =	swait.ge [sflag:s22], s20  }
0x9f: {  	s3 =	ssub.s32 $0x0, s20;
	[sflag:s22] =	ssyncset.done $0x0  }
0xa0: {  	[sflag:s22] =	ssyncadd.s32 s3;
	_ =	sdelay $0x1  }
0xa1: {  	s23 =	simm.s32 $0x1B8B  }
0xa2: {  	_ =	swait.ge [sflag:s23], $0x1  }
0xa3: {  	[sflag:s23] =	ssyncset.done $0x0  }
0xa4: {  	s25 =	simm.s32 $0x1B8E;
	s24 =	sld [smem:$0x3FFE];
	[sflag:s23] =	ssyncadd.s32 $0xFFFFFFFF  }
0xa5: {  	s26 =	simm.s32 $execute0_lowered;
	[smem:$0x3FD2] =	sst s25  }
0xa6: {  	s4 =	sshll.u32 s26, $0x1;
	_ =	strace $0x80000046;
	[dreg:$0x1] =	wrdreg $0xFFFFFFFF  }
0xa7: {  	s28 =	simm.s32 $_size_execute0_lowered;
	s2 =	sadd.s32 s2, s4;
	[dreg:$0x0] =	wrdreg $0x0  }
0xa8: {  	s4 =	sshll.u32 s28, $0x1;
	[dreg:$0x2] =	wrdreg s2  }
0xa9: {  	[dreg:$0x3] =	wrdreg s4  }
0xaa: {  	[dreg:$0x4] =	wrdreg $0xC0  }
0xab: {  	_ =	task [dreg:s6], $0x5FFFF  }
0xac: {  	[dreg:$0x1] =	wrdreg $0xFFFFFFFF  }
0xad: {  	[dreg:$0x0] =	wrdreg $0x60  }
0xae: {  	[dreg:$0x2] =	wrdreg s24  }
0xaf: {  	[dreg:$0x3] =	wrdreg $0x30000  }
0xb0: {  	[dreg:$0x4] =	wrdreg $0x9  }
0xb1: {  	_ =	task.clear_ibuf [dreg:s6], $0x5FFFF;
	_ =	strace $0x90000046  }
0xb2: {  	s29 =	simm.s32 $0x9;
	_ =	strace $0x80000048  }
0xb3: {  	_ =	swait.ge [sflag:s29], $0x1  }
0xb4: {  	[sflag:s29] =	ssyncadd.s32 $0xFFFFFFFF  }
0xb5: {  	_ =	strace $0x90000048  }
0xb6: {  	_ =	sfence  }
0xb7: {  	s30 =	sld [smem:$0x0];
	_ =	sdelay $0x2  }
0xb8: {  	s31 =	sshll.u32 s1, $0xD;
	s1 =	sshrl.u32 s1, $0x2  }
0xb9: {  	s3 =	sand.u32 $0x4000, s31;
	s1 =	sadd.s32 s1, s30  }
0xba: {  	s0 =	sor.u32 s3, s0;
	s1 =	sshll.u32 s1, $0x11  }
0xbb: {  	s0 =	sor.u32 s1, s0  }
0xbc: {  	s0 =	sadd.s32 $0x8F2B, s0  }
0xbd: {  	[sflag:s0] =	ssyncadd.remote.s32 $0x1  }
0xbe: {  	_ =	sfence.sel $0xFFFF  }
0xbf: {  	[dreg:$0x0] =	wrdreg $0xFFFFFFFF;
	(pc) =	sbr.abs _section_cstart, $3  }
0xc0: {  	[dreg:$0x1] =	wrdreg $0xFFFFFFFF  }
0xc1: {  	_ =	task.clear_ibuf [dreg:s6], $0x2FFFF;
	_ =	strace $0x9FFFFFFF  }
0xc2: {  	(tm) =	ssettm $0x7FFFFFFF  }
0xc3: {  	_ =	shalt  }
tec
execute0_lowered:
.L_overlay_start_1:
0x0: {  	(tag) =	ssettag $0x1  }
0x1: {  	s0 =	srdreg.scid;
	s6 =	rddreg [dreg:$0x0]  }
0x2: {  	s2 =	rddreg [dreg:$0x1];
	s5 =	sand.u32 $0x1, s0;
	s0 =	stileid.u32  }
0x3: {  	s3 =	simm.s32 $0x0;
	s14 =	simm.s32 $0x0;
	s7 =	smul.u32 $0x4F0, s0  }
0x4: {  	[smem:$0x7FF] =	sst s3;
	s1 =	sshll.u32 s5, $0x4;
	s8 =	smul.u32 $0x4F00, s5  }
0x5: {  	s30 =	smul.u32 $0x9E00, s0;
	s5 =	ssub.s32 $0x2, s5;
	s1 =	sor.u32 s0, s1  }
0x6: {  	s11 =	sshll.u32 s0, $0x6;
	s31 =	sshrl.u32 s5, $0x1;
	s4 =	smul.u32 $0x500, s1  }
0x7: {  	s1 =	rddreg [dreg:$0x2];
	_ =	strace $0x80000047;
	s7 =	sadd.s32 s7, s8  }
0x8: {  	s8 =	sshrl.u32 s30, $0x2;
	s12 =	ssub.s32 s5, s31;
	s5 =	sor.u32 $0x1C01, s11  }
0x9: {  	s11 =	simm.s32 $0x1;
	s10 =	sadd.s32 s7, s6;
	s13 =	sadd.s32 s8, s2  }
0xa: {  	s9 =	sadd.s32 s4, s6;
	s4 =	sadd.s32 $0x3C00, s6;
	s6 =	sadd.s32 $0x40F0, s6  }
0xb: {  	s8 =	sadd.s32 $0xE200, s10;
	s10 =	sshrl.u32 s13, $0x3;
	s13 =	simm.s32 $0x80  }
0xc: {  	s7 =	sadd.s32 $0x4200, s9;
	s9 =	smax.u32 s12, $0x1;
	s12 =	simm.s32 $0x2800  }
.LBB2_1:
0xd: {  	[spmem:s10], [sflag:s5] =	dma.local [hbm:s4], $0x4F0  }
0xe: {  	_ =	swait.ge [sflag:s11], $0x4F0  }
0xf: {  	[sflag:s11] =	ssyncset.done $0x0  }
0x10: {  	[sflag:s11] =	ssyncadd.s32 $0xFFFFFB10  }
0x11: {  	[tilespmem:s12], [sflag:$0x1] =	stream.linear.gather [hbm4b:s6+s3], $0x800, $0x38;
	[tilespmem:$0x5780] =	vst v63  }
0x12: {  	_ =	swait.ge [sflag:s11], $0x800  }
0x13: {  	[sflag:s11] =	ssyncset.done $0x0  }
0x14: {  	[sflag:s11] =	ssyncadd.s32 $0xFFFFF800  }
0x15: {  	[tilespmem:s3], [sflag:$0x1] =	stream.linear.gather [hbm4b:s7+s3], $0x2800, $0x38;
	[tilespmem:$0x5780] =	vst v63  }
0x16: {  	_ =	swait.ge [sflag:s11], $0x2800  }
0x17: {  	[sflag:s11] =	ssyncset.done $0x0  }
0x18: {  	[sflag:s11] =	ssyncadd.s32 $0xFFFFD800  }
0x19: {  	s15 =	simm.s32 $0x0;
	[bflag:$0x0] =	sbarrier.arrive $0xFFFF  }
0x1a: {  	[spmem:s2] =	stream.indirect.scatter.add.f32 [tilespmem:s12], [sflag:$0x1], $0x10, s15, s13, $0xb8;
	[tilespmem:$0x5780] =	vst v63  }
0x1b: {  	_ =	swait.ge [sflag:s11], $0x800  }
0x1c: {  	s15 =	simm.s32 $0x200;
	[sflag:s11] =	ssyncset.done $0x0  }
.LBB2_2:
0x1d: {  	s16 =	sshra.s32 s15, $0x2;
	[sflag:s11] =	ssyncadd.s32 $0xFFFFF800;
	p0 =	sne.s32 s15, $0x9E00  }
0x1e: {  	[spmem:s2] =	stream.indirect.scatter.add.f32 [tilespmem:s12], [sflag:$0x1], $0x10, s16, s13, $0xb8;
	[tilespmem:$0x5780] =	vst v63  }
.Ltmp0:
0x1f: {  	_ = 	snop;
	(pc) =	sbr.rel @p0 .LBB2_2-.Ltmp0, $4  }
0x20: {  	_ = 	snop  }
0x21: {  	s15 =	sadd.s32 $0x200, s15  }
0x22: {  	_ =	swait.ge [sflag:s11], $0x800  }
0x23: {  	[sflag:s11] =	ssyncset.done $0x0  }
0x24: {  	s14 =	sadd.s32 $0x1, s14  }
0x25: {  	[sflag:s11] =	ssyncadd.s32 $0xFFFFF800;
	p0 =	sne.s32 s14, s9  }
.Ltmp1:
0x26: {  	[bflag:$0x0] =	sbarrier.arrive $0xFFFF;
	(pc) =	sbr.rel @p0 .LBB2_1-.Ltmp1, $4  }
0x27: {  	[hbm:s8], [sflag:s5] =	dma.local [spmem:s10], $0x4F0  }
0x28: {  	_ =	swait.ge [sflag:s11], $0x4F0  }
0x29: {  	[sflag:s11] =	ssyncset.done $0x0  }
0x2a: {  	[sflag:s11] =	ssyncadd.s32 $0xFFFFFB10  }
0x2b: {  	_ =	sfence.sel $0x180000  }
0x2c: {  	[bflag:$0x0] =	sbarrier.arrive $0xFFFF  }
0x2d: {  	p0 =	sne.s32 s0, $0x0;
	_ =	strace $0x90000047  }
0x2e: {  	s0 =	sadd.s32 @!p0 $0x100000, s1;
	[bflag:$0x2] =	sbarrier.arrive $0xFFFF  }
0x2f: {  	[sflag:s0] =	ssyncadd.tile.s32 @!p0 $0x1;
	_ =	shalt  }
.Lfunc_end2:
_tile_overlayer_lowered:
.L_overlay_start_2:
0x30: {  	(tag) =	ssettag $0x2  }
0x31: {  	s0 =	rddreg [dreg:$0x0];
	s2 =	stileid.u32  }
0x32: {  	s1 =	rddreg [dreg:$0x1];
	p0 =	sne.s32 s2, $0x0  }
0x33: {  	s3 =	rddreg [dreg:$0x2];
	[bflag:$0x3] =	sbarrier.arrive $0xFFFF;
	s2 =	simm.s32 @!p0 $0x1C01  }
0x34: {  	[timem:s3], [sflag:s2] =	dma.local @!p0 [hbm:s0], s1  }
0x35: {  	s0 =	simm.s32 @!p0 $0x1  }
0x36: {  	_ =	swait.ge @!p0 [sflag:s0], s1  }
0x37: {  	s1 =	ssub.s32 @!p0 $0x0, s1;
	[sflag:s0] =	ssyncset.done @!p0 $0x0  }
0x38: {  	[sflag:s0] =	ssyncadd.s32 @!p0 s1  }
0x39: {  	[bflag:$0x3] =	sbarrier.arrive $0xFFFF  }
0x3a: {  	_ =	shalt  }

// kernel: kernel.16.cloned.1.call-start
scs
__scs_entry_jumppad:
0x0: {  	(pc) =	sbr.rel $0x88, $3  }
0x1: {  	(tag) =	ssettag $0x0;
	lr =	simm.s32 $0x1  }
0x2: {  	[smem:$0x3F97] =	sst lr;
	_ =	strace $0xD0000000  }
0x3: {  	_ = 	snop  }
0x4: {  	_ = 	snop  }
0x5: {  	_ = 	snop  }
0x6: {  	_ = 	snop  }
0x7: {  	_ = 	snop  }
__scs_overlays_trampoline_lowered:
0x8: {  	[smem:$0x3FA6] =	sst s0  }
0x9: {  	[smem:$0x3FA7] =	sst s1  }
0xa: {  	[smem:$0x3FA8] =	sst s2  }
0xb: {  	[smem:$0x3FA9] =	sst s3  }
0xc: {  	[smem:$0x3FAA] =	sst s4  }
0xd: {  	[smem:$0x3FAB] =	sst s5  }
0xe: {  	[smem:$0x3FAC] =	sst s6  }
0xf: {  	[smem:$0x3FAD] =	sst s7  }
0x10: {  	[smem:$0x3FAE] =	sst s8  }
0x11: {  	[smem:$0x3FAF] =	sst s9;
	s0 =	simm.s32 @!p0 $0x0  }
0x12: {  	s1 =	sld [smem:$0x3F95];
	s0 =	simm.s32 @p0 $0x1  }
0x13: {  	[smem:$0x3FB0] =	sst s0;
	s0 =	simm.s32 @!p1 $0x0  }
0x14: {  	s2 =	sld [smem:$0x3F94];
	s0 =	simm.s32 @p1 $0x1  }
0x15: {  	[smem:$0x3FB1] =	sst s0;
	s0 =	simm.s32 @!p2 $0x0  }
0x16: {  	s3 =	sld [smem:$0x3FDB];
	s0 =	simm.s32 @p2 $0x1  }
0x17: {  	s4 =	simm.s32 $0x1BF5;
	[smem:$0x3FB3] =	sst s0  }
0x18: {  	s0 =	sld [smem:$0x3F96];
	_ =	swait.ge [sflag:s4], $0x0  }
0x19: {  	s7 =	sld [smem:$0x3F97]  }
0x1a: {  	s8 =	sadd.s32 $0xFFFFE003, lr  }
0x1b: {  	s9 =	sadd.s32 $0xFFFFFEF7, lr;
	s5 =	simm.s32 $0xFFFFFFFF;
	p2 =	slt.u32 s8, $0xFFFFF086  }
0x1c: {  	p1 =	slt.u32 s9, $0xF7A;
	s5 =	simm.s32 @!p2 $0x0  }
0x1d: {  	s5 =	simm.s32 @p1 $0x1;
	p0 =	seq.s32 s7, s2  }
0x1e: {  	s7 =	smul.u32 @!p0 $0xF7A, s2;
	p2 =	seq.s32 @!p0 s5, $0x0  }
0x1f: {  	s9 =	smul.u32 $0xF7A, s1;
	s8 =	simm.s32 @!p0 $0x1BF5;
	p2 =	por !p2, p0  }
0x20: {  	[sflag:s8] =	ssyncset.s32 @!p0 $0xFFFFF086;
	s6 =	sadd.s32 @!p0 s3, s7;
	s7 =	simm.s32 @!p0 $0x108  }
0x21: {  	s3 =	sadd.s32 s3, s9;
	s6 =	sadd.s32 @!p0 $0x88, s6;
	s7 =	simm.s32 @p2 $0x1082  }
0x22: {  	[simem:s7], [sflag:s8] =	dma.local @!p0 [hbm:s6], $0xF7A  }
0x23: {  	s9 =	sor.u32 $0xD0000000, s2;
	s6 =	simm.s32 $0x108;
	_ =	swait.ge @!p0 [sflag:s8], $0x0  }
0x24: {  	s3 =	sadd.s32 $0x88, s3;
	s6 =	simm.s32 @!p1 $0x1082;
	[sflag:s4] =	ssyncset.s32 $0xFFFFF086  }
0x25: {  	[simem:s6], [sflag:s4] =	dma.local [hbm:s3], $0xF7A  }
0x26: {  	[smem:$0x3F97] =	sst s1;
	(tag) =	ssettag s2;
	_ =	strace s9  }
0x27: {  	s1 =	sld [smem:$0x3FA7]  }
0x28: {  	s2 =	sld [smem:$0x3FA8]  }
0x29: {  	s4 =	sld [smem:$0x3FAA]  }
0x2a: {  	p0 =	seq.s32 s5, $0x0;
	s5 =	sld [smem:$0x3FAB]  }
0x2b: {  	s6 =	sld [smem:$0x3FAC]  }
0x2c: {  	s7 =	sld [smem:$0x3FAD]  }
0x2d: {  	s3 =	simm.s32 $0x108;
	s8 =	sld [smem:$0x3FAE]  }
0x2e: {  	s3 =	simm.s32 @!p0 $0x1082;
	s9 =	sld [smem:$0x3FAF]  }
0x2f: {  	lr =	sadd.s32 s0, s3;
	s0 =	sld [smem:$0x3FA6]  }
0x30: {  	s3 =	sld [smem:$0x3FA9]  }
0x31: {  	[smem:$0x3FB2] =	sst s10  }
0x32: {  	s10 =	sld [smem:$0x3FB0];
	_ =	sdelay $0x3  }
0x33: {  	p0 =	seq.s32 s10, $0x1;
	s10 =	sld [smem:$0x3FB2];
	_ =	sdelay $0x3  }
0x34: {  	[smem:$0x3FB2] =	sst s10  }
0x35: {  	s10 =	sld [smem:$0x3FB1];
	_ =	sdelay $0x3  }
0x36: {  	p1 =	seq.s32 s10, $0x1;
	s10 =	sld [smem:$0x3FB2];
	_ =	sdelay $0x3  }
0x37: {  	[smem:$0x3FB2] =	sst s10  }
0x38: {  	s10 =	sld [smem:$0x3FB3]  }
0x39: {  	_ = 	snop;
	(pc) =	sbr.ind lr, $3  }
0x3a: {  	_ = 	snop  }
0x3b: {  	_ = 	snop  }
0x3c: {  	p2 =	seq.s32 s10, $0x1;
	s10 =	sld [smem:$0x3FB2]  }
0x3d: {  	_ =	shalt  }
0x3e: {  	_ =	shalt  }
0x3f: {  	_ =	shalt  }
0x40: {  	_ =	shalt  }
0x41: {  	_ =	shalt  }
0x42: {  	_ =	shalt  }
0x43: {  	_ =	shalt  }
0x44: {  	_ =	shalt  }
0x45: {  	_ =	shalt  }
0x46: {  	_ =	shalt  }
0x47: {  	_ =	shalt  }
0x48: {  	_ =	shalt  }
0x49: {  	_ =	shalt  }
0x4a: {  	_ =	shalt  }
0x4b: {  	_ =	shalt  }
0x4c: {  	_ =	shalt  }
0x4d: {  	_ =	shalt  }
0x4e: {  	_ =	shalt  }
0x4f: {  	_ =	shalt  }
0x50: {  	_ =	shalt  }
0x51: {  	_ =	shalt  }
0x52: {  	_ =	shalt  }
0x53: {  	_ =	shalt  }
0x54: {  	_ =	shalt  }
0x55: {  	_ =	shalt  }
0x56: {  	_ =	shalt  }
0x57: {  	_ =	shalt  }
0x58: {  	_ =	shalt  }
0x59: {  	_ =	shalt  }
0x5a: {  	_ =	shalt  }
0x5b: {  	_ =	shalt  }
0x5c: {  	_ =	shalt  }
0x5d: {  	_ =	shalt  }
0x5e: {  	_ =	shalt  }
0x5f: {  	_ =	shalt  }
0x60: {  	_ =	shalt  }
0x61: {  	_ =	shalt  }
0x62: {  	_ =	shalt  }
0x63: {  	_ =	shalt  }
0x64: {  	_ =	shalt  }
0x65: {  	_ =	shalt  }
0x66: {  	_ =	shalt  }
0x67: {  	_ =	shalt  }
0x68: {  	_ =	shalt  }
0x69: {  	_ =	shalt  }
0x6a: {  	_ =	shalt  }
0x6b: {  	_ =	shalt  }
0x6c: {  	_ =	shalt  }
0x6d: {  	_ =	shalt  }
0x6e: {  	_ =	shalt  }
0x6f: {  	_ =	shalt  }
0x70: {  	_ =	shalt  }
0x71: {  	_ =	shalt  }
0x72: {  	_ =	shalt  }
0x73: {  	_ =	shalt  }
0x74: {  	_ =	shalt  }
0x75: {  	_ =	shalt  }
0x76: {  	_ =	shalt  }
0x77: {  	_ =	shalt  }
0x78: {  	_ =	shalt  }
0x79: {  	_ =	shalt  }
0x7a: {  	_ =	shalt  }
0x7b: {  	_ =	shalt  }
0x7c: {  	_ =	shalt  }
0x7d: {  	_ =	shalt  }
0x7e: {  	_ =	shalt  }
0x7f: {  	_ =	shalt  }
0x80: {  	_ =	shalt  }
0x81: {  	_ =	shalt  }
0x82: {  	_ =	shalt  }
0x83: {  	_ =	shalt  }
0x84: {  	_ =	shalt  }
0x85: {  	_ =	shalt  }
0x86: {  	_ =	shalt  }
0x87: {  	_ =	shalt  }
.Lfunc_end0:
.L_simem_size_0:
called_computation.1_lowered:
.L_overlay_start_0:
0x88: {  	s2 =	sld [smem:$0x3FD9]  }
0x89: {  	s3 =	sld [smem:$0x3FFE];
	_ =	sdelay $0x1  }
0x8a: {  	s1 =	srdreg.scid  }
0x8b: {  	s0 =	sand.u32 $0x1, s1  }
0x8c: {  	s17 =	sshll.u32 s0, $0xA;
	s2 =	sadd.s32 s3, s2  }
0x8d: {  	s2 =	sadd.s32 s2, s17  }
0x8e: {  	[smem:$0x3FBE] =	sst s2  }
0x8f: {  	_ = 	snop  }
0x90: {  	s2 =	sld [smem:$0x3FD0];
	(tm) =	ssettm $0x1  }
0x91: {  	s18 =	sld [smem:$0x3FFB];
	_ =	sdelay $0x3  }
0x92: {  	_ =	strace s18  }
0x93: {  	s3 =	sld [smem:$0x3FFC];
	_ =	sdelay $0x3  }
0x94: {  	_ =	strace s3  }
0x95: {  	s3 =	sld [smem:$0x3FFD];
	_ =	sdelay $0x3  }
0x96: {  	_ =	strace s3  }
0x97: {  	_ =	strace $0x8FFFFFFF  }
0x98: {  	s19 =	sld [smem:$0x3FDB];
	_ =	sdelay $0x1  }
0x99: {  	s4 =	simm.s32 $_scs_section_size  }
0x9a: {  	s5 =	simm.s32 $_size__tile_overlayer_lowered;
	s6 =	simm.s32 $_tile_overlayer_lowered  }
0x9b: {  	s22 =	simm.s32 $0x1BFF;
	s21 =	sshll.u32 s6, $0x1;
	s3 =	sadd.s32 s4, s19  }
0x9c: {  	s7 =	simm.s32 $0x0;
	s20 =	sshll.u32 s5, $0x1;
	s5 =	sadd.s32 s21, s3  }
0x9d: {  	[timem:s7], [sflag:s22] =	dma.local [hbm:s5], s20  }
0x9e: {  	_ =	swait.ge [sflag:s22], s20  }
0x9f: {  	s4 =	ssub.s32 $0x0, s20;
	[sflag:s22] =	ssyncset.done $0x0  }
0xa0: {  	[sflag:s22] =	ssyncadd.s32 s4;
	_ =	sdelay $0x1  }
0xa1: {  	s23 =	simm.s32 $0x1B8B  }
0xa2: {  	_ =	swait.ge [sflag:s23], $0x1  }
0xa3: {  	[sflag:s23] =	ssyncset.done $0x0  }
0xa4: {  	s25 =	simm.s32 $0x1B8E;
	s24 =	sld [smem:$0x3FFE];
	[sflag:s23] =	ssyncadd.s32 $0xFFFFFFFF  }
0xa5: {  	s26 =	simm.s32 $execute0_lowered;
	[smem:$0x3FD2] =	sst s25  }
0xa6: {  	s5 =	sshll.u32 s26, $0x1;
	_ =	strace $0x80000049;
	[dreg:$0x1] =	wrdreg $0xFFFFFFFF  }
0xa7: {  	s28 =	simm.s32 $_size_execute0_lowered;
	s3 =	sadd.s32 s3, s5;
	[dreg:$0x0] =	wrdreg $0x0  }
0xa8: {  	s5 =	sshll.u32 s28, $0x1;
	[dreg:$0x2] =	wrdreg s3  }
0xa9: {  	[dreg:$0x3] =	wrdreg s5  }
0xaa: {  	[dreg:$0x4] =	wrdreg $0xC0  }
0xab: {  	_ =	task [dreg:s7], $0x5FFFF  }
0xac: {  	[dreg:$0x1] =	wrdreg $0xFFFFFFFF  }
0xad: {  	[dreg:$0x0] =	wrdreg $0x60  }
0xae: {  	[dreg:$0x2] =	wrdreg s24  }
0xaf: {  	[dreg:$0x3] =	wrdreg s2  }
0xb0: {  	[dreg:$0x4] =	wrdreg $0x90000  }
0xb1: {  	[dreg:$0x5] =	wrdreg $0x9  }
0xb2: {  	_ =	task.clear_ibuf [dreg:s7], $0x6FFFF;
	_ =	strace $0x90000049  }
0xb3: {  	s29 =	simm.s32 $0x9;
	_ =	strace $0x8000004B  }
0xb4: {  	_ =	swait.ge [sflag:s29], $0x1  }
0xb5: {  	[sflag:s29] =	ssyncadd.s32 $0xFFFFFFFF  }
0xb6: {  	_ =	strace $0x9000004B  }
0xb7: {  	_ =	sfence  }
0xb8: {  	s30 =	sld [smem:$0x0];
	_ =	sdelay $0x2  }
0xb9: {  	s31 =	sshll.u32 s1, $0xD;
	s1 =	sshrl.u32 s1, $0x2  }
0xba: {  	s3 =	sand.u32 $0x4000, s31;
	s1 =	sadd.s32 s1, s30  }
0xbb: {  	s0 =	sor.u32 s3, s0;
	s1 =	sshll.u32 s1, $0x11  }
0xbc: {  	s0 =	sor.u32 s1, s0  }
0xbd: {  	s0 =	sadd.s32 $0x8F2B, s0  }
0xbe: {  	[sflag:s0] =	ssyncadd.remote.s32 $0x1  }
0xbf: {  	_ =	sfence.sel $0xFFFF  }
0xc0: {  	[dreg:$0x0] =	wrdreg $0xFFFFFFFF;
	(pc) =	sbr.abs _section_cstart, $3  }
0xc1: {  	[dreg:$0x1] =	wrdreg $0xFFFFFFFF  }
0xc2: {  	_ =	task.clear_ibuf [dreg:s7], $0x2FFFF;
	_ =	strace $0x9FFFFFFF  }
0xc3: {  	(tm) =	ssettm $0x7FFFFFFF  }
tec
execute0_lowered:
.L_overlay_start_1:
0x0: {  	(tag) =	ssettag $0x1  }
0x1: {  	s1 =	rddreg [dreg:$0x0]  }
0x2: {  	s0 =	srdreg.scid;
	s5 =	rddreg [dreg:$0x1]  }
0x3: {  	s13 =	stileid.u32;
	s2 =	rddreg [dreg:$0x2];
	s16 =	simm.s32 $0x9  }
0x4: {  	s18 =	simm.s32 $0x80;
	s19 =	simm.s32 $0x5000;
	s22 =	simm.s32 $0x6000  }
0x5: {  	s31 =	simm.s32 $0x8000;
	s17 =	simm.s32 $0x8800;
	s8 =	smul.u32 $0x4F0, s13  }
0x6: {  	s20 =	simm.s32 $0x1;
	s21 =	simm.s32 $0x3;
	s11 =	smul.u32 $0x2780, s13  }
0x7: {  	s0 =	sand.u32 $0x1, s0;
	s12 =	smul.u32 $0x9E00, s13;
	s14 =	sadd.s32 $0x3C00, s1  }
0x8: {  	s3 =	sshll.u32 s0, $0x4;
	s7 =	smul.u32 $0x4F00, s0;
	s10 =	ssub.s32 $0x2, s0  }
0x9: {  	p0 =	seq.s32 s0, $0x1;
	s4 =	sor.u32 s13, s3;
	s3 =	simm.s32 $0x0  }
0xa: {  	s23 =	sshrl.u32 s10, $0x1;
	s24 =	sshrl.u32 s11, $0x3;
	s25 =	sshrl.u32 s12, $0x2  }
0xb: {  	s15 =	sadd.s32 s11, s2;
	s6 =	smul.u32 $0x500, s4;
	[smem:$0x7FF] =	sst s3  }
0xc: {  	s4 =	sadd.s32 $0xE200, s1;
	s7 =	sadd.s32 s8, s7;
	s8 =	ssub.s32 s10, s23  }
0xd: {  	s15 =	sshrl.u32 @!p0 s15, $0x3;
	s23 =	simm.s32 $0x7;
	_ =	strace $0x8000004A  }
0xe: {  	[dreg:$0x4] =	wrdreg s14;
	s0 =	sadd.s32 s4, s24;
	s30 =	smax.u32 s8, $0x1  }
0xf: {  	s24 =	simm.s32 $0x8;
	s9 =	sadd.s32 s6, s1;
	s1 =	sadd.s32 s7, s1  }
0x10: {  	[dreg:$0x5] =	wrdreg s0;
	s7 =	sadd.s32 s25, s2;
	s26 =	sadd.s32 s5, s6  }
.Ltmp0:
0x11: {  	[dreg:$0x9] =	wrdreg s30;
	s0 =	sshll.u32 @p0 s13, $0x6;
	(pc) =	sbr.rel .LBB2_1-.Ltmp0, $4  }
0x12: {  	s25 =	simm.s32 $0x0;
	[dreg:$0x6] =	wrdreg s26;
	s28 =	sadd.s32 $0x4200, s9  }
0x13: {  	s29 =	sadd.s32 $0x13200, s1;
	s1 =	sshll.u32 @!p0 s13, $0x6;
	s12 =	sor.u32 @p0 $0x1C09, s0  }
0x14: {  	s13 =	sshrl.u32 @p0 s7, $0x3;
	s26 =	simm.s32 $0x7000;
	[dreg:$0x7] =	wrdreg s28  }
0x15: {  	s0 =	simm.s32 $0x5;
	[dreg:$0x8] =	wrdreg s29;
	s14 =	sor.u32 @!p0 $0x1C09, s1  }
.LBB2_4:
0x16: {  	_ =	swait.ge [sflag:s24], $0x800  }
0x17: {  	[sflag:s24] =	ssyncset.done $0x0  }
0x18: {  	[sflag:s24] =	ssyncadd.s32 $0xFFFFF800  }
0x19: {  	[spmem:s2] =	stream.indirect.scatter.add.f32 [tilespmem:s17], [sflag:$0x9], $0x10, s1, s18, $0xb8;
	[tilespmem:$0xB780] =	vst v63  }
0x1a: {  	_ =	swait.ge [sflag:s16], $0x800  }
0x1b: {  	[sflag:s16] =	ssyncset.done $0x0  }
0x1c: {  	s29 =	stileid.u32;
	[sflag:s16] =	ssyncadd.s32 $0xFFFFF800  }
0x1d: {  	s1 =	sshll.u32 s29, $0x6;
	[bflag:$0x0] =	sbarrier.arrive $0xFFFF  }
0x1e: {  	s5 =	sshrl.u32 s7, $0x3;
	s1 =	sor.u32 $0x1C09, s1;
	s6 =	rddreg [dreg:$0x8]  }
0x1f: {  	[hbm:s6], [sflag:s1] =	dma.local [spmem:s5], $0x4F0  }
0x20: {  	_ =	swait.ge [sflag:s16], $0x4F0  }
0x21: {  	s25 =	sadd.s32 $0x1, s25;
	s30 =	rddreg [dreg:$0x9]  }
0x22: {  	p1 =	sne.s32 s25, s30  }
.Ltmp1:
0x23: {  	_ = 	snop;
	(pc) =	sbr.rel @!p1 .LBB2_5-.Ltmp1, $3  }
0x24: {  	_ =	sdelay $0x1  }
0x25: {  	[sflag:s16] =	ssyncset.done $0x0  }
0x26: {  	[sflag:s16] =	ssyncadd.s32 $0xFFFFFB10  }
.LBB2_1:
0x27: {  	s1 =	rddreg [dreg:$0x4]  }
0x28: {  	[spmem:s13], [sflag:s12] =	dma.local @p0 [hbm:s1], $0x4F0  }
0x29: {  	s1 =	rddreg [dreg:$0x5]  }
0x2a: {  	[spmem:s15], [sflag:s14] =	dma.local @!p0 [hbm:s1], $0x4F0  }
0x2b: {  	_ =	swait.ge [sflag:s16], $0x4F0  }
0x2c: {  	[sflag:s16] =	ssyncset.done $0x0  }
0x2d: {  	s11 =	rddreg [dreg:$0x6];
	[sflag:s16] =	ssyncadd.s32 $0xFFFFFB10  }
0x2e: {  	[tilespmem:s3], [sflag:$0x9] =	stream.linear.gather [hbm4b:s11+s3], $0x2800, $0x38;
	[tilespmem:$0xB780] =	vst v63  }
0x2f: {  	_ =	swait.ge [sflag:s16], $0x2800  }
0x30: {  	[sflag:s16] =	ssyncset.done $0x0  }
0x31: {  	s5 =	simm.s32 $0x2800;
	s29 =	rddreg [dreg:$0x7];
	[sflag:s16] =	ssyncadd.s32 $0xFFFFD800  }
0x32: {  	[tilespmem:s5], [sflag:$0x9] =	stream.linear.gather [hbm4b:s29+s3], $0x2800, $0x38;
	[tilespmem:$0xB780] =	vst v63  }
0x33: {  	_ =	swait.ge [sflag:s16], $0x2800  }
0x34: {  	[sflag:s16] =	ssyncset.done $0x0  }
0x35: {  	[sflag:s16] =	ssyncadd.s32 $0xFFFFD800  }
0x36: {  	[bflag:$0x0] =	sbarrier.arrive $0xFFFF  }
0x37: {  	[tilespmem:s19], [sflag:$0x1] =	stream.indirect.gather [hbm4b:s4+s18], $0x10, s3, s18, $0xb8;
	[tilespmem:$0xB780] =	vst v63  }
0x38: {  	s30 =	simm.s32 $0x5800  }
0x39: {  	[tilespmem:s30], [sflag:$0x2] =	stream.indirect.gather [hbm4b:s4+s18], $0x10, s18, s18, $0xb8;
	[tilespmem:$0xB780] =	vst v63  }
0x3a: {  	s5 =	simm.s32 $0x100  }
0x3b: {  	[tilespmem:s22], [sflag:$0x3] =	stream.indirect.gather [hbm4b:s4+s18], $0x10, s5, s18, $0xb8;
	[tilespmem:$0xB780] =	vst v63  }
0x3c: {  	s6 =	simm.s32 $0x180;
	s8 =	simm.s32 $0x6800  }
0x3d: {  	[tilespmem:s8], [sflag:$0x4] =	stream.indirect.gather [hbm4b:s4+s18], $0x10, s6, s18, $0xb8;
	[tilespmem:$0xB780] =	vst v63  }
0x3e: {  	s9 =	simm.s32 $0x200  }
0x3f: {  	[tilespmem:s26], [sflag:$0x5] =	stream.indirect.gather [hbm4b:s4+s18], $0x10, s9, s18, $0xb8;
	[tilespmem:$0xB780] =	vst v63  }
0x40: {  	s10 =	simm.s32 $0x280;
	s11 =	simm.s32 $0x7800  }
0x41: {  	[tilespmem:s11], [sflag:$0x6] =	stream.indirect.gather [hbm4b:s4+s18], $0x10, s10, s18, $0xb8;
	[tilespmem:$0xB780] =	vst v63  }
0x42: {  	s29 =	simm.s32 $0x300  }
0x43: {  	[tilespmem:s31], [sflag:$0x7] =	stream.indirect.gather [hbm4b:s4+s18], $0x10, s29, s18, $0xb8;
	[tilespmem:$0xB780] =	vst v63  }
0x44: {  	s28 =	simm.s32 $0x0;
	s30 =	simm.s32 $0x380  }
0x45: {  	[tilespmem:s17], [sflag:$0x8] =	stream.indirect.gather [hbm4b:s4+s18], $0x10, s30, s18, $0xb8;
	[tilespmem:$0xB780] =	vst v63  }
.LBB2_2:
0x46: {  	_ =	swait.ge [sflag:s20], $0x800  }
0x47: {  	s29 =	sshra.s32 s28, $0x2;
	[sflag:s20] =	ssyncset.done $0x0  }
0x48: {  	s1 =	sadd.s32 $0x2800, s29;
	[sflag:s20] =	ssyncadd.s32 $0xFFFFF800  }
0x49: {  	[spmem:s2] =	stream.indirect.scatter.add.f32 [tilespmem:s19], [sflag:$0x9], $0x10, s1, s18, $0xb8;
	[tilespmem:$0xB780] =	vst v63  }
0x4a: {  	_ =	swait.ge [sflag:s16], $0x800  }
0x4b: {  	p1 =	seq.s32 s28, $0x9000;
	[sflag:s16] =	ssyncset.done $0x0  }
0x4c: {  	s1 =	simm.s32 @p1 $0x2;
	[sflag:s16] =	ssyncadd.s32 $0xFFFFF800  }
0x4d: {  	_ =	swait.ge @p1 [sflag:s1], $0x800  }
0x4e: {  	s5 =	sshra.s32 @p1 s28, $0x2;
	s6 =	simm.s32 @p1 $0x80;
	[sflag:s1] =	ssyncset.done @p1 $0x0  }
0x4f: {  	s8 =	simm.s32 @p1 $0x5800;
	[sflag:s1] =	ssyncadd.s32 @p1 $0xFFFFF800;
	s1 =	sadd.s32 @p1 $0x2880, s5  }
0x50: {  	[spmem:s2] =	stream.indirect.scatter.add.f32 @p1 [tilespmem:s8], [sflag:$0x9], $0x10, s1, s6, $0xb8;
	[tilespmem:$0xB780] =	vst v63  }
0x51: {  	s8 =	simm.s32 @p1 $0x9  }
0x52: {  	_ =	swait.ge @p1 [sflag:s8], $0x800  }
0x53: {  	s30 =	sshra.s32 @!p1 s28, $0x2;
	s10 =	simm.s32 @!p1 $0x5000;
	[sflag:s8] =	ssyncset.done @p1 $0x0  }
0x54: {  	s9 =	sadd.s32 @!p1 $0x400, s30;
	s1 =	simm.s32 @!p1 $0x80;
	[sflag:s8] =	ssyncadd.s32 @p1 $0xFFFFF800  }
0x55: {  	[tilespmem:s10], [sflag:$0x1] =	stream.indirect.gather @!p1 [hbm4b:s4+s1], $0x10, s9, s1, $0xb8;
	[tilespmem:$0xB780] =	vst v63  }
0x56: {  	s9 =	simm.s32 @!p1 $0x2  }
0x57: {  	_ =	swait.ge @!p1 [sflag:s9], $0x800  }
0x58: {  	[sflag:s9] =	ssyncset.done @!p1 $0x0  }
0x59: {  	s10 =	simm.s32 @!p1 $0x5800;
	[sflag:s9] =	ssyncadd.s32 @!p1 $0xFFFFF800;
	s9 =	sadd.s32 @!p1 $0x2880, s30  }
0x5a: {  	[spmem:s2] =	stream.indirect.scatter.add.f32 @!p1 [tilespmem:s10], [sflag:$0x9], $0x10, s9, s1, $0xb8;
	[tilespmem:$0xB780] =	vst v63  }
0x5b: {  	s9 =	simm.s32 @!p1 $0x9  }
0x5c: {  	_ =	swait.ge @!p1 [sflag:s9], $0x800  }
0x5d: {  	[sflag:s9] =	ssyncset.done @!p1 $0x0  }
0x5e: {  	s11 =	sadd.s32 @!p1 $0x480, s30;
	[sflag:s9] =	ssyncadd.s32 @!p1 $0xFFFFF800  }
0x5f: {  	[tilespmem:s10], [sflag:$0x2] =	stream.indirect.gather @!p1 [hbm4b:s4+s1], $0x10, s11, s1, $0xb8;
	[tilespmem:$0xB780] =	vst v63  }
0x60: {  	_ =	swait.ge [sflag:s21], $0x800  }
0x61: {  	[sflag:s21] =	ssyncset.done $0x0  }
0x62: {  	s11 =	sadd.s32 $0x2900, s29;
	[sflag:s21] =	ssyncadd.s32 $0xFFFFF800  }
0x63: {  	[spmem:s2] =	stream.indirect.scatter.add.f32 [tilespmem:s22], [sflag:$0x9], $0x10, s11, s18, $0xb8;
	[tilespmem:$0xB780] =	vst v63  }
0x64: {  	_ =	swait.ge [sflag:s16], $0x800  }
0x65: {  	[sflag:s16] =	ssyncset.done $0x0  }
0x66: {  	s10 =	simm.s32 @p1 $0x4;
	[sflag:s16] =	ssyncadd.s32 $0xFFFFF800  }
0x67: {  	_ =	swait.ge @p1 [sflag:s10], $0x800  }
0x68: {  	[sflag:s10] =	ssyncset.done @p1 $0x0  }
0x69: {  	s11 =	simm.s32 @p1 $0x6800;
	[sflag:s10] =	ssyncadd.s32 @p1 $0xFFFFF800;
	s10 =	sadd.s32 @p1 $0x2980, s5  }
0x6a: {  	[spmem:s2] =	stream.indirect.scatter.add.f32 @p1 [tilespmem:s11], [sflag:$0x9], $0x10, s10, s6, $0xb8;
	[tilespmem:$0xB780] =	vst v63  }
0x6b: {  	_ =	swait.ge @p1 [sflag:s8], $0x800  }
0x6c: {  	[sflag:s8] =	ssyncset.done @p1 $0x0  }
0x6d: {  	s10 =	sadd.s32 @!p1 $0x500, s30;
	s11 =	simm.s32 @!p1 $0x6000;
	[sflag:s8] =	ssyncadd.s32 @p1 $0xFFFFF800  }
0x6e: {  	[tilespmem:s11], [sflag:$0x3] =	stream.indirect.gather @!p1 [hbm4b:s4+s1], $0x10, s10, s1, $0xb8;
	[tilespmem:$0xB780] =	vst v63  }
0x6f: {  	s10 =	simm.s32 @!p1 $0x4  }
0x70: {  	_ =	swait.ge @!p1 [sflag:s10], $0x800  }
0x71: {  	[sflag:s10] =	ssyncset.done @!p1 $0x0  }
0x72: {  	s11 =	simm.s32 @!p1 $0x6800;
	[sflag:s10] =	ssyncadd.s32 @!p1 $0xFFFFF800;
	s10 =	sadd.s32 @!p1 $0x2980, s30  }
0x73: {  	[spmem:s2] =	stream.indirect.scatter.add.f32 @!p1 [tilespmem:s11], [sflag:$0x9], $0x10, s10, s1, $0xb8;
	[tilespmem:$0xB780] =	vst v63  }
0x74: {  	_ =	swait.ge @!p1 [sflag:s9], $0x800  }
0x75: {  	[sflag:s9] =	ssyncset.done @!p1 $0x0  }
0x76: {  	s10 =	sadd.s32 @!p1 $0x580, s30;
	[sflag:s9] =	ssyncadd.s32 @!p1 $0xFFFFF800  }
0x77: {  	[tilespmem:s11], [sflag:$0x4] =	stream.indirect.gather @!p1 [hbm4b:s4+s1], $0x10, s10, s1, $0xb8;
	[tilespmem:$0xB780] =	vst v63  }
0x78: {  	_ =	swait.ge [sflag:s0], $0x800  }
0x79: {  	[sflag:s0] =	ssyncset.done $0x0  }
0x7a: {  	s11 =	sadd.s32 $0x2A00, s29;
	[sflag:s0] =	ssyncadd.s32 $0xFFFFF800  }
0x7b: {  	[spmem:s2] =	stream.indirect.scatter.add.f32 [tilespmem:s26], [sflag:$0x9], $0x10, s11, s18, $0xb8;
	[tilespmem:$0xB780] =	vst v63  }
0x7c: {  	_ =	swait.ge [sflag:s16], $0x800  }
0x7d: {  	[sflag:s16] =	ssyncset.done $0x0  }
0x7e: {  	s10 =	simm.s32 @p1 $0x6;
	[sflag:s16] =	ssyncadd.s32 $0xFFFFF800  }
0x7f: {  	_ =	swait.ge @p1 [sflag:s10], $0x800  }
0x80: {  	[sflag:s10] =	ssyncset.done @p1 $0x0  }
0x81: {  	s5 =	sadd.s32 @p1 $0x2A80, s5;
	[sflag:s10] =	ssyncadd.s32 @p1 $0xFFFFF800;
	s10 =	simm.s32 @p1 $0x7800  }
0x82: {  	[spmem:s2] =	stream.indirect.scatter.add.f32 @p1 [tilespmem:s10], [sflag:$0x9], $0x10, s5, s6, $0xb8;
	[tilespmem:$0xB780] =	vst v63  }
0x83: {  	_ =	swait.ge @p1 [sflag:s8], $0x800  }
0x84: {  	[sflag:s8] =	ssyncset.done @p1 $0x0  }
0x85: {  	s5 =	sadd.s32 @!p1 $0x600, s30;
	s6 =	simm.s32 @!p1 $0x7000;
	[sflag:s8] =	ssyncadd.s32 @p1 $0xFFFFF800  }
0x86: {  	[tilespmem:s6], [sflag:$0x5] =	stream.indirect.gather @!p1 [hbm4b:s4+s1], $0x10, s5, s1, $0xb8;
	[tilespmem:$0xB780] =	vst v63  }
0x87: {  	s5 =	simm.s32 @!p1 $0x6  }
0x88: {  	_ =	swait.ge @!p1 [sflag:s5], $0x800  }
0x89: {  	[sflag:s5] =	ssyncset.done @!p1 $0x0  }
0x8a: {  	s6 =	simm.s32 @!p1 $0x7800;
	[sflag:s5] =	ssyncadd.s32 @!p1 $0xFFFFF800;
	s5 =	sadd.s32 @!p1 $0x2A80, s30  }
0x8b: {  	[spmem:s2] =	stream.indirect.scatter.add.f32 @!p1 [tilespmem:s6], [sflag:$0x9], $0x10, s5, s1, $0xb8;
	[tilespmem:$0xB780] =	vst v63  }
0x8c: {  	_ =	swait.ge @!p1 [sflag:s9], $0x800  }
0x8d: {  	[sflag:s9] =	ssyncset.done @!p1 $0x0  }
0x8e: {  	s5 =	sadd.s32 @!p1 $0x680, s30;
	[sflag:s9] =	ssyncadd.s32 @!p1 $0xFFFFF800  }
0x8f: {  	[tilespmem:s6], [sflag:$0x6] =	stream.indirect.gather @!p1 [hbm4b:s4+s1], $0x10, s5, s1, $0xb8;
	[tilespmem:$0xB780] =	vst v63  }
0x90: {  	_ =	swait.ge [sflag:s23], $0x800  }
0x91: {  	[sflag:s23] =	ssyncset.done $0x0  }
.Ltmp2:
0x92: {  	s30 =	sadd.s32 $0x2B00, s29;
	[sflag:s23] =	ssyncadd.s32 $0xFFFFF800;
	(pc) =	sbr.rel @p1 .LBB2_4-.Ltmp2, $4  }
0x93: {  	[spmem:s2] =	stream.indirect.scatter.add.f32 [tilespmem:s31], [sflag:$0x9], $0x10, s30, s18, $0xb8;
	[tilespmem:$0xB780] =	vst v63  }
0x94: {  	_ =	swait.ge [sflag:s16], $0x800  }
0x95: {  	[sflag:s16] =	ssyncset.done $0x0  }
0x96: {  	s1 =	sadd.s32 $0x2B80, s29;
	[sflag:s16] =	ssyncadd.s32 $0xFFFFF800  }
0x97: {  	s5 =	sadd.s32 $0x700, s29  }
0x98: {  	[tilespmem:s31], [sflag:$0x7] =	stream.indirect.gather [hbm4b:s4+s18], $0x10, s5, s18, $0xb8;
	[tilespmem:$0xB780] =	vst v63  }
0x99: {  	_ =	swait.ge [sflag:s24], $0x800  }
0x9a: {  	[sflag:s24] =	ssyncset.done $0x0  }
0x9b: {  	[sflag:s24] =	ssyncadd.s32 $0xFFFFF800  }
0x9c: {  	[spmem:s2] =	stream.indirect.scatter.add.f32 [tilespmem:s17], [sflag:$0x9], $0x10, s1, s18, $0xb8;
	[tilespmem:$0xB780] =	vst v63  }
.Ltmp3:
0x9d: {  	_ = 	snop;
	(pc) =	sbr.rel .LBB2_2-.Ltmp3, $4  }
0x9e: {  	_ =	swait.ge [sflag:s16], $0x800  }
0x9f: {  	[sflag:s16] =	ssyncset.done $0x0  }
0xa0: {  	s30 =	sadd.s32 $0x780, s29;
	s28 =	sadd.s32 $0x1000, s28;
	[sflag:s16] =	ssyncadd.s32 $0xFFFFF800  }
0xa1: {  	[tilespmem:s17], [sflag:$0x8] =	stream.indirect.gather [hbm4b:s4+s18], $0x10, s30, s18, $0xb8;
	[tilespmem:$0xB780] =	vst v63  }
.LBB2_5:
0xa2: {  	_ =	sfence.sel $0x180000  }
0xa3: {  	[bflag:$0x0] =	sbarrier.arrive $0xFFFF  }
0xa4: {  	_ =	strace $0x9000004A  }
0xa5: {  	s0 =	stileid.u32;
	[bflag:$0x2] =	sbarrier.arrive $0xFFFF  }
0xa6: {  	p0 =	sne.s32 s0, $0x0;
	s0 =	rddreg [dreg:$0x3]  }
0xa7: {  	s0 =	sadd.s32 @!p0 $0x100000, s0  }
0xa8: {  	[sflag:s0] =	ssyncadd.tile.s32 @!p0 $0x1;
	_ =	shalt  }
.Lfunc_end2:
_tile_overlayer_lowered:
.L_overlay_start_2:
0xa9: {  	(tag) =	ssettag $0x2  }
0xaa: {  	s0 =	rddreg [dreg:$0x0];
	s2 =	stileid.u32  }
0xab: {  	s1 =	rddreg [dreg:$0x1];
	p0 =	sne.s32 s2, $0x0  }
0xac: {  	s3 =	rddreg [dreg:$0x2];
	[bflag:$0x3] =	sbarrier.arrive $0xFFFF;
	s2 =	simm.s32 @!p0 $0x1C09  }
0xad: {  	[timem:s3], [sflag:s2] =	dma.local @!p0 [hbm:s0], s1  }
0xae: {  	s0 =	simm.s32 @!p0 $0x9  }
0xaf: {  	_ =	swait.ge @!p0 [sflag:s0], s1  }
0xb0: {  	s1 =	ssub.s32 @!p0 $0x0, s1;
	[sflag:s0] =	ssyncset.done @!p0 $0x0  }
0xb1: {  	[sflag:s0] =	ssyncadd.s32 @!p0 s1  }
0xb2: {  	[bflag:$0x3] =	sbarrier.arrive $0xFFFF  }
0xb3: {  	_ =	shalt  }

// kernel: kernel.19.cloned.1.call-start
scs
__scs_entry_jumppad:
0x0: {  	(pc) =	sbr.rel $0x88, $3  }
0x1: {  	(tag) =	ssettag $0x0;
	lr =	simm.s32 $0x1  }
0x2: {  	[smem:$0x3F97] =	sst lr;
	_ =	strace $0xD0000000  }
0x3: {  	_ = 	snop  }
0x4: {  	_ = 	snop  }
0x5: {  	_ = 	snop  }
0x6: {  	_ = 	snop  }
0x7: {  	_ = 	snop  }
__scs_overlays_trampoline_lowered:
0x8: {  	[smem:$0x3FA6] =	sst s0  }
0x9: {  	[smem:$0x3FA7] =	sst s1  }
0xa: {  	[smem:$0x3FA8] =	sst s2  }
0xb: {  	[smem:$0x3FA9] =	sst s3  }
0xc: {  	[smem:$0x3FAA] =	sst s4  }
0xd: {  	[smem:$0x3FAB] =	sst s5  }
0xe: {  	[smem:$0x3FAC] =	sst s6  }
0xf: {  	[smem:$0x3FAD] =	sst s7  }
0x10: {  	[smem:$0x3FAE] =	sst s8  }
0x11: {  	[smem:$0x3FAF] =	sst s9;
	s0 =	simm.s32 @!p0 $0x0  }
0x12: {  	s1 =	sld [smem:$0x3F95];
	s0 =	simm.s32 @p0 $0x1  }
0x13: {  	[smem:$0x3FB0] =	sst s0;
	s0 =	simm.s32 @!p1 $0x0  }
0x14: {  	s2 =	sld [smem:$0x3F94];
	s0 =	simm.s32 @p1 $0x1  }
0x15: {  	[smem:$0x3FB1] =	sst s0;
	s0 =	simm.s32 @!p2 $0x0  }
0x16: {  	s3 =	sld [smem:$0x3FDB];
	s0 =	simm.s32 @p2 $0x1  }
0x17: {  	s4 =	simm.s32 $0x1BF5;
	[smem:$0x3FB3] =	sst s0  }
0x18: {  	s0 =	sld [smem:$0x3F96];
	_ =	swait.ge [sflag:s4], $0x0  }
0x19: {  	s7 =	sld [smem:$0x3F97]  }
0x1a: {  	s8 =	sadd.s32 $0xFFFFE003, lr  }
0x1b: {  	s9 =	sadd.s32 $0xFFFFFEF7, lr;
	s5 =	simm.s32 $0xFFFFFFFF;
	p2 =	slt.u32 s8, $0xFFFFF086  }
0x1c: {  	p1 =	slt.u32 s9, $0xF7A;
	s5 =	simm.s32 @!p2 $0x0  }
0x1d: {  	s5 =	simm.s32 @p1 $0x1;
	p0 =	seq.s32 s7, s2  }
0x1e: {  	s7 =	smul.u32 @!p0 $0xF7A, s2;
	p2 =	seq.s32 @!p0 s5, $0x0  }
0x1f: {  	s9 =	smul.u32 $0xF7A, s1;
	s8 =	simm.s32 @!p0 $0x1BF5;
	p2 =	por !p2, p0  }
0x20: {  	[sflag:s8] =	ssyncset.s32 @!p0 $0xFFFFF086;
	s6 =	sadd.s32 @!p0 s3, s7;
	s7 =	simm.s32 @!p0 $0x108  }
0x21: {  	s3 =	sadd.s32 s3, s9;
	s6 =	sadd.s32 @!p0 $0x88, s6;
	s7 =	simm.s32 @p2 $0x1082  }
0x22: {  	[simem:s7], [sflag:s8] =	dma.local @!p0 [hbm:s6], $0xF7A  }
0x23: {  	s9 =	sor.u32 $0xD0000000, s2;
	s6 =	simm.s32 $0x108;
	_ =	swait.ge @!p0 [sflag:s8], $0x0  }
0x24: {  	s3 =	sadd.s32 $0x88, s3;
	s6 =	simm.s32 @!p1 $0x1082;
	[sflag:s4] =	ssyncset.s32 $0xFFFFF086  }
0x25: {  	[simem:s6], [sflag:s4] =	dma.local [hbm:s3], $0xF7A  }
0x26: {  	[smem:$0x3F97] =	sst s1;
	(tag) =	ssettag s2;
	_ =	strace s9  }
0x27: {  	s1 =	sld [smem:$0x3FA7]  }
0x28: {  	s2 =	sld [smem:$0x3FA8]  }
0x29: {  	s4 =	sld [smem:$0x3FAA]  }
0x2a: {  	p0 =	seq.s32 s5, $0x0;
	s5 =	sld [smem:$0x3FAB]  }
0x2b: {  	s6 =	sld [smem:$0x3FAC]  }
0x2c: {  	s7 =	sld [smem:$0x3FAD]  }
0x2d: {  	s3 =	simm.s32 $0x108;
	s8 =	sld [smem:$0x3FAE]  }
0x2e: {  	s3 =	simm.s32 @!p0 $0x1082;
	s9 =	sld [smem:$0x3FAF]  }
0x2f: {  	lr =	sadd.s32 s0, s3;
	s0 =	sld [smem:$0x3FA6]  }
0x30: {  	s3 =	sld [smem:$0x3FA9]  }
0x31: {  	[smem:$0x3FB2] =	sst s10  }
0x32: {  	s10 =	sld [smem:$0x3FB0];
	_ =	sdelay $0x3  }
0x33: {  	p0 =	seq.s32 s10, $0x1;
	s10 =	sld [smem:$0x3FB2];
	_ =	sdelay $0x3  }
0x34: {  	[smem:$0x3FB2] =	sst s10  }
0x35: {  	s10 =	sld [smem:$0x3FB1];
	_ =	sdelay $0x3  }
0x36: {  	p1 =	seq.s32 s10, $0x1;
	s10 =	sld [smem:$0x3FB2];
	_ =	sdelay $0x3  }
0x37: {  	[smem:$0x3FB2] =	sst s10  }
0x38: {  	s10 =	sld [smem:$0x3FB3]  }
0x39: {  	_ = 	snop;
	(pc) =	sbr.ind lr, $3  }
0x3a: {  	_ = 	snop  }
0x3b: {  	_ = 	snop  }
0x3c: {  	p2 =	seq.s32 s10, $0x1;
	s10 =	sld [smem:$0x3FB2]  }
0x3d: {  	_ =	shalt  }
0x3e: {  	_ =	shalt  }
0x3f: {  	_ =	shalt  }
0x40: {  	_ =	shalt  }
0x41: {  	_ =	shalt  }
0x42: {  	_ =	shalt  }
0x43: {  	_ =	shalt  }
0x44: {  	_ =	shalt  }
0x45: {  	_ =	shalt  }
0x46: {  	_ =	shalt  }
0x47: {  	_ =	shalt  }
0x48: {  	_ =	shalt  }
0x49: {  	_ =	shalt  }
0x4a: {  	_ =	shalt  }
0x4b: {  	_ =	shalt  }
0x4c: {  	_ =	shalt  }
0x4d: {  	_ =	shalt  }
0x4e: {  	_ =	shalt  }
0x4f: {  	_ =	shalt  }
0x50: {  	_ =	shalt  }
0x51: {  	_ =	shalt  }
0x52: {  	_ =	shalt  }
0x53: {  	_ =	shalt  }
0x54: {  	_ =	shalt  }
0x55: {  	_ =	shalt  }
0x56: {  	_ =	shalt  }
0x57: {  	_ =	shalt  }
0x58: {  	_ =	shalt  }
0x59: {  	_ =	shalt  }
0x5a: {  	_ =	shalt  }
0x5b: {  	_ =	shalt  }
0x5c: {  	_ =	shalt  }
0x5d: {  	_ =	shalt  }
0x5e: {  	_ =	shalt  }
0x5f: {  	_ =	shalt  }
0x60: {  	_ =	shalt  }
0x61: {  	_ =	shalt  }
0x62: {  	_ =	shalt  }
0x63: {  	_ =	shalt  }
0x64: {  	_ =	shalt  }
0x65: {  	_ =	shalt  }
0x66: {  	_ =	shalt  }
0x67: {  	_ =	shalt  }
0x68: {  	_ =	shalt  }
0x69: {  	_ =	shalt  }
0x6a: {  	_ =	shalt  }
0x6b: {  	_ =	shalt  }
0x6c: {  	_ =	shalt  }
0x6d: {  	_ =	shalt  }
0x6e: {  	_ =	shalt  }
0x6f: {  	_ =	shalt  }
0x70: {  	_ =	shalt  }
0x71: {  	_ =	shalt  }
0x72: {  	_ =	shalt  }
0x73: {  	_ =	shalt  }
0x74: {  	_ =	shalt  }
0x75: {  	_ =	shalt  }
0x76: {  	_ =	shalt  }
0x77: {  	_ =	shalt  }
0x78: {  	_ =	shalt  }
0x79: {  	_ =	shalt  }
0x7a: {  	_ =	shalt  }
0x7b: {  	_ =	shalt  }
0x7c: {  	_ =	shalt  }
0x7d: {  	_ =	shalt  }
0x7e: {  	_ =	shalt  }
0x7f: {  	_ =	shalt  }
0x80: {  	_ =	shalt  }
0x81: {  	_ =	shalt  }
0x82: {  	_ =	shalt  }
0x83: {  	_ =	shalt  }
0x84: {  	_ =	shalt  }
0x85: {  	_ =	shalt  }
0x86: {  	_ =	shalt  }
0x87: {  	_ =	shalt  }
.Lfunc_end0:
.L_simem_size_0:
called_computation.2_lowered:
.L_overlay_start_0:
0x88: {  	s2 =	sld [smem:$0x3FD9]  }
0x89: {  	s3 =	sld [smem:$0x3FFE];
	_ =	sdelay $0x1  }
0x8a: {  	s1 =	srdreg.scid  }
0x8b: {  	s0 =	sand.u32 $0x1, s1  }
0x8c: {  	s17 =	sshll.u32 s0, $0xA;
	s2 =	sadd.s32 s3, s2  }
0x8d: {  	s2 =	sadd.s32 s2, s17  }
0x8e: {  	[smem:$0x3FBE] =	sst s2  }
0x8f: {  	_ = 	snop  }
0x90: {  	s2 =	sld [smem:$0x3FD0];
	(tm) =	ssettm $0x1  }
0x91: {  	s18 =	sld [smem:$0x3FFB];
	_ =	sdelay $0x3  }
0x92: {  	_ =	strace s18  }
0x93: {  	s3 =	sld [smem:$0x3FFC];
	_ =	sdelay $0x3  }
0x94: {  	_ =	strace s3  }
0x95: {  	s3 =	sld [smem:$0x3FFD];
	_ =	sdelay $0x3  }
0x96: {  	_ =	strace s3  }
0x97: {  	_ =	strace $0x8FFFFFFF  }
0x98: {  	s19 =	sld [smem:$0x3FDB];
	_ =	sdelay $0x1  }
0x99: {  	s4 =	simm.s32 $_scs_section_size  }
0x9a: {  	s5 =	simm.s32 $_size__tile_overlayer_lowered;
	s6 =	simm.s32 $_tile_overlayer_lowered  }
0x9b: {  	s22 =	simm.s32 $0x1BFF;
	s21 =	sshll.u32 s6, $0x1;
	s3 =	sadd.s32 s4, s19  }
0x9c: {  	s7 =	simm.s32 $0x0;
	s20 =	sshll.u32 s5, $0x1;
	s5 =	sadd.s32 s21, s3  }
0x9d: {  	[timem:s7], [sflag:s22] =	dma.local [hbm:s5], s20  }
0x9e: {  	_ =	swait.ge [sflag:s22], s20  }
0x9f: {  	s4 =	ssub.s32 $0x0, s20;
	[sflag:s22] =	ssyncset.done $0x0  }
0xa0: {  	[sflag:s22] =	ssyncadd.s32 s4;
	_ =	sdelay $0x1  }
0xa1: {  	s23 =	simm.s32 $0x1B8B  }
0xa2: {  	_ =	swait.ge [sflag:s23], $0x1  }
0xa3: {  	[sflag:s23] =	ssyncset.done $0x0  }
0xa4: {  	s25 =	simm.s32 $0x1B8E;
	s24 =	sld [smem:$0x3FFE];
	[sflag:s23] =	ssyncadd.s32 $0xFFFFFFFF  }
0xa5: {  	s26 =	simm.s32 $execute0_lowered;
	[smem:$0x3FD2] =	sst s25  }
0xa6: {  	s5 =	sshll.u32 s26, $0x1;
	_ =	strace $0x8000004C;
	[dreg:$0x1] =	wrdreg $0xFFFFFFFF  }
0xa7: {  	s28 =	simm.s32 $_size_execute0_lowered;
	s3 =	sadd.s32 s3, s5;
	[dreg:$0x0] =	wrdreg $0x0  }
0xa8: {  	s5 =	sshll.u32 s28, $0x1;
	[dreg:$0x2] =	wrdreg s3  }
0xa9: {  	[dreg:$0x3] =	wrdreg s5  }
0xaa: {  	[dreg:$0x4] =	wrdreg $0xC0  }
0xab: {  	_ =	task [dreg:s7], $0x5FFFF  }
0xac: {  	[dreg:$0x1] =	wrdreg $0xFFFFFFFF  }
0xad: {  	[dreg:$0x0] =	wrdreg $0x60  }
0xae: {  	[dreg:$0x2] =	wrdreg s24  }
0xaf: {  	[dreg:$0x3] =	wrdreg s2  }
0xb0: {  	[dreg:$0x4] =	wrdreg $0x90000  }
0xb1: {  	[dreg:$0x5] =	wrdreg $0x9  }
0xb2: {  	_ =	task.clear_ibuf [dreg:s7], $0x6FFFF;
	_ =	strace $0x9000004C  }
0xb3: {  	s29 =	simm.s32 $0x9;
	_ =	strace $0x8000004E  }
0xb4: {  	_ =	swait.ge [sflag:s29], $0x1  }
0xb5: {  	[sflag:s29] =	ssyncadd.s32 $0xFFFFFFFF  }
0xb6: {  	_ =	strace $0x9000004E  }
0xb7: {  	_ =	sfence  }
0xb8: {  	s30 =	sld [smem:$0x0];
	_ =	sdelay $0x2  }
0xb9: {  	s31 =	sshll.u32 s1, $0xD;
	s1 =	sshrl.u32 s1, $0x2  }
0xba: {  	s3 =	sand.u32 $0x4000, s31;
	s1 =	sadd.s32 s1, s30  }
0xbb: {  	s0 =	sor.u32 s3, s0;
	s1 =	sshll.u32 s1, $0x11  }
0xbc: {  	s0 =	sor.u32 s1, s0  }
0xbd: {  	s0 =	sadd.s32 $0x8F2B, s0  }
0xbe: {  	[sflag:s0] =	ssyncadd.remote.s32 $0x1  }
0xbf: {  	_ =	sfence.sel $0xFFFF  }
0xc0: {  	[dreg:$0x0] =	wrdreg $0xFFFFFFFF;
	(pc) =	sbr.abs _section_cstart, $3  }
0xc1: {  	[dreg:$0x1] =	wrdreg $0xFFFFFFFF  }
0xc2: {  	_ =	task.clear_ibuf [dreg:s7], $0x2FFFF;
	_ =	strace $0x9FFFFFFF  }
0xc3: {  	(tm) =	ssettm $0x7FFFFFFF  }
tec
execute0_lowered:
.L_overlay_start_1:
0x0: {  	(tag) =	ssettag $0x1  }
0x1: {  	s1 =	rddreg [dreg:$0x0]  }
0x2: {  	s0 =	srdreg.scid;
	s5 =	rddreg [dreg:$0x1]  }
0x3: {  	s13 =	stileid.u32;
	s2 =	rddreg [dreg:$0x2];
	s16 =	simm.s32 $0x9  }
0x4: {  	s18 =	simm.s32 $0x80;
	s19 =	simm.s32 $0x5000;
	s22 =	simm.s32 $0x6000  }
0x5: {  	s31 =	simm.s32 $0x8000;
	s17 =	simm.s32 $0x8800;
	s8 =	smul.u32 $0x4F0, s13  }
0x6: {  	s20 =	simm.s32 $0x1;
	s21 =	simm.s32 $0x3;
	s11 =	smul.u32 $0x2780, s13  }
0x7: {  	s0 =	sand.u32 $0x1, s0;
	s12 =	smul.u32 $0x9E00, s13;
	s14 =	sadd.s32 $0x3C00, s1  }
0x8: {  	s3 =	sshll.u32 s0, $0x4;
	s7 =	smul.u32 $0x4F00, s0;
	s10 =	ssub.s32 $0x2, s0  }
0x9: {  	p0 =	seq.s32 s0, $0x1;
	s4 =	sor.u32 s13, s3;
	s3 =	simm.s32 $0x0  }
0xa: {  	s23 =	sshrl.u32 s10, $0x1;
	s24 =	sshrl.u32 s11, $0x3;
	s25 =	sshrl.u32 s12, $0x2  }
0xb: {  	s15 =	sadd.s32 s11, s2;
	s6 =	smul.u32 $0x500, s4;
	[smem:$0x7FF] =	sst s3  }
0xc: {  	s4 =	sadd.s32 $0xE200, s1;
	s7 =	sadd.s32 s8, s7;
	s8 =	ssub.s32 s10, s23  }
0xd: {  	s15 =	sshrl.u32 @!p0 s15, $0x3;
	s23 =	simm.s32 $0x7;
	_ =	strace $0x8000004D  }
0xe: {  	[dreg:$0x4] =	wrdreg s14;
	s0 =	sadd.s32 s4, s24;
	s30 =	smax.u32 s8, $0x1  }
0xf: {  	s24 =	simm.s32 $0x8;
	s9 =	sadd.s32 s6, s1;
	s1 =	sadd.s32 s7, s1  }
0x10: {  	[dreg:$0x5] =	wrdreg s0;
	s7 =	sadd.s32 s25, s2;
	s26 =	sadd.s32 s5, s6  }
.Ltmp0:
0x11: {  	[dreg:$0x9] =	wrdreg s30;
	s0 =	sshll.u32 @p0 s13, $0x6;
	(pc) =	sbr.rel .LBB2_1-.Ltmp0, $4  }
0x12: {  	s25 =	simm.s32 $0x0;
	[dreg:$0x6] =	wrdreg s26;
	s28 =	sadd.s32 $0x4200, s9  }
0x13: {  	s29 =	sadd.s32 $0x13200, s1;
	s1 =	sshll.u32 @!p0 s13, $0x6;
	s12 =	sor.u32 @p0 $0x1C09, s0  }
0x14: {  	s13 =	sshrl.u32 @p0 s7, $0x3;
	s26 =	simm.s32 $0x7000;
	[dreg:$0x7] =	wrdreg s28  }
0x15: {  	s0 =	simm.s32 $0x5;
	[dreg:$0x8] =	wrdreg s29;
	s14 =	sor.u32 @!p0 $0x1C09, s1  }
.LBB2_4:
0x16: {  	_ =	swait.ge [sflag:s24], $0x800  }
0x17: {  	[sflag:s24] =	ssyncset.done $0x0  }
0x18: {  	[sflag:s24] =	ssyncadd.s32 $0xFFFFF800  }
0x19: {  	[spmem:s2] =	stream.indirect.scatter.add.f32 [tilespmem:s17], [sflag:$0x9], $0x10, s1, s18, $0xb8;
	[tilespmem:$0xB780] =	vst v63  }
0x1a: {  	_ =	swait.ge [sflag:s16], $0x800  }
0x1b: {  	[sflag:s16] =	ssyncset.done $0x0  }
0x1c: {  	s29 =	stileid.u32;
	[sflag:s16] =	ssyncadd.s32 $0xFFFFF800  }
0x1d: {  	s1 =	sshll.u32 s29, $0x6;
	[bflag:$0x0] =	sbarrier.arrive $0xFFFF  }
0x1e: {  	s5 =	sshrl.u32 s7, $0x3;
	s1 =	sor.u32 $0x1C09, s1;
	s6 =	rddreg [dreg:$0x8]  }
0x1f: {  	[hbm:s6], [sflag:s1] =	dma.local [spmem:s5], $0x4F0  }
0x20: {  	_ =	swait.ge [sflag:s16], $0x4F0  }
0x21: {  	s25 =	sadd.s32 $0x1, s25;
	s30 =	rddreg [dreg:$0x9]  }
0x22: {  	p1 =	sne.s32 s25, s30  }
.Ltmp1:
0x23: {  	_ = 	snop;
	(pc) =	sbr.rel @!p1 .LBB2_5-.Ltmp1, $3  }
0x24: {  	_ =	sdelay $0x1  }
0x25: {  	[sflag:s16] =	ssyncset.done $0x0  }
0x26: {  	[sflag:s16] =	ssyncadd.s32 $0xFFFFFB10  }
.LBB2_1:
0x27: {  	s1 =	rddreg [dreg:$0x4]  }
0x28: {  	[spmem:s13], [sflag:s12] =	dma.local @p0 [hbm:s1], $0x4F0  }
0x29: {  	s1 =	rddreg [dreg:$0x5]  }
0x2a: {  	[spmem:s15], [sflag:s14] =	dma.local @!p0 [hbm:s1], $0x4F0  }
0x2b: {  	_ =	swait.ge [sflag:s16], $0x4F0  }
0x2c: {  	[sflag:s16] =	ssyncset.done $0x0  }
0x2d: {  	s11 =	rddreg [dreg:$0x6];
	[sflag:s16] =	ssyncadd.s32 $0xFFFFFB10  }
0x2e: {  	[tilespmem:s3], [sflag:$0x9] =	stream.linear.gather [hbm4b:s11+s3], $0x2800, $0x38;
	[tilespmem:$0xB780] =	vst v63  }
0x2f: {  	_ =	swait.ge [sflag:s16], $0x2800  }
0x30: {  	[sflag:s16] =	ssyncset.done $0x0  }
0x31: {  	s5 =	simm.s32 $0x2800;
	s29 =	rddreg [dreg:$0x7];
	[sflag:s16] =	ssyncadd.s32 $0xFFFFD800  }
0x32: {  	[tilespmem:s5], [sflag:$0x9] =	stream.linear.gather [hbm4b:s29+s3], $0x2800, $0x38;
	[tilespmem:$0xB780] =	vst v63  }
0x33: {  	_ =	swait.ge [sflag:s16], $0x2800  }
0x34: {  	[sflag:s16] =	ssyncset.done $0x0  }
0x35: {  	[sflag:s16] =	ssyncadd.s32 $0xFFFFD800  }
0x36: {  	[bflag:$0x0] =	sbarrier.arrive $0xFFFF  }
0x37: {  	[tilespmem:s19], [sflag:$0x1] =	stream.indirect.gather [hbm4b:s4+s18], $0x10, s3, s18, $0xb8;
	[tilespmem:$0xB780] =	vst v63  }
0x38: {  	s30 =	simm.s32 $0x5800  }
0x39: {  	[tilespmem:s30], [sflag:$0x2] =	stream.indirect.gather [hbm4b:s4+s18], $0x10, s18, s18, $0xb8;
	[tilespmem:$0xB780] =	vst v63  }
0x3a: {  	s5 =	simm.s32 $0x100  }
0x3b: {  	[tilespmem:s22], [sflag:$0x3] =	stream.indirect.gather [hbm4b:s4+s18], $0x10, s5, s18, $0xb8;
	[tilespmem:$0xB780] =	vst v63  }
0x3c: {  	s6 =	simm.s32 $0x180;
	s8 =	simm.s32 $0x6800  }
0x3d: {  	[tilespmem:s8], [sflag:$0x4] =	stream.indirect.gather [hbm4b:s4+s18], $0x10, s6, s18, $0xb8;
	[tilespmem:$0xB780] =	vst v63  }
0x3e: {  	s9 =	simm.s32 $0x200  }
0x3f: {  	[tilespmem:s26], [sflag:$0x5] =	stream.indirect.gather [hbm4b:s4+s18], $0x10, s9, s18, $0xb8;
	[tilespmem:$0xB780] =	vst v63  }
0x40: {  	s10 =	simm.s32 $0x280;
	s11 =	simm.s32 $0x7800  }
0x41: {  	[tilespmem:s11], [sflag:$0x6] =	stream.indirect.gather [hbm4b:s4+s18], $0x10, s10, s18, $0xb8;
	[tilespmem:$0xB780] =	vst v63  }
0x42: {  	s29 =	simm.s32 $0x300  }
0x43: {  	[tilespmem:s31], [sflag:$0x7] =	stream.indirect.gather [hbm4b:s4+s18], $0x10, s29, s18, $0xb8;
	[tilespmem:$0xB780] =	vst v63  }
0x44: {  	s28 =	simm.s32 $0x0;
	s30 =	simm.s32 $0x380  }
0x45: {  	[tilespmem:s17], [sflag:$0x8] =	stream.indirect.gather [hbm4b:s4+s18], $0x10, s30, s18, $0xb8;
	[tilespmem:$0xB780] =	vst v63  }
.LBB2_2:
0x46: {  	_ =	swait.ge [sflag:s20], $0x800  }
0x47: {  	s29 =	sshra.s32 s28, $0x2;
	[sflag:s20] =	ssyncset.done $0x0  }
0x48: {  	s1 =	sadd.s32 $0x2800, s29;
	[sflag:s20] =	ssyncadd.s32 $0xFFFFF800  }
0x49: {  	[spmem:s2] =	stream.indirect.scatter.add.f32 [tilespmem:s19], [sflag:$0x9], $0x10, s1, s18, $0xb8;
	[tilespmem:$0xB780] =	vst v63  }
0x4a: {  	_ =	swait.ge [sflag:s16], $0x800  }
0x4b: {  	p1 =	seq.s32 s28, $0x9000;
	[sflag:s16] =	ssyncset.done $0x0  }
0x4c: {  	s1 =	simm.s32 @p1 $0x2;
	[sflag:s16] =	ssyncadd.s32 $0xFFFFF800  }
0x4d: {  	_ =	swait.ge @p1 [sflag:s1], $0x800  }
0x4e: {  	s5 =	sshra.s32 @p1 s28, $0x2;
	s6 =	simm.s32 @p1 $0x80;
	[sflag:s1] =	ssyncset.done @p1 $0x0  }
0x4f: {  	s8 =	simm.s32 @p1 $0x5800;
	[sflag:s1] =	ssyncadd.s32 @p1 $0xFFFFF800;
	s1 =	sadd.s32 @p1 $0x2880, s5  }
0x50: {  	[spmem:s2] =	stream.indirect.scatter.add.f32 @p1 [tilespmem:s8], [sflag:$0x9], $0x10, s1, s6, $0xb8;
	[tilespmem:$0xB780] =	vst v63  }
0x51: {  	s8 =	simm.s32 @p1 $0x9  }
0x52: {  	_ =	swait.ge @p1 [sflag:s8], $0x800  }
0x53: {  	s30 =	sshra.s32 @!p1 s28, $0x2;
	s10 =	simm.s32 @!p1 $0x5000;
	[sflag:s8] =	ssyncset.done @p1 $0x0  }
0x54: {  	s9 =	sadd.s32 @!p1 $0x400, s30;
	s1 =	simm.s32 @!p1 $0x80;
	[sflag:s8] =	ssyncadd.s32 @p1 $0xFFFFF800  }
0x55: {  	[tilespmem:s10], [sflag:$0x1] =	stream.indirect.gather @!p1 [hbm4b:s4+s1], $0x10, s9, s1, $0xb8;
	[tilespmem:$0xB780] =	vst v63  }
0x56: {  	s9 =	simm.s32 @!p1 $0x2  }
0x57: {  	_ =	swait.ge @!p1 [sflag:s9], $0x800  }
0x58: {  	[sflag:s9] =	ssyncset.done @!p1 $0x0  }
0x59: {  	s10 =	simm.s32 @!p1 $0x5800;
	[sflag:s9] =	ssyncadd.s32 @!p1 $0xFFFFF800;
	s9 =	sadd.s32 @!p1 $0x2880, s30  }
0x5a: {  	[spmem:s2] =	stream.indirect.scatter.add.f32 @!p1 [tilespmem:s10], [sflag:$0x9], $0x10, s9, s1, $0xb8;
	[tilespmem:$0xB780] =	vst v63  }
0x5b: {  	s9 =	simm.s32 @!p1 $0x9  }
0x5c: {  	_ =	swait.ge @!p1 [sflag:s9], $0x800  }
0x5d: {  	[sflag:s9] =	ssyncset.done @!p1 $0x0  }
0x5e: {  	s11 =	sadd.s32 @!p1 $0x480, s30;
	[sflag:s9] =	ssyncadd.s32 @!p1 $0xFFFFF800  }
0x5f: {  	[tilespmem:s10], [sflag:$0x2] =	stream.indirect.gather @!p1 [hbm4b:s4+s1], $0x10, s11, s1, $0xb8;
	[tilespmem:$0xB780] =	vst v63  }
0x60: {  	_ =	swait.ge [sflag:s21], $0x800  }
0x61: {  	[sflag:s21] =	ssyncset.done $0x0  }
0x62: {  	s11 =	sadd.s32 $0x2900, s29;
	[sflag:s21] =	ssyncadd.s32 $0xFFFFF800  }
0x63: {  	[spmem:s2] =	stream.indirect.scatter.add.f32 [tilespmem:s22], [sflag:$0x9], $0x10, s11, s18, $0xb8;
	[tilespmem:$0xB780] =	vst v63  }
0x64: {  	_ =	swait.ge [sflag:s16], $0x800  }
0x65: {  	[sflag:s16] =	ssyncset.done $0x0  }
0x66: {  	s10 =	simm.s32 @p1 $0x4;
	[sflag:s16] =	ssyncadd.s32 $0xFFFFF800  }
0x67: {  	_ =	swait.ge @p1 [sflag:s10], $0x800  }
0x68: {  	[sflag:s10] =	ssyncset.done @p1 $0x0  }
0x69: {  	s11 =	simm.s32 @p1 $0x6800;
	[sflag:s10] =	ssyncadd.s32 @p1 $0xFFFFF800;
	s10 =	sadd.s32 @p1 $0x2980, s5  }
0x6a: {  	[spmem:s2] =	stream.indirect.scatter.add.f32 @p1 [tilespmem:s11], [sflag:$0x9], $0x10, s10, s6, $0xb8;
	[tilespmem:$0xB780] =	vst v63  }
0x6b: {  	_ =	swait.ge @p1 [sflag:s8], $0x800  }
0x6c: {  	[sflag:s8] =	ssyncset.done @p1 $0x0  }
0x6d: {  	s10 =	sadd.s32 @!p1 $0x500, s30;
	s11 =	simm.s32 @!p1 $0x6000;
	[sflag:s8] =	ssyncadd.s32 @p1 $0xFFFFF800  }
0x6e: {  	[tilespmem:s11], [sflag:$0x3] =	stream.indirect.gather @!p1 [hbm4b:s4+s1], $0x10, s10, s1, $0xb8;
	[tilespmem:$0xB780] =	vst v63  }
0x6f: {  	s10 =	simm.s32 @!p1 $0x4  }
0x70: {  	_ =	swait.ge @!p1 [sflag:s10], $0x800  }
0x71: {  	[sflag:s10] =	ssyncset.done @!p1 $0x0  }
0x72: {  	s11 =	simm.s32 @!p1 $0x6800;
	[sflag:s10] =	ssyncadd.s32 @!p1 $0xFFFFF800;
	s10 =	sadd.s32 @!p1 $0x2980, s30  }
0x73: {  	[spmem:s2] =	stream.indirect.scatter.add.f32 @!p1 [tilespmem:s11], [sflag:$0x9], $0x10, s10, s1, $0xb8;
	[tilespmem:$0xB780] =	vst v63  }
0x74: {  	_ =	swait.ge @!p1 [sflag:s9], $0x800  }
0x75: {  	[sflag:s9] =	ssyncset.done @!p1 $0x0  }
0x76: {  	s10 =	sadd.s32 @!p1 $0x580, s30;
	[sflag:s9] =	ssyncadd.s32 @!p1 $0xFFFFF800  }
0x77: {  	[tilespmem:s11], [sflag:$0x4] =	stream.indirect.gather @!p1 [hbm4b:s4+s1], $0x10, s10, s1, $0xb8;
	[tilespmem:$0xB780] =	vst v63  }
0x78: {  	_ =	swait.ge [sflag:s0], $0x800  }
0x79: {  	[sflag:s0] =	ssyncset.done $0x0  }
0x7a: {  	s11 =	sadd.s32 $0x2A00, s29;
	[sflag:s0] =	ssyncadd.s32 $0xFFFFF800  }
0x7b: {  	[spmem:s2] =	stream.indirect.scatter.add.f32 [tilespmem:s26], [sflag:$0x9], $0x10, s11, s18, $0xb8;
	[tilespmem:$0xB780] =	vst v63  }
0x7c: {  	_ =	swait.ge [sflag:s16], $0x800  }
0x7d: {  	[sflag:s16] =	ssyncset.done $0x0  }
0x7e: {  	s10 =	simm.s32 @p1 $0x6;
	[sflag:s16] =	ssyncadd.s32 $0xFFFFF800  }
0x7f: {  	_ =	swait.ge @p1 [sflag:s10], $0x800  }
0x80: {  	[sflag:s10] =	ssyncset.done @p1 $0x0  }
0x81: {  	s5 =	sadd.s32 @p1 $0x2A80, s5;
	[sflag:s10] =	ssyncadd.s32 @p1 $0xFFFFF800;
	s10 =	simm.s32 @p1 $0x7800  }
0x82: {  	[spmem:s2] =	stream.indirect.scatter.add.f32 @p1 [tilespmem:s10], [sflag:$0x9], $0x10, s5, s6, $0xb8;
	[tilespmem:$0xB780] =	vst v63  }
0x83: {  	_ =	swait.ge @p1 [sflag:s8], $0x800  }
0x84: {  	[sflag:s8] =	ssyncset.done @p1 $0x0  }
0x85: {  	s5 =	sadd.s32 @!p1 $0x600, s30;
	s6 =	simm.s32 @!p1 $0x7000;
	[sflag:s8] =	ssyncadd.s32 @p1 $0xFFFFF800  }
0x86: {  	[tilespmem:s6], [sflag:$0x5] =	stream.indirect.gather @!p1 [hbm4b:s4+s1], $0x10, s5, s1, $0xb8;
	[tilespmem:$0xB780] =	vst v63  }
0x87: {  	s5 =	simm.s32 @!p1 $0x6  }
0x88: {  	_ =	swait.ge @!p1 [sflag:s5], $0x800  }
0x89: {  	[sflag:s5] =	ssyncset.done @!p1 $0x0  }
0x8a: {  	s6 =	simm.s32 @!p1 $0x7800;
	[sflag:s5] =	ssyncadd.s32 @!p1 $0xFFFFF800;
	s5 =	sadd.s32 @!p1 $0x2A80, s30  }
0x8b: {  	[spmem:s2] =	stream.indirect.scatter.add.f32 @!p1 [tilespmem:s6], [sflag:$0x9], $0x10, s5, s1, $0xb8;
	[tilespmem:$0xB780] =	vst v63  }
0x8c: {  	_ =	swait.ge @!p1 [sflag:s9], $0x800  }
0x8d: {  	[sflag:s9] =	ssyncset.done @!p1 $0x0  }
0x8e: {  	s5 =	sadd.s32 @!p1 $0x680, s30;
	[sflag:s9] =	ssyncadd.s32 @!p1 $0xFFFFF800  }
0x8f: {  	[tilespmem:s6], [sflag:$0x6] =	stream.indirect.gather @!p1 [hbm4b:s4+s1], $0x10, s5, s1, $0xb8;
	[tilespmem:$0xB780] =	vst v63  }
0x90: {  	_ =	swait.ge [sflag:s23], $0x800  }
0x91: {  	[sflag:s23] =	ssyncset.done $0x0  }
.Ltmp2:
0x92: {  	s30 =	sadd.s32 $0x2B00, s29;
	[sflag:s23] =	ssyncadd.s32 $0xFFFFF800;
	(pc) =	sbr.rel @p1 .LBB2_4-.Ltmp2, $4  }
0x93: {  	[spmem:s2] =	stream.indirect.scatter.add.f32 [tilespmem:s31], [sflag:$0x9], $0x10, s30, s18, $0xb8;
	[tilespmem:$0xB780] =	vst v63  }
0x94: {  	_ =	swait.ge [sflag:s16], $0x800  }
0x95: {  	[sflag:s16] =	ssyncset.done $0x0  }
0x96: {  	s1 =	sadd.s32 $0x2B80, s29;
	[sflag:s16] =	ssyncadd.s32 $0xFFFFF800  }
0x97: {  	s5 =	sadd.s32 $0x700, s29  }
0x98: {  	[tilespmem:s31], [sflag:$0x7] =	stream.indirect.gather [hbm4b:s4+s18], $0x10, s5, s18, $0xb8;
	[tilespmem:$0xB780] =	vst v63  }
0x99: {  	_ =	swait.ge [sflag:s24], $0x800  }
0x9a: {  	[sflag:s24] =	ssyncset.done $0x0  }
0x9b: {  	[sflag:s24] =	ssyncadd.s32 $0xFFFFF800  }
0x9c: {  	[spmem:s2] =	stream.indirect.scatter.add.f32 [tilespmem:s17], [sflag:$0x9], $0x10, s1, s18, $0xb8;
	[tilespmem:$0xB780] =	vst v63  }
.Ltmp3:
0x9d: {  	_ = 	snop;
	(pc) =	sbr.rel .LBB2_2-.Ltmp3, $4  }
0x9e: {  	_ =	swait.ge [sflag:s16], $0x800  }
0x9f: {  	[sflag:s16] =	ssyncset.done $0x0  }
0xa0: {  	s30 =	sadd.s32 $0x780, s29;
	s28 =	sadd.s32 $0x1000, s28;
	[sflag:s16] =	ssyncadd.s32 $0xFFFFF800  }
0xa1: {  	[tilespmem:s17], [sflag:$0x8] =	stream.indirect.gather [hbm4b:s4+s18], $0x10, s30, s18, $0xb8;
	[tilespmem:$0xB780] =	vst v63  }
.LBB2_5:
0xa2: {  	_ =	sfence.sel $0x180000  }
0xa3: {  	[bflag:$0x0] =	sbarrier.arrive $0xFFFF  }
0xa4: {  	_ =	strace $0x9000004D  }
0xa5: {  	s0 =	stileid.u32;
	[bflag:$0x2] =	sbarrier.arrive $0xFFFF  }
0xa6: {  	p0 =	sne.s32 s0, $0x0;
	s0 =	rddreg [dreg:$0x3]  }
0xa7: {  	s0 =	sadd.s32 @!p0 $0x100000, s0  }
0xa8: {  	[sflag:s0] =	ssyncadd.tile.s32 @!p0 $0x1;
	_ =	shalt  }
.Lfunc_end2:
_tile_overlayer_lowered:
.L_overlay_start_2:
0xa9: {  	(tag) =	ssettag $0x2  }
0xaa: {  	s0 =	rddreg [dreg:$0x0];
	s2 =	stileid.u32  }
0xab: {  	s1 =	rddreg [dreg:$0x1];
	p0 =	sne.s32 s2, $0x0  }
0xac: {  	s3 =	rddreg [dreg:$0x2];
	[bflag:$0x3] =	sbarrier.arrive $0xFFFF;
	s2 =	simm.s32 @!p0 $0x1C09  }
0xad: {  	[timem:s3], [sflag:s2] =	dma.local @!p0 [hbm:s0], s1  }
0xae: {  	s0 =	simm.s32 @!p0 $0x9  }
0xaf: {  	_ =	swait.ge @!p0 [sflag:s0], s1  }
0xb0: {  	s1 =	ssub.s32 @!p0 $0x0, s1;
	[sflag:s0] =	ssyncset.done @!p0 $0x0  }
0xb1: {  	[sflag:s0] =	ssyncadd.s32 @!p0 s1  }
0xb2: {  	[bflag:$0x3] =	sbarrier.arrive $0xFFFF  }
0xb3: {  	_ =	shalt  }

// kernel: kernel.22.cloned.1.call-start
scs
__scs_entry_jumppad:
0x0: {  	(pc) =	sbr.rel $0x88, $3  }
0x1: {  	(tag) =	ssettag $0x0;
	lr =	simm.s32 $0x1  }
0x2: {  	[smem:$0x3F97] =	sst lr;
	_ =	strace $0xD0000000  }
0x3: {  	_ = 	snop  }
0x4: {  	_ = 	snop  }
0x5: {  	_ = 	snop  }
0x6: {  	_ = 	snop  }
0x7: {  	_ = 	snop  }
__scs_overlays_trampoline_lowered:
0x8: {  	[smem:$0x3FA6] =	sst s0  }
0x9: {  	[smem:$0x3FA7] =	sst s1  }
0xa: {  	[smem:$0x3FA8] =	sst s2  }
0xb: {  	[smem:$0x3FA9] =	sst s3  }
0xc: {  	[smem:$0x3FAA] =	sst s4  }
0xd: {  	[smem:$0x3FAB] =	sst s5  }
0xe: {  	[smem:$0x3FAC] =	sst s6  }
0xf: {  	[smem:$0x3FAD] =	sst s7  }
0x10: {  	[smem:$0x3FAE] =	sst s8  }
0x11: {  	[smem:$0x3FAF] =	sst s9;
	s0 =	simm.s32 @!p0 $0x0  }
0x12: {  	s1 =	sld [smem:$0x3F95];
	s0 =	simm.s32 @p0 $0x1  }
0x13: {  	[smem:$0x3FB0] =	sst s0;
	s0 =	simm.s32 @!p1 $0x0  }
0x14: {  	s2 =	sld [smem:$0x3F94];
	s0 =	simm.s32 @p1 $0x1  }
0x15: {  	[smem:$0x3FB1] =	sst s0;
	s0 =	simm.s32 @!p2 $0x0  }
0x16: {  	s3 =	sld [smem:$0x3FDB];
	s0 =	simm.s32 @p2 $0x1  }
0x17: {  	s4 =	simm.s32 $0x1BF5;
	[smem:$0x3FB3] =	sst s0  }
0x18: {  	s0 =	sld [smem:$0x3F96];
	_ =	swait.ge [sflag:s4], $0x0  }
0x19: {  	s7 =	sld [smem:$0x3F97]  }
0x1a: {  	s8 =	sadd.s32 $0xFFFFE003, lr  }
0x1b: {  	s9 =	sadd.s32 $0xFFFFFEF7, lr;
	s5 =	simm.s32 $0xFFFFFFFF;
	p2 =	slt.u32 s8, $0xFFFFF086  }
0x1c: {  	p1 =	slt.u32 s9, $0xF7A;
	s5 =	simm.s32 @!p2 $0x0  }
0x1d: {  	s5 =	simm.s32 @p1 $0x1;
	p0 =	seq.s32 s7, s2  }
0x1e: {  	s7 =	smul.u32 @!p0 $0xF7A, s2;
	p2 =	seq.s32 @!p0 s5, $0x0  }
0x1f: {  	s9 =	smul.u32 $0xF7A, s1;
	s8 =	simm.s32 @!p0 $0x1BF5;
	p2 =	por !p2, p0  }
0x20: {  	[sflag:s8] =	ssyncset.s32 @!p0 $0xFFFFF086;
	s6 =	sadd.s32 @!p0 s3, s7;
	s7 =	simm.s32 @!p0 $0x108  }
0x21: {  	s3 =	sadd.s32 s3, s9;
	s6 =	sadd.s32 @!p0 $0x88, s6;
	s7 =	simm.s32 @p2 $0x1082  }
0x22: {  	[simem:s7], [sflag:s8] =	dma.local @!p0 [hbm:s6], $0xF7A  }
0x23: {  	s9 =	sor.u32 $0xD0000000, s2;
	s6 =	simm.s32 $0x108;
	_ =	swait.ge @!p0 [sflag:s8], $0x0  }
0x24: {  	s3 =	sadd.s32 $0x88, s3;
	s6 =	simm.s32 @!p1 $0x1082;
	[sflag:s4] =	ssyncset.s32 $0xFFFFF086  }
0x25: {  	[simem:s6], [sflag:s4] =	dma.local [hbm:s3], $0xF7A  }
0x26: {  	[smem:$0x3F97] =	sst s1;
	(tag) =	ssettag s2;
	_ =	strace s9  }
0x27: {  	s1 =	sld [smem:$0x3FA7]  }
0x28: {  	s2 =	sld [smem:$0x3FA8]  }
0x29: {  	s4 =	sld [smem:$0x3FAA]  }
0x2a: {  	p0 =	seq.s32 s5, $0x0;
	s5 =	sld [smem:$0x3FAB]  }
0x2b: {  	s6 =	sld [smem:$0x3FAC]  }
0x2c: {  	s7 =	sld [smem:$0x3FAD]  }
0x2d: {  	s3 =	simm.s32 $0x108;
	s8 =	sld [smem:$0x3FAE]  }
0x2e: {  	s3 =	simm.s32 @!p0 $0x1082;
	s9 =	sld [smem:$0x3FAF]  }
0x2f: {  	lr =	sadd.s32 s0, s3;
	s0 =	sld [smem:$0x3FA6]  }
0x30: {  	s3 =	sld [smem:$0x3FA9]  }
0x31: {  	[smem:$0x3FB2] =	sst s10  }
0x32: {  	s10 =	sld [smem:$0x3FB0];
	_ =	sdelay $0x3  }
0x33: {  	p0 =	seq.s32 s10, $0x1;
	s10 =	sld [smem:$0x3FB2];
	_ =	sdelay $0x3  }
0x34: {  	[smem:$0x3FB2] =	sst s10  }
0x35: {  	s10 =	sld [smem:$0x3FB1];
	_ =	sdelay $0x3  }
0x36: {  	p1 =	seq.s32 s10, $0x1;
	s10 =	sld [smem:$0x3FB2];
	_ =	sdelay $0x3  }
0x37: {  	[smem:$0x3FB2] =	sst s10  }
0x38: {  	s10 =	sld [smem:$0x3FB3]  }
0x39: {  	_ = 	snop;
	(pc) =	sbr.ind lr, $3  }
0x3a: {  	_ = 	snop  }
0x3b: {  	_ = 	snop  }
0x3c: {  	p2 =	seq.s32 s10, $0x1;
	s10 =	sld [smem:$0x3FB2]  }
0x3d: {  	_ =	shalt  }
0x3e: {  	_ =	shalt  }
0x3f: {  	_ =	shalt  }
0x40: {  	_ =	shalt  }
0x41: {  	_ =	shalt  }
0x42: {  	_ =	shalt  }
0x43: {  	_ =	shalt  }
0x44: {  	_ =	shalt  }
0x45: {  	_ =	shalt  }
0x46: {  	_ =	shalt  }
0x47: {  	_ =	shalt  }
0x48: {  	_ =	shalt  }
0x49: {  	_ =	shalt  }
0x4a: {  	_ =	shalt  }
0x4b: {  	_ =	shalt  }
0x4c: {  	_ =	shalt  }
0x4d: {  	_ =	shalt  }
0x4e: {  	_ =	shalt  }
0x4f: {  	_ =	shalt  }
0x50: {  	_ =	shalt  }
0x51: {  	_ =	shalt  }
0x52: {  	_ =	shalt  }
0x53: {  	_ =	shalt  }
0x54: {  	_ =	shalt  }
0x55: {  	_ =	shalt  }
0x56: {  	_ =	shalt  }
0x57: {  	_ =	shalt  }
0x58: {  	_ =	shalt  }
0x59: {  	_ =	shalt  }
0x5a: {  	_ =	shalt  }
0x5b: {  	_ =	shalt  }
0x5c: {  	_ =	shalt  }
0x5d: {  	_ =	shalt  }
0x5e: {  	_ =	shalt  }
0x5f: {  	_ =	shalt  }
0x60: {  	_ =	shalt  }
0x61: {  	_ =	shalt  }
0x62: {  	_ =	shalt  }
0x63: {  	_ =	shalt  }
0x64: {  	_ =	shalt  }
0x65: {  	_ =	shalt  }
0x66: {  	_ =	shalt  }
0x67: {  	_ =	shalt  }
0x68: {  	_ =	shalt  }
0x69: {  	_ =	shalt  }
0x6a: {  	_ =	shalt  }
0x6b: {  	_ =	shalt  }
0x6c: {  	_ =	shalt  }
0x6d: {  	_ =	shalt  }
0x6e: {  	_ =	shalt  }
0x6f: {  	_ =	shalt  }
0x70: {  	_ =	shalt  }
0x71: {  	_ =	shalt  }
0x72: {  	_ =	shalt  }
0x73: {  	_ =	shalt  }
0x74: {  	_ =	shalt  }
0x75: {  	_ =	shalt  }
0x76: {  	_ =	shalt  }
0x77: {  	_ =	shalt  }
0x78: {  	_ =	shalt  }
0x79: {  	_ =	shalt  }
0x7a: {  	_ =	shalt  }
0x7b: {  	_ =	shalt  }
0x7c: {  	_ =	shalt  }
0x7d: {  	_ =	shalt  }
0x7e: {  	_ =	shalt  }
0x7f: {  	_ =	shalt  }
0x80: {  	_ =	shalt  }
0x81: {  	_ =	shalt  }
0x82: {  	_ =	shalt  }
0x83: {  	_ =	shalt  }
0x84: {  	_ =	shalt  }
0x85: {  	_ =	shalt  }
0x86: {  	_ =	shalt  }
0x87: {  	_ =	shalt  }
.Lfunc_end0:
.L_simem_size_0:
called_computation.3_lowered:
.L_overlay_start_0:
0x88: {  	s2 =	sld [smem:$0x3FD9]  }
0x89: {  	s3 =	sld [smem:$0x3FFE];
	_ =	sdelay $0x1  }
0x8a: {  	s1 =	srdreg.scid  }
0x8b: {  	s0 =	sand.u32 $0x1, s1  }
0x8c: {  	s17 =	sshll.u32 s0, $0xA;
	s2 =	sadd.s32 s3, s2  }
0x8d: {  	s2 =	sadd.s32 s2, s17  }
0x8e: {  	[smem:$0x3FBE] =	sst s2  }
0x8f: {  	_ = 	snop  }
0x90: {  	s2 =	sld [smem:$0x3FD0];
	(tm) =	ssettm $0x1  }
0x91: {  	s18 =	sld [smem:$0x3FFB];
	_ =	sdelay $0x3  }
0x92: {  	_ =	strace s18  }
0x93: {  	s3 =	sld [smem:$0x3FFC];
	_ =	sdelay $0x3  }
0x94: {  	_ =	strace s3  }
0x95: {  	s3 =	sld [smem:$0x3FFD];
	_ =	sdelay $0x3  }
0x96: {  	_ =	strace s3  }
0x97: {  	_ =	strace $0x8FFFFFFF  }
0x98: {  	s19 =	sld [smem:$0x3FDB];
	_ =	sdelay $0x1  }
0x99: {  	s4 =	simm.s32 $_scs_section_size  }
0x9a: {  	s5 =	simm.s32 $_size__tile_overlayer_lowered;
	s6 =	simm.s32 $_tile_overlayer_lowered  }
0x9b: {  	s22 =	simm.s32 $0x1BFF;
	s21 =	sshll.u32 s6, $0x1;
	s3 =	sadd.s32 s4, s19  }
0x9c: {  	s7 =	simm.s32 $0x0;
	s20 =	sshll.u32 s5, $0x1;
	s5 =	sadd.s32 s21, s3  }
0x9d: {  	[timem:s7], [sflag:s22] =	dma.local [hbm:s5], s20  }
0x9e: {  	_ =	swait.ge [sflag:s22], s20  }
0x9f: {  	s4 =	ssub.s32 $0x0, s20;
	[sflag:s22] =	ssyncset.done $0x0  }
0xa0: {  	[sflag:s22] =	ssyncadd.s32 s4;
	_ =	sdelay $0x1  }
0xa1: {  	s23 =	simm.s32 $0x1B8B  }
0xa2: {  	_ =	swait.ge [sflag:s23], $0x1  }
0xa3: {  	[sflag:s23] =	ssyncset.done $0x0  }
0xa4: {  	s25 =	simm.s32 $0x1B8E;
	s24 =	sld [smem:$0x3FFE];
	[sflag:s23] =	ssyncadd.s32 $0xFFFFFFFF  }
0xa5: {  	s26 =	simm.s32 $execute0_lowered;
	[smem:$0x3FD2] =	sst s25  }
0xa6: {  	s5 =	sshll.u32 s26, $0x1;
	_ =	strace $0x8000004F;
	[dreg:$0x1] =	wrdreg $0xFFFFFFFF  }
0xa7: {  	s28 =	simm.s32 $_size_execute0_lowered;
	s3 =	sadd.s32 s3, s5;
	[dreg:$0x0] =	wrdreg $0x0  }
0xa8: {  	s5 =	sshll.u32 s28, $0x1;
	[dreg:$0x2] =	wrdreg s3  }
0xa9: {  	[dreg:$0x3] =	wrdreg s5  }
0xaa: {  	[dreg:$0x4] =	wrdreg $0xC0  }
0xab: {  	_ =	task [dreg:s7], $0x5FFFF  }
0xac: {  	[dreg:$0x1] =	wrdreg $0xFFFFFFFF  }
0xad: {  	[dreg:$0x0] =	wrdreg $0x60  }
0xae: {  	[dreg:$0x2] =	wrdreg s24  }
0xaf: {  	[dreg:$0x3] =	wrdreg s2  }
0xb0: {  	[dreg:$0x4] =	wrdreg $0x90000  }
0xb1: {  	[dreg:$0x5] =	wrdreg $0x9  }
0xb2: {  	_ =	task.clear_ibuf [dreg:s7], $0x6FFFF;
	_ =	strace $0x9000004F  }
0xb3: {  	s29 =	simm.s32 $0x9;
	_ =	strace $0x80000051  }
0xb4: {  	_ =	swait.ge [sflag:s29], $0x1  }
0xb5: {  	[sflag:s29] =	ssyncadd.s32 $0xFFFFFFFF  }
0xb6: {  	_ =	strace $0x90000051  }
0xb7: {  	_ =	sfence  }
0xb8: {  	s30 =	sld [smem:$0x0];
	_ =	sdelay $0x2  }
0xb9: {  	s31 =	sshll.u32 s1, $0xD;
	s1 =	sshrl.u32 s1, $0x2  }
0xba: {  	s3 =	sand.u32 $0x4000, s31;
	s1 =	sadd.s32 s1, s30  }
0xbb: {  	s0 =	sor.u32 s3, s0;
	s1 =	sshll.u32 s1, $0x11  }
0xbc: {  	s0 =	sor.u32 s1, s0  }
0xbd: {  	s0 =	sadd.s32 $0x8F2B, s0  }
0xbe: {  	[sflag:s0] =	ssyncadd.remote.s32 $0x1  }
0xbf: {  	_ =	sfence.sel $0xFFFF  }
0xc0: {  	[dreg:$0x0] =	wrdreg $0xFFFFFFFF;
	(pc) =	sbr.abs _section_cstart, $3  }
0xc1: {  	[dreg:$0x1] =	wrdreg $0xFFFFFFFF  }
0xc2: {  	_ =	task.clear_ibuf [dreg:s7], $0x2FFFF;
	_ =	strace $0x9FFFFFFF  }
0xc3: {  	(tm) =	ssettm $0x7FFFFFFF  }
tec
execute0_lowered:
.L_overlay_start_1:
0x0: {  	(tag) =	ssettag $0x1  }
0x1: {  	s1 =	rddreg [dreg:$0x0]  }
0x2: {  	s0 =	srdreg.scid;
	s5 =	rddreg [dreg:$0x1]  }
0x3: {  	s13 =	stileid.u32;
	s2 =	rddreg [dreg:$0x2];
	s16 =	simm.s32 $0x9  }
0x4: {  	s18 =	simm.s32 $0x80;
	s19 =	simm.s32 $0x5000;
	s22 =	simm.s32 $0x6000  }
0x5: {  	s31 =	simm.s32 $0x8000;
	s17 =	simm.s32 $0x8800;
	s8 =	smul.u32 $0x4F0, s13  }
0x6: {  	s20 =	simm.s32 $0x1;
	s21 =	simm.s32 $0x3;
	s11 =	smul.u32 $0x2780, s13  }
0x7: {  	s0 =	sand.u32 $0x1, s0;
	s12 =	smul.u32 $0x9E00, s13;
	s14 =	sadd.s32 $0x3C00, s1  }
0x8: {  	s3 =	sshll.u32 s0, $0x4;
	s7 =	smul.u32 $0x4F00, s0;
	s10 =	ssub.s32 $0x2, s0  }
0x9: {  	p0 =	seq.s32 s0, $0x1;
	s4 =	sor.u32 s13, s3;
	s3 =	simm.s32 $0x0  }
0xa: {  	s23 =	sshrl.u32 s10, $0x1;
	s24 =	sshrl.u32 s11, $0x3;
	s25 =	sshrl.u32 s12, $0x2  }
0xb: {  	s15 =	sadd.s32 s11, s2;
	s6 =	smul.u32 $0x500, s4;
	[smem:$0x7FF] =	sst s3  }
0xc: {  	s4 =	sadd.s32 $0xE200, s1;
	s7 =	sadd.s32 s8, s7;
	s8 =	ssub.s32 s10, s23  }
0xd: {  	s15 =	sshrl.u32 @!p0 s15, $0x3;
	s23 =	simm.s32 $0x7;
	_ =	strace $0x80000050  }
0xe: {  	[dreg:$0x4] =	wrdreg s14;
	s0 =	sadd.s32 s4, s24;
	s30 =	smax.u32 s8, $0x1  }
0xf: {  	s24 =	simm.s32 $0x8;
	s9 =	sadd.s32 s6, s1;
	s1 =	sadd.s32 s7, s1  }
0x10: {  	[dreg:$0x5] =	wrdreg s0;
	s7 =	sadd.s32 s25, s2;
	s26 =	sadd.s32 s5, s6  }
.Ltmp0:
0x11: {  	[dreg:$0x9] =	wrdreg s30;
	s0 =	sshll.u32 @p0 s13, $0x6;
	(pc) =	sbr.rel .LBB2_1-.Ltmp0, $4  }
0x12: {  	s25 =	simm.s32 $0x0;
	[dreg:$0x6] =	wrdreg s26;
	s28 =	sadd.s32 $0x4200, s9  }
0x13: {  	s29 =	sadd.s32 $0x13200, s1;
	s1 =	sshll.u32 @!p0 s13, $0x6;
	s12 =	sor.u32 @p0 $0x1C09, s0  }
0x14: {  	s13 =	sshrl.u32 @p0 s7, $0x3;
	s26 =	simm.s32 $0x7000;
	[dreg:$0x7] =	wrdreg s28  }
0x15: {  	s0 =	simm.s32 $0x5;
	[dreg:$0x8] =	wrdreg s29;
	s14 =	sor.u32 @!p0 $0x1C09, s1  }
.LBB2_4:
0x16: {  	_ =	swait.ge [sflag:s24], $0x800  }
0x17: {  	[sflag:s24] =	ssyncset.done $0x0  }
0x18: {  	[sflag:s24] =	ssyncadd.s32 $0xFFFFF800  }
0x19: {  	[spmem:s2] =	stream.indirect.scatter.add.f32 [tilespmem:s17], [sflag:$0x9], $0x10, s1, s18, $0xb8;
	[tilespmem:$0xB780] =	vst v63  }
0x1a: {  	_ =	swait.ge [sflag:s16], $0x800  }
0x1b: {  	[sflag:s16] =	ssyncset.done $0x0  }
0x1c: {  	s29 =	stileid.u32;
	[sflag:s16] =	ssyncadd.s32 $0xFFFFF800  }
0x1d: {  	s1 =	sshll.u32 s29, $0x6;
	[bflag:$0x0] =	sbarrier.arrive $0xFFFF  }
0x1e: {  	s5 =	sshrl.u32 s7, $0x3;
	s1 =	sor.u32 $0x1C09, s1;
	s6 =	rddreg [dreg:$0x8]  }
0x1f: {  	[hbm:s6], [sflag:s1] =	dma.local [spmem:s5], $0x4F0  }
0x20: {  	_ =	swait.ge [sflag:s16], $0x4F0  }
0x21: {  	s25 =	sadd.s32 $0x1, s25;
	s30 =	rddreg [dreg:$0x9]  }
0x22: {  	p1 =	sne.s32 s25, s30  }
.Ltmp1:
0x23: {  	_ = 	snop;
	(pc) =	sbr.rel @!p1 .LBB2_5-.Ltmp1, $3  }
0x24: {  	_ =	sdelay $0x1  }
0x25: {  	[sflag:s16] =	ssyncset.done $0x0  }
0x26: {  	[sflag:s16] =	ssyncadd.s32 $0xFFFFFB10  }
.LBB2_1:
0x27: {  	s1 =	rddreg [dreg:$0x4]  }
0x28: {  	[spmem:s13], [sflag:s12] =	dma.local @p0 [hbm:s1], $0x4F0  }
0x29: {  	s1 =	rddreg [dreg:$0x5]  }
0x2a: {  	[spmem:s15], [sflag:s14] =	dma.local @!p0 [hbm:s1], $0x4F0  }
0x2b: {  	_ =	swait.ge [sflag:s16], $0x4F0  }
0x2c: {  	[sflag:s16] =	ssyncset.done $0x0  }
0x2d: {  	s11 =	rddreg [dreg:$0x6];
	[sflag:s16] =	ssyncadd.s32 $0xFFFFFB10  }
0x2e: {  	[tilespmem:s3], [sflag:$0x9] =	stream.linear.gather [hbm4b:s11+s3], $0x2800, $0x38;
	[tilespmem:$0xB780] =	vst v63  }
0x2f: {  	_ =	swait.ge [sflag:s16], $0x2800  }
0x30: {  	[sflag:s16] =	ssyncset.done $0x0  }
0x31: {  	s5 =	simm.s32 $0x2800;
	s29 =	rddreg [dreg:$0x7];
	[sflag:s16] =	ssyncadd.s32 $0xFFFFD800  }
0x32: {  	[tilespmem:s5], [sflag:$0x9] =	stream.linear.gather [hbm4b:s29+s3], $0x2800, $0x38;
	[tilespmem:$0xB780] =	vst v63  }
0x33: {  	_ =	swait.ge [sflag:s16], $0x2800  }
0x34: {  	[sflag:s16] =	ssyncset.done $0x0  }
0x35: {  	[sflag:s16] =	ssyncadd.s32 $0xFFFFD800  }
0x36: {  	[bflag:$0x0] =	sbarrier.arrive $0xFFFF  }
0x37: {  	[tilespmem:s19], [sflag:$0x1] =	stream.indirect.gather [hbm4b:s4+s18], $0x10, s3, s18, $0xb8;
	[tilespmem:$0xB780] =	vst v63  }
0x38: {  	s30 =	simm.s32 $0x5800  }
0x39: {  	[tilespmem:s30], [sflag:$0x2] =	stream.indirect.gather [hbm4b:s4+s18], $0x10, s18, s18, $0xb8;
	[tilespmem:$0xB780] =	vst v63  }
0x3a: {  	s5 =	simm.s32 $0x100  }
0x3b: {  	[tilespmem:s22], [sflag:$0x3] =	stream.indirect.gather [hbm4b:s4+s18], $0x10, s5, s18, $0xb8;
	[tilespmem:$0xB780] =	vst v63  }
0x3c: {  	s6 =	simm.s32 $0x180;
	s8 =	simm.s32 $0x6800  }
0x3d: {  	[tilespmem:s8], [sflag:$0x4] =	stream.indirect.gather [hbm4b:s4+s18], $0x10, s6, s18, $0xb8;
	[tilespmem:$0xB780] =	vst v63  }
0x3e: {  	s9 =	simm.s32 $0x200  }
0x3f: {  	[tilespmem:s26], [sflag:$0x5] =	stream.indirect.gather [hbm4b:s4+s18], $0x10, s9, s18, $0xb8;
	[tilespmem:$0xB780] =	vst v63  }
0x40: {  	s10 =	simm.s32 $0x280;
	s11 =	simm.s32 $0x7800  }
0x41: {  	[tilespmem:s11], [sflag:$0x6] =	stream.indirect.gather [hbm4b:s4+s18], $0x10, s10, s18, $0xb8;
	[tilespmem:$0xB780] =	vst v63  }
0x42: {  	s29 =	simm.s32 $0x300  }
0x43: {  	[tilespmem:s31], [sflag:$0x7] =	stream.indirect.gather [hbm4b:s4+s18], $0x10, s29, s18, $0xb8;
	[tilespmem:$0xB780] =	vst v63  }
0x44: {  	s28 =	simm.s32 $0x0;
	s30 =	simm.s32 $0x380  }
0x45: {  	[tilespmem:s17], [sflag:$0x8] =	stream.indirect.gather [hbm4b:s4+s18], $0x10, s30, s18, $0xb8;
	[tilespmem:$0xB780] =	vst v63  }
.LBB2_2:
0x46: {  	_ =	swait.ge [sflag:s20], $0x800  }
0x47: {  	s29 =	sshra.s32 s28, $0x2;
	[sflag:s20] =	ssyncset.done $0x0  }
0x48: {  	s1 =	sadd.s32 $0x2800, s29;
	[sflag:s20] =	ssyncadd.s32 $0xFFFFF800  }
0x49: {  	[spmem:s2] =	stream.indirect.scatter.add.f32 [tilespmem:s19], [sflag:$0x9], $0x10, s1, s18, $0xb8;
	[tilespmem:$0xB780] =	vst v63  }
0x4a: {  	_ =	swait.ge [sflag:s16], $0x800  }
0x4b: {  	p1 =	seq.s32 s28, $0x9000;
	[sflag:s16] =	ssyncset.done $0x0  }
0x4c: {  	s1 =	simm.s32 @p1 $0x2;
	[sflag:s16] =	ssyncadd.s32 $0xFFFFF800  }
0x4d: {  	_ =	swait.ge @p1 [sflag:s1], $0x800  }
0x4e: {  	s5 =	sshra.s32 @p1 s28, $0x2;
	s6 =	simm.s32 @p1 $0x80;
	[sflag:s1] =	ssyncset.done @p1 $0x0  }
0x4f: {  	s8 =	simm.s32 @p1 $0x5800;
	[sflag:s1] =	ssyncadd.s32 @p1 $0xFFFFF800;
	s1 =	sadd.s32 @p1 $0x2880, s5  }
0x50: {  	[spmem:s2] =	stream.indirect.scatter.add.f32 @p1 [tilespmem:s8], [sflag:$0x9], $0x10, s1, s6, $0xb8;
	[tilespmem:$0xB780] =	vst v63  }
0x51: {  	s8 =	simm.s32 @p1 $0x9  }
0x52: {  	_ =	swait.ge @p1 [sflag:s8], $0x800  }
0x53: {  	s30 =	sshra.s32 @!p1 s28, $0x2;
	s10 =	simm.s32 @!p1 $0x5000;
	[sflag:s8] =	ssyncset.done @p1 $0x0  }
0x54: {  	s9 =	sadd.s32 @!p1 $0x400, s30;
	s1 =	simm.s32 @!p1 $0x80;
	[sflag:s8] =	ssyncadd.s32 @p1 $0xFFFFF800  }
0x55: {  	[tilespmem:s10], [sflag:$0x1] =	stream.indirect.gather @!p1 [hbm4b:s4+s1], $0x10, s9, s1, $0xb8;
	[tilespmem:$0xB780] =	vst v63  }
0x56: {  	s9 =	simm.s32 @!p1 $0x2  }
0x57: {  	_ =	swait.ge @!p1 [sflag:s9], $0x800  }
0x58: {  	[sflag:s9] =	ssyncset.done @!p1 $0x0  }
0x59: {  	s10 =	simm.s32 @!p1 $0x5800;
	[sflag:s9] =	ssyncadd.s32 @!p1 $0xFFFFF800;
	s9 =	sadd.s32 @!p1 $0x2880, s30  }
0x5a: {  	[spmem:s2] =	stream.indirect.scatter.add.f32 @!p1 [tilespmem:s10], [sflag:$0x9], $0x10, s9, s1, $0xb8;
	[tilespmem:$0xB780] =	vst v63  }
0x5b: {  	s9 =	simm.s32 @!p1 $0x9  }
0x5c: {  	_ =	swait.ge @!p1 [sflag:s9], $0x800  }
0x5d: {  	[sflag:s9] =	ssyncset.done @!p1 $0x0  }
0x5e: {  	s11 =	sadd.s32 @!p1 $0x480, s30;
	[sflag:s9] =	ssyncadd.s32 @!p1 $0xFFFFF800  }
0x5f: {  	[tilespmem:s10], [sflag:$0x2] =	stream.indirect.gather @!p1 [hbm4b:s4+s1], $0x10, s11, s1, $0xb8;
	[tilespmem:$0xB780] =	vst v63  }
0x60: {  	_ =	swait.ge [sflag:s21], $0x800  }
0x61: {  	[sflag:s21] =	ssyncset.done $0x0  }
0x62: {  	s11 =	sadd.s32 $0x2900, s29;
	[sflag:s21] =	ssyncadd.s32 $0xFFFFF800  }
0x63: {  	[spmem:s2] =	stream.indirect.scatter.add.f32 [tilespmem:s22], [sflag:$0x9], $0x10, s11, s18, $0xb8;
	[tilespmem:$0xB780] =	vst v63  }
0x64: {  	_ =	swait.ge [sflag:s16], $0x800  }
0x65: {  	[sflag:s16] =	ssyncset.done $0x0  }
0x66: {  	s10 =	simm.s32 @p1 $0x4;
	[sflag:s16] =	ssyncadd.s32 $0xFFFFF800  }
0x67: {  	_ =	swait.ge @p1 [sflag:s10], $0x800  }
0x68: {  	[sflag:s10] =	ssyncset.done @p1 $0x0  }
0x69: {  	s11 =	simm.s32 @p1 $0x6800;
	[sflag:s10] =	ssyncadd.s32 @p1 $0xFFFFF800;
	s10 =	sadd.s32 @p1 $0x2980, s5  }
0x6a: {  	[spmem:s2] =	stream.indirect.scatter.add.f32 @p1 [tilespmem:s11], [sflag:$0x9], $0x10, s10, s6, $0xb8;
	[tilespmem:$0xB780] =	vst v63  }
0x6b: {  	_ =	swait.ge @p1 [sflag:s8], $0x800  }
0x6c: {  	[sflag:s8] =	ssyncset.done @p1 $0x0  }
0x6d: {  	s10 =	sadd.s32 @!p1 $0x500, s30;
	s11 =	simm.s32 @!p1 $0x6000;
	[sflag:s8] =	ssyncadd.s32 @p1 $0xFFFFF800  }
0x6e: {  	[tilespmem:s11], [sflag:$0x3] =	stream.indirect.gather @!p1 [hbm4b:s4+s1], $0x10, s10, s1, $0xb8;
	[tilespmem:$0xB780] =	vst v63  }
0x6f: {  	s10 =	simm.s32 @!p1 $0x4  }
0x70: {  	_ =	swait.ge @!p1 [sflag:s10], $0x800  }
0x71: {  	[sflag:s10] =	ssyncset.done @!p1 $0x0  }
0x72: {  	s11 =	simm.s32 @!p1 $0x6800;
	[sflag:s10] =	ssyncadd.s32 @!p1 $0xFFFFF800;
	s10 =	sadd.s32 @!p1 $0x2980, s30  }
0x73: {  	[spmem:s2] =	stream.indirect.scatter.add.f32 @!p1 [tilespmem:s11], [sflag:$0x9], $0x10, s10, s1, $0xb8;
	[tilespmem:$0xB780] =	vst v63  }
0x74: {  	_ =	swait.ge @!p1 [sflag:s9], $0x800  }
0x75: {  	[sflag:s9] =	ssyncset.done @!p1 $0x0  }
0x76: {  	s10 =	sadd.s32 @!p1 $0x580, s30;
	[sflag:s9] =	ssyncadd.s32 @!p1 $0xFFFFF800  }
0x77: {  	[tilespmem:s11], [sflag:$0x4] =	stream.indirect.gather @!p1 [hbm4b:s4+s1], $0x10, s10, s1, $0xb8;
	[tilespmem:$0xB780] =	vst v63  }
0x78: {  	_ =	swait.ge [sflag:s0], $0x800  }
0x79: {  	[sflag:s0] =	ssyncset.done $0x0  }
0x7a: {  	s11 =	sadd.s32 $0x2A00, s29;
	[sflag:s0] =	ssyncadd.s32 $0xFFFFF800  }
0x7b: {  	[spmem:s2] =	stream.indirect.scatter.add.f32 [tilespmem:s26], [sflag:$0x9], $0x10, s11, s18, $0xb8;
	[tilespmem:$0xB780] =	vst v63  }
0x7c: {  	_ =	swait.ge [sflag:s16], $0x800  }
0x7d: {  	[sflag:s16] =	ssyncset.done $0x0  }
0x7e: {  	s10 =	simm.s32 @p1 $0x6;
	[sflag:s16] =	ssyncadd.s32 $0xFFFFF800  }
0x7f: {  	_ =	swait.ge @p1 [sflag:s10], $0x800  }
0x80: {  	[sflag:s10] =	ssyncset.done @p1 $0x0  }
0x81: {  	s5 =	sadd.s32 @p1 $0x2A80, s5;
	[sflag:s10] =	ssyncadd.s32 @p1 $0xFFFFF800;
	s10 =	simm.s32 @p1 $0x7800  }
0x82: {  	[spmem:s2] =	stream.indirect.scatter.add.f32 @p1 [tilespmem:s10], [sflag:$0x9], $0x10, s5, s6, $0xb8;
	[tilespmem:$0xB780] =	vst v63  }
0x83: {  	_ =	swait.ge @p1 [sflag:s8], $0x800  }
0x84: {  	[sflag:s8] =	ssyncset.done @p1 $0x0  }
0x85: {  	s5 =	sadd.s32 @!p1 $0x600, s30;
	s6 =	simm.s32 @!p1 $0x7000;
	[sflag:s8] =	ssyncadd.s32 @p1 $0xFFFFF800  }
0x86: {  	[tilespmem:s6], [sflag:$0x5] =	stream.indirect.gather @!p1 [hbm4b:s4+s1], $0x10, s5, s1, $0xb8;
	[tilespmem:$0xB780] =	vst v63  }
0x87: {  	s5 =	simm.s32 @!p1 $0x6  }
0x88: {  	_ =	swait.ge @!p1 [sflag:s5], $0x800  }
0x89: {  	[sflag:s5] =	ssyncset.done @!p1 $0x0  }
0x8a: {  	s6 =	simm.s32 @!p1 $0x7800;
	[sflag:s5] =	ssyncadd.s32 @!p1 $0xFFFFF800;
	s5 =	sadd.s32 @!p1 $0x2A80, s30  }
0x8b: {  	[spmem:s2] =	stream.indirect.scatter.add.f32 @!p1 [tilespmem:s6], [sflag:$0x9], $0x10, s5, s1, $0xb8;
	[tilespmem:$0xB780] =	vst v63  }
0x8c: {  	_ =	swait.ge @!p1 [sflag:s9], $0x800  }
0x8d: {  	[sflag:s9] =	ssyncset.done @!p1 $0x0  }
0x8e: {  	s5 =	sadd.s32 @!p1 $0x680, s30;
	[sflag:s9] =	ssyncadd.s32 @!p1 $0xFFFFF800  }
0x8f: {  	[tilespmem:s6], [sflag:$0x6] =	stream.indirect.gather @!p1 [hbm4b:s4+s1], $0x10, s5, s1, $0xb8;
	[tilespmem:$0xB780] =	vst v63  }
0x90: {  	_ =	swait.ge [sflag:s23], $0x800  }
0x91: {  	[sflag:s23] =	ssyncset.done $0x0  }
.Ltmp2:
0x92: {  	s30 =	sadd.s32 $0x2B00, s29;
	[sflag:s23] =	ssyncadd.s32 $0xFFFFF800;
	(pc) =	sbr.rel @p1 .LBB2_4-.Ltmp2, $4  }
0x93: {  	[spmem:s2] =	stream.indirect.scatter.add.f32 [tilespmem:s31], [sflag:$0x9], $0x10, s30, s18, $0xb8;
	[tilespmem:$0xB780] =	vst v63  }
0x94: {  	_ =	swait.ge [sflag:s16], $0x800  }
0x95: {  	[sflag:s16] =	ssyncset.done $0x0  }
0x96: {  	s1 =	sadd.s32 $0x2B80, s29;
	[sflag:s16] =	ssyncadd.s32 $0xFFFFF800  }
0x97: {  	s5 =	sadd.s32 $0x700, s29  }
0x98: {  	[tilespmem:s31], [sflag:$0x7] =	stream.indirect.gather [hbm4b:s4+s18], $0x10, s5, s18, $0xb8;
	[tilespmem:$0xB780] =	vst v63  }
0x99: {  	_ =	swait.ge [sflag:s24], $0x800  }
0x9a: {  	[sflag:s24] =	ssyncset.done $0x0  }
0x9b: {  	[sflag:s24] =	ssyncadd.s32 $0xFFFFF800  }
0x9c: {  	[spmem:s2] =	stream.indirect.scatter.add.f32 [tilespmem:s17], [sflag:$0x9], $0x10, s1, s18, $0xb8;
	[tilespmem:$0xB780] =	vst v63  }
.Ltmp3:
0x9d: {  	_ = 	snop;
	(pc) =	sbr.rel .LBB2_2-.Ltmp3, $4  }
0x9e: {  	_ =	swait.ge [sflag:s16], $0x800  }
0x9f: {  	[sflag:s16] =	ssyncset.done $0x0  }
0xa0: {  	s30 =	sadd.s32 $0x780, s29;
	s28 =	sadd.s32 $0x1000, s28;
	[sflag:s16] =	ssyncadd.s32 $0xFFFFF800  }
0xa1: {  	[tilespmem:s17], [sflag:$0x8] =	stream.indirect.gather [hbm4b:s4+s18], $0x10, s30, s18, $0xb8;
	[tilespmem:$0xB780] =	vst v63  }
.LBB2_5:
0xa2: {  	_ =	sfence.sel $0x180000  }
0xa3: {  	[bflag:$0x0] =	sbarrier.arrive $0xFFFF  }
0xa4: {  	_ =	strace $0x90000050  }
0xa5: {  	s0 =	stileid.u32;
	[bflag:$0x2] =	sbarrier.arrive $0xFFFF  }
0xa6: {  	p0 =	sne.s32 s0, $0x0;
	s0 =	rddreg [dreg:$0x3]  }
0xa7: {  	s0 =	sadd.s32 @!p0 $0x100000, s0  }
0xa8: {  	[sflag:s0] =	ssyncadd.tile.s32 @!p0 $0x1;
	_ =	shalt  }
.Lfunc_end2:
_tile_overlayer_lowered:
.L_overlay_start_2:
0xa9: {  	(tag) =	ssettag $0x2  }
0xaa: {  	s0 =	rddreg [dreg:$0x0];
	s2 =	stileid.u32  }
0xab: {  	s1 =	rddreg [dreg:$0x1];
	p0 =	sne.s32 s2, $0x0  }
0xac: {  	s3 =	rddreg [dreg:$0x2];
	[bflag:$0x3] =	sbarrier.arrive $0xFFFF;
	s2 =	simm.s32 @!p0 $0x1C09  }
0xad: {  	[timem:s3], [sflag:s2] =	dma.local @!p0 [hbm:s0], s1  }
0xae: {  	s0 =	simm.s32 @!p0 $0x9  }
0xaf: {  	_ =	swait.ge @!p0 [sflag:s0], s1  }
0xb0: {  	s1 =	ssub.s32 @!p0 $0x0, s1;
	[sflag:s0] =	ssyncset.done @!p0 $0x0  }
0xb1: {  	[sflag:s0] =	ssyncadd.s32 @!p0 s1  }
0xb2: {  	[bflag:$0x3] =	sbarrier.arrive $0xFFFF  }
0xb3: {  	_ =	shalt  }

// kernel: kernel.25.cloned.1.call-start
scs
__scs_entry_jumppad:
0x0: {  	(pc) =	sbr.rel $0x88, $3  }
0x1: {  	(tag) =	ssettag $0x0;
	lr =	simm.s32 $0x1  }
0x2: {  	[smem:$0x3F97] =	sst lr;
	_ =	strace $0xD0000000  }
0x3: {  	_ = 	snop  }
0x4: {  	_ = 	snop  }
0x5: {  	_ = 	snop  }
0x6: {  	_ = 	snop  }
0x7: {  	_ = 	snop  }
__scs_overlays_trampoline_lowered:
0x8: {  	[smem:$0x3FA6] =	sst s0  }
0x9: {  	[smem:$0x3FA7] =	sst s1  }
0xa: {  	[smem:$0x3FA8] =	sst s2  }
0xb: {  	[smem:$0x3FA9] =	sst s3  }
0xc: {  	[smem:$0x3FAA] =	sst s4  }
0xd: {  	[smem:$0x3FAB] =	sst s5  }
0xe: {  	[smem:$0x3FAC] =	sst s6  }
0xf: {  	[smem:$0x3FAD] =	sst s7  }
0x10: {  	[smem:$0x3FAE] =	sst s8  }
0x11: {  	[smem:$0x3FAF] =	sst s9;
	s0 =	simm.s32 @!p0 $0x0  }
0x12: {  	s1 =	sld [smem:$0x3F95];
	s0 =	simm.s32 @p0 $0x1  }
0x13: {  	[smem:$0x3FB0] =	sst s0;
	s0 =	simm.s32 @!p1 $0x0  }
0x14: {  	s2 =	sld [smem:$0x3F94];
	s0 =	simm.s32 @p1 $0x1  }
0x15: {  	[smem:$0x3FB1] =	sst s0;
	s0 =	simm.s32 @!p2 $0x0  }
0x16: {  	s3 =	sld [smem:$0x3FDB];
	s0 =	simm.s32 @p2 $0x1  }
0x17: {  	s4 =	simm.s32 $0x1BF5;
	[smem:$0x3FB3] =	sst s0  }
0x18: {  	s0 =	sld [smem:$0x3F96];
	_ =	swait.ge [sflag:s4], $0x0  }
0x19: {  	s7 =	sld [smem:$0x3F97]  }
0x1a: {  	s8 =	sadd.s32 $0xFFFFE003, lr  }
0x1b: {  	s9 =	sadd.s32 $0xFFFFFEF7, lr;
	s5 =	simm.s32 $0xFFFFFFFF;
	p2 =	slt.u32 s8, $0xFFFFF086  }
0x1c: {  	p1 =	slt.u32 s9, $0xF7A;
	s5 =	simm.s32 @!p2 $0x0  }
0x1d: {  	s5 =	simm.s32 @p1 $0x1;
	p0 =	seq.s32 s7, s2  }
0x1e: {  	s7 =	smul.u32 @!p0 $0xF7A, s2;
	p2 =	seq.s32 @!p0 s5, $0x0  }
0x1f: {  	s9 =	smul.u32 $0xF7A, s1;
	s8 =	simm.s32 @!p0 $0x1BF5;
	p2 =	por !p2, p0  }
0x20: {  	[sflag:s8] =	ssyncset.s32 @!p0 $0xFFFFF086;
	s6 =	sadd.s32 @!p0 s3, s7;
	s7 =	simm.s32 @!p0 $0x108  }
0x21: {  	s3 =	sadd.s32 s3, s9;
	s6 =	sadd.s32 @!p0 $0x88, s6;
	s7 =	simm.s32 @p2 $0x1082  }
0x22: {  	[simem:s7], [sflag:s8] =	dma.local @!p0 [hbm:s6], $0xF7A  }
0x23: {  	s9 =	sor.u32 $0xD0000000, s2;
	s6 =	simm.s32 $0x108;
	_ =	swait.ge @!p0 [sflag:s8], $0x0  }
0x24: {  	s3 =	sadd.s32 $0x88, s3;
	s6 =	simm.s32 @!p1 $0x1082;
	[sflag:s4] =	ssyncset.s32 $0xFFFFF086  }
0x25: {  	[simem:s6], [sflag:s4] =	dma.local [hbm:s3], $0xF7A  }
0x26: {  	[smem:$0x3F97] =	sst s1;
	(tag) =	ssettag s2;
	_ =	strace s9  }
0x27: {  	s1 =	sld [smem:$0x3FA7]  }
0x28: {  	s2 =	sld [smem:$0x3FA8]  }
0x29: {  	s4 =	sld [smem:$0x3FAA]  }
0x2a: {  	p0 =	seq.s32 s5, $0x0;
	s5 =	sld [smem:$0x3FAB]  }
0x2b: {  	s6 =	sld [smem:$0x3FAC]  }
0x2c: {  	s7 =	sld [smem:$0x3FAD]  }
0x2d: {  	s3 =	simm.s32 $0x108;
	s8 =	sld [smem:$0x3FAE]  }
0x2e: {  	s3 =	simm.s32 @!p0 $0x1082;
	s9 =	sld [smem:$0x3FAF]  }
0x2f: {  	lr =	sadd.s32 s0, s3;
	s0 =	sld [smem:$0x3FA6]  }
0x30: {  	s3 =	sld [smem:$0x3FA9]  }
0x31: {  	[smem:$0x3FB2] =	sst s10  }
0x32: {  	s10 =	sld [smem:$0x3FB0];
	_ =	sdelay $0x3  }
0x33: {  	p0 =	seq.s32 s10, $0x1;
	s10 =	sld [smem:$0x3FB2];
	_ =	sdelay $0x3  }
0x34: {  	[smem:$0x3FB2] =	sst s10  }
0x35: {  	s10 =	sld [smem:$0x3FB1];
	_ =	sdelay $0x3  }
0x36: {  	p1 =	seq.s32 s10, $0x1;
	s10 =	sld [smem:$0x3FB2];
	_ =	sdelay $0x3  }
0x37: {  	[smem:$0x3FB2] =	sst s10  }
0x38: {  	s10 =	sld [smem:$0x3FB3]  }
0x39: {  	_ = 	snop;
	(pc) =	sbr.ind lr, $3  }
0x3a: {  	_ = 	snop  }
0x3b: {  	_ = 	snop  }
0x3c: {  	p2 =	seq.s32 s10, $0x1;
	s10 =	sld [smem:$0x3FB2]  }
0x3d: {  	_ =	shalt  }
0x3e: {  	_ =	shalt  }
0x3f: {  	_ =	shalt  }
0x40: {  	_ =	shalt  }
0x41: {  	_ =	shalt  }
0x42: {  	_ =	shalt  }
0x43: {  	_ =	shalt  }
0x44: {  	_ =	shalt  }
0x45: {  	_ =	shalt  }
0x46: {  	_ =	shalt  }
0x47: {  	_ =	shalt  }
0x48: {  	_ =	shalt  }
0x49: {  	_ =	shalt  }
0x4a: {  	_ =	shalt  }
0x4b: {  	_ =	shalt  }
0x4c: {  	_ =	shalt  }
0x4d: {  	_ =	shalt  }
0x4e: {  	_ =	shalt  }
0x4f: {  	_ =	shalt  }
0x50: {  	_ =	shalt  }
0x51: {  	_ =	shalt  }
0x52: {  	_ =	shalt  }
0x53: {  	_ =	shalt  }
0x54: {  	_ =	shalt  }
0x55: {  	_ =	shalt  }
0x56: {  	_ =	shalt  }
0x57: {  	_ =	shalt  }
0x58: {  	_ =	shalt  }
0x59: {  	_ =	shalt  }
0x5a: {  	_ =	shalt  }
0x5b: {  	_ =	shalt  }
0x5c: {  	_ =	shalt  }
0x5d: {  	_ =	shalt  }
0x5e: {  	_ =	shalt  }
0x5f: {  	_ =	shalt  }
0x60: {  	_ =	shalt  }
0x61: {  	_ =	shalt  }
0x62: {  	_ =	shalt  }
0x63: {  	_ =	shalt  }
0x64: {  	_ =	shalt  }
0x65: {  	_ =	shalt  }
0x66: {  	_ =	shalt  }
0x67: {  	_ =	shalt  }
0x68: {  	_ =	shalt  }
0x69: {  	_ =	shalt  }
0x6a: {  	_ =	shalt  }
0x6b: {  	_ =	shalt  }
0x6c: {  	_ =	shalt  }
0x6d: {  	_ =	shalt  }
0x6e: {  	_ =	shalt  }
0x6f: {  	_ =	shalt  }
0x70: {  	_ =	shalt  }
0x71: {  	_ =	shalt  }
0x72: {  	_ =	shalt  }
0x73: {  	_ =	shalt  }
0x74: {  	_ =	shalt  }
0x75: {  	_ =	shalt  }
0x76: {  	_ =	shalt  }
0x77: {  	_ =	shalt  }
0x78: {  	_ =	shalt  }
0x79: {  	_ =	shalt  }
0x7a: {  	_ =	shalt  }
0x7b: {  	_ =	shalt  }
0x7c: {  	_ =	shalt  }
0x7d: {  	_ =	shalt  }
0x7e: {  	_ =	shalt  }
0x7f: {  	_ =	shalt  }
0x80: {  	_ =	shalt  }
0x81: {  	_ =	shalt  }
0x82: {  	_ =	shalt  }
0x83: {  	_ =	shalt  }
0x84: {  	_ =	shalt  }
0x85: {  	_ =	shalt  }
0x86: {  	_ =	shalt  }
0x87: {  	_ =	shalt  }
.Lfunc_end0:
.L_simem_size_0:
called_computation.4_lowered:
.L_overlay_start_0:
0x88: {  	s2 =	sld [smem:$0x3FD9]  }
0x89: {  	s3 =	sld [smem:$0x3FFE];
	_ =	sdelay $0x1  }
0x8a: {  	s1 =	srdreg.scid  }
0x8b: {  	s0 =	sand.u32 $0x1, s1  }
0x8c: {  	s17 =	sshll.u32 s0, $0xA;
	s2 =	sadd.s32 s3, s2  }
0x8d: {  	s2 =	sadd.s32 s2, s17  }
0x8e: {  	[smem:$0x3FBE] =	sst s2  }
0x8f: {  	_ = 	snop  }
0x90: {  	s2 =	sld [smem:$0x3FD0];
	(tm) =	ssettm $0x1  }
0x91: {  	s18 =	sld [smem:$0x3FFB];
	_ =	sdelay $0x3  }
0x92: {  	_ =	strace s18  }
0x93: {  	s3 =	sld [smem:$0x3FFC];
	_ =	sdelay $0x3  }
0x94: {  	_ =	strace s3  }
0x95: {  	s3 =	sld [smem:$0x3FFD];
	_ =	sdelay $0x3  }
0x96: {  	_ =	strace s3  }
0x97: {  	_ =	strace $0x8FFFFFFF  }
0x98: {  	s19 =	sld [smem:$0x3FDB];
	_ =	sdelay $0x1  }
0x99: {  	s4 =	simm.s32 $_scs_section_size  }
0x9a: {  	s5 =	simm.s32 $_size__tile_overlayer_lowered;
	s6 =	simm.s32 $_tile_overlayer_lowered  }
0x9b: {  	s22 =	simm.s32 $0x1BFF;
	s21 =	sshll.u32 s6, $0x1;
	s3 =	sadd.s32 s4, s19  }
0x9c: {  	s7 =	simm.s32 $0x0;
	s20 =	sshll.u32 s5, $0x1;
	s5 =	sadd.s32 s21, s3  }
0x9d: {  	[timem:s7], [sflag:s22] =	dma.local [hbm:s5], s20  }
0x9e: {  	_ =	swait.ge [sflag:s22], s20  }
0x9f: {  	s4 =	ssub.s32 $0x0, s20;
	[sflag:s22] =	ssyncset.done $0x0  }
0xa0: {  	[sflag:s22] =	ssyncadd.s32 s4;
	_ =	sdelay $0x1  }
0xa1: {  	s23 =	simm.s32 $0x1B8B  }
0xa2: {  	_ =	swait.ge [sflag:s23], $0x1  }
0xa3: {  	[sflag:s23] =	ssyncset.done $0x0  }
0xa4: {  	s25 =	simm.s32 $0x1B8E;
	s24 =	sld [smem:$0x3FFE];
	[sflag:s23] =	ssyncadd.s32 $0xFFFFFFFF  }
0xa5: {  	s26 =	simm.s32 $execute0_lowered;
	[smem:$0x3FD2] =	sst s25  }
0xa6: {  	s5 =	sshll.u32 s26, $0x1;
	_ =	strace $0x80000052;
	[dreg:$0x1] =	wrdreg $0xFFFFFFFF  }
0xa7: {  	s28 =	simm.s32 $_size_execute0_lowered;
	s3 =	sadd.s32 s3, s5;
	[dreg:$0x0] =	wrdreg $0x0  }
0xa8: {  	s5 =	sshll.u32 s28, $0x1;
	[dreg:$0x2] =	wrdreg s3  }
0xa9: {  	[dreg:$0x3] =	wrdreg s5  }
0xaa: {  	[dreg:$0x4] =	wrdreg $0xC0  }
0xab: {  	_ =	task [dreg:s7], $0x5FFFF  }
0xac: {  	[dreg:$0x1] =	wrdreg $0xFFFFFFFF  }
0xad: {  	[dreg:$0x0] =	wrdreg $0x60  }
0xae: {  	[dreg:$0x2] =	wrdreg s24  }
0xaf: {  	[dreg:$0x3] =	wrdreg s2  }
0xb0: {  	[dreg:$0x4] =	wrdreg $0x90000  }
0xb1: {  	[dreg:$0x5] =	wrdreg $0x9  }
0xb2: {  	_ =	task.clear_ibuf [dreg:s7], $0x6FFFF;
	_ =	strace $0x90000052  }
0xb3: {  	s29 =	simm.s32 $0x9;
	_ =	strace $0x80000054  }
0xb4: {  	_ =	swait.ge [sflag:s29], $0x1  }
0xb5: {  	[sflag:s29] =	ssyncadd.s32 $0xFFFFFFFF  }
0xb6: {  	_ =	strace $0x90000054  }
0xb7: {  	_ =	sfence  }
0xb8: {  	s30 =	sld [smem:$0x0];
	_ =	sdelay $0x2  }
0xb9: {  	s31 =	sshll.u32 s1, $0xD;
	s1 =	sshrl.u32 s1, $0x2  }
0xba: {  	s3 =	sand.u32 $0x4000, s31;
	s1 =	sadd.s32 s1, s30  }
0xbb: {  	s0 =	sor.u32 s3, s0;
	s1 =	sshll.u32 s1, $0x11  }
0xbc: {  	s0 =	sor.u32 s1, s0  }
0xbd: {  	s0 =	sadd.s32 $0x8F2B, s0  }
0xbe: {  	[sflag:s0] =	ssyncadd.remote.s32 $0x1  }
0xbf: {  	_ =	sfence.sel $0xFFFF  }
0xc0: {  	[dreg:$0x0] =	wrdreg $0xFFFFFFFF;
	(pc) =	sbr.abs _section_cstart, $3  }
0xc1: {  	[dreg:$0x1] =	wrdreg $0xFFFFFFFF  }
0xc2: {  	_ =	task.clear_ibuf [dreg:s7], $0x2FFFF;
	_ =	strace $0x9FFFFFFF  }
0xc3: {  	(tm) =	ssettm $0x7FFFFFFF  }
tec
execute0_lowered:
.L_overlay_start_1:
0x0: {  	(tag) =	ssettag $0x1  }
0x1: {  	s1 =	rddreg [dreg:$0x0]  }
0x2: {  	s0 =	srdreg.scid;
	s5 =	rddreg [dreg:$0x1]  }
0x3: {  	s13 =	stileid.u32;
	s2 =	rddreg [dreg:$0x2];
	s16 =	simm.s32 $0x9  }
0x4: {  	s18 =	simm.s32 $0x80;
	s19 =	simm.s32 $0x5000;
	s22 =	simm.s32 $0x6000  }
0x5: {  	s31 =	simm.s32 $0x8000;
	s17 =	simm.s32 $0x8800;
	s8 =	smul.u32 $0x4F0, s13  }
0x6: {  	s20 =	simm.s32 $0x1;
	s21 =	simm.s32 $0x3;
	s11 =	smul.u32 $0x2780, s13  }
0x7: {  	s0 =	sand.u32 $0x1, s0;
	s12 =	smul.u32 $0x9E00, s13;
	s14 =	sadd.s32 $0x3C00, s1  }
0x8: {  	s3 =	sshll.u32 s0, $0x4;
	s7 =	smul.u32 $0x4F00, s0;
	s10 =	ssub.s32 $0x2, s0  }
0x9: {  	p0 =	seq.s32 s0, $0x1;
	s4 =	sor.u32 s13, s3;
	s3 =	simm.s32 $0x0  }
0xa: {  	s23 =	sshrl.u32 s10, $0x1;
	s24 =	sshrl.u32 s11, $0x3;
	s25 =	sshrl.u32 s12, $0x2  }
0xb: {  	s15 =	sadd.s32 s11, s2;
	s6 =	smul.u32 $0x500, s4;
	[smem:$0x7FF] =	sst s3  }
0xc: {  	s4 =	sadd.s32 $0xE200, s1;
	s7 =	sadd.s32 s8, s7;
	s8 =	ssub.s32 s10, s23  }
0xd: {  	s15 =	sshrl.u32 @!p0 s15, $0x3;
	s23 =	simm.s32 $0x7;
	_ =	strace $0x80000053  }
0xe: {  	[dreg:$0x4] =	wrdreg s14;
	s0 =	sadd.s32 s4, s24;
	s30 =	smax.u32 s8, $0x1  }
0xf: {  	s24 =	simm.s32 $0x8;
	s9 =	sadd.s32 s6, s1;
	s1 =	sadd.s32 s7, s1  }
0x10: {  	[dreg:$0x5] =	wrdreg s0;
	s7 =	sadd.s32 s25, s2;
	s26 =	sadd.s32 s5, s6  }
.Ltmp0:
0x11: {  	[dreg:$0x9] =	wrdreg s30;
	s0 =	sshll.u32 @p0 s13, $0x6;
	(pc) =	sbr.rel .LBB2_1-.Ltmp0, $4  }
0x12: {  	s25 =	simm.s32 $0x0;
	[dreg:$0x6] =	wrdreg s26;
	s28 =	sadd.s32 $0x4200, s9  }
0x13: {  	s29 =	sadd.s32 $0x13200, s1;
	s1 =	sshll.u32 @!p0 s13, $0x6;
	s12 =	sor.u32 @p0 $0x1C09, s0  }
0x14: {  	s13 =	sshrl.u32 @p0 s7, $0x3;
	s26 =	simm.s32 $0x7000;
	[dreg:$0x7] =	wrdreg s28  }
0x15: {  	s0 =	simm.s32 $0x5;
	[dreg:$0x8] =	wrdreg s29;
	s14 =	sor.u32 @!p0 $0x1C09, s1  }
.LBB2_4:
0x16: {  	_ =	swait.ge [sflag:s24], $0x800  }
0x17: {  	[sflag:s24] =	ssyncset.done $0x0  }
0x18: {  	[sflag:s24] =	ssyncadd.s32 $0xFFFFF800  }
0x19: {  	[spmem:s2] =	stream.indirect.scatter.add.f32 [tilespmem:s17], [sflag:$0x9], $0x10, s1, s18, $0xb8;
	[tilespmem:$0xB780] =	vst v63  }
0x1a: {  	_ =	swait.ge [sflag:s16], $0x800  }
0x1b: {  	[sflag:s16] =	ssyncset.done $0x0  }
0x1c: {  	s29 =	stileid.u32;
	[sflag:s16] =	ssyncadd.s32 $0xFFFFF800  }
0x1d: {  	s1 =	sshll.u32 s29, $0x6;
	[bflag:$0x0] =	sbarrier.arrive $0xFFFF  }
0x1e: {  	s5 =	sshrl.u32 s7, $0x3;
	s1 =	sor.u32 $0x1C09, s1;
	s6 =	rddreg [dreg:$0x8]  }
0x1f: {  	[hbm:s6], [sflag:s1] =	dma.local [spmem:s5], $0x4F0  }
0x20: {  	_ =	swait.ge [sflag:s16], $0x4F0  }
0x21: {  	s25 =	sadd.s32 $0x1, s25;
	s30 =	rddreg [dreg:$0x9]  }
0x22: {  	p1 =	sne.s32 s25, s30  }
.Ltmp1:
0x23: {  	_ = 	snop;
	(pc) =	sbr.rel @!p1 .LBB2_5-.Ltmp1, $3  }
0x24: {  	_ =	sdelay $0x1  }
0x25: {  	[sflag:s16] =	ssyncset.done $0x0  }
0x26: {  	[sflag:s16] =	ssyncadd.s32 $0xFFFFFB10  }
.LBB2_1:
0x27: {  	s1 =	rddreg [dreg:$0x4]  }
0x28: {  	[spmem:s13], [sflag:s12] =	dma.local @p0 [hbm:s1], $0x4F0  }
0x29: {  	s1 =	rddreg [dreg:$0x5]  }
0x2a: {  	[spmem:s15], [sflag:s14] =	dma.local @!p0 [hbm:s1], $0x4F0  }
0x2b: {  	_ =	swait.ge [sflag:s16], $0x4F0  }
0x2c: {  	[sflag:s16] =	ssyncset.done $0x0  }
0x2d: {  	s11 =	rddreg [dreg:$0x6];
	[sflag:s16] =	ssyncadd.s32 $0xFFFFFB10  }
0x2e: {  	[tilespmem:s3], [sflag:$0x9] =	stream.linear.gather [hbm4b:s11+s3], $0x2800, $0x38;
	[tilespmem:$0xB780] =	vst v63  }
0x2f: {  	_ =	swait.ge [sflag:s16], $0x2800  }
0x30: {  	[sflag:s16] =	ssyncset.done $0x0  }
0x31: {  	s5 =	simm.s32 $0x2800;
	s29 =	rddreg [dreg:$0x7];
	[sflag:s16] =	ssyncadd.s32 $0xFFFFD800  }
0x32: {  	[tilespmem:s5], [sflag:$0x9] =	stream.linear.gather [hbm4b:s29+s3], $0x2800, $0x38;
	[tilespmem:$0xB780] =	vst v63  }
0x33: {  	_ =	swait.ge [sflag:s16], $0x2800  }
0x34: {  	[sflag:s16] =	ssyncset.done $0x0  }
0x35: {  	[sflag:s16] =	ssyncadd.s32 $0xFFFFD800  }
0x36: {  	[bflag:$0x0] =	sbarrier.arrive $0xFFFF  }
0x37: {  	[tilespmem:s19], [sflag:$0x1] =	stream.indirect.gather [hbm4b:s4+s18], $0x10, s3, s18, $0xb8;
	[tilespmem:$0xB780] =	vst v63  }
0x38: {  	s30 =	simm.s32 $0x5800  }
0x39: {  	[tilespmem:s30], [sflag:$0x2] =	stream.indirect.gather [hbm4b:s4+s18], $0x10, s18, s18, $0xb8;
	[tilespmem:$0xB780] =	vst v63  }
0x3a: {  	s5 =	simm.s32 $0x100  }
0x3b: {  	[tilespmem:s22], [sflag:$0x3] =	stream.indirect.gather [hbm4b:s4+s18], $0x10, s5, s18, $0xb8;
	[tilespmem:$0xB780] =	vst v63  }
0x3c: {  	s6 =	simm.s32 $0x180;
	s8 =	simm.s32 $0x6800  }
0x3d: {  	[tilespmem:s8], [sflag:$0x4] =	stream.indirect.gather [hbm4b:s4+s18], $0x10, s6, s18, $0xb8;
	[tilespmem:$0xB780] =	vst v63  }
0x3e: {  	s9 =	simm.s32 $0x200  }
0x3f: {  	[tilespmem:s26], [sflag:$0x5] =	stream.indirect.gather [hbm4b:s4+s18], $0x10, s9, s18, $0xb8;
	[tilespmem:$0xB780] =	vst v63  }
0x40: {  	s10 =	simm.s32 $0x280;
	s11 =	simm.s32 $0x7800  }
0x41: {  	[tilespmem:s11], [sflag:$0x6] =	stream.indirect.gather [hbm4b:s4+s18], $0x10, s10, s18, $0xb8;
	[tilespmem:$0xB780] =	vst v63  }
0x42: {  	s29 =	simm.s32 $0x300  }
0x43: {  	[tilespmem:s31], [sflag:$0x7] =	stream.indirect.gather [hbm4b:s4+s18], $0x10, s29, s18, $0xb8;
	[tilespmem:$0xB780] =	vst v63  }
0x44: {  	s28 =	simm.s32 $0x0;
	s30 =	simm.s32 $0x380  }
0x45: {  	[tilespmem:s17], [sflag:$0x8] =	stream.indirect.gather [hbm4b:s4+s18], $0x10, s30, s18, $0xb8;
	[tilespmem:$0xB780] =	vst v63  }
.LBB2_2:
0x46: {  	_ =	swait.ge [sflag:s20], $0x800  }
0x47: {  	s29 =	sshra.s32 s28, $0x2;
	[sflag:s20] =	ssyncset.done $0x0  }
0x48: {  	s1 =	sadd.s32 $0x2800, s29;
	[sflag:s20] =	ssyncadd.s32 $0xFFFFF800  }
0x49: {  	[spmem:s2] =	stream.indirect.scatter.add.f32 [tilespmem:s19], [sflag:$0x9], $0x10, s1, s18, $0xb8;
	[tilespmem:$0xB780] =	vst v63  }
0x4a: {  	_ =	swait.ge [sflag:s16], $0x800  }
0x4b: {  	p1 =	seq.s32 s28, $0x9000;
	[sflag:s16] =	ssyncset.done $0x0  }
0x4c: {  	s1 =	simm.s32 @p1 $0x2;
	[sflag:s16] =	ssyncadd.s32 $0xFFFFF800  }
0x4d: {  	_ =	swait.ge @p1 [sflag:s1], $0x800  }
0x4e: {  	s5 =	sshra.s32 @p1 s28, $0x2;
	s6 =	simm.s32 @p1 $0x80;
	[sflag:s1] =	ssyncset.done @p1 $0x0  }
0x4f: {  	s8 =	simm.s32 @p1 $0x5800;
	[sflag:s1] =	ssyncadd.s32 @p1 $0xFFFFF800;
	s1 =	sadd.s32 @p1 $0x2880, s5  }
0x50: {  	[spmem:s2] =	stream.indirect.scatter.add.f32 @p1 [tilespmem:s8], [sflag:$0x9], $0x10, s1, s6, $0xb8;
	[tilespmem:$0xB780] =	vst v63  }
0x51: {  	s8 =	simm.s32 @p1 $0x9  }
0x52: {  	_ =	swait.ge @p1 [sflag:s8], $0x800  }
0x53: {  	s30 =	sshra.s32 @!p1 s28, $0x2;
	s10 =	simm.s32 @!p1 $0x5000;
	[sflag:s8] =	ssyncset.done @p1 $0x0  }
0x54: {  	s9 =	sadd.s32 @!p1 $0x400, s30;
	s1 =	simm.s32 @!p1 $0x80;
	[sflag:s8] =	ssyncadd.s32 @p1 $0xFFFFF800  }
0x55: {  	[tilespmem:s10], [sflag:$0x1] =	stream.indirect.gather @!p1 [hbm4b:s4+s1], $0x10, s9, s1, $0xb8;
	[tilespmem:$0xB780] =	vst v63  }
0x56: {  	s9 =	simm.s32 @!p1 $0x2  }
0x57: {  	_ =	swait.ge @!p1 [sflag:s9], $0x800  }
0x58: {  	[sflag:s9] =	ssyncset.done @!p1 $0x0  }
0x59: {  	s10 =	simm.s32 @!p1 $0x5800;
	[sflag:s9] =	ssyncadd.s32 @!p1 $0xFFFFF800;
	s9 =	sadd.s32 @!p1 $0x2880, s30  }
0x5a: {  	[spmem:s2] =	stream.indirect.scatter.add.f32 @!p1 [tilespmem:s10], [sflag:$0x9], $0x10, s9, s1, $0xb8;
	[tilespmem:$0xB780] =	vst v63  }
0x5b: {  	s9 =	simm.s32 @!p1 $0x9  }
0x5c: {  	_ =	swait.ge @!p1 [sflag:s9], $0x800  }
0x5d: {  	[sflag:s9] =	ssyncset.done @!p1 $0x0  }
0x5e: {  	s11 =	sadd.s32 @!p1 $0x480, s30;
	[sflag:s9] =	ssyncadd.s32 @!p1 $0xFFFFF800  }
0x5f: {  	[tilespmem:s10], [sflag:$0x2] =	stream.indirect.gather @!p1 [hbm4b:s4+s1], $0x10, s11, s1, $0xb8;
	[tilespmem:$0xB780] =	vst v63  }
0x60: {  	_ =	swait.ge [sflag:s21], $0x800  }
0x61: {  	[sflag:s21] =	ssyncset.done $0x0  }
0x62: {  	s11 =	sadd.s32 $0x2900, s29;
	[sflag:s21] =	ssyncadd.s32 $0xFFFFF800  }
0x63: {  	[spmem:s2] =	stream.indirect.scatter.add.f32 [tilespmem:s22], [sflag:$0x9], $0x10, s11, s18, $0xb8;
	[tilespmem:$0xB780] =	vst v63  }
0x64: {  	_ =	swait.ge [sflag:s16], $0x800  }
0x65: {  	[sflag:s16] =	ssyncset.done $0x0  }
0x66: {  	s10 =	simm.s32 @p1 $0x4;
	[sflag:s16] =	ssyncadd.s32 $0xFFFFF800  }
0x67: {  	_ =	swait.ge @p1 [sflag:s10], $0x800  }
0x68: {  	[sflag:s10] =	ssyncset.done @p1 $0x0  }
0x69: {  	s11 =	simm.s32 @p1 $0x6800;
	[sflag:s10] =	ssyncadd.s32 @p1 $0xFFFFF800;
	s10 =	sadd.s32 @p1 $0x2980, s5  }
0x6a: {  	[spmem:s2] =	stream.indirect.scatter.add.f32 @p1 [tilespmem:s11], [sflag:$0x9], $0x10, s10, s6, $0xb8;
	[tilespmem:$0xB780] =	vst v63  }
0x6b: {  	_ =	swait.ge @p1 [sflag:s8], $0x800  }
0x6c: {  	[sflag:s8] =	ssyncset.done @p1 $0x0  }
0x6d: {  	s10 =	sadd.s32 @!p1 $0x500, s30;
	s11 =	simm.s32 @!p1 $0x6000;
	[sflag:s8] =	ssyncadd.s32 @p1 $0xFFFFF800  }
0x6e: {  	[tilespmem:s11], [sflag:$0x3] =	stream.indirect.gather @!p1 [hbm4b:s4+s1], $0x10, s10, s1, $0xb8;
	[tilespmem:$0xB780] =	vst v63  }
0x6f: {  	s10 =	simm.s32 @!p1 $0x4  }
0x70: {  	_ =	swait.ge @!p1 [sflag:s10], $0x800  }
0x71: {  	[sflag:s10] =	ssyncset.done @!p1 $0x0  }
0x72: {  	s11 =	simm.s32 @!p1 $0x6800;
	[sflag:s10] =	ssyncadd.s32 @!p1 $0xFFFFF800;
	s10 =	sadd.s32 @!p1 $0x2980, s30  }
0x73: {  	[spmem:s2] =	stream.indirect.scatter.add.f32 @!p1 [tilespmem:s11], [sflag:$0x9], $0x10, s10, s1, $0xb8;
	[tilespmem:$0xB780] =	vst v63  }
0x74: {  	_ =	swait.ge @!p1 [sflag:s9], $0x800  }
0x75: {  	[sflag:s9] =	ssyncset.done @!p1 $0x0  }
0x76: {  	s10 =	sadd.s32 @!p1 $0x580, s30;
	[sflag:s9] =	ssyncadd.s32 @!p1 $0xFFFFF800  }
0x77: {  	[tilespmem:s11], [sflag:$0x4] =	stream.indirect.gather @!p1 [hbm4b:s4+s1], $0x10, s10, s1, $0xb8;
	[tilespmem:$0xB780] =	vst v63  }
0x78: {  	_ =	swait.ge [sflag:s0], $0x800  }
0x79: {  	[sflag:s0] =	ssyncset.done $0x0  }
0x7a: {  	s11 =	sadd.s32 $0x2A00, s29;
	[sflag:s0] =	ssyncadd.s32 $0xFFFFF800  }
0x7b: {  	[spmem:s2] =	stream.indirect.scatter.add.f32 [tilespmem:s26], [sflag:$0x9], $0x10, s11, s18, $0xb8;
	[tilespmem:$0xB780] =	vst v63  }
0x7c: {  	_ =	swait.ge [sflag:s16], $0x800  }
0x7d: {  	[sflag:s16] =	ssyncset.done $0x0  }
0x7e: {  	s10 =	simm.s32 @p1 $0x6;
	[sflag:s16] =	ssyncadd.s32 $0xFFFFF800  }
0x7f: {  	_ =	swait.ge @p1 [sflag:s10], $0x800  }
0x80: {  	[sflag:s10] =	ssyncset.done @p1 $0x0  }
0x81: {  	s5 =	sadd.s32 @p1 $0x2A80, s5;
	[sflag:s10] =	ssyncadd.s32 @p1 $0xFFFFF800;
	s10 =	simm.s32 @p1 $0x7800  }
0x82: {  	[spmem:s2] =	stream.indirect.scatter.add.f32 @p1 [tilespmem:s10], [sflag:$0x9], $0x10, s5, s6, $0xb8;
	[tilespmem:$0xB780] =	vst v63  }
0x83: {  	_ =	swait.ge @p1 [sflag:s8], $0x800  }
0x84: {  	[sflag:s8] =	ssyncset.done @p1 $0x0  }
0x85: {  	s5 =	sadd.s32 @!p1 $0x600, s30;
	s6 =	simm.s32 @!p1 $0x7000;
	[sflag:s8] =	ssyncadd.s32 @p1 $0xFFFFF800  }
0x86: {  	[tilespmem:s6], [sflag:$0x5] =	stream.indirect.gather @!p1 [hbm4b:s4+s1], $0x10, s5, s1, $0xb8;
	[tilespmem:$0xB780] =	vst v63  }
0x87: {  	s5 =	simm.s32 @!p1 $0x6  }
0x88: {  	_ =	swait.ge @!p1 [sflag:s5], $0x800  }
0x89: {  	[sflag:s5] =	ssyncset.done @!p1 $0x0  }
0x8a: {  	s6 =	simm.s32 @!p1 $0x7800;
	[sflag:s5] =	ssyncadd.s32 @!p1 $0xFFFFF800;
	s5 =	sadd.s32 @!p1 $0x2A80, s30  }
0x8b: {  	[spmem:s2] =	stream.indirect.scatter.add.f32 @!p1 [tilespmem:s6], [sflag:$0x9], $0x10, s5, s1, $0xb8;
	[tilespmem:$0xB780] =	vst v63  }
0x8c: {  	_ =	swait.ge @!p1 [sflag:s9], $0x800  }
0x8d: {  	[sflag:s9] =	ssyncset.done @!p1 $0x0  }
0x8e: {  	s5 =	sadd.s32 @!p1 $0x680, s30;
	[sflag:s9] =	ssyncadd.s32 @!p1 $0xFFFFF800  }
0x8f: {  	[tilespmem:s6], [sflag:$0x6] =	stream.indirect.gather @!p1 [hbm4b:s4+s1], $0x10, s5, s1, $0xb8;
	[tilespmem:$0xB780] =	vst v63  }
0x90: {  	_ =	swait.ge [sflag:s23], $0x800  }
0x91: {  	[sflag:s23] =	ssyncset.done $0x0  }
.Ltmp2:
0x92: {  	s30 =	sadd.s32 $0x2B00, s29;
	[sflag:s23] =	ssyncadd.s32 $0xFFFFF800;
	(pc) =	sbr.rel @p1 .LBB2_4-.Ltmp2, $4  }
0x93: {  	[spmem:s2] =	stream.indirect.scatter.add.f32 [tilespmem:s31], [sflag:$0x9], $0x10, s30, s18, $0xb8;
	[tilespmem:$0xB780] =	vst v63  }
0x94: {  	_ =	swait.ge [sflag:s16], $0x800  }
0x95: {  	[sflag:s16] =	ssyncset.done $0x0  }
0x96: {  	s1 =	sadd.s32 $0x2B80, s29;
	[sflag:s16] =	ssyncadd.s32 $0xFFFFF800  }
0x97: {  	s5 =	sadd.s32 $0x700, s29  }
0x98: {  	[tilespmem:s31], [sflag:$0x7] =	stream.indirect.gather [hbm4b:s4+s18], $0x10, s5, s18, $0xb8;
	[tilespmem:$0xB780] =	vst v63  }
0x99: {  	_ =	swait.ge [sflag:s24], $0x800  }
0x9a: {  	[sflag:s24] =	ssyncset.done $0x0  }
0x9b: {  	[sflag:s24] =	ssyncadd.s32 $0xFFFFF800  }
0x9c: {  	[spmem:s2] =	stream.indirect.scatter.add.f32 [tilespmem:s17], [sflag:$0x9], $0x10, s1, s18, $0xb8;
	[tilespmem:$0xB780] =	vst v63  }
.Ltmp3:
0x9d: {  	_ = 	snop;
	(pc) =	sbr.rel .LBB2_2-.Ltmp3, $4  }
0x9e: {  	_ =	swait.ge [sflag:s16], $0x800  }
0x9f: {  	[sflag:s16] =	ssyncset.done $0x0  }
0xa0: {  	s30 =	sadd.s32 $0x780, s29;
	s28 =	sadd.s32 $0x1000, s28;
	[sflag:s16] =	ssyncadd.s32 $0xFFFFF800  }
0xa1: {  	[tilespmem:s17], [sflag:$0x8] =	stream.indirect.gather [hbm4b:s4+s18], $0x10, s30, s18, $0xb8;
	[tilespmem:$0xB780] =	vst v63  }
.LBB2_5:
0xa2: {  	_ =	sfence.sel $0x180000  }
0xa3: {  	[bflag:$0x0] =	sbarrier.arrive $0xFFFF  }
0xa4: {  	_ =	strace $0x90000053  }
0xa5: {  	s0 =	stileid.u32;
	[bflag:$0x2] =	sbarrier.arrive $0xFFFF  }
0xa6: {  	p0 =	sne.s32 s0, $0x0;
	s0 =	rddreg [dreg:$0x3]  }
0xa7: {  	s0 =	sadd.s32 @!p0 $0x100000, s0  }
0xa8: {  	[sflag:s0] =	ssyncadd.tile.s32 @!p0 $0x1;
	_ =	shalt  }
.Lfunc_end2:
_tile_overlayer_lowered:
.L_overlay_start_2:
0xa9: {  	(tag) =	ssettag $0x2  }
0xaa: {  	s0 =	rddreg [dreg:$0x0];
	s2 =	stileid.u32  }
0xab: {  	s1 =	rddreg [dreg:$0x1];
	p0 =	sne.s32 s2, $0x0  }
0xac: {  	s3 =	rddreg [dreg:$0x2];
	[bflag:$0x3] =	sbarrier.arrive $0xFFFF;
	s2 =	simm.s32 @!p0 $0x1C09  }
0xad: {  	[timem:s3], [sflag:s2] =	dma.local @!p0 [hbm:s0], s1  }
0xae: {  	s0 =	simm.s32 @!p0 $0x9  }
0xaf: {  	_ =	swait.ge @!p0 [sflag:s0], s1  }
0xb0: {  	s1 =	ssub.s32 @!p0 $0x0, s1;
	[sflag:s0] =	ssyncset.done @!p0 $0x0  }
0xb1: {  	[sflag:s0] =	ssyncadd.s32 @!p0 s1  }
0xb2: {  	[bflag:$0x3] =	sbarrier.arrive $0xFFFF  }
0xb3: {  	_ =	shalt  }

</sc_bundles>
